<compile_context>
chip_gen: v7x
topology: tpu7x:2x2x1
jax: 0.10.2.dev20260603
libtpu: 0.0.44.dev20260713+nightly
codegen_flags: <defaults>
</compile_context>

<pallas_src>
import functools

import jax
import jax.numpy as jnp
from jax import lax
from jax.experimental import pallas as pl
from jax.experimental.pallas import tpu as pltpu
from jax.experimental.pallas import tpu_sc as plsc

N = 10000
H = 128
E = 320000
G = 64
NCLS = 16

NC = 2
NS = 16
CH = 128

NPAD = 10240
SL = NPAD // NS
NROWS = 10112
RT = NROWS // NS
DUMMY_R = N + 64
DUMMY_S = N + 64

EPT = E // (NC * NS)
CHP = 64
NCHT = 160
NBUF = 5
EPT_S = E // NS
NCHT_S = 160

_mesh = plsc.VectorSubcoreMesh(
    core_axis_name="c", subcore_axis_name="s", num_cores=NC, num_subcores=NS
)


def _fill_i32(ref, start, nvec, value):
    def body(i, _):
        ref[pl.ds(start + i * 16, 16)] = jnp.full((16,), value, jnp.int32)
        return 0
    lax.fori_loop(0, nvec, body, 0)


def _zero_vec_loop(ref, nvec):
    def body(i, _):
        ref[pl.ds(i * 16, 16)] = jnp.zeros((16,), ref.dtype)
        return 0
    lax.fori_loop(0, nvec, body, 0)


def _repack_2d(src1d, dst2d, nvec):
    nv_row = CH // 16

    def body(i, _):
        v = src1d[pl.ds(i * 16, 16)]
        dst2d[i // nv_row, pl.ds((i % nv_row) * 16, 16)] = v
        return 0
    lax.fori_loop(0, nvec, body, 0)


@functools.partial(
    pl.kernel,
    out_type=(
        jax.ShapeDtypeStruct((NPAD,), jnp.float32),
        jax.ShapeDtypeStruct((NPAD,), jnp.float32),
    ),
    mesh=_mesh,
    scratch_types=[
        pltpu.VMEM_SHARED((NPAD,), jnp.float32),
        pltpu.VMEM_SHARED((NPAD,), jnp.float32),
        pltpu.VMEM_SHARED((NPAD,), jnp.float32),
        pltpu.VMEM((NCHT_S * CH,), jnp.int32),
        pltpu.VMEM((NCHT_S * CH,), jnp.int32),
        pltpu.VMEM((NCHT_S, CH), jnp.int32),
        pltpu.VMEM((NCHT_S * CH,), jnp.float32),
        pltpu.VMEM((CH,), jnp.float32),
        pltpu.VMEM((NPAD,), jnp.float32),
        pltpu.VMEM((SL,), jnp.float32),
        pltpu.VMEM((SL,), jnp.float32),
        pltpu.SemaphoreType.DMA,
    ],
    compiler_params=pltpu.CompilerParams(needs_layout_passes=False),
)
def _scalar_stage(src_hbm, dst_hbm, dinv_out, c_out,
                  deg_sh, g_sh, dinv_sh,
                  src1d, dst1d, dst2d, y1d, ones_v, dinv_loc, slv, slv2,
                  sem):
    s = lax.axis_index("s")
    c = lax.axis_index("c")
    base = s * SL

    _zero_vec_loop(slv, SL // 16)
    pltpu.sync_copy(slv, deg_sh.at[pl.ds(base, SL)])
    pltpu.sync_copy(slv, g_sh.at[pl.ds(base, SL)])

    def ones_body(i, _):
        ones_v[pl.ds(i * 16, 16)] = jnp.ones((16,), jnp.float32)
        return 0
    lax.fori_loop(0, CH // 16, ones_body, 0)

    ebase = s * EPT_S
    pltpu.sync_copy(src_hbm.at[pl.ds(ebase, EPT_S)], src1d.at[pl.ds(0, EPT_S)])
    pltpu.sync_copy(dst_hbm.at[pl.ds(ebase, EPT_S)], dst1d.at[pl.ds(0, EPT_S)])
    npadv = (NCHT_S * CH - EPT_S) // 16
    _fill_i32(src1d, EPT_S, npadv, 0)
    _fill_i32(dst1d, EPT_S, npadv, DUMMY_S)
    _repack_2d(dst1d, dst2d, NCHT_S * CH // 16)
    plsc.subcore_barrier()

    def deg_group(g2, _):
        for k in range(16):
            t = g2 * 16 + k
            pltpu.async_copy(ones_v, deg_sh.at[dst2d.at[t]], sem, add=True)
        for k in range(16):
            t = g2 * 16 + k
            pltpu.make_async_copy(ones_v, deg_sh.at[dst2d.at[t]], sem).wait()
        return 0
    lax.fori_loop(0, NCHT_S // 16, deg_group, 0)
    plsc.subcore_barrier()

    pltpu.sync_copy(deg_sh.at[pl.ds(base, SL)], slv)

    def rs_body(i, _):
        x = slv[pl.ds(i * 16, 16)] + 1.0
        bits = lax.bitcast_convert_type(x, jnp.int32)
        y0 = lax.bitcast_convert_type(
            jnp.full((16,), 0x5F3759DF, jnp.int32)
            - lax.shift_right_logical(bits, 1),
            jnp.float32,
        )
        y = y0
        for _u in range(3):
            y = y * (1.5 - 0.5 * x * y * y)
        slv2[pl.ds(i * 16, 16)] = y
        return 0
    lax.fori_loop(0, SL // 16, rs_body, 0)
    pltpu.sync_copy(slv2, dinv_sh.at[pl.ds(base, SL)])

    @pl.when(c == 0)
    def _():
        pltpu.sync_copy(slv2, dinv_out.at[pl.ds(base, SL)])
    plsc.subcore_barrier()

    pltpu.sync_copy(dinv_sh, dinv_loc)

    def gv_body(i, _):
        idx = src1d[pl.ds(i * 16, 16)]
        y1d[pl.ds(i * 16, 16)] = plsc.load_gather(dinv_loc, [idx])
        return 0
    lax.fori_loop(0, NCHT_S * CH // 16, gv_body, 0)

    def g_group(g2, _):
        for k in range(16):
            t = g2 * 16 + k
            pltpu.async_copy(y1d.at[pl.ds(t * CH, CH)],
                             g_sh.at[dst2d.at[t]], sem, add=True)
        for k in range(16):
            t = g2 * 16 + k
            pltpu.make_async_copy(y1d.at[pl.ds(t * CH, CH)],
                                  g_sh.at[dst2d.at[t]], sem).wait()
        return 0
    lax.fori_loop(0, NCHT_S // 16, g_group, 0)
    plsc.subcore_barrier()

    pltpu.sync_copy(g_sh.at[pl.ds(base, SL)], slv)

    def c_body(i, _):
        d = slv2[pl.ds(i * 16, 16)]
        slv[pl.ds(i * 16, 16)] = d * (slv[pl.ds(i * 16, 16)] + d)
        return 0
    lax.fori_loop(0, SL // 16, c_body, 0)

    @pl.when(c == 0)
    def _():
        pltpu.sync_copy(slv, c_out.at[pl.ds(base, SL)])


NFULL = EPT // CHP
NSUB = CHP // 16


@functools.partial(
    pl.kernel,
    out_type=jax.ShapeDtypeStruct((NC, NROWS, H), jnp.float32),
    mesh=_mesh,
    scratch_types=(
        [pltpu.VMEM_SHARED((NROWS, H), jnp.float32)]
        + [pltpu.VMEM((CHP,), jnp.int32) for _ in range(NBUF)]
        + [pltpu.VMEM((CHP,), jnp.int32) for _ in range(NBUF)]
        + [pltpu.VMEM((CHP, H), jnp.float32) for _ in range(NBUF)]
        + [pltpu.SemaphoreType.DMA for _ in range(3 * NBUF)]
    ),
    compiler_params=pltpu.CompilerParams(needs_layout_passes=False),
)
def _prop_stage(y_hbm, src_hbm, dst_hbm, spart, acc_sh, *bufs):
    ibs = bufs[:NBUF]
    dbs = bufs[NBUF:2 * NBUF]
    rows = bufs[2 * NBUF:3 * NBUF]
    isems = bufs[3 * NBUF:4 * NBUF]
    gsems = bufs[4 * NBUF:5 * NBUF]
    ssems = bufs[5 * NBUF:6 * NBUF]
    s = lax.axis_index("s")
    c = lax.axis_index("c")
    base_r = s * RT
    ebase = (c * NS + s) * EPT
    rows0 = rows[0]

    def zb_body(i, _):
        r = i // (H // 16)
        col = (i % (H // 16)) * 16
        rows0[r, pl.ds(col, 16)] = jnp.zeros((16,), jnp.float32)
        return 0
    lax.fori_loop(0, CHP * (H // 16), zb_body, 0)
    for k in range(RT // CHP):
        pltpu.sync_copy(rows0, acc_sh.at[pl.ds(base_r + k * CHP, CHP)])
    rem = RT % CHP
    if rem:
        pltpu.sync_copy(rows0.at[pl.ds(0, rem)],
                        acc_sh.at[pl.ds(base_r + (RT // CHP) * CHP, rem)])
    plsc.subcore_barrier()

    def idx_start(t, b):
        off = ebase + jnp.minimum(t * CHP, EPT - CHP)
        pltpu.async_copy(src_hbm.at[pl.ds(off, CHP)], ibs[b], isems[b])
        pltpu.async_copy(dst_hbm.at[pl.ds(off, CHP)], dbs[b], isems[b])

    def idx_wait(t, b):
        pltpu.make_async_copy(src_hbm.at[pl.ds(0, CHP)], ibs[b],
                              isems[b]).wait()
        pltpu.make_async_copy(dst_hbm.at[pl.ds(0, CHP)], dbs[b],
                              isems[b]).wait()

    def gather_start(t, b):
        pltpu.async_copy(y_hbm.at[ibs[b]], rows[b], gsems[b])

    def gather_wait(t, b):
        pltpu.make_async_copy(y_hbm.at[ibs[b]], rows[b], gsems[b]).wait()

    def _sub_scatter(b, k, start):
        idx = dbs[b][pl.ds(k * 16, 16)]
        src = rows[b].at[pl.ds(k * 16, 16)]
        if start:
            pltpu.async_copy(src, acc_sh.at[idx], ssems[b], add=True)
        else:
            pltpu.make_async_copy(src, acc_sh.at[idx], ssems[b]).wait()

    def _scatter(t, b, start):
        for k in range(NSUB):
            lim = NFULL if k < NSUB - 1 else NFULL + 1
            if isinstance(t, int):
                if t < lim:
                    _sub_scatter(b, k, start)
            else:
                @pl.when(t < lim)
                def _(k=k):
                    _sub_scatter(b, k, start)

    def scatter_start(t, b):
        _scatter(t, b, True)

    def scatter_wait(t, b):
        _scatter(t, b, False)

    idx_start(0, 0)
    idx_start(1, 1)

    def step(t4, _):
        for bb in range(NBUF):
            t = t4 * NBUF + bb
            bm2 = (bb - 2) % NBUF
            bp2 = (bb + 2) % NBUF

            @pl.when(t >= NBUF)
            def _():
                scatter_wait(t - NBUF, bb)

            @pl.when(t >= 2)
            def _():
                gather_wait(t - 2, bm2)
                scatter_start(t - 2, bm2)
            idx_wait(t, bb)
            gather_start(t, bb)

            @pl.when(t + 2 < NCHT)
            def _():
                idx_start(t + 2, bp2)
        return 0
    lax.fori_loop(0, NCHT // NBUF, step, 0)
    gather_wait(NCHT - 2, (NCHT - 2) % NBUF)
    scatter_start(NCHT - 2, (NCHT - 2) % NBUF)
    gather_wait(NCHT - 1, (NCHT - 1) % NBUF)
    scatter_start(NCHT - 1, (NCHT - 1) % NBUF)
    for t in range(NCHT - NBUF, NCHT):
        scatter_wait(t, t % NBUF)
    plsc.subcore_barrier()

    pltpu.sync_copy(acc_sh.at[pl.ds(base_r, RT)],
                    spart.at[c].at[pl.ds(base_r, RT)])



BLK = 1000
NBLK = N // BLK


def _layer_a_body(c_ref, w0_ref, b0_ref, w1_ref, dinv_ref, o_ref):
    x1 = jnp.maximum(c_ref[...] * w0_ref[...] + b0_ref[...], 0.0)
    o_ref[...] = dinv_ref[...] * jnp.dot(
        x1, w1_ref[...], preferred_element_type=jnp.float32)


def _layer_a_call(c2d, W0, b0, W1, dinv2d):
    return pl.pallas_call(
        _layer_a_body,
        grid=(NBLK,),
        in_specs=[
            pl.BlockSpec((BLK, 1), lambda i: (i, 0)),
            pl.BlockSpec((1, H), lambda i: (0, 0)),
            pl.BlockSpec((1, H), lambda i: (0, 0)),
            pl.BlockSpec((H, H), lambda i: (0, 0)),
            pl.BlockSpec((BLK, 1), lambda i: (i, 0)),
        ],
        out_specs=pl.BlockSpec((BLK, H), lambda i: (i, 0)),
        out_shape=jax.ShapeDtypeStruct((N, H), jnp.float32),
    )(c2d, W0, b0, W1, dinv2d)


def _layer_b_body(sp_ref, y_ref, dinv_ref, b_ref, w_ref, o_ref):
    ssum = sp_ref[0] + sp_ref[1]
    x = jnp.maximum(dinv_ref[...] * (ssum + y_ref[...]) + b_ref[...], 0.0)
    o_ref[...] = dinv_ref[...] * jnp.dot(
        x, w_ref[...], preferred_element_type=jnp.float32)


def _layer_b_call(spart, y, dinv2d, b, W):
    return pl.pallas_call(
        _layer_b_body,
        grid=(NBLK,),
        in_specs=[
            pl.BlockSpec((NC, BLK, H), lambda i: (0, i, 0)),
            pl.BlockSpec((BLK, H), lambda i: (i, 0)),
            pl.BlockSpec((BLK, 1), lambda i: (i, 0)),
            pl.BlockSpec((1, H), lambda i: (0, 0)),
            pl.BlockSpec((H, H), lambda i: (0, 0)),
        ],
        out_specs=pl.BlockSpec((BLK, H), lambda i: (i, 0)),
        out_shape=jax.ShapeDtypeStruct((N, H), jnp.float32),
    )(spart, y, dinv2d, b, W)


def _final_body(sp_ref, y_ref, dinv_ref, b_ref, batch_ref, wp_ref, bp_ref,
                o_ref, acc, cnt):
    i = pl.program_id(0)

    @pl.when(i == 0)
    def _():
        acc[...] = jnp.zeros_like(acc)
        cnt[...] = jnp.zeros_like(cnt)

    ssum = sp_ref[0] + sp_ref[1]
    x = jnp.maximum(dinv_ref[...] * (ssum + y_ref[...]) + b_ref[...], 0.0)
    oh = (batch_ref[...] == lax.broadcasted_iota(jnp.int32, (BLK, G), 1)
          ).astype(jnp.float32)
    acc[...] += lax.dot_general(
        oh, x, (((0,), (0,)), ((), ())), preferred_element_type=jnp.float32)
    cnt[...] += lax.dot_general(
        oh, jnp.ones((BLK, 1), jnp.float32), (((0,), (0,)), ((), ())),
        preferred_element_type=jnp.float32)

    @pl.when(i == pl.num_programs(0) - 1)
    def _():
        pooled = acc[...] / jnp.maximum(cnt[...], 1.0)
        logits = jnp.dot(pooled, wp_ref[...],
                         preferred_element_type=jnp.float32) + bp_ref[...]
        m = jnp.max(logits, axis=1, keepdims=True)
        ex = jnp.exp(logits - m)
        o_ref[...] = logits - m - jnp.log(jnp.sum(ex, axis=1, keepdims=True))


def _final_call(spart, y, dinv2d, b, batch2d, Wp, bp):
    return pl.pallas_call(
        _final_body,
        grid=(NBLK,),
        in_specs=[
            pl.BlockSpec((NC, BLK, H), lambda i: (0, i, 0)),
            pl.BlockSpec((BLK, H), lambda i: (i, 0)),
            pl.BlockSpec((BLK, 1), lambda i: (i, 0)),
            pl.BlockSpec((1, H), lambda i: (0, 0)),
            pl.BlockSpec((BLK, 1), lambda i: (i, 0)),
            pl.BlockSpec((H, NCLS), lambda i: (0, 0)),
            pl.BlockSpec((1, NCLS), lambda i: (0, 0)),
        ],
        out_specs=pl.BlockSpec((G, NCLS), lambda i: (0, 0)),
        out_shape=jax.ShapeDtypeStruct((G, NCLS), jnp.float32),
        scratch_shapes=[
            pltpu.VMEM((G, H), jnp.float32),
            pltpu.VMEM((G, 1), jnp.float32),
        ],
    )(spart, y, dinv2d, b, batch2d, Wp, bp)


def kernel(edge_index, batch, W0, b0, W1, b1, W2, b2, Wp, bp):
    src = edge_index[0]
    dst = edge_index[1]

    dinv_p, c_p = _scalar_stage(src, dst)
    dinv2d = dinv_p[:N, None]
    c2d = c_p[:N, None]

    y1 = _layer_a_call(c2d, W0, b0[None, :], W1, dinv2d)
    s1 = _prop_stage(y1, src, dst)
    y2 = _layer_b_call(s1, y1, dinv2d, b1[None, :], W2)
    s2 = _prop_stage(y2, src, dst)
    return _final_call(s2, y2, dinv2d, b2[None, :], batch[:, None],
                       Wp, bp[None, :])

# --- scband reference (transcript-rebuilt; emitter-appended) ---
"""Pipeline reference for scband-gcnclassification-84035330113566 (READ-ONLY COPY).

The authoritative reference and input builder live on the scoring server;
editing this copy changes nothing except your own understanding.
"""

import jax, jax.numpy as jnp
import numpy as np

N_NODES = 10000
HIDDEN = 128
NUM_CLASSES = 16
NUM_GRAPHS = 64
N_LAYERS = 3


def gcn_conv(x, src, dst, W, b, n_nodes):
    # add self loops
    loop = jnp.arange(n_nodes, dtype=src.dtype)
    s = jnp.concatenate([src, loop])
    d = jnp.concatenate([dst, loop])
    # symmetric normalization: deg computed on destination of (A + I)
    deg = jnp.zeros((n_nodes,), dtype=x.dtype).at[d].add(1.0)
    dinv = jax.lax.rsqrt(jnp.maximum(deg, 1e-12))
    norm = dinv[s] * dinv[d]
    xw = x @ W
    msg = jnp.take(xw, s, axis=0) * norm[:, None]
    out = jnp.zeros((n_nodes, xw.shape[1]), dtype=x.dtype).at[d].add(msg)
    return out + b


def setup_inputs(seed: int = 0) -> dict:
    key = jax.random.key(seed)
    ks = jax.random.split(key, 12)
    edge_index = jax.random.randint(ks[0], (2, 320000), 0, N_NODES, dtype=jnp.int64 if jax.config.jax_enable_x64 else jnp.int32).astype(jnp.int32)
    batch = jnp.sort(jax.random.randint(ks[1], (N_NODES,), 0, NUM_GRAPHS)).astype(jnp.int32)
    def glorot(k, shape):
        lim = np.sqrt(6.0 / (shape[0] + shape[1]))
        return jax.random.uniform(k, shape, jnp.float32, -lim, lim)
    W0 = glorot(ks[2], (1, HIDDEN))
    b0 = jnp.zeros((HIDDEN,), jnp.float32)
    W1 = glorot(ks[3], (HIDDEN, HIDDEN))
    b1 = jnp.zeros((HIDDEN,), jnp.float32)
    W2 = glorot(ks[4], (HIDDEN, HIDDEN))
    b2 = jnp.zeros((HIDDEN,), jnp.float32)
    Wp = glorot(ks[5], (HIDDEN, NUM_CLASSES))
    bp = jnp.zeros((NUM_CLASSES,), jnp.float32)
    return {"edge_index": edge_index, "batch": batch, "W0": W0, "b0": b0, "W1": W1, "b1": b1, "W2": W2, "b2": b2, "Wp": Wp, "bp": bp}


def reference(edge_index, batch, W0, b0, W1, b1, W2, b2, Wp, bp):
    src, dst = edge_index[0], edge_index[1]
    # forward constructs x = ones((N, 1))
    x = jnp.ones((N_NODES, 1), jnp.float32)
    Ws = [W0, W1, W2]
    bs = [b0, b1, b2]
    for i in range(N_LAYERS):
        x = gcn_conv(x, src, dst, Ws[i], bs[i], N_NODES)
        x = jax.nn.relu(x)
        # dropout is identity in eval / deterministic mode
    # scatter_mean over batch (graph pooling)
    summed = jax.ops.segment_sum(x, batch, num_segments=NUM_GRAPHS)
    counts = jax.ops.segment_sum(jnp.ones((N_NODES,), jnp.float32), batch, num_segments=NUM_GRAPHS)
    pooled = summed / jnp.maximum(counts, 1.0)[:, None]
    logits = pooled @ Wp + bp
    return jax.nn.log_softmax(logits, axis=1)

if __name__ == "__main__":
    import jax
    _d = setup_inputs()
    print(jax.jit(kernel)(*tuple(_d.values())))

</pallas_src>

<mosaic_0001>
#map = affine_map<(d0, d1) -> (0)>
module attributes {stable_mosaic.version = 14 : i64} {
  func.func @_scalar_stage(%arg0: i32, %arg1: i32, %arg2: memref<320000xi32, #tpu.memory_space<hbm>>, %arg3: memref<320000xi32, #tpu.memory_space<hbm>>, %arg4: memref<10240xf32, #tpu.memory_space<hbm>>, %arg5: memref<10240xf32, #tpu.memory_space<hbm>>, %arg6: memref<10240xf32, #tpu.memory_space<vmem_shared>>, %arg7: memref<10240xf32, #tpu.memory_space<vmem_shared>>, %arg8: memref<10240xf32, #tpu.memory_space<vmem_shared>>, %arg9: memref<20480xi32, #tpu.memory_space<vmem>>, %arg10: memref<20480xi32, #tpu.memory_space<vmem>>, %arg11: memref<160x128xi32, #tpu.memory_space<vmem>>, %arg12: memref<20480xf32, #tpu.memory_space<vmem>>, %arg13: memref<128xf32, #tpu.memory_space<vmem>>, %arg14: memref<10240xf32, #tpu.memory_space<vmem>>, %arg15: memref<640xf32, #tpu.memory_space<vmem>>, %arg16: memref<640xf32, #tpu.memory_space<vmem>>, %arg17: memref<!tpu.dma_semaphore, #tpu.memory_space<semaphore_mem>>) attributes {dimension_semantics = [#tpu.dimension_semantics<core_parallel>, #tpu.dimension_semantics<subcore_parallel>], iteration_bounds = array<i64: 2, 16>, scalar_prefetch = 0 : i64, scratch_operands = 12 : i64, tpu.core_type = #tpu.core_type<sc_vector_subcore>, window_params = [{transform_indices = #map}, {transform_indices = #map}, {transform_indices = #map}, {transform_indices = #map}]} {
    %mul3A = arith.constant 640 : i32
    %mul3A_0 = arith.muli %arg1, %mul3A : i32
    %scan3A = arith.constant 0 : i32
    %scan3A_1 = arith.constant 0 : i32
    %scan3A_2 = arith.constant 40 : i32
    %scan3A_3 = arith.addi %scan3A_1, %scan3A_2 : i32
    %scan3A_4 = arith.constant 1 : i32
    %scan3A_5 = scf.for %scan3A_82 = %scan3A_1 to %scan3A_3 step %scan3A_4 iter_args(%scan3A_83 = %scan3A) -> (i32)  : i32 {
      %broadcast_in_dim3A = arith.constant 0.000000e+00 : f32
      %broadcast_in_dim3A_84 = vector.broadcast %broadcast_in_dim3A : f32 to vector<16xf32>
      %mul3A_85 = arith.constant 16 : i32
      %mul3A_86 = arith.muli %scan3A_82, %mul3A_85 : i32
      %swap3A = arith.index_cast %mul3A_86 : i32 to index
      %swap3A_87 = tpu.vector_load %arg15[%swap3A] {strides = array<i32>} : memref<640xf32, #tpu.memory_space<vmem>>, vector<16xf32>,
      tpu.vector_store %arg15[%swap3A], %broadcast_in_dim3A_84 {strides = array<i32>} : memref<640xf32, #tpu.memory_space<vmem>>, vector<16xf32>,
      %scan3A_88 = arith.constant 0 : i32
      scf.yield %scan3A_88 : i32
    }
    %scan3A_6 = arith.constant 40 : i32
    "tpu.region"() ({
      %run_scoped3A = tpu.sem_alloc : memref<!tpu.dma_semaphore, #tpu.memory_space<semaphore_mem>>
      %dma_start3A = tpu.memref_slice %arg6[%mul3A_0] : memref<10240xf32, #tpu.memory_space<vmem_shared>> -> memref<640xf32, #tpu.memory_space<vmem_shared>>
      %dma_start3A_82 = tpu.memref_slice %arg6[%mul3A_0] : memref<10240xf32, #tpu.memory_space<vmem_shared>> -> memref<640xf32, #tpu.memory_space<vmem_shared>>
      tpu.enqueue_dma source(%arg15 : memref<640xf32, #tpu.memory_space<vmem>>) target(%dma_start3A_82 : memref<640xf32, #tpu.memory_space<vmem_shared>>) target_semaphore(%run_scoped3A : memref<!tpu.dma_semaphore, #tpu.memory_space<semaphore_mem>>)
      %dma_wait3A = tpu.memref_slice %arg6[%mul3A_0] : memref<10240xf32, #tpu.memory_space<vmem_shared>> -> memref<640xf32, #tpu.memory_space<vmem_shared>>
      %dma_wait3A_83 = tpu.memref_slice %arg6[%mul3A_0] : memref<10240xf32, #tpu.memory_space<vmem_shared>> -> memref<640xf32, #tpu.memory_space<vmem_shared>>
      tpu.wait_dma2 semaphore(%run_scoped3A : memref<!tpu.dma_semaphore, #tpu.memory_space<semaphore_mem>>) src(%arg15 : memref<640xf32, #tpu.memory_space<vmem>>) dst(%dma_wait3A_83 : memref<640xf32, #tpu.memory_space<vmem_shared>>)
      tpu.yield
    }) : () -> ()
    "tpu.region"() ({
      %run_scoped3A = tpu.sem_alloc : memref<!tpu.dma_semaphore, #tpu.memory_space<semaphore_mem>>
      %dma_start3A = tpu.memref_slice %arg7[%mul3A_0] : memref<10240xf32, #tpu.memory_space<vmem_shared>> -> memref<640xf32, #tpu.memory_space<vmem_shared>>
      %dma_start3A_82 = tpu.memref_slice %arg7[%mul3A_0] : memref<10240xf32, #tpu.memory_space<vmem_shared>> -> memref<640xf32, #tpu.memory_space<vmem_shared>>
      tpu.enqueue_dma source(%arg15 : memref<640xf32, #tpu.memory_space<vmem>>) target(%dma_start3A_82 : memref<640xf32, #tpu.memory_space<vmem_shared>>) target_semaphore(%run_scoped3A : memref<!tpu.dma_semaphore, #tpu.memory_space<semaphore_mem>>)
      %dma_wait3A = tpu.memref_slice %arg7[%mul3A_0] : memref<10240xf32, #tpu.memory_space<vmem_shared>> -> memref<640xf32, #tpu.memory_space<vmem_shared>>
      %dma_wait3A_83 = tpu.memref_slice %arg7[%mul3A_0] : memref<10240xf32, #tpu.memory_space<vmem_shared>> -> memref<640xf32, #tpu.memory_space<vmem_shared>>
      tpu.wait_dma2 semaphore(%run_scoped3A : memref<!tpu.dma_semaphore, #tpu.memory_space<semaphore_mem>>) src(%arg15 : memref<640xf32, #tpu.memory_space<vmem>>) dst(%dma_wait3A_83 : memref<640xf32, #tpu.memory_space<vmem_shared>>)
      tpu.yield
    }) : () -> ()
    %scan3A_7 = arith.constant 0 : i32
    %scan3A_8 = arith.constant 0 : i32
    %scan3A_9 = arith.constant 8 : i32
    %scan3A_10 = arith.addi %scan3A_8, %scan3A_9 : i32
    %scan3A_11 = arith.constant 1 : i32
    %scan3A_12 = scf.for %scan3A_82 = %scan3A_8 to %scan3A_10 step %scan3A_11 iter_args(%scan3A_83 = %scan3A_7) -> (i32)  : i32 {
      %broadcast_in_dim3A = arith.constant 1.000000e+00 : f32
      %broadcast_in_dim3A_84 = vector.broadcast %broadcast_in_dim3A : f32 to vector<16xf32>
      %mul3A_85 = arith.constant 16 : i32
      %mul3A_86 = arith.muli %scan3A_82, %mul3A_85 : i32
      %swap3A = arith.index_cast %mul3A_86 : i32 to index
      %swap3A_87 = tpu.vector_load %arg13[%swap3A] {strides = array<i32>} : memref<128xf32, #tpu.memory_space<vmem>>, vector<16xf32>,
      tpu.vector_store %arg13[%swap3A], %broadcast_in_dim3A_84 {strides = array<i32>} : memref<128xf32, #tpu.memory_space<vmem>>, vector<16xf32>,
      %scan3A_88 = arith.constant 0 : i32
      scf.yield %scan3A_88 : i32
    }
    %scan3A_13 = arith.constant 8 : i32
    %mul3A_14 = arith.constant 20000 : i32
    %mul3A_15 = arith.muli %arg1, %mul3A_14 : i32
    "tpu.region"() ({
      %run_scoped3A = tpu.sem_alloc : memref<!tpu.dma_semaphore, #tpu.memory_space<semaphore_mem>>
      %dma_start3A = arith.constant 0 : i32
      %dma_start3A_82 = tpu.memref_slice %arg9[%dma_start3A] : memref<20480xi32, #tpu.memory_space<vmem>> -> memref<20000xi32, #tpu.memory_space<vmem>>
      %dma_start3A_83 = tpu.memref_slice %arg2[%mul3A_15] : memref<320000xi32, #tpu.memory_space<hbm>> -> memref<20000xi32, #tpu.memory_space<hbm>>
      %dma_start3A_84 = arith.constant 0 : i32
      %dma_start3A_85 = tpu.memref_slice %arg9[%dma_start3A_84] : memref<20480xi32, #tpu.memory_space<vmem>> -> memref<20000xi32, #tpu.memory_space<vmem>>
      %dma_start3A_86 = tpu.memref_slice %arg2[%mul3A_15] : memref<320000xi32, #tpu.memory_space<hbm>> -> memref<20000xi32, #tpu.memory_space<hbm>>
      tpu.enqueue_dma source(%dma_start3A_86 : memref<20000xi32, #tpu.memory_space<hbm>>) target(%dma_start3A_85 : memref<20000xi32, #tpu.memory_space<vmem>>) target_semaphore(%run_scoped3A : memref<!tpu.dma_semaphore, #tpu.memory_space<semaphore_mem>>)
      %dma_wait3A = arith.constant 0 : i32
      %dma_wait3A_87 = tpu.memref_slice %arg9[%dma_wait3A] : memref<20480xi32, #tpu.memory_space<vmem>> -> memref<20000xi32, #tpu.memory_space<vmem>>
      %dma_wait3A_88 = tpu.memref_slice %arg2[%mul3A_15] : memref<320000xi32, #tpu.memory_space<hbm>> -> memref<20000xi32, #tpu.memory_space<hbm>>
      %dma_wait3A_89 = arith.constant 0 : i32
      %dma_wait3A_90 = tpu.memref_slice %arg9[%dma_wait3A_89] : memref<20480xi32, #tpu.memory_space<vmem>> -> memref<20000xi32, #tpu.memory_space<vmem>>
      %dma_wait3A_91 = tpu.memref_slice %arg2[%mul3A_15] : memref<320000xi32, #tpu.memory_space<hbm>> -> memref<20000xi32, #tpu.memory_space<hbm>>
      tpu.wait_dma2 semaphore(%run_scoped3A : memref<!tpu.dma_semaphore, #tpu.memory_space<semaphore_mem>>) src(%dma_wait3A_91 : memref<20000xi32, #tpu.memory_space<hbm>>) dst(%dma_wait3A_90 : memref<20000xi32, #tpu.memory_space<vmem>>)
      tpu.yield
    }) : () -> ()
    "tpu.region"() ({
      %run_scoped3A = tpu.sem_alloc : memref<!tpu.dma_semaphore, #tpu.memory_space<semaphore_mem>>
      %dma_start3A = arith.constant 0 : i32
      %dma_start3A_82 = tpu.memref_slice %arg10[%dma_start3A] : memref<20480xi32, #tpu.memory_space<vmem>> -> memref<20000xi32, #tpu.memory_space<vmem>>
      %dma_start3A_83 = tpu.memref_slice %arg3[%mul3A_15] : memref<320000xi32, #tpu.memory_space<hbm>> -> memref<20000xi32, #tpu.memory_space<hbm>>
      %dma_start3A_84 = arith.constant 0 : i32
      %dma_start3A_85 = tpu.memref_slice %arg10[%dma_start3A_84] : memref<20480xi32, #tpu.memory_space<vmem>> -> memref<20000xi32, #tpu.memory_space<vmem>>
      %dma_start3A_86 = tpu.memref_slice %arg3[%mul3A_15] : memref<320000xi32, #tpu.memory_space<hbm>> -> memref<20000xi32, #tpu.memory_space<hbm>>
      tpu.enqueue_dma source(%dma_start3A_86 : memref<20000xi32, #tpu.memory_space<hbm>>) target(%dma_start3A_85 : memref<20000xi32, #tpu.memory_space<vmem>>) target_semaphore(%run_scoped3A : memref<!tpu.dma_semaphore, #tpu.memory_space<semaphore_mem>>)
      %dma_wait3A = arith.constant 0 : i32
      %dma_wait3A_87 = tpu.memref_slice %arg10[%dma_wait3A] : memref<20480xi32, #tpu.memory_space<vmem>> -> memref<20000xi32, #tpu.memory_space<vmem>>
      %dma_wait3A_88 = tpu.memref_slice %arg3[%mul3A_15] : memref<320000xi32, #tpu.memory_space<hbm>> -> memref<20000xi32, #tpu.memory_space<hbm>>
      %dma_wait3A_89 = arith.constant 0 : i32
      %dma_wait3A_90 = tpu.memref_slice %arg10[%dma_wait3A_89] : memref<20480xi32, #tpu.memory_space<vmem>> -> memref<20000xi32, #tpu.memory_space<vmem>>
      %dma_wait3A_91 = tpu.memref_slice %arg3[%mul3A_15] : memref<320000xi32, #tpu.memory_space<hbm>> -> memref<20000xi32, #tpu.memory_space<hbm>>
      tpu.wait_dma2 semaphore(%run_scoped3A : memref<!tpu.dma_semaphore, #tpu.memory_space<semaphore_mem>>) src(%dma_wait3A_91 : memref<20000xi32, #tpu.memory_space<hbm>>) dst(%dma_wait3A_90 : memref<20000xi32, #tpu.memory_space<vmem>>)
      tpu.yield
    }) : () -> ()
    %scan3A_16 = arith.constant 0 : i32
    %scan3A_17 = arith.constant 0 : i32
    %scan3A_18 = arith.constant 30 : i32
    %scan3A_19 = arith.addi %scan3A_17, %scan3A_18 : i32
    %scan3A_20 = arith.constant 1 : i32
    %scan3A_21 = scf.for %scan3A_82 = %scan3A_17 to %scan3A_19 step %scan3A_20 iter_args(%scan3A_83 = %scan3A_16) -> (i32)  : i32 {
      %broadcast_in_dim3A = arith.constant 0 : i32
      %broadcast_in_dim3A_84 = vector.broadcast %broadcast_in_dim3A : i32 to vector<16xi32>
      %mul3A_85 = arith.constant 16 : i32
      %mul3A_86 = arith.muli %scan3A_82, %mul3A_85 : i32
      %add3A = arith.constant 20000 : i32
      %add3A_87 = arith.addi %add3A, %mul3A_86 : i32
      %swap3A = arith.index_cast %add3A_87 : i32 to index
      %swap3A_88 = tpu.vector_load %arg9[%swap3A] {strides = array<i32>} : memref<20480xi32, #tpu.memory_space<vmem>>, vector<16xi32>,
      tpu.vector_store %arg9[%swap3A], %broadcast_in_dim3A_84 {strides = array<i32>} : memref<20480xi32, #tpu.memory_space<vmem>>, vector<16xi32>,
      %scan3A_89 = arith.constant 0 : i32
      scf.yield %scan3A_89 : i32
    }
    %scan3A_22 = arith.constant 30 : i32
    %scan3A_23 = arith.constant 0 : i32
    %scan3A_24 = arith.constant 0 : i32
    %scan3A_25 = arith.constant 30 : i32
    %scan3A_26 = arith.addi %scan3A_24, %scan3A_25 : i32
    %scan3A_27 = arith.constant 1 : i32
    %scan3A_28 = scf.for %scan3A_82 = %scan3A_24 to %scan3A_26 step %scan3A_27 iter_args(%scan3A_83 = %scan3A_23) -> (i32)  : i32 {
      %broadcast_in_dim3A = arith.constant 10064 : i32
      %broadcast_in_dim3A_84 = vector.broadcast %broadcast_in_dim3A : i32 to vector<16xi32>
      %mul3A_85 = arith.constant 16 : i32
      %mul3A_86 = arith.muli %scan3A_82, %mul3A_85 : i32
      %add3A = arith.constant 20000 : i32
      %add3A_87 = arith.addi %add3A, %mul3A_86 : i32
      %swap3A = arith.index_cast %add3A_87 : i32 to index
      %swap3A_88 = tpu.vector_load %arg10[%swap3A] {strides = array<i32>} : memref<20480xi32, #tpu.memory_space<vmem>>, vector<16xi32>,
      tpu.vector_store %arg10[%swap3A], %broadcast_in_dim3A_84 {strides = array<i32>} : memref<20480xi32, #tpu.memory_space<vmem>>, vector<16xi32>,
      %scan3A_89 = arith.constant 0 : i32
      scf.yield %scan3A_89 : i32
    }
    %scan3A_29 = arith.constant 30 : i32
    %scan3A_30 = arith.constant 0 : i32
    %scan3A_31 = arith.constant 0 : i32
    %scan3A_32 = arith.constant 1280 : i32
    %scan3A_33 = arith.addi %scan3A_31, %scan3A_32 : i32
    %scan3A_34 = arith.constant 1 : i32
    %scan3A_35 = scf.for %scan3A_82 = %scan3A_31 to %scan3A_33 step %scan3A_34 iter_args(%scan3A_83 = %scan3A_30) -> (i32)  : i32 {
      %mul3A_84 = arith.constant 16 : i32
      %mul3A_85 = arith.muli %scan3A_82, %mul3A_84 : i32
      %get3A = arith.index_cast %mul3A_85 : i32 to index
      %get3A_86 = tpu.vector_load %arg10[%get3A] {strides = array<i32>} : memref<20480xi32, #tpu.memory_space<vmem>>, vector<16xi32>,
      %jit3A = arith.constant 8 : i32
      %div3A = arith.divsi %scan3A_82, %jit3A : i32
      %sign3A = arith.constant 0 : i32
      %sign3A_87 = arith.cmpi sgt, %scan3A_82, %sign3A : i32
      %sign3A_88 = arith.extui %sign3A_87 : i1 to i32
      %sign3A_89 = arith.constant 0 : i32
      %sign3A_90 = arith.cmpi slt, %scan3A_82, %sign3A_89 : i32
      %sign3A_91 = arith.extui %sign3A_90 : i1 to i32
      %sign3A_92 = arith.subi %sign3A_88, %sign3A_91 : i32
      %sign3A_93 = arith.constant 0 : i32
      %sign3A_94 = arith.cmpi sgt, %jit3A, %sign3A_93 : i32
      %sign3A_95 = arith.extui %sign3A_94 : i1 to i32
      %sign3A_96 = arith.constant 0 : i32
      %sign3A_97 = arith.cmpi slt, %jit3A, %sign3A_96 : i32
      %sign3A_98 = arith.extui %sign3A_97 : i1 to i32
      %sign3A_99 = arith.subi %sign3A_95, %sign3A_98 : i32
      %ne3A = arith.cmpi ne, %sign3A_92, %sign3A_99 : i32
      %rem3A = arith.remsi %scan3A_82, %jit3A : i32
      %ne3A_100 = arith.constant 0 : i32
      %ne3A_101 = arith.cmpi ne, %rem3A, %ne3A_100 : i32
      %and3A = arith.andi %ne3A, %ne3A_101 : i1
      %sub3A = arith.constant 1 : i32
      %sub3A_102 = arith.subi %div3A, %sub3A : i32
      %select_n3A = arith.select %and3A, %sub3A_102, %div3A : i32
      %jit3A_103 = arith.constant 8 : i32
      %eq3A_104 = arith.constant 0 : i32
      %eq3A_105 = arith.cmpi eq, %jit3A_103, %eq3A_104 : i32
      %jit3A_106 = arith.constant 1 : i32
      %select_n3A_107 = arith.select %eq3A_105, %jit3A_106, %jit3A_103 : i32
      %rem3A_108 = arith.remsi %scan3A_82, %select_n3A_107 : i32
      %ne3A_109 = arith.constant 0 : i32
      %ne3A_110 = arith.cmpi ne, %rem3A_108, %ne3A_109 : i32
      %lt3A = arith.constant 0 : i32
      %lt3A_111 = arith.cmpi slt, %rem3A_108, %lt3A : i32
      %lt3A_112 = arith.constant 0 : i32
      %lt3A_113 = arith.cmpi slt, %select_n3A_107, %lt3A_112 : i32
      %ne3A_114 = arith.xori %lt3A_111, %lt3A_113 : i1
      %and3A_115 = arith.andi %ne3A_114, %ne3A_110 : i1
      %add3A = arith.addi %rem3A_108, %select_n3A_107 : i32
      %select_n3A_116 = arith.select %and3A_115, %add3A, %rem3A_108 : i32
      %mul3A_117 = arith.constant 16 : i32
      %mul3A_118 = arith.muli %select_n3A_116, %mul3A_117 : i32
      %swap3A = arith.index_cast %select_n3A : i32 to index
      %swap3A_119 = arith.index_cast %mul3A_118 : i32 to index
      %swap3A_120 = tpu.vector_load %arg11[%swap3A, %swap3A_119] {strides = array<i32>} : memref<160x128xi32, #tpu.memory_space<vmem>>, vector<16xi32>,
      tpu.vector_store %arg11[%swap3A, %swap3A_119], %get3A_86 {strides = array<i32>} : memref<160x128xi32, #tpu.memory_space<vmem>>, vector<16xi32>,
      %scan3A_121 = arith.constant 0 : i32
      scf.yield %scan3A_121 : i32
    }
    %scan3A_36 = arith.constant 1280 : i32
    %barrier3A = arith.constant 0 : index
    tpu.barrier barrier_id(%barrier3A)
    %scan3A_37 = arith.constant 0 : i32
    %scan3A_38 = arith.constant 0 : i32
    %scan3A_39 = arith.constant 10 : i32
    %scan3A_40 = arith.addi %scan3A_38, %scan3A_39 : i32
    %scan3A_41 = arith.constant 1 : i32
    %scan3A_42 = scf.for %scan3A_82 = %scan3A_38 to %scan3A_40 step %scan3A_41 iter_args(%scan3A_83 = %scan3A_37) -> (i32)  : i32 {
      %mul3A_84 = arith.constant 16 : i32
      %mul3A_85 = arith.muli %scan3A_82, %mul3A_84 : i32
      %add3A = arith.constant 0 : i32
      %add3A_86 = arith.addi %mul3A_85, %add3A : i32
      %dma_start3A = arith.constant 0 : i32
      %dma_start3A_87 = tpu.memref_slice %arg11[%add3A_86, %dma_start3A] : memref<160x128xi32, #tpu.memory_space<vmem>> -> memref<1x128xi32, #tpu.memory_space<vmem>>
      %dma_start3A_88 = tpu.memref_squeeze %dma_start3A_87 : memref<1x128xi32, #tpu.memory_space<vmem>> -> memref<128xi32, #tpu.memory_space<vmem>>
      %dma_start3A_89 = arith.constant 0 : i32
      %dma_start3A_90 = tpu.memref_slice %arg6[%dma_start3A_89] : memref<10240xf32, #tpu.memory_space<vmem_shared>> -> memref<10240xf32, #tpu.memory_space<vmem_shared>>
      tpu.enqueue_indirect_dma source(%arg13 : memref<128xf32, #tpu.memory_space<vmem>>) target(%dma_start3A_90 : memref<10240xf32, #tpu.memory_space<vmem_shared>>) offsets(%dma_start3A_88 : memref<128xi32, #tpu.memory_space<vmem>>) semaphore(%arg17 : memref<!tpu.dma_semaphore, #tpu.memory_space<semaphore_mem>>) {add = true}
      %mul3A_91 = arith.constant 16 : i32
      %mul3A_92 = arith.muli %scan3A_82, %mul3A_91 : i32
      %add3A_93 = arith.constant 1 : i32
      %add3A_94 = arith.addi %mul3A_92, %add3A_93 : i32
      %dma_start3A_95 = arith.constant 0 : i32
      %dma_start3A_96 = tpu.memref_slice %arg11[%add3A_94, %dma_start3A_95] : memref<160x128xi32, #tpu.memory_space<vmem>> -> memref<1x128xi32, #tpu.memory_space<vmem>>
      %dma_start3A_97 = tpu.memref_squeeze %dma_start3A_96 : memref<1x128xi32, #tpu.memory_space<vmem>> -> memref<128xi32, #tpu.memory_space<vmem>>
      %dma_start3A_98 = arith.constant 0 : i32
      %dma_start3A_99 = tpu.memref_slice %arg6[%dma_start3A_98] : memref<10240xf32, #tpu.memory_space<vmem_shared>> -> memref<10240xf32, #tpu.memory_space<vmem_shared>>
      tpu.enqueue_indirect_dma source(%arg13 : memref<128xf32, #tpu.memory_space<vmem>>) target(%dma_start3A_99 : memref<10240xf32, #tpu.memory_space<vmem_shared>>) offsets(%dma_start3A_97 : memref<128xi32, #tpu.memory_space<vmem>>) semaphore(%arg17 : memref<!tpu.dma_semaphore, #tpu.memory_space<semaphore_mem>>) {add = true}
      %mul3A_100 = arith.constant 16 : i32
      %mul3A_101 = arith.muli %scan3A_82, %mul3A_100 : i32
      %add3A_102 = arith.constant 2 : i32
      %add3A_103 = arith.addi %mul3A_101, %add3A_102 : i32
      %dma_start3A_104 = arith.constant 0 : i32
      %dma_start3A_105 = tpu.memref_slice %arg11[%add3A_103, %dma_start3A_104] : memref<160x128xi32, #tpu.memory_space<vmem>> -> memref<1x128xi32, #tpu.memory_space<vmem>>
      %dma_start3A_106 = tpu.memref_squeeze %dma_start3A_105 : memref<1x128xi32, #tpu.memory_space<vmem>> -> memref<128xi32, #tpu.memory_space<vmem>>
      %dma_start3A_107 = arith.constant 0 : i32
      %dma_start3A_108 = tpu.memref_slice %arg6[%dma_start3A_107] : memref<10240xf32, #tpu.memory_space<vmem_shared>> -> memref<10240xf32, #tpu.memory_space<vmem_shared>>
      tpu.enqueue_indirect_dma source(%arg13 : memref<128xf32, #tpu.memory_space<vmem>>) target(%dma_start3A_108 : memref<10240xf32, #tpu.memory_space<vmem_shared>>) offsets(%dma_start3A_106 : memref<128xi32, #tpu.memory_space<vmem>>) semaphore(%arg17 : memref<!tpu.dma_semaphore, #tpu.memory_space<semaphore_mem>>) {add = true}
      %mul3A_109 = arith.constant 16 : i32
      %mul3A_110 = arith.muli %scan3A_82, %mul3A_109 : i32
      %add3A_111 = arith.constant 3 : i32
      %add3A_112 = arith.addi %mul3A_110, %add3A_111 : i32
      %dma_start3A_113 = arith.constant 0 : i32
      %dma_start3A_114 = tpu.memref_slice %arg11[%add3A_112, %dma_start3A_113] : memref<160x128xi32, #tpu.memory_space<vmem>> -> memref<1x128xi32, #tpu.memory_space<vmem>>
      %dma_start3A_115 = tpu.memref_squeeze %dma_start3A_114 : memref<1x128xi32, #tpu.memory_space<vmem>> -> memref<128xi32, #tpu.memory_space<vmem>>
      %dma_start3A_116 = arith.constant 0 : i32
      %dma_start3A_117 = tpu.memref_slice %arg6[%dma_start3A_116] : memref<10240xf32, #tpu.memory_space<vmem_shared>> -> memref<10240xf32, #tpu.memory_space<vmem_shared>>
      tpu.enqueue_indirect_dma source(%arg13 : memref<128xf32, #tpu.memory_space<vmem>>) target(%dma_start3A_117 : memref<10240xf32, #tpu.memory_space<vmem_shared>>) offsets(%dma_start3A_115 : memref<128xi32, #tpu.memory_space<vmem>>) semaphore(%arg17 : memref<!tpu.dma_semaphore, #tpu.memory_space<semaphore_mem>>) {add = true}
      %mul3A_118 = arith.constant 16 : i32
      %mul3A_119 = arith.muli %scan3A_82, %mul3A_118 : i32
      %add3A_120 = arith.constant 4 : i32
      %add3A_121 = arith.addi %mul3A_119, %add3A_120 : i32
      %dma_start3A_122 = arith.constant 0 : i32
      %dma_start3A_123 = tpu.memref_slice %arg11[%add3A_121, %dma_start3A_122] : memref<160x128xi32, #tpu.memory_space<vmem>> -> memref<1x128xi32, #tpu.memory_space<vmem>>
      %dma_start3A_124 = tpu.memref_squeeze %dma_start3A_123 : memref<1x128xi32, #tpu.memory_space<vmem>> -> memref<128xi32, #tpu.memory_space<vmem>>
      %dma_start3A_125 = arith.constant 0 : i32
      %dma_start3A_126 = tpu.memref_slice %arg6[%dma_start3A_125] : memref<10240xf32, #tpu.memory_space<vmem_shared>> -> memref<10240xf32, #tpu.memory_space<vmem_shared>>
      tpu.enqueue_indirect_dma source(%arg13 : memref<128xf32, #tpu.memory_space<vmem>>) target(%dma_start3A_126 : memref<10240xf32, #tpu.memory_space<vmem_shared>>) offsets(%dma_start3A_124 : memref<128xi32, #tpu.memory_space<vmem>>) semaphore(%arg17 : memref<!tpu.dma_semaphore, #tpu.memory_space<semaphore_mem>>) {add = true}
      %mul3A_127 = arith.constant 16 : i32
      %mul3A_128 = arith.muli %scan3A_82, %mul3A_127 : i32
      %add3A_129 = arith.constant 5 : i32
      %add3A_130 = arith.addi %mul3A_128, %add3A_129 : i32
      %dma_start3A_131 = arith.constant 0 : i32
      %dma_start3A_132 = tpu.memref_slice %arg11[%add3A_130, %dma_start3A_131] : memref<160x128xi32, #tpu.memory_space<vmem>> -> memref<1x128xi32, #tpu.memory_space<vmem>>
      %dma_start3A_133 = tpu.memref_squeeze %dma_start3A_132 : memref<1x128xi32, #tpu.memory_space<vmem>> -> memref<128xi32, #tpu.memory_space<vmem>>
      %dma_start3A_134 = arith.constant 0 : i32
      %dma_start3A_135 = tpu.memref_slice %arg6[%dma_start3A_134] : memref<10240xf32, #tpu.memory_space<vmem_shared>> -> memref<10240xf32, #tpu.memory_space<vmem_shared>>
      tpu.enqueue_indirect_dma source(%arg13 : memref<128xf32, #tpu.memory_space<vmem>>) target(%dma_start3A_135 : memref<10240xf32, #tpu.memory_space<vmem_shared>>) offsets(%dma_start3A_133 : memref<128xi32, #tpu.memory_space<vmem>>) semaphore(%arg17 : memref<!tpu.dma_semaphore, #tpu.memory_space<semaphore_mem>>) {add = true}
      %mul3A_136 = arith.constant 16 : i32
      %mul3A_137 = arith.muli %scan3A_82, %mul3A_136 : i32
      %add3A_138 = arith.constant 6 : i32
      %add3A_139 = arith.addi %mul3A_137, %add3A_138 : i32
      %dma_start3A_140 = arith.constant 0 : i32
      %dma_start3A_141 = tpu.memref_slice %arg11[%add3A_139, %dma_start3A_140] : memref<160x128xi32, #tpu.memory_space<vmem>> -> memref<1x128xi32, #tpu.memory_space<vmem>>
      %dma_start3A_142 = tpu.memref_squeeze %dma_start3A_141 : memref<1x128xi32, #tpu.memory_space<vmem>> -> memref<128xi32, #tpu.memory_space<vmem>>
      %dma_start3A_143 = arith.constant 0 : i32
      %dma_start3A_144 = tpu.memref_slice %arg6[%dma_start3A_143] : memref<10240xf32, #tpu.memory_space<vmem_shared>> -> memref<10240xf32, #tpu.memory_space<vmem_shared>>
      tpu.enqueue_indirect_dma source(%arg13 : memref<128xf32, #tpu.memory_space<vmem>>) target(%dma_start3A_144 : memref<10240xf32, #tpu.memory_space<vmem_shared>>) offsets(%dma_start3A_142 : memref<128xi32, #tpu.memory_space<vmem>>) semaphore(%arg17 : memref<!tpu.dma_semaphore, #tpu.memory_space<semaphore_mem>>) {add = true}
      %mul3A_145 = arith.constant 16 : i32
      %mul3A_146 = arith.muli %scan3A_82, %mul3A_145 : i32
      %add3A_147 = arith.constant 7 : i32
      %add3A_148 = arith.addi %mul3A_146, %add3A_147 : i32
      %dma_start3A_149 = arith.constant 0 : i32
      %dma_start3A_150 = tpu.memref_slice %arg11[%add3A_148, %dma_start3A_149] : memref<160x128xi32, #tpu.memory_space<vmem>> -> memref<1x128xi32, #tpu.memory_space<vmem>>
      %dma_start3A_151 = tpu.memref_squeeze %dma_start3A_150 : memref<1x128xi32, #tpu.memory_space<vmem>> -> memref<128xi32, #tpu.memory_space<vmem>>
      %dma_start3A_152 = arith.constant 0 : i32
      %dma_start3A_153 = tpu.memref_slice %arg6[%dma_start3A_152] : memref<10240xf32, #tpu.memory_space<vmem_shared>> -> memref<10240xf32, #tpu.memory_space<vmem_shared>>
      tpu.enqueue_indirect_dma source(%arg13 : memref<128xf32, #tpu.memory_space<vmem>>) target(%dma_start3A_153 : memref<10240xf32, #tpu.memory_space<vmem_shared>>) offsets(%dma_start3A_151 : memref<128xi32, #tpu.memory_space<vmem>>) semaphore(%arg17 : memref<!tpu.dma_semaphore, #tpu.memory_space<semaphore_mem>>) {add = true}
      %mul3A_154 = arith.constant 16 : i32
      %mul3A_155 = arith.muli %scan3A_82, %mul3A_154 : i32
      %add3A_156 = arith.constant 8 : i32
      %add3A_157 = arith.addi %mul3A_155, %add3A_156 : i32
      %dma_start3A_158 = arith.constant 0 : i32
      %dma_start3A_159 = tpu.memref_slice %arg11[%add3A_157, %dma_start3A_158] : memref<160x128xi32, #tpu.memory_space<vmem>> -> memref<1x128xi32, #tpu.memory_space<vmem>>
      %dma_start3A_160 = tpu.memref_squeeze %dma_start3A_159 : memref<1x128xi32, #tpu.memory_space<vmem>> -> memref<128xi32, #tpu.memory_space<vmem>>
      %dma_start3A_161 = arith.constant 0 : i32
      %dma_start3A_162 = tpu.memref_slice %arg6[%dma_start3A_161] : memref<10240xf32, #tpu.memory_space<vmem_shared>> -> memref<10240xf32, #tpu.memory_space<vmem_shared>>
      tpu.enqueue_indirect_dma source(%arg13 : memref<128xf32, #tpu.memory_space<vmem>>) target(%dma_start3A_162 : memref<10240xf32, #tpu.memory_space<vmem_shared>>) offsets(%dma_start3A_160 : memref<128xi32, #tpu.memory_space<vmem>>) semaphore(%arg17 : memref<!tpu.dma_semaphore, #tpu.memory_space<semaphore_mem>>) {add = true}
      %mul3A_163 = arith.constant 16 : i32
      %mul3A_164 = arith.muli %scan3A_82, %mul3A_163 : i32
      %add3A_165 = arith.constant 9 : i32
      %add3A_166 = arith.addi %mul3A_164, %add3A_165 : i32
      %dma_start3A_167 = arith.constant 0 : i32
      %dma_start3A_168 = tpu.memref_slice %arg11[%add3A_166, %dma_start3A_167] : memref<160x128xi32, #tpu.memory_space<vmem>> -> memref<1x128xi32, #tpu.memory_space<vmem>>
      %dma_start3A_169 = tpu.memref_squeeze %dma_start3A_168 : memref<1x128xi32, #tpu.memory_space<vmem>> -> memref<128xi32, #tpu.memory_space<vmem>>
      %dma_start3A_170 = arith.constant 0 : i32
      %dma_start3A_171 = tpu.memref_slice %arg6[%dma_start3A_170] : memref<10240xf32, #tpu.memory_space<vmem_shared>> -> memref<10240xf32, #tpu.memory_space<vmem_shared>>
      tpu.enqueue_indirect_dma source(%arg13 : memref<128xf32, #tpu.memory_space<vmem>>) target(%dma_start3A_171 : memref<10240xf32, #tpu.memory_space<vmem_shared>>) offsets(%dma_start3A_169 : memref<128xi32, #tpu.memory_space<vmem>>) semaphore(%arg17 : memref<!tpu.dma_semaphore, #tpu.memory_space<semaphore_mem>>) {add = true}
      %mul3A_172 = arith.constant 16 : i32
      %mul3A_173 = arith.muli %scan3A_82, %mul3A_172 : i32
      %add3A_174 = arith.constant 10 : i32
      %add3A_175 = arith.addi %mul3A_173, %add3A_174 : i32
      %dma_start3A_176 = arith.constant 0 : i32
      %dma_start3A_177 = tpu.memref_slice %arg11[%add3A_175, %dma_start3A_176] : memref<160x128xi32, #tpu.memory_space<vmem>> -> memref<1x128xi32, #tpu.memory_space<vmem>>
      %dma_start3A_178 = tpu.memref_squeeze %dma_start3A_177 : memref<1x128xi32, #tpu.memory_space<vmem>> -> memref<128xi32, #tpu.memory_space<vmem>>
      %dma_start3A_179 = arith.constant 0 : i32
      %dma_start3A_180 = tpu.memref_slice %arg6[%dma_start3A_179] : memref<10240xf32, #tpu.memory_space<vmem_shared>> -> memref<10240xf32, #tpu.memory_space<vmem_shared>>
      tpu.enqueue_indirect_dma source(%arg13 : memref<128xf32, #tpu.memory_space<vmem>>) target(%dma_start3A_180 : memref<10240xf32, #tpu.memory_space<vmem_shared>>) offsets(%dma_start3A_178 : memref<128xi32, #tpu.memory_space<vmem>>) semaphore(%arg17 : memref<!tpu.dma_semaphore, #tpu.memory_space<semaphore_mem>>) {add = true}
      %mul3A_181 = arith.constant 16 : i32
      %mul3A_182 = arith.muli %scan3A_82, %mul3A_181 : i32
      %add3A_183 = arith.constant 11 : i32
      %add3A_184 = arith.addi %mul3A_182, %add3A_183 : i32
      %dma_start3A_185 = arith.constant 0 : i32
      %dma_start3A_186 = tpu.memref_slice %arg11[%add3A_184, %dma_start3A_185] : memref<160x128xi32, #tpu.memory_space<vmem>> -> memref<1x128xi32, #tpu.memory_space<vmem>>
      %dma_start3A_187 = tpu.memref_squeeze %dma_start3A_186 : memref<1x128xi32, #tpu.memory_space<vmem>> -> memref<128xi32, #tpu.memory_space<vmem>>
      %dma_start3A_188 = arith.constant 0 : i32
      %dma_start3A_189 = tpu.memref_slice %arg6[%dma_start3A_188] : memref<10240xf32, #tpu.memory_space<vmem_shared>> -> memref<10240xf32, #tpu.memory_space<vmem_shared>>
      tpu.enqueue_indirect_dma source(%arg13 : memref<128xf32, #tpu.memory_space<vmem>>) target(%dma_start3A_189 : memref<10240xf32, #tpu.memory_space<vmem_shared>>) offsets(%dma_start3A_187 : memref<128xi32, #tpu.memory_space<vmem>>) semaphore(%arg17 : memref<!tpu.dma_semaphore, #tpu.memory_space<semaphore_mem>>) {add = true}
      %mul3A_190 = arith.constant 16 : i32
      %mul3A_191 = arith.muli %scan3A_82, %mul3A_190 : i32
      %add3A_192 = arith.constant 12 : i32
      %add3A_193 = arith.addi %mul3A_191, %add3A_192 : i32
      %dma_start3A_194 = arith.constant 0 : i32
      %dma_start3A_195 = tpu.memref_slice %arg11[%add3A_193, %dma_start3A_194] : memref<160x128xi32, #tpu.memory_space<vmem>> -> memref<1x128xi32, #tpu.memory_space<vmem>>
      %dma_start3A_196 = tpu.memref_squeeze %dma_start3A_195 : memref<1x128xi32, #tpu.memory_space<vmem>> -> memref<128xi32, #tpu.memory_space<vmem>>
      %dma_start3A_197 = arith.constant 0 : i32
      %dma_start3A_198 = tpu.memref_slice %arg6[%dma_start3A_197] : memref<10240xf32, #tpu.memory_space<vmem_shared>> -> memref<10240xf32, #tpu.memory_space<vmem_shared>>
      tpu.enqueue_indirect_dma source(%arg13 : memref<128xf32, #tpu.memory_space<vmem>>) target(%dma_start3A_198 : memref<10240xf32, #tpu.memory_space<vmem_shared>>) offsets(%dma_start3A_196 : memref<128xi32, #tpu.memory_space<vmem>>) semaphore(%arg17 : memref<!tpu.dma_semaphore, #tpu.memory_space<semaphore_mem>>) {add = true}
      %mul3A_199 = arith.constant 16 : i32
      %mul3A_200 = arith.muli %scan3A_82, %mul3A_199 : i32
      %add3A_201 = arith.constant 13 : i32
      %add3A_202 = arith.addi %mul3A_200, %add3A_201 : i32
      %dma_start3A_203 = arith.constant 0 : i32
      %dma_start3A_204 = tpu.memref_slice %arg11[%add3A_202, %dma_start3A_203] : memref<160x128xi32, #tpu.memory_space<vmem>> -> memref<1x128xi32, #tpu.memory_space<vmem>>
      %dma_start3A_205 = tpu.memref_squeeze %dma_start3A_204 : memref<1x128xi32, #tpu.memory_space<vmem>> -> memref<128xi32, #tpu.memory_space<vmem>>
      %dma_start3A_206 = arith.constant 0 : i32
      %dma_start3A_207 = tpu.memref_slice %arg6[%dma_start3A_206] : memref<10240xf32, #tpu.memory_space<vmem_shared>> -> memref<10240xf32, #tpu.memory_space<vmem_shared>>
      tpu.enqueue_indirect_dma source(%arg13 : memref<128xf32, #tpu.memory_space<vmem>>) target(%dma_start3A_207 : memref<10240xf32, #tpu.memory_space<vmem_shared>>) offsets(%dma_start3A_205 : memref<128xi32, #tpu.memory_space<vmem>>) semaphore(%arg17 : memref<!tpu.dma_semaphore, #tpu.memory_space<semaphore_mem>>) {add = true}
      %mul3A_208 = arith.constant 16 : i32
      %mul3A_209 = arith.muli %scan3A_82, %mul3A_208 : i32
      %add3A_210 = arith.constant 14 : i32
      %add3A_211 = arith.addi %mul3A_209, %add3A_210 : i32
      %dma_start3A_212 = arith.constant 0 : i32
      %dma_start3A_213 = tpu.memref_slice %arg11[%add3A_211, %dma_start3A_212] : memref<160x128xi32, #tpu.memory_space<vmem>> -> memref<1x128xi32, #tpu.memory_space<vmem>>
      %dma_start3A_214 = tpu.memref_squeeze %dma_start3A_213 : memref<1x128xi32, #tpu.memory_space<vmem>> -> memref<128xi32, #tpu.memory_space<vmem>>
      %dma_start3A_215 = arith.constant 0 : i32
      %dma_start3A_216 = tpu.memref_slice %arg6[%dma_start3A_215] : memref<10240xf32, #tpu.memory_space<vmem_shared>> -> memref<10240xf32, #tpu.memory_space<vmem_shared>>
      tpu.enqueue_indirect_dma source(%arg13 : memref<128xf32, #tpu.memory_space<vmem>>) target(%dma_start3A_216 : memref<10240xf32, #tpu.memory_space<vmem_shared>>) offsets(%dma_start3A_214 : memref<128xi32, #tpu.memory_space<vmem>>) semaphore(%arg17 : memref<!tpu.dma_semaphore, #tpu.memory_space<semaphore_mem>>) {add = true}
      %mul3A_217 = arith.constant 16 : i32
      %mul3A_218 = arith.muli %scan3A_82, %mul3A_217 : i32
      %add3A_219 = arith.constant 15 : i32
      %add3A_220 = arith.addi %mul3A_218, %add3A_219 : i32
      %dma_start3A_221 = arith.constant 0 : i32
      %dma_start3A_222 = tpu.memref_slice %arg11[%add3A_220, %dma_start3A_221] : memref<160x128xi32, #tpu.memory_space<vmem>> -> memref<1x128xi32, #tpu.memory_space<vmem>>
      %dma_start3A_223 = tpu.memref_squeeze %dma_start3A_222 : memref<1x128xi32, #tpu.memory_space<vmem>> -> memref<128xi32, #tpu.memory_space<vmem>>
      %dma_start3A_224 = arith.constant 0 : i32
      %dma_start3A_225 = tpu.memref_slice %arg6[%dma_start3A_224] : memref<10240xf32, #tpu.memory_space<vmem_shared>> -> memref<10240xf32, #tpu.memory_space<vmem_shared>>
      tpu.enqueue_indirect_dma source(%arg13 : memref<128xf32, #tpu.memory_space<vmem>>) target(%dma_start3A_225 : memref<10240xf32, #tpu.memory_space<vmem_shared>>) offsets(%dma_start3A_223 : memref<128xi32, #tpu.memory_space<vmem>>) semaphore(%arg17 : memref<!tpu.dma_semaphore, #tpu.memory_space<semaphore_mem>>) {add = true}
      %mul3A_226 = arith.constant 16 : i32
      %mul3A_227 = arith.muli %scan3A_82, %mul3A_226 : i32
      %add3A_228 = arith.constant 0 : i32
      %add3A_229 = arith.addi %mul3A_227, %add3A_228 : i32
      %dma_wait3A = arith.constant 0 : i32
      %dma_wait3A_230 = tpu.memref_slice %arg11[%add3A_229, %dma_wait3A] : memref<160x128xi32, #tpu.memory_space<vmem>> -> memref<1x128xi32, #tpu.memory_space<vmem>>
      %dma_wait3A_231 = tpu.memref_squeeze %dma_wait3A_230 : memref<1x128xi32, #tpu.memory_space<vmem>> -> memref<128xi32, #tpu.memory_space<vmem>>
      %dma_wait3A_232 = arith.constant 0 : i32
      %dma_wait3A_233 = tpu.memref_slice %arg6[%dma_wait3A_232] : memref<10240xf32, #tpu.memory_space<vmem_shared>> -> memref<10240xf32, #tpu.memory_space<vmem_shared>>
      tpu.wait_indirect_dma semaphore(%arg17 : memref<!tpu.dma_semaphore, #tpu.memory_space<semaphore_mem>>) src(%arg13 : memref<128xf32, #tpu.memory_space<vmem>>) dst(%dma_wait3A_233 : memref<10240xf32, #tpu.memory_space<vmem_shared>>)
      %mul3A_234 = arith.constant 16 : i32
      %mul3A_235 = arith.muli %scan3A_82, %mul3A_234 : i32
      %add3A_236 = arith.constant 1 : i32
      %add3A_237 = arith.addi %mul3A_235, %add3A_236 : i32
      %dma_wait3A_238 = arith.constant 0 : i32
      %dma_wait3A_239 = tpu.memref_slice %arg11[%add3A_237, %dma_wait3A_238] : memref<160x128xi32, #tpu.memory_space<vmem>> -> memref<1x128xi32, #tpu.memory_space<vmem>>
      %dma_wait3A_240 = tpu.memref_squeeze %dma_wait3A_239 : memref<1x128xi32, #tpu.memory_space<vmem>> -> memref<128xi32, #tpu.memory_space<vmem>>
      %dma_wait3A_241 = arith.constant 0 : i32
      %dma_wait3A_242 = tpu.memref_slice %arg6[%dma_wait3A_241] : memref<10240xf32, #tpu.memory_space<vmem_shared>> -> memref<10240xf32, #tpu.memory_space<vmem_shared>>
      tpu.wait_indirect_dma semaphore(%arg17 : memref<!tpu.dma_semaphore, #tpu.memory_space<semaphore_mem>>) src(%arg13 : memref<128xf32, #tpu.memory_space<vmem>>) dst(%dma_wait3A_242 : memref<10240xf32, #tpu.memory_space<vmem_shared>>)
      %mul3A_243 = arith.constant 16 : i32
      %mul3A_244 = arith.muli %scan3A_82, %mul3A_243 : i32
      %add3A_245 = arith.constant 2 : i32
      %add3A_246 = arith.addi %mul3A_244, %add3A_245 : i32
      %dma_wait3A_247 = arith.constant 0 : i32
      %dma_wait3A_248 = tpu.memref_slice %arg11[%add3A_246, %dma_wait3A_247] : memref<160x128xi32, #tpu.memory_space<vmem>> -> memref<1x128xi32, #tpu.memory_space<vmem>>
      %dma_wait3A_249 = tpu.memref_squeeze %dma_wait3A_248 : memref<1x128xi32, #tpu.memory_space<vmem>> -> memref<128xi32, #tpu.memory_space<vmem>>
      %dma_wait3A_250 = arith.constant 0 : i32
      %dma_wait3A_251 = tpu.memref_slice %arg6[%dma_wait3A_250] : memref<10240xf32, #tpu.memory_space<vmem_shared>> -> memref<10240xf32, #tpu.memory_space<vmem_shared>>
      tpu.wait_indirect_dma semaphore(%arg17 : memref<!tpu.dma_semaphore, #tpu.memory_space<semaphore_mem>>) src(%arg13 : memref<128xf32, #tpu.memory_space<vmem>>) dst(%dma_wait3A_251 : memref<10240xf32, #tpu.memory_space<vmem_shared>>)
      %mul3A_252 = arith.constant 16 : i32
      %mul3A_253 = arith.muli %scan3A_82, %mul3A_252 : i32
      %add3A_254 = arith.constant 3 : i32
      %add3A_255 = arith.addi %mul3A_253, %add3A_254 : i32
      %dma_wait3A_256 = arith.constant 0 : i32
      %dma_wait3A_257 = tpu.memref_slice %arg11[%add3A_255, %dma_wait3A_256] : memref<160x128xi32, #tpu.memory_space<vmem>> -> memref<1x128xi32, #tpu.memory_space<vmem>>
      %dma_wait3A_258 = tpu.memref_squeeze %dma_wait3A_257 : memref<1x128xi32, #tpu.memory_space<vmem>> -> memref<128xi32, #tpu.memory_space<vmem>>
      %dma_wait3A_259 = arith.constant 0 : i32
      %dma_wait3A_260 = tpu.memref_slice %arg6[%dma_wait3A_259] : memref<10240xf32, #tpu.memory_space<vmem_shared>> -> memref<10240xf32, #tpu.memory_space<vmem_shared>>
      tpu.wait_indirect_dma semaphore(%arg17 : memref<!tpu.dma_semaphore, #tpu.memory_space<semaphore_mem>>) src(%arg13 : memref<128xf32, #tpu.memory_space<vmem>>) dst(%dma_wait3A_260 : memref<10240xf32, #tpu.memory_space<vmem_shared>>)
      %mul3A_261 = arith.constant 16 : i32
      %mul3A_262 = arith.muli %scan3A_82, %mul3A_261 : i32
      %add3A_263 = arith.constant 4 : i32
      %add3A_264 = arith.addi %mul3A_262, %add3A_263 : i32
      %dma_wait3A_265 = arith.constant 0 : i32
      %dma_wait3A_266 = tpu.memref_slice %arg11[%add3A_264, %dma_wait3A_265] : memref<160x128xi32, #tpu.memory_space<vmem>> -> memref<1x128xi32, #tpu.memory_space<vmem>>
      %dma_wait3A_267 = tpu.memref_squeeze %dma_wait3A_266 : memref<1x128xi32, #tpu.memory_space<vmem>> -> memref<128xi32, #tpu.memory_space<vmem>>
      %dma_wait3A_268 = arith.constant 0 : i32
      %dma_wait3A_269 = tpu.memref_slice %arg6[%dma_wait3A_268] : memref<10240xf32, #tpu.memory_space<vmem_shared>> -> memref<10240xf32, #tpu.memory_space<vmem_shared>>
      tpu.wait_indirect_dma semaphore(%arg17 : memref<!tpu.dma_semaphore, #tpu.memory_space<semaphore_mem>>) src(%arg13 : memref<128xf32, #tpu.memory_space<vmem>>) dst(%dma_wait3A_269 : memref<10240xf32, #tpu.memory_space<vmem_shared>>)
      %mul3A_270 = arith.constant 16 : i32
      %mul3A_271 = arith.muli %scan3A_82, %mul3A_270 : i32
      %add3A_272 = arith.constant 5 : i32
      %add3A_273 = arith.addi %mul3A_271, %add3A_272 : i32
      %dma_wait3A_274 = arith.constant 0 : i32
      %dma_wait3A_275 = tpu.memref_slice %arg11[%add3A_273, %dma_wait3A_274] : memref<160x128xi32, #tpu.memory_space<vmem>> -> memref<1x128xi32, #tpu.memory_space<vmem>>
      %dma_wait3A_276 = tpu.memref_squeeze %dma_wait3A_275 : memref<1x128xi32, #tpu.memory_space<vmem>> -> memref<128xi32, #tpu.memory_space<vmem>>
      %dma_wait3A_277 = arith.constant 0 : i32
      %dma_wait3A_278 = tpu.memref_slice %arg6[%dma_wait3A_277] : memref<10240xf32, #tpu.memory_space<vmem_shared>> -> memref<10240xf32, #tpu.memory_space<vmem_shared>>
      tpu.wait_indirect_dma semaphore(%arg17 : memref<!tpu.dma_semaphore, #tpu.memory_space<semaphore_mem>>) src(%arg13 : memref<128xf32, #tpu.memory_space<vmem>>) dst(%dma_wait3A_278 : memref<10240xf32, #tpu.memory_space<vmem_shared>>)
      %mul3A_279 = arith.constant 16 : i32
      %mul3A_280 = arith.muli %scan3A_82, %mul3A_279 : i32
      %add3A_281 = arith.constant 6 : i32
      %add3A_282 = arith.addi %mul3A_280, %add3A_281 : i32
      %dma_wait3A_283 = arith.constant 0 : i32
      %dma_wait3A_284 = tpu.memref_slice %arg11[%add3A_282, %dma_wait3A_283] : memref<160x128xi32, #tpu.memory_space<vmem>> -> memref<1x128xi32, #tpu.memory_space<vmem>>
      %dma_wait3A_285 = tpu.memref_squeeze %dma_wait3A_284 : memref<1x128xi32, #tpu.memory_space<vmem>> -> memref<128xi32, #tpu.memory_space<vmem>>
      %dma_wait3A_286 = arith.constant 0 : i32
      %dma_wait3A_287 = tpu.memref_slice %arg6[%dma_wait3A_286] : memref<10240xf32, #tpu.memory_space<vmem_shared>> -> memref<10240xf32, #tpu.memory_space<vmem_shared>>
      tpu.wait_indirect_dma semaphore(%arg17 : memref<!tpu.dma_semaphore, #tpu.memory_space<semaphore_mem>>) src(%arg13 : memref<128xf32, #tpu.memory_space<vmem>>) dst(%dma_wait3A_287 : memref<10240xf32, #tpu.memory_space<vmem_shared>>)
      %mul3A_288 = arith.constant 16 : i32
      %mul3A_289 = arith.muli %scan3A_82, %mul3A_288 : i32
      %add3A_290 = arith.constant 7 : i32
      %add3A_291 = arith.addi %mul3A_289, %add3A_290 : i32
      %dma_wait3A_292 = arith.constant 0 : i32
      %dma_wait3A_293 = tpu.memref_slice %arg11[%add3A_291, %dma_wait3A_292] : memref<160x128xi32, #tpu.memory_space<vmem>> -> memref<1x128xi32, #tpu.memory_space<vmem>>
      %dma_wait3A_294 = tpu.memref_squeeze %dma_wait3A_293 : memref<1x128xi32, #tpu.memory_space<vmem>> -> memref<128xi32, #tpu.memory_space<vmem>>
      %dma_wait3A_295 = arith.constant 0 : i32
      %dma_wait3A_296 = tpu.memref_slice %arg6[%dma_wait3A_295] : memref<10240xf32, #tpu.memory_space<vmem_shared>> -> memref<10240xf32, #tpu.memory_space<vmem_shared>>
      tpu.wait_indirect_dma semaphore(%arg17 : memref<!tpu.dma_semaphore, #tpu.memory_space<semaphore_mem>>) src(%arg13 : memref<128xf32, #tpu.memory_space<vmem>>) dst(%dma_wait3A_296 : memref<10240xf32, #tpu.memory_space<vmem_shared>>)
      %mul3A_297 = arith.constant 16 : i32
      %mul3A_298 = arith.muli %scan3A_82, %mul3A_297 : i32
      %add3A_299 = arith.constant 8 : i32
      %add3A_300 = arith.addi %mul3A_298, %add3A_299 : i32
      %dma_wait3A_301 = arith.constant 0 : i32
      %dma_wait3A_302 = tpu.memref_slice %arg11[%add3A_300, %dma_wait3A_301] : memref<160x128xi32, #tpu.memory_space<vmem>> -> memref<1x128xi32, #tpu.memory_space<vmem>>
      %dma_wait3A_303 = tpu.memref_squeeze %dma_wait3A_302 : memref<1x128xi32, #tpu.memory_space<vmem>> -> memref<128xi32, #tpu.memory_space<vmem>>
      %dma_wait3A_304 = arith.constant 0 : i32
      %dma_wait3A_305 = tpu.memref_slice %arg6[%dma_wait3A_304] : memref<10240xf32, #tpu.memory_space<vmem_shared>> -> memref<10240xf32, #tpu.memory_space<vmem_shared>>
      tpu.wait_indirect_dma semaphore(%arg17 : memref<!tpu.dma_semaphore, #tpu.memory_space<semaphore_mem>>) src(%arg13 : memref<128xf32, #tpu.memory_space<vmem>>) dst(%dma_wait3A_305 : memref<10240xf32, #tpu.memory_space<vmem_shared>>)
      %mul3A_306 = arith.constant 16 : i32
      %mul3A_307 = arith.muli %scan3A_82, %mul3A_306 : i32
      %add3A_308 = arith.constant 9 : i32
      %add3A_309 = arith.addi %mul3A_307, %add3A_308 : i32
      %dma_wait3A_310 = arith.constant 0 : i32
      %dma_wait3A_311 = tpu.memref_slice %arg11[%add3A_309, %dma_wait3A_310] : memref<160x128xi32, #tpu.memory_space<vmem>> -> memref<1x128xi32, #tpu.memory_space<vmem>>
      %dma_wait3A_312 = tpu.memref_squeeze %dma_wait3A_311 : memref<1x128xi32, #tpu.memory_space<vmem>> -> memref<128xi32, #tpu.memory_space<vmem>>
      %dma_wait3A_313 = arith.constant 0 : i32
      %dma_wait3A_314 = tpu.memref_slice %arg6[%dma_wait3A_313] : memref<10240xf32, #tpu.memory_space<vmem_shared>> -> memref<10240xf32, #tpu.memory_space<vmem_shared>>
      tpu.wait_indirect_dma semaphore(%arg17 : memref<!tpu.dma_semaphore, #tpu.memory_space<semaphore_mem>>) src(%arg13 : memref<128xf32, #tpu.memory_space<vmem>>) dst(%dma_wait3A_314 : memref<10240xf32, #tpu.memory_space<vmem_shared>>)
      %mul3A_315 = arith.constant 16 : i32
      %mul3A_316 = arith.muli %scan3A_82, %mul3A_315 : i32
      %add3A_317 = arith.constant 10 : i32
      %add3A_318 = arith.addi %mul3A_316, %add3A_317 : i32
      %dma_wait3A_319 = arith.constant 0 : i32
      %dma_wait3A_320 = tpu.memref_slice %arg11[%add3A_318, %dma_wait3A_319] : memref<160x128xi32, #tpu.memory_space<vmem>> -> memref<1x128xi32, #tpu.memory_space<vmem>>
      %dma_wait3A_321 = tpu.memref_squeeze %dma_wait3A_320 : memref<1x128xi32, #tpu.memory_space<vmem>> -> memref<128xi32, #tpu.memory_space<vmem>>
      %dma_wait3A_322 = arith.constant 0 : i32
      %dma_wait3A_323 = tpu.memref_slice %arg6[%dma_wait3A_322] : memref<10240xf32, #tpu.memory_space<vmem_shared>> -> memref<10240xf32, #tpu.memory_space<vmem_shared>>
      tpu.wait_indirect_dma semaphore(%arg17 : memref<!tpu.dma_semaphore, #tpu.memory_space<semaphore_mem>>) src(%arg13 : memref<128xf32, #tpu.memory_space<vmem>>) dst(%dma_wait3A_323 : memref<10240xf32, #tpu.memory_space<vmem_shared>>)
      %mul3A_324 = arith.constant 16 : i32
      %mul3A_325 = arith.muli %scan3A_82, %mul3A_324 : i32
      %add3A_326 = arith.constant 11 : i32
      %add3A_327 = arith.addi %mul3A_325, %add3A_326 : i32
      %dma_wait3A_328 = arith.constant 0 : i32
      %dma_wait3A_329 = tpu.memref_slice %arg11[%add3A_327, %dma_wait3A_328] : memref<160x128xi32, #tpu.memory_space<vmem>> -> memref<1x128xi32, #tpu.memory_space<vmem>>
      %dma_wait3A_330 = tpu.memref_squeeze %dma_wait3A_329 : memref<1x128xi32, #tpu.memory_space<vmem>> -> memref<128xi32, #tpu.memory_space<vmem>>
      %dma_wait3A_331 = arith.constant 0 : i32
      %dma_wait3A_332 = tpu.memref_slice %arg6[%dma_wait3A_331] : memref<10240xf32, #tpu.memory_space<vmem_shared>> -> memref<10240xf32, #tpu.memory_space<vmem_shared>>
      tpu.wait_indirect_dma semaphore(%arg17 : memref<!tpu.dma_semaphore, #tpu.memory_space<semaphore_mem>>) src(%arg13 : memref<128xf32, #tpu.memory_space<vmem>>) dst(%dma_wait3A_332 : memref<10240xf32, #tpu.memory_space<vmem_shared>>)
      %mul3A_333 = arith.constant 16 : i32
      %mul3A_334 = arith.muli %scan3A_82, %mul3A_333 : i32
      %add3A_335 = arith.constant 12 : i32
      %add3A_336 = arith.addi %mul3A_334, %add3A_335 : i32
      %dma_wait3A_337 = arith.constant 0 : i32
      %dma_wait3A_338 = tpu.memref_slice %arg11[%add3A_336, %dma_wait3A_337] : memref<160x128xi32, #tpu.memory_space<vmem>> -> memref<1x128xi32, #tpu.memory_space<vmem>>
      %dma_wait3A_339 = tpu.memref_squeeze %dma_wait3A_338 : memref<1x128xi32, #tpu.memory_space<vmem>> -> memref<128xi32, #tpu.memory_space<vmem>>
      %dma_wait3A_340 = arith.constant 0 : i32
      %dma_wait3A_341 = tpu.memref_slice %arg6[%dma_wait3A_340] : memref<10240xf32, #tpu.memory_space<vmem_shared>> -> memref<10240xf32, #tpu.memory_space<vmem_shared>>
      tpu.wait_indirect_dma semaphore(%arg17 : memref<!tpu.dma_semaphore, #tpu.memory_space<semaphore_mem>>) src(%arg13 : memref<128xf32, #tpu.memory_space<vmem>>) dst(%dma_wait3A_341 : memref<10240xf32, #tpu.memory_space<vmem_shared>>)
      %mul3A_342 = arith.constant 16 : i32
      %mul3A_343 = arith.muli %scan3A_82, %mul3A_342 : i32
      %add3A_344 = arith.constant 13 : i32
      %add3A_345 = arith.addi %mul3A_343, %add3A_344 : i32
      %dma_wait3A_346 = arith.constant 0 : i32
      %dma_wait3A_347 = tpu.memref_slice %arg11[%add3A_345, %dma_wait3A_346] : memref<160x128xi32, #tpu.memory_space<vmem>> -> memref<1x128xi32, #tpu.memory_space<vmem>>
      %dma_wait3A_348 = tpu.memref_squeeze %dma_wait3A_347 : memref<1x128xi32, #tpu.memory_space<vmem>> -> memref<128xi32, #tpu.memory_space<vmem>>
      %dma_wait3A_349 = arith.constant 0 : i32
      %dma_wait3A_350 = tpu.memref_slice %arg6[%dma_wait3A_349] : memref<10240xf32, #tpu.memory_space<vmem_shared>> -> memref<10240xf32, #tpu.memory_space<vmem_shared>>
      tpu.wait_indirect_dma semaphore(%arg17 : memref<!tpu.dma_semaphore, #tpu.memory_space<semaphore_mem>>) src(%arg13 : memref<128xf32, #tpu.memory_space<vmem>>) dst(%dma_wait3A_350 : memref<10240xf32, #tpu.memory_space<vmem_shared>>)
      %mul3A_351 = arith.constant 16 : i32
      %mul3A_352 = arith.muli %scan3A_82, %mul3A_351 : i32
      %add3A_353 = arith.constant 14 : i32
      %add3A_354 = arith.addi %mul3A_352, %add3A_353 : i32
      %dma_wait3A_355 = arith.constant 0 : i32
      %dma_wait3A_356 = tpu.memref_slice %arg11[%add3A_354, %dma_wait3A_355] : memref<160x128xi32, #tpu.memory_space<vmem>> -> memref<1x128xi32, #tpu.memory_space<vmem>>
      %dma_wait3A_357 = tpu.memref_squeeze %dma_wait3A_356 : memref<1x128xi32, #tpu.memory_space<vmem>> -> memref<128xi32, #tpu.memory_space<vmem>>
      %dma_wait3A_358 = arith.constant 0 : i32
      %dma_wait3A_359 = tpu.memref_slice %arg6[%dma_wait3A_358] : memref<10240xf32, #tpu.memory_space<vmem_shared>> -> memref<10240xf32, #tpu.memory_space<vmem_shared>>
      tpu.wait_indirect_dma semaphore(%arg17 : memref<!tpu.dma_semaphore, #tpu.memory_space<semaphore_mem>>) src(%arg13 : memref<128xf32, #tpu.memory_space<vmem>>) dst(%dma_wait3A_359 : memref<10240xf32, #tpu.memory_space<vmem_shared>>)
      %mul3A_360 = arith.constant 16 : i32
      %mul3A_361 = arith.muli %scan3A_82, %mul3A_360 : i32
      %add3A_362 = arith.constant 15 : i32
      %add3A_363 = arith.addi %mul3A_361, %add3A_362 : i32
      %dma_wait3A_364 = arith.constant 0 : i32
      %dma_wait3A_365 = tpu.memref_slice %arg11[%add3A_363, %dma_wait3A_364] : memref<160x128xi32, #tpu.memory_space<vmem>> -> memref<1x128xi32, #tpu.memory_space<vmem>>
      %dma_wait3A_366 = tpu.memref_squeeze %dma_wait3A_365 : memref<1x128xi32, #tpu.memory_space<vmem>> -> memref<128xi32, #tpu.memory_space<vmem>>
      %dma_wait3A_367 = arith.constant 0 : i32
      %dma_wait3A_368 = tpu.memref_slice %arg6[%dma_wait3A_367] : memref<10240xf32, #tpu.memory_space<vmem_shared>> -> memref<10240xf32, #tpu.memory_space<vmem_shared>>
      tpu.wait_indirect_dma semaphore(%arg17 : memref<!tpu.dma_semaphore, #tpu.memory_space<semaphore_mem>>) src(%arg13 : memref<128xf32, #tpu.memory_space<vmem>>) dst(%dma_wait3A_368 : memref<10240xf32, #tpu.memory_space<vmem_shared>>)
      %scan3A_369 = arith.constant 0 : i32
      scf.yield %scan3A_369 : i32
    }
    %scan3A_43 = arith.constant 10 : i32
    %barrier3A_44 = arith.constant 0 : index
    tpu.barrier barrier_id(%barrier3A_44)
    "tpu.region"() ({
      %run_scoped3A = tpu.sem_alloc : memref<!tpu.dma_semaphore, #tpu.memory_space<semaphore_mem>>
      %dma_start3A = tpu.memref_slice %arg6[%mul3A_0] : memref<10240xf32, #tpu.memory_space<vmem_shared>> -> memref<640xf32, #tpu.memory_space<vmem_shared>>
      %dma_start3A_82 = tpu.memref_slice %arg6[%mul3A_0] : memref<10240xf32, #tpu.memory_space<vmem_shared>> -> memref<640xf32, #tpu.memory_space<vmem_shared>>
      tpu.enqueue_dma source(%dma_start3A_82 : memref<640xf32, #tpu.memory_space<vmem_shared>>) target(%arg15 : memref<640xf32, #tpu.memory_space<vmem>>) target_semaphore(%run_scoped3A : memref<!tpu.dma_semaphore, #tpu.memory_space<semaphore_mem>>)
      %dma_wait3A = tpu.memref_slice %arg6[%mul3A_0] : memref<10240xf32, #tpu.memory_space<vmem_shared>> -> memref<640xf32, #tpu.memory_space<vmem_shared>>
      %dma_wait3A_83 = tpu.memref_slice %arg6[%mul3A_0] : memref<10240xf32, #tpu.memory_space<vmem_shared>> -> memref<640xf32, #tpu.memory_space<vmem_shared>>
      tpu.wait_dma2 semaphore(%run_scoped3A : memref<!tpu.dma_semaphore, #tpu.memory_space<semaphore_mem>>) src(%dma_wait3A_83 : memref<640xf32, #tpu.memory_space<vmem_shared>>) dst(%arg15 : memref<640xf32, #tpu.memory_space<vmem>>)
      tpu.yield
    }) : () -> ()
    %scan3A_45 = arith.constant 0 : i32
    %scan3A_46 = arith.constant 0 : i32
    %scan3A_47 = arith.constant 40 : i32
    %scan3A_48 = arith.addi %scan3A_46, %scan3A_47 : i32
    %scan3A_49 = arith.constant 1 : i32
    %scan3A_50 = scf.for %scan3A_82 = %scan3A_46 to %scan3A_48 step %scan3A_49 iter_args(%scan3A_83 = %scan3A_45) -> (i32)  : i32 {
      %mul3A_84 = arith.constant 16 : i32
      %mul3A_85 = arith.muli %scan3A_82, %mul3A_84 : i32
      %get3A = arith.index_cast %mul3A_85 : i32 to index
      %get3A_86 = tpu.vector_load %arg15[%get3A] {strides = array<i32>} : memref<640xf32, #tpu.memory_space<vmem>>, vector<16xf32>,
      %add3A = arith.constant 1.000000e+00 : f32
      %add3A_87 = vector.broadcast %add3A : f32 to vector<16xf32>
      %add3A_88 = arith.addf %get3A_86, %add3A_87 : vector<16xf32>
      %bitcast_convert_type3A = tpu.bitcast %add3A_88 : vector<16xf32> -> vector<16xi32>
      %broadcast_in_dim3A = arith.constant 1597463007 : i32
      %broadcast_in_dim3A_89 = vector.broadcast %broadcast_in_dim3A : i32 to vector<16xi32>
      %shift_right_logical3A = arith.constant 1 : i32
      %shift_right_logical3A_90 = vector.broadcast %shift_right_logical3A : i32 to vector<16xi32>
      %shift_right_logical3A_91 = arith.shrui %bitcast_convert_type3A, %shift_right_logical3A_90 : vector<16xi32>
      %sub3A = arith.subi %broadcast_in_dim3A_89, %shift_right_logical3A_91 : vector<16xi32>
      %bitcast_convert_type3A_92 = tpu.bitcast %sub3A : vector<16xi32> -> vector<16xf32>
      %mul3A_93 = arith.constant 5.000000e-01 : f32
      %mul3A_94 = vector.broadcast %mul3A_93 : f32 to vector<16xf32>
      %mul3A_95 = arith.mulf %mul3A_94, %add3A_88 : vector<16xf32>
      %mul3A_96 = arith.mulf %mul3A_95, %bitcast_convert_type3A_92 : vector<16xf32>
      %mul3A_97 = arith.mulf %mul3A_96, %bitcast_convert_type3A_92 : vector<16xf32>
      %sub3A_98 = arith.constant 1.500000e+00 : f32
      %sub3A_99 = vector.broadcast %sub3A_98 : f32 to vector<16xf32>
      %sub3A_100 = arith.subf %sub3A_99, %mul3A_97 : vector<16xf32>
      %mul3A_101 = arith.mulf %bitcast_convert_type3A_92, %sub3A_100 : vector<16xf32>
      %mul3A_102 = arith.constant 5.000000e-01 : f32
      %mul3A_103 = vector.broadcast %mul3A_102 : f32 to vector<16xf32>
      %mul3A_104 = arith.mulf %mul3A_103, %add3A_88 : vector<16xf32>
      %mul3A_105 = arith.mulf %mul3A_104, %mul3A_101 : vector<16xf32>
      %mul3A_106 = arith.mulf %mul3A_105, %mul3A_101 : vector<16xf32>
      %sub3A_107 = arith.constant 1.500000e+00 : f32
      %sub3A_108 = vector.broadcast %sub3A_107 : f32 to vector<16xf32>
      %sub3A_109 = arith.subf %sub3A_108, %mul3A_106 : vector<16xf32>
      %mul3A_110 = arith.mulf %mul3A_101, %sub3A_109 : vector<16xf32>
      %mul3A_111 = arith.constant 5.000000e-01 : f32
      %mul3A_112 = vector.broadcast %mul3A_111 : f32 to vector<16xf32>
      %mul3A_113 = arith.mulf %mul3A_112, %add3A_88 : vector<16xf32>
      %mul3A_114 = arith.mulf %mul3A_113, %mul3A_110 : vector<16xf32>
      %mul3A_115 = arith.mulf %mul3A_114, %mul3A_110 : vector<16xf32>
      %sub3A_116 = arith.constant 1.500000e+00 : f32
      %sub3A_117 = vector.broadcast %sub3A_116 : f32 to vector<16xf32>
      %sub3A_118 = arith.subf %sub3A_117, %mul3A_115 : vector<16xf32>
      %mul3A_119 = arith.mulf %mul3A_110, %sub3A_118 : vector<16xf32>
      %mul3A_120 = arith.constant 16 : i32
      %mul3A_121 = arith.muli %scan3A_82, %mul3A_120 : i32
      %swap3A = arith.index_cast %mul3A_121 : i32 to index
      %swap3A_122 = tpu.vector_load %arg16[%swap3A] {strides = array<i32>} : memref<640xf32, #tpu.memory_space<vmem>>, vector<16xf32>,
      tpu.vector_store %arg16[%swap3A], %mul3A_119 {strides = array<i32>} : memref<640xf32, #tpu.memory_space<vmem>>, vector<16xf32>,
      %scan3A_123 = arith.constant 0 : i32
      scf.yield %scan3A_123 : i32
    }
    %scan3A_51 = arith.constant 40 : i32
    "tpu.region"() ({
      %run_scoped3A = tpu.sem_alloc : memref<!tpu.dma_semaphore, #tpu.memory_space<semaphore_mem>>
      %dma_start3A = tpu.memref_slice %arg8[%mul3A_0] : memref<10240xf32, #tpu.memory_space<vmem_shared>> -> memref<640xf32, #tpu.memory_space<vmem_shared>>
      %dma_start3A_82 = tpu.memref_slice %arg8[%mul3A_0] : memref<10240xf32, #tpu.memory_space<vmem_shared>> -> memref<640xf32, #tpu.memory_space<vmem_shared>>
      tpu.enqueue_dma source(%arg16 : memref<640xf32, #tpu.memory_space<vmem>>) target(%dma_start3A_82 : memref<640xf32, #tpu.memory_space<vmem_shared>>) target_semaphore(%run_scoped3A : memref<!tpu.dma_semaphore, #tpu.memory_space<semaphore_mem>>)
      %dma_wait3A = tpu.memref_slice %arg8[%mul3A_0] : memref<10240xf32, #tpu.memory_space<vmem_shared>> -> memref<640xf32, #tpu.memory_space<vmem_shared>>
      %dma_wait3A_83 = tpu.memref_slice %arg8[%mul3A_0] : memref<10240xf32, #tpu.memory_space<vmem_shared>> -> memref<640xf32, #tpu.memory_space<vmem_shared>>
      tpu.wait_dma2 semaphore(%run_scoped3A : memref<!tpu.dma_semaphore, #tpu.memory_space<semaphore_mem>>) src(%arg16 : memref<640xf32, #tpu.memory_space<vmem>>) dst(%dma_wait3A_83 : memref<640xf32, #tpu.memory_space<vmem_shared>>)
      tpu.yield
    }) : () -> ()
    %eq3A = arith.constant 0 : i32
    %eq3A_52 = arith.cmpi eq, %arg0, %eq3A : i32
    %convert_element_type3A = arith.extui %eq3A_52 : i1 to i32
    %cond3A = arith.constant 0 : i32
    %cond3A_53 = arith.cmpi ne, %convert_element_type3A, %cond3A : i32
    scf.if %cond3A_53 {
      "tpu.region"() ({
        %run_scoped3A = tpu.sem_alloc : memref<!tpu.dma_semaphore, #tpu.memory_space<semaphore_mem>>
        %dma_start3A = tpu.memref_slice %arg4[%mul3A_0] : memref<10240xf32, #tpu.memory_space<hbm>> -> memref<640xf32, #tpu.memory_space<hbm>>
        %dma_start3A_82 = tpu.memref_slice %arg4[%mul3A_0] : memref<10240xf32, #tpu.memory_space<hbm>> -> memref<640xf32, #tpu.memory_space<hbm>>
        tpu.enqueue_dma source(%arg16 : memref<640xf32, #tpu.memory_space<vmem>>) target(%dma_start3A_82 : memref<640xf32, #tpu.memory_space<hbm>>) target_semaphore(%run_scoped3A : memref<!tpu.dma_semaphore, #tpu.memory_space<semaphore_mem>>)
        %dma_wait3A = tpu.memref_slice %arg4[%mul3A_0] : memref<10240xf32, #tpu.memory_space<hbm>> -> memref<640xf32, #tpu.memory_space<hbm>>
        %dma_wait3A_83 = tpu.memref_slice %arg4[%mul3A_0] : memref<10240xf32, #tpu.memory_space<hbm>> -> memref<640xf32, #tpu.memory_space<hbm>>
        tpu.wait_dma2 semaphore(%run_scoped3A : memref<!tpu.dma_semaphore, #tpu.memory_space<semaphore_mem>>) src(%arg16 : memref<640xf32, #tpu.memory_space<vmem>>) dst(%dma_wait3A_83 : memref<640xf32, #tpu.memory_space<hbm>>)
        tpu.yield
      }) : () -> ()
    } else {
    }
    %barrier3A_54 = arith.constant 0 : index
    tpu.barrier barrier_id(%barrier3A_54)
    "tpu.region"() ({
      %run_scoped3A = tpu.sem_alloc : memref<!tpu.dma_semaphore, #tpu.memory_space<semaphore_mem>>
      tpu.enqueue_dma source(%arg8 : memref<10240xf32, #tpu.memory_space<vmem_shared>>) target(%arg14 : memref<10240xf32, #tpu.memory_space<vmem>>) target_semaphore(%run_scoped3A : memref<!tpu.dma_semaphore, #tpu.memory_space<semaphore_mem>>)
      tpu.wait_dma2 semaphore(%run_scoped3A : memref<!tpu.dma_semaphore, #tpu.memory_space<semaphore_mem>>) src(%arg8 : memref<10240xf32, #tpu.memory_space<vmem_shared>>) dst(%arg14 : memref<10240xf32, #tpu.memory_space<vmem>>)
      tpu.yield
    }) : () -> ()
    %scan3A_55 = arith.constant 0 : i32
    %scan3A_56 = arith.constant 0 : i32
    %scan3A_57 = arith.constant 1280 : i32
    %scan3A_58 = arith.addi %scan3A_56, %scan3A_57 : i32
    %scan3A_59 = arith.constant 1 : i32
    %scan3A_60 = scf.for %scan3A_82 = %scan3A_56 to %scan3A_58 step %scan3A_59 iter_args(%scan3A_83 = %scan3A_55) -> (i32)  : i32 {
      %mul3A_84 = arith.constant 16 : i32
      %mul3A_85 = arith.muli %scan3A_82, %mul3A_84 : i32
      %get3A = arith.index_cast %mul3A_85 : i32 to index
      %get3A_86 = tpu.vector_load %arg9[%get3A] {strides = array<i32>} : memref<20480xi32, #tpu.memory_space<vmem>>, vector<16xi32>,
      %gather3A = tpu.vector_load_idx %arg14[%get3A_86] : memref<10240xf32, #tpu.memory_space<vmem>>[vector<16xi32>], vector<16xf32>,
      %mul3A_87 = arith.constant 16 : i32
      %mul3A_88 = arith.muli %scan3A_82, %mul3A_87 : i32
      %swap3A = arith.index_cast %mul3A_88 : i32 to index
      %swap3A_89 = tpu.vector_load %arg12[%swap3A] {strides = array<i32>} : memref<20480xf32, #tpu.memory_space<vmem>>, vector<16xf32>,
      tpu.vector_store %arg12[%swap3A], %gather3A {strides = array<i32>} : memref<20480xf32, #tpu.memory_space<vmem>>, vector<16xf32>,
      %scan3A_90 = arith.constant 0 : i32
      scf.yield %scan3A_90 : i32
    }
    %scan3A_61 = arith.constant 1280 : i32
    %scan3A_62 = arith.constant 0 : i32
    %scan3A_63 = arith.constant 0 : i32
    %scan3A_64 = arith.constant 10 : i32
    %scan3A_65 = arith.addi %scan3A_63, %scan3A_64 : i32
    %scan3A_66 = arith.constant 1 : i32
    %scan3A_67 = scf.for %scan3A_82 = %scan3A_63 to %scan3A_65 step %scan3A_66 iter_args(%scan3A_83 = %scan3A_62) -> (i32)  : i32 {
      %mul3A_84 = arith.constant 16 : i32
      %mul3A_85 = arith.muli %scan3A_82, %mul3A_84 : i32
      %add3A = arith.constant 0 : i32
      %add3A_86 = arith.addi %mul3A_85, %add3A : i32
      %mul3A_87 = arith.constant 128 : i32
      %mul3A_88 = arith.muli %add3A_86, %mul3A_87 : i32
      %dma_start3A = tpu.memref_slice %arg12[%mul3A_88] : memref<20480xf32, #tpu.memory_space<vmem>> -> memref<128xf32, #tpu.memory_space<vmem>>
      %dma_start3A_89 = arith.constant 0 : i32
      %dma_start3A_90 = tpu.memref_slice %arg11[%add3A_86, %dma_start3A_89] : memref<160x128xi32, #tpu.memory_space<vmem>> -> memref<1x128xi32, #tpu.memory_space<vmem>>
      %dma_start3A_91 = tpu.memref_squeeze %dma_start3A_90 : memref<1x128xi32, #tpu.memory_space<vmem>> -> memref<128xi32, #tpu.memory_space<vmem>>
      %dma_start3A_92 = arith.constant 0 : i32
      %dma_start3A_93 = tpu.memref_slice %arg7[%dma_start3A_92] : memref<10240xf32, #tpu.memory_space<vmem_shared>> -> memref<10240xf32, #tpu.memory_space<vmem_shared>>
      tpu.enqueue_indirect_dma source(%dma_start3A : memref<128xf32, #tpu.memory_space<vmem>>) target(%dma_start3A_93 : memref<10240xf32, #tpu.memory_space<vmem_shared>>) offsets(%dma_start3A_91 : memref<128xi32, #tpu.memory_space<vmem>>) semaphore(%arg17 : memref<!tpu.dma_semaphore, #tpu.memory_space<semaphore_mem>>) {add = true}
      %mul3A_94 = arith.constant 16 : i32
      %mul3A_95 = arith.muli %scan3A_82, %mul3A_94 : i32
      %add3A_96 = arith.constant 1 : i32
      %add3A_97 = arith.addi %mul3A_95, %add3A_96 : i32
      %mul3A_98 = arith.constant 128 : i32
      %mul3A_99 = arith.muli %add3A_97, %mul3A_98 : i32
      %dma_start3A_100 = tpu.memref_slice %arg12[%mul3A_99] : memref<20480xf32, #tpu.memory_space<vmem>> -> memref<128xf32, #tpu.memory_space<vmem>>
      %dma_start3A_101 = arith.constant 0 : i32
      %dma_start3A_102 = tpu.memref_slice %arg11[%add3A_97, %dma_start3A_101] : memref<160x128xi32, #tpu.memory_space<vmem>> -> memref<1x128xi32, #tpu.memory_space<vmem>>
      %dma_start3A_103 = tpu.memref_squeeze %dma_start3A_102 : memref<1x128xi32, #tpu.memory_space<vmem>> -> memref<128xi32, #tpu.memory_space<vmem>>
      %dma_start3A_104 = arith.constant 0 : i32
      %dma_start3A_105 = tpu.memref_slice %arg7[%dma_start3A_104] : memref<10240xf32, #tpu.memory_space<vmem_shared>> -> memref<10240xf32, #tpu.memory_space<vmem_shared>>
      tpu.enqueue_indirect_dma source(%dma_start3A_100 : memref<128xf32, #tpu.memory_space<vmem>>) target(%dma_start3A_105 : memref<10240xf32, #tpu.memory_space<vmem_shared>>) offsets(%dma_start3A_103 : memref<128xi32, #tpu.memory_space<vmem>>) semaphore(%arg17 : memref<!tpu.dma_semaphore, #tpu.memory_space<semaphore_mem>>) {add = true}
      %mul3A_106 = arith.constant 16 : i32
      %mul3A_107 = arith.muli %scan3A_82, %mul3A_106 : i32
      %add3A_108 = arith.constant 2 : i32
      %add3A_109 = arith.addi %mul3A_107, %add3A_108 : i32
      %mul3A_110 = arith.constant 128 : i32
      %mul3A_111 = arith.muli %add3A_109, %mul3A_110 : i32
      %dma_start3A_112 = tpu.memref_slice %arg12[%mul3A_111] : memref<20480xf32, #tpu.memory_space<vmem>> -> memref<128xf32, #tpu.memory_space<vmem>>
      %dma_start3A_113 = arith.constant 0 : i32
      %dma_start3A_114 = tpu.memref_slice %arg11[%add3A_109, %dma_start3A_113] : memref<160x128xi32, #tpu.memory_space<vmem>> -> memref<1x128xi32, #tpu.memory_space<vmem>>
      %dma_start3A_115 = tpu.memref_squeeze %dma_start3A_114 : memref<1x128xi32, #tpu.memory_space<vmem>> -> memref<128xi32, #tpu.memory_space<vmem>>
      %dma_start3A_116 = arith.constant 0 : i32
      %dma_start3A_117 = tpu.memref_slice %arg7[%dma_start3A_116] : memref<10240xf32, #tpu.memory_space<vmem_shared>> -> memref<10240xf32, #tpu.memory_space<vmem_shared>>
      tpu.enqueue_indirect_dma source(%dma_start3A_112 : memref<128xf32, #tpu.memory_space<vmem>>) target(%dma_start3A_117 : memref<10240xf32, #tpu.memory_space<vmem_shared>>) offsets(%dma_start3A_115 : memref<128xi32, #tpu.memory_space<vmem>>) semaphore(%arg17 : memref<!tpu.dma_semaphore, #tpu.memory_space<semaphore_mem>>) {add = true}
      %mul3A_118 = arith.constant 16 : i32
      %mul3A_119 = arith.muli %scan3A_82, %mul3A_118 : i32
      %add3A_120 = arith.constant 3 : i32
      %add3A_121 = arith.addi %mul3A_119, %add3A_120 : i32
      %mul3A_122 = arith.constant 128 : i32
      %mul3A_123 = arith.muli %add3A_121, %mul3A_122 : i32
      %dma_start3A_124 = tpu.memref_slice %arg12[%mul3A_123] : memref<20480xf32, #tpu.memory_space<vmem>> -> memref<128xf32, #tpu.memory_space<vmem>>
      %dma_start3A_125 = arith.constant 0 : i32
      %dma_start3A_126 = tpu.memref_slice %arg11[%add3A_121, %dma_start3A_125] : memref<160x128xi32, #tpu.memory_space<vmem>> -> memref<1x128xi32, #tpu.memory_space<vmem>>
      %dma_start3A_127 = tpu.memref_squeeze %dma_start3A_126 : memref<1x128xi32, #tpu.memory_space<vmem>> -> memref<128xi32, #tpu.memory_space<vmem>>
      %dma_start3A_128 = arith.constant 0 : i32
      %dma_start3A_129 = tpu.memref_slice %arg7[%dma_start3A_128] : memref<10240xf32, #tpu.memory_space<vmem_shared>> -> memref<10240xf32, #tpu.memory_space<vmem_shared>>
      tpu.enqueue_indirect_dma source(%dma_start3A_124 : memref<128xf32, #tpu.memory_space<vmem>>) target(%dma_start3A_129 : memref<10240xf32, #tpu.memory_space<vmem_shared>>) offsets(%dma_start3A_127 : memref<128xi32, #tpu.memory_space<vmem>>) semaphore(%arg17 : memref<!tpu.dma_semaphore, #tpu.memory_space<semaphore_mem>>) {add = true}
      %mul3A_130 = arith.constant 16 : i32
      %mul3A_131 = arith.muli %scan3A_82, %mul3A_130 : i32
      %add3A_132 = arith.constant 4 : i32
      %add3A_133 = arith.addi %mul3A_131, %add3A_132 : i32
      %mul3A_134 = arith.constant 128 : i32
      %mul3A_135 = arith.muli %add3A_133, %mul3A_134 : i32
      %dma_start3A_136 = tpu.memref_slice %arg12[%mul3A_135] : memref<20480xf32, #tpu.memory_space<vmem>> -> memref<128xf32, #tpu.memory_space<vmem>>
      %dma_start3A_137 = arith.constant 0 : i32
      %dma_start3A_138 = tpu.memref_slice %arg11[%add3A_133, %dma_start3A_137] : memref<160x128xi32, #tpu.memory_space<vmem>> -> memref<1x128xi32, #tpu.memory_space<vmem>>
      %dma_start3A_139 = tpu.memref_squeeze %dma_start3A_138 : memref<1x128xi32, #tpu.memory_space<vmem>> -> memref<128xi32, #tpu.memory_space<vmem>>
      %dma_start3A_140 = arith.constant 0 : i32
      %dma_start3A_141 = tpu.memref_slice %arg7[%dma_start3A_140] : memref<10240xf32, #tpu.memory_space<vmem_shared>> -> memref<10240xf32, #tpu.memory_space<vmem_shared>>
      tpu.enqueue_indirect_dma source(%dma_start3A_136 : memref<128xf32, #tpu.memory_space<vmem>>) target(%dma_start3A_141 : memref<10240xf32, #tpu.memory_space<vmem_shared>>) offsets(%dma_start3A_139 : memref<128xi32, #tpu.memory_space<vmem>>) semaphore(%arg17 : memref<!tpu.dma_semaphore, #tpu.memory_space<semaphore_mem>>) {add = true}
      %mul3A_142 = arith.constant 16 : i32
      %mul3A_143 = arith.muli %scan3A_82, %mul3A_142 : i32
      %add3A_144 = arith.constant 5 : i32
      %add3A_145 = arith.addi %mul3A_143, %add3A_144 : i32
      %mul3A_146 = arith.constant 128 : i32
      %mul3A_147 = arith.muli %add3A_145, %mul3A_146 : i32
      %dma_start3A_148 = tpu.memref_slice %arg12[%mul3A_147] : memref<20480xf32, #tpu.memory_space<vmem>> -> memref<128xf32, #tpu.memory_space<vmem>>
      %dma_start3A_149 = arith.constant 0 : i32
      %dma_start3A_150 = tpu.memref_slice %arg11[%add3A_145, %dma_start3A_149] : memref<160x128xi32, #tpu.memory_space<vmem>> -> memref<1x128xi32, #tpu.memory_space<vmem>>
      %dma_start3A_151 = tpu.memref_squeeze %dma_start3A_150 : memref<1x128xi32, #tpu.memory_space<vmem>> -> memref<128xi32, #tpu.memory_space<vmem>>
      %dma_start3A_152 = arith.constant 0 : i32
      %dma_start3A_153 = tpu.memref_slice %arg7[%dma_start3A_152] : memref<10240xf32, #tpu.memory_space<vmem_shared>> -> memref<10240xf32, #tpu.memory_space<vmem_shared>>
      tpu.enqueue_indirect_dma source(%dma_start3A_148 : memref<128xf32, #tpu.memory_space<vmem>>) target(%dma_start3A_153 : memref<10240xf32, #tpu.memory_space<vmem_shared>>) offsets(%dma_start3A_151 : memref<128xi32, #tpu.memory_space<vmem>>) semaphore(%arg17 : memref<!tpu.dma_semaphore, #tpu.memory_space<semaphore_mem>>) {add = true}
      %mul3A_154 = arith.constant 16 : i32
      %mul3A_155 = arith.muli %scan3A_82, %mul3A_154 : i32
      %add3A_156 = arith.constant 6 : i32
      %add3A_157 = arith.addi %mul3A_155, %add3A_156 : i32
      %mul3A_158 = arith.constant 128 : i32
      %mul3A_159 = arith.muli %add3A_157, %mul3A_158 : i32
      %dma_start3A_160 = tpu.memref_slice %arg12[%mul3A_159] : memref<20480xf32, #tpu.memory_space<vmem>> -> memref<128xf32, #tpu.memory_space<vmem>>
      %dma_start3A_161 = arith.constant 0 : i32
      %dma_start3A_162 = tpu.memref_slice %arg11[%add3A_157, %dma_start3A_161] : memref<160x128xi32, #tpu.memory_space<vmem>> -> memref<1x128xi32, #tpu.memory_space<vmem>>
      %dma_start3A_163 = tpu.memref_squeeze %dma_start3A_162 : memref<1x128xi32, #tpu.memory_space<vmem>> -> memref<128xi32, #tpu.memory_space<vmem>>
      %dma_start3A_164 = arith.constant 0 : i32
      %dma_start3A_165 = tpu.memref_slice %arg7[%dma_start3A_164] : memref<10240xf32, #tpu.memory_space<vmem_shared>> -> memref<10240xf32, #tpu.memory_space<vmem_shared>>
      tpu.enqueue_indirect_dma source(%dma_start3A_160 : memref<128xf32, #tpu.memory_space<vmem>>) target(%dma_start3A_165 : memref<10240xf32, #tpu.memory_space<vmem_shared>>) offsets(%dma_start3A_163 : memref<128xi32, #tpu.memory_space<vmem>>) semaphore(%arg17 : memref<!tpu.dma_semaphore, #tpu.memory_space<semaphore_mem>>) {add = true}
      %mul3A_166 = arith.constant 16 : i32
      %mul3A_167 = arith.muli %scan3A_82, %mul3A_166 : i32
      %add3A_168 = arith.constant 7 : i32
      %add3A_169 = arith.addi %mul3A_167, %add3A_168 : i32
      %mul3A_170 = arith.constant 128 : i32
      %mul3A_171 = arith.muli %add3A_169, %mul3A_170 : i32
      %dma_start3A_172 = tpu.memref_slice %arg12[%mul3A_171] : memref<20480xf32, #tpu.memory_space<vmem>> -> memref<128xf32, #tpu.memory_space<vmem>>
      %dma_start3A_173 = arith.constant 0 : i32
      %dma_start3A_174 = tpu.memref_slice %arg11[%add3A_169, %dma_start3A_173] : memref<160x128xi32, #tpu.memory_space<vmem>> -> memref<1x128xi32, #tpu.memory_space<vmem>>
      %dma_start3A_175 = tpu.memref_squeeze %dma_start3A_174 : memref<1x128xi32, #tpu.memory_space<vmem>> -> memref<128xi32, #tpu.memory_space<vmem>>
      %dma_start3A_176 = arith.constant 0 : i32
      %dma_start3A_177 = tpu.memref_slice %arg7[%dma_start3A_176] : memref<10240xf32, #tpu.memory_space<vmem_shared>> -> memref<10240xf32, #tpu.memory_space<vmem_shared>>
      tpu.enqueue_indirect_dma source(%dma_start3A_172 : memref<128xf32, #tpu.memory_space<vmem>>) target(%dma_start3A_177 : memref<10240xf32, #tpu.memory_space<vmem_shared>>) offsets(%dma_start3A_175 : memref<128xi32, #tpu.memory_space<vmem>>) semaphore(%arg17 : memref<!tpu.dma_semaphore, #tpu.memory_space<semaphore_mem>>) {add = true}
      %mul3A_178 = arith.constant 16 : i32
      %mul3A_179 = arith.muli %scan3A_82, %mul3A_178 : i32
      %add3A_180 = arith.constant 8 : i32
      %add3A_181 = arith.addi %mul3A_179, %add3A_180 : i32
      %mul3A_182 = arith.constant 128 : i32
      %mul3A_183 = arith.muli %add3A_181, %mul3A_182 : i32
      %dma_start3A_184 = tpu.memref_slice %arg12[%mul3A_183] : memref<20480xf32, #tpu.memory_space<vmem>> -> memref<128xf32, #tpu.memory_space<vmem>>
      %dma_start3A_185 = arith.constant 0 : i32
      %dma_start3A_186 = tpu.memref_slice %arg11[%add3A_181, %dma_start3A_185] : memref<160x128xi32, #tpu.memory_space<vmem>> -> memref<1x128xi32, #tpu.memory_space<vmem>>
      %dma_start3A_187 = tpu.memref_squeeze %dma_start3A_186 : memref<1x128xi32, #tpu.memory_space<vmem>> -> memref<128xi32, #tpu.memory_space<vmem>>
      %dma_start3A_188 = arith.constant 0 : i32
      %dma_start3A_189 = tpu.memref_slice %arg7[%dma_start3A_188] : memref<10240xf32, #tpu.memory_space<vmem_shared>> -> memref<10240xf32, #tpu.memory_space<vmem_shared>>
      tpu.enqueue_indirect_dma source(%dma_start3A_184 : memref<128xf32, #tpu.memory_space<vmem>>) target(%dma_start3A_189 : memref<10240xf32, #tpu.memory_space<vmem_shared>>) offsets(%dma_start3A_187 : memref<128xi32, #tpu.memory_space<vmem>>) semaphore(%arg17 : memref<!tpu.dma_semaphore, #tpu.memory_space<semaphore_mem>>) {add = true}
      %mul3A_190 = arith.constant 16 : i32
      %mul3A_191 = arith.muli %scan3A_82, %mul3A_190 : i32
      %add3A_192 = arith.constant 9 : i32
      %add3A_193 = arith.addi %mul3A_191, %add3A_192 : i32
      %mul3A_194 = arith.constant 128 : i32
      %mul3A_195 = arith.muli %add3A_193, %mul3A_194 : i32
      %dma_start3A_196 = tpu.memref_slice %arg12[%mul3A_195] : memref<20480xf32, #tpu.memory_space<vmem>> -> memref<128xf32, #tpu.memory_space<vmem>>
      %dma_start3A_197 = arith.constant 0 : i32
      %dma_start3A_198 = tpu.memref_slice %arg11[%add3A_193, %dma_start3A_197] : memref<160x128xi32, #tpu.memory_space<vmem>> -> memref<1x128xi32, #tpu.memory_space<vmem>>
      %dma_start3A_199 = tpu.memref_squeeze %dma_start3A_198 : memref<1x128xi32, #tpu.memory_space<vmem>> -> memref<128xi32, #tpu.memory_space<vmem>>
      %dma_start3A_200 = arith.constant 0 : i32
      %dma_start3A_201 = tpu.memref_slice %arg7[%dma_start3A_200] : memref<10240xf32, #tpu.memory_space<vmem_shared>> -> memref<10240xf32, #tpu.memory_space<vmem_shared>>
      tpu.enqueue_indirect_dma source(%dma_start3A_196 : memref<128xf32, #tpu.memory_space<vmem>>) target(%dma_start3A_201 : memref<10240xf32, #tpu.memory_space<vmem_shared>>) offsets(%dma_start3A_199 : memref<128xi32, #tpu.memory_space<vmem>>) semaphore(%arg17 : memref<!tpu.dma_semaphore, #tpu.memory_space<semaphore_mem>>) {add = true}
      %mul3A_202 = arith.constant 16 : i32
      %mul3A_203 = arith.muli %scan3A_82, %mul3A_202 : i32
      %add3A_204 = arith.constant 10 : i32
      %add3A_205 = arith.addi %mul3A_203, %add3A_204 : i32
      %mul3A_206 = arith.constant 128 : i32
      %mul3A_207 = arith.muli %add3A_205, %mul3A_206 : i32
      %dma_start3A_208 = tpu.memref_slice %arg12[%mul3A_207] : memref<20480xf32, #tpu.memory_space<vmem>> -> memref<128xf32, #tpu.memory_space<vmem>>
      %dma_start3A_209 = arith.constant 0 : i32
      %dma_start3A_210 = tpu.memref_slice %arg11[%add3A_205, %dma_start3A_209] : memref<160x128xi32, #tpu.memory_space<vmem>> -> memref<1x128xi32, #tpu.memory_space<vmem>>
      %dma_start3A_211 = tpu.memref_squeeze %dma_start3A_210 : memref<1x128xi32, #tpu.memory_space<vmem>> -> memref<128xi32, #tpu.memory_space<vmem>>
      %dma_start3A_212 = arith.constant 0 : i32
      %dma_start3A_213 = tpu.memref_slice %arg7[%dma_start3A_212] : memref<10240xf32, #tpu.memory_space<vmem_shared>> -> memref<10240xf32, #tpu.memory_space<vmem_shared>>
      tpu.enqueue_indirect_dma source(%dma_start3A_208 : memref<128xf32, #tpu.memory_space<vmem>>) target(%dma_start3A_213 : memref<10240xf32, #tpu.memory_space<vmem_shared>>) offsets(%dma_start3A_211 : memref<128xi32, #tpu.memory_space<vmem>>) semaphore(%arg17 : memref<!tpu.dma_semaphore, #tpu.memory_space<semaphore_mem>>) {add = true}
      %mul3A_214 = arith.constant 16 : i32
      %mul3A_215 = arith.muli %scan3A_82, %mul3A_214 : i32
      %add3A_216 = arith.constant 11 : i32
      %add3A_217 = arith.addi %mul3A_215, %add3A_216 : i32
      %mul3A_218 = arith.constant 128 : i32
      %mul3A_219 = arith.muli %add3A_217, %mul3A_218 : i32
      %dma_start3A_220 = tpu.memref_slice %arg12[%mul3A_219] : memref<20480xf32, #tpu.memory_space<vmem>> -> memref<128xf32, #tpu.memory_space<vmem>>
      %dma_start3A_221 = arith.constant 0 : i32
      %dma_start3A_222 = tpu.memref_slice %arg11[%add3A_217, %dma_start3A_221] : memref<160x128xi32, #tpu.memory_space<vmem>> -> memref<1x128xi32, #tpu.memory_space<vmem>>
      %dma_start3A_223 = tpu.memref_squeeze %dma_start3A_222 : memref<1x128xi32, #tpu.memory_space<vmem>> -> memref<128xi32, #tpu.memory_space<vmem>>
      %dma_start3A_224 = arith.constant 0 : i32
      %dma_start3A_225 = tpu.memref_slice %arg7[%dma_start3A_224] : memref<10240xf32, #tpu.memory_space<vmem_shared>> -> memref<10240xf32, #tpu.memory_space<vmem_shared>>
      tpu.enqueue_indirect_dma source(%dma_start3A_220 : memref<128xf32, #tpu.memory_space<vmem>>) target(%dma_start3A_225 : memref<10240xf32, #tpu.memory_space<vmem_shared>>) offsets(%dma_start3A_223 : memref<128xi32, #tpu.memory_space<vmem>>) semaphore(%arg17 : memref<!tpu.dma_semaphore, #tpu.memory_space<semaphore_mem>>) {add = true}
      %mul3A_226 = arith.constant 16 : i32
      %mul3A_227 = arith.muli %scan3A_82, %mul3A_226 : i32
      %add3A_228 = arith.constant 12 : i32
      %add3A_229 = arith.addi %mul3A_227, %add3A_228 : i32
      %mul3A_230 = arith.constant 128 : i32
      %mul3A_231 = arith.muli %add3A_229, %mul3A_230 : i32
      %dma_start3A_232 = tpu.memref_slice %arg12[%mul3A_231] : memref<20480xf32, #tpu.memory_space<vmem>> -> memref<128xf32, #tpu.memory_space<vmem>>
      %dma_start3A_233 = arith.constant 0 : i32
      %dma_start3A_234 = tpu.memref_slice %arg11[%add3A_229, %dma_start3A_233] : memref<160x128xi32, #tpu.memory_space<vmem>> -> memref<1x128xi32, #tpu.memory_space<vmem>>
      %dma_start3A_235 = tpu.memref_squeeze %dma_start3A_234 : memref<1x128xi32, #tpu.memory_space<vmem>> -> memref<128xi32, #tpu.memory_space<vmem>>
      %dma_start3A_236 = arith.constant 0 : i32
      %dma_start3A_237 = tpu.memref_slice %arg7[%dma_start3A_236] : memref<10240xf32, #tpu.memory_space<vmem_shared>> -> memref<10240xf32, #tpu.memory_space<vmem_shared>>
      tpu.enqueue_indirect_dma source(%dma_start3A_232 : memref<128xf32, #tpu.memory_space<vmem>>) target(%dma_start3A_237 : memref<10240xf32, #tpu.memory_space<vmem_shared>>) offsets(%dma_start3A_235 : memref<128xi32, #tpu.memory_space<vmem>>) semaphore(%arg17 : memref<!tpu.dma_semaphore, #tpu.memory_space<semaphore_mem>>) {add = true}
      %mul3A_238 = arith.constant 16 : i32
      %mul3A_239 = arith.muli %scan3A_82, %mul3A_238 : i32
      %add3A_240 = arith.constant 13 : i32
      %add3A_241 = arith.addi %mul3A_239, %add3A_240 : i32
      %mul3A_242 = arith.constant 128 : i32
      %mul3A_243 = arith.muli %add3A_241, %mul3A_242 : i32
      %dma_start3A_244 = tpu.memref_slice %arg12[%mul3A_243] : memref<20480xf32, #tpu.memory_space<vmem>> -> memref<128xf32, #tpu.memory_space<vmem>>
      %dma_start3A_245 = arith.constant 0 : i32
      %dma_start3A_246 = tpu.memref_slice %arg11[%add3A_241, %dma_start3A_245] : memref<160x128xi32, #tpu.memory_space<vmem>> -> memref<1x128xi32, #tpu.memory_space<vmem>>
      %dma_start3A_247 = tpu.memref_squeeze %dma_start3A_246 : memref<1x128xi32, #tpu.memory_space<vmem>> -> memref<128xi32, #tpu.memory_space<vmem>>
      %dma_start3A_248 = arith.constant 0 : i32
      %dma_start3A_249 = tpu.memref_slice %arg7[%dma_start3A_248] : memref<10240xf32, #tpu.memory_space<vmem_shared>> -> memref<10240xf32, #tpu.memory_space<vmem_shared>>
      tpu.enqueue_indirect_dma source(%dma_start3A_244 : memref<128xf32, #tpu.memory_space<vmem>>) target(%dma_start3A_249 : memref<10240xf32, #tpu.memory_space<vmem_shared>>) offsets(%dma_start3A_247 : memref<128xi32, #tpu.memory_space<vmem>>) semaphore(%arg17 : memref<!tpu.dma_semaphore, #tpu.memory_space<semaphore_mem>>) {add = true}
      %mul3A_250 = arith.constant 16 : i32
      %mul3A_251 = arith.muli %scan3A_82, %mul3A_250 : i32
      %add3A_252 = arith.constant 14 : i32
      %add3A_253 = arith.addi %mul3A_251, %add3A_252 : i32
      %mul3A_254 = arith.constant 128 : i32
      %mul3A_255 = arith.muli %add3A_253, %mul3A_254 : i32
      %dma_start3A_256 = tpu.memref_slice %arg12[%mul3A_255] : memref<20480xf32, #tpu.memory_space<vmem>> -> memref<128xf32, #tpu.memory_space<vmem>>
      %dma_start3A_257 = arith.constant 0 : i32
      %dma_start3A_258 = tpu.memref_slice %arg11[%add3A_253, %dma_start3A_257] : memref<160x128xi32, #tpu.memory_space<vmem>> -> memref<1x128xi32, #tpu.memory_space<vmem>>
      %dma_start3A_259 = tpu.memref_squeeze %dma_start3A_258 : memref<1x128xi32, #tpu.memory_space<vmem>> -> memref<128xi32, #tpu.memory_space<vmem>>
      %dma_start3A_260 = arith.constant 0 : i32
      %dma_start3A_261 = tpu.memref_slice %arg7[%dma_start3A_260] : memref<10240xf32, #tpu.memory_space<vmem_shared>> -> memref<10240xf32, #tpu.memory_space<vmem_shared>>
      tpu.enqueue_indirect_dma source(%dma_start3A_256 : memref<128xf32, #tpu.memory_space<vmem>>) target(%dma_start3A_261 : memref<10240xf32, #tpu.memory_space<vmem_shared>>) offsets(%dma_start3A_259 : memref<128xi32, #tpu.memory_space<vmem>>) semaphore(%arg17 : memref<!tpu.dma_semaphore, #tpu.memory_space<semaphore_mem>>) {add = true}
      %mul3A_262 = arith.constant 16 : i32
      %mul3A_263 = arith.muli %scan3A_82, %mul3A_262 : i32
      %add3A_264 = arith.constant 15 : i32
      %add3A_265 = arith.addi %mul3A_263, %add3A_264 : i32
      %mul3A_266 = arith.constant 128 : i32
      %mul3A_267 = arith.muli %add3A_265, %mul3A_266 : i32
      %dma_start3A_268 = tpu.memref_slice %arg12[%mul3A_267] : memref<20480xf32, #tpu.memory_space<vmem>> -> memref<128xf32, #tpu.memory_space<vmem>>
      %dma_start3A_269 = arith.constant 0 : i32
      %dma_start3A_270 = tpu.memref_slice %arg11[%add3A_265, %dma_start3A_269] : memref<160x128xi32, #tpu.memory_space<vmem>> -> memref<1x128xi32, #tpu.memory_space<vmem>>
      %dma_start3A_271 = tpu.memref_squeeze %dma_start3A_270 : memref<1x128xi32, #tpu.memory_space<vmem>> -> memref<128xi32, #tpu.memory_space<vmem>>
      %dma_start3A_272 = arith.constant 0 : i32
      %dma_start3A_273 = tpu.memref_slice %arg7[%dma_start3A_272] : memref<10240xf32, #tpu.memory_space<vmem_shared>> -> memref<10240xf32, #tpu.memory_space<vmem_shared>>
      tpu.enqueue_indirect_dma source(%dma_start3A_268 : memref<128xf32, #tpu.memory_space<vmem>>) target(%dma_start3A_273 : memref<10240xf32, #tpu.memory_space<vmem_shared>>) offsets(%dma_start3A_271 : memref<128xi32, #tpu.memory_space<vmem>>) semaphore(%arg17 : memref<!tpu.dma_semaphore, #tpu.memory_space<semaphore_mem>>) {add = true}
      %mul3A_274 = arith.constant 16 : i32
      %mul3A_275 = arith.muli %scan3A_82, %mul3A_274 : i32
      %add3A_276 = arith.constant 0 : i32
      %add3A_277 = arith.addi %mul3A_275, %add3A_276 : i32
      %mul3A_278 = arith.constant 128 : i32
      %mul3A_279 = arith.muli %add3A_277, %mul3A_278 : i32
      %dma_wait3A = tpu.memref_slice %arg12[%mul3A_279] : memref<20480xf32, #tpu.memory_space<vmem>> -> memref<128xf32, #tpu.memory_space<vmem>>
      %dma_wait3A_280 = arith.constant 0 : i32
      %dma_wait3A_281 = tpu.memref_slice %arg11[%add3A_277, %dma_wait3A_280] : memref<160x128xi32, #tpu.memory_space<vmem>> -> memref<1x128xi32, #tpu.memory_space<vmem>>
      %dma_wait3A_282 = tpu.memref_squeeze %dma_wait3A_281 : memref<1x128xi32, #tpu.memory_space<vmem>> -> memref<128xi32, #tpu.memory_space<vmem>>
      %dma_wait3A_283 = arith.constant 0 : i32
      %dma_wait3A_284 = tpu.memref_slice %arg7[%dma_wait3A_283] : memref<10240xf32, #tpu.memory_space<vmem_shared>> -> memref<10240xf32, #tpu.memory_space<vmem_shared>>
      tpu.wait_indirect_dma semaphore(%arg17 : memref<!tpu.dma_semaphore, #tpu.memory_space<semaphore_mem>>) src(%dma_wait3A : memref<128xf32, #tpu.memory_space<vmem>>) dst(%dma_wait3A_284 : memref<10240xf32, #tpu.memory_space<vmem_shared>>)
      %mul3A_285 = arith.constant 16 : i32
      %mul3A_286 = arith.muli %scan3A_82, %mul3A_285 : i32
      %add3A_287 = arith.constant 1 : i32
      %add3A_288 = arith.addi %mul3A_286, %add3A_287 : i32
      %mul3A_289 = arith.constant 128 : i32
      %mul3A_290 = arith.muli %add3A_288, %mul3A_289 : i32
      %dma_wait3A_291 = tpu.memref_slice %arg12[%mul3A_290] : memref<20480xf32, #tpu.memory_space<vmem>> -> memref<128xf32, #tpu.memory_space<vmem>>
      %dma_wait3A_292 = arith.constant 0 : i32
      %dma_wait3A_293 = tpu.memref_slice %arg11[%add3A_288, %dma_wait3A_292] : memref<160x128xi32, #tpu.memory_space<vmem>> -> memref<1x128xi32, #tpu.memory_space<vmem>>
      %dma_wait3A_294 = tpu.memref_squeeze %dma_wait3A_293 : memref<1x128xi32, #tpu.memory_space<vmem>> -> memref<128xi32, #tpu.memory_space<vmem>>
      %dma_wait3A_295 = arith.constant 0 : i32
      %dma_wait3A_296 = tpu.memref_slice %arg7[%dma_wait3A_295] : memref<10240xf32, #tpu.memory_space<vmem_shared>> -> memref<10240xf32, #tpu.memory_space<vmem_shared>>
      tpu.wait_indirect_dma semaphore(%arg17 : memref<!tpu.dma_semaphore, #tpu.memory_space<semaphore_mem>>) src(%dma_wait3A_291 : memref<128xf32, #tpu.memory_space<vmem>>) dst(%dma_wait3A_296 : memref<10240xf32, #tpu.memory_space<vmem_shared>>)
      %mul3A_297 = arith.constant 16 : i32
      %mul3A_298 = arith.muli %scan3A_82, %mul3A_297 : i32
      %add3A_299 = arith.constant 2 : i32
      %add3A_300 = arith.addi %mul3A_298, %add3A_299 : i32
      %mul3A_301 = arith.constant 128 : i32
      %mul3A_302 = arith.muli %add3A_300, %mul3A_301 : i32
      %dma_wait3A_303 = tpu.memref_slice %arg12[%mul3A_302] : memref<20480xf32, #tpu.memory_space<vmem>> -> memref<128xf32, #tpu.memory_space<vmem>>
      %dma_wait3A_304 = arith.constant 0 : i32
      %dma_wait3A_305 = tpu.memref_slice %arg11[%add3A_300, %dma_wait3A_304] : memref<160x128xi32, #tpu.memory_space<vmem>> -> memref<1x128xi32, #tpu.memory_space<vmem>>
      %dma_wait3A_306 = tpu.memref_squeeze %dma_wait3A_305 : memref<1x128xi32, #tpu.memory_space<vmem>> -> memref<128xi32, #tpu.memory_space<vmem>>
      %dma_wait3A_307 = arith.constant 0 : i32
      %dma_wait3A_308 = tpu.memref_slice %arg7[%dma_wait3A_307] : memref<10240xf32, #tpu.memory_space<vmem_shared>> -> memref<10240xf32, #tpu.memory_space<vmem_shared>>
      tpu.wait_indirect_dma semaphore(%arg17 : memref<!tpu.dma_semaphore, #tpu.memory_space<semaphore_mem>>) src(%dma_wait3A_303 : memref<128xf32, #tpu.memory_space<vmem>>) dst(%dma_wait3A_308 : memref<10240xf32, #tpu.memory_space<vmem_shared>>)
      %mul3A_309 = arith.constant 16 : i32
      %mul3A_310 = arith.muli %scan3A_82, %mul3A_309 : i32
      %add3A_311 = arith.constant 3 : i32
      %add3A_312 = arith.addi %mul3A_310, %add3A_311 : i32
      %mul3A_313 = arith.constant 128 : i32
      %mul3A_314 = arith.muli %add3A_312, %mul3A_313 : i32
      %dma_wait3A_315 = tpu.memref_slice %arg12[%mul3A_314] : memref<20480xf32, #tpu.memory_space<vmem>> -> memref<128xf32, #tpu.memory_space<vmem>>
      %dma_wait3A_316 = arith.constant 0 : i32
      %dma_wait3A_317 = tpu.memref_slice %arg11[%add3A_312, %dma_wait3A_316] : memref<160x128xi32, #tpu.memory_space<vmem>> -> memref<1x128xi32, #tpu.memory_space<vmem>>
      %dma_wait3A_318 = tpu.memref_squeeze %dma_wait3A_317 : memref<1x128xi32, #tpu.memory_space<vmem>> -> memref<128xi32, #tpu.memory_space<vmem>>
      %dma_wait3A_319 = arith.constant 0 : i32
      %dma_wait3A_320 = tpu.memref_slice %arg7[%dma_wait3A_319] : memref<10240xf32, #tpu.memory_space<vmem_shared>> -> memref<10240xf32, #tpu.memory_space<vmem_shared>>
      tpu.wait_indirect_dma semaphore(%arg17 : memref<!tpu.dma_semaphore, #tpu.memory_space<semaphore_mem>>) src(%dma_wait3A_315 : memref<128xf32, #tpu.memory_space<vmem>>) dst(%dma_wait3A_320 : memref<10240xf32, #tpu.memory_space<vmem_shared>>)
      %mul3A_321 = arith.constant 16 : i32
      %mul3A_322 = arith.muli %scan3A_82, %mul3A_321 : i32
      %add3A_323 = arith.constant 4 : i32
      %add3A_324 = arith.addi %mul3A_322, %add3A_323 : i32
      %mul3A_325 = arith.constant 128 : i32
      %mul3A_326 = arith.muli %add3A_324, %mul3A_325 : i32
      %dma_wait3A_327 = tpu.memref_slice %arg12[%mul3A_326] : memref<20480xf32, #tpu.memory_space<vmem>> -> memref<128xf32, #tpu.memory_space<vmem>>
      %dma_wait3A_328 = arith.constant 0 : i32
      %dma_wait3A_329 = tpu.memref_slice %arg11[%add3A_324, %dma_wait3A_328] : memref<160x128xi32, #tpu.memory_space<vmem>> -> memref<1x128xi32, #tpu.memory_space<vmem>>
      %dma_wait3A_330 = tpu.memref_squeeze %dma_wait3A_329 : memref<1x128xi32, #tpu.memory_space<vmem>> -> memref<128xi32, #tpu.memory_space<vmem>>
      %dma_wait3A_331 = arith.constant 0 : i32
      %dma_wait3A_332 = tpu.memref_slice %arg7[%dma_wait3A_331] : memref<10240xf32, #tpu.memory_space<vmem_shared>> -> memref<10240xf32, #tpu.memory_space<vmem_shared>>
      tpu.wait_indirect_dma semaphore(%arg17 : memref<!tpu.dma_semaphore, #tpu.memory_space<semaphore_mem>>) src(%dma_wait3A_327 : memref<128xf32, #tpu.memory_space<vmem>>) dst(%dma_wait3A_332 : memref<10240xf32, #tpu.memory_space<vmem_shared>>)
      %mul3A_333 = arith.constant 16 : i32
      %mul3A_334 = arith.muli %scan3A_82, %mul3A_333 : i32
      %add3A_335 = arith.constant 5 : i32
      %add3A_336 = arith.addi %mul3A_334, %add3A_335 : i32
      %mul3A_337 = arith.constant 128 : i32
      %mul3A_338 = arith.muli %add3A_336, %mul3A_337 : i32
      %dma_wait3A_339 = tpu.memref_slice %arg12[%mul3A_338] : memref<20480xf32, #tpu.memory_space<vmem>> -> memref<128xf32, #tpu.memory_space<vmem>>
      %dma_wait3A_340 = arith.constant 0 : i32
      %dma_wait3A_341 = tpu.memref_slice %arg11[%add3A_336, %dma_wait3A_340] : memref<160x128xi32, #tpu.memory_space<vmem>> -> memref<1x128xi32, #tpu.memory_space<vmem>>
      %dma_wait3A_342 = tpu.memref_squeeze %dma_wait3A_341 : memref<1x128xi32, #tpu.memory_space<vmem>> -> memref<128xi32, #tpu.memory_space<vmem>>
      %dma_wait3A_343 = arith.constant 0 : i32
      %dma_wait3A_344 = tpu.memref_slice %arg7[%dma_wait3A_343] : memref<10240xf32, #tpu.memory_space<vmem_shared>> -> memref<10240xf32, #tpu.memory_space<vmem_shared>>
      tpu.wait_indirect_dma semaphore(%arg17 : memref<!tpu.dma_semaphore, #tpu.memory_space<semaphore_mem>>) src(%dma_wait3A_339 : memref<128xf32, #tpu.memory_space<vmem>>) dst(%dma_wait3A_344 : memref<10240xf32, #tpu.memory_space<vmem_shared>>)
      %mul3A_345 = arith.constant 16 : i32
      %mul3A_346 = arith.muli %scan3A_82, %mul3A_345 : i32
      %add3A_347 = arith.constant 6 : i32
      %add3A_348 = arith.addi %mul3A_346, %add3A_347 : i32
      %mul3A_349 = arith.constant 128 : i32
      %mul3A_350 = arith.muli %add3A_348, %mul3A_349 : i32
      %dma_wait3A_351 = tpu.memref_slice %arg12[%mul3A_350] : memref<20480xf32, #tpu.memory_space<vmem>> -> memref<128xf32, #tpu.memory_space<vmem>>
      %dma_wait3A_352 = arith.constant 0 : i32
      %dma_wait3A_353 = tpu.memref_slice %arg11[%add3A_348, %dma_wait3A_352] : memref<160x128xi32, #tpu.memory_space<vmem>> -> memref<1x128xi32, #tpu.memory_space<vmem>>
      %dma_wait3A_354 = tpu.memref_squeeze %dma_wait3A_353 : memref<1x128xi32, #tpu.memory_space<vmem>> -> memref<128xi32, #tpu.memory_space<vmem>>
      %dma_wait3A_355 = arith.constant 0 : i32
      %dma_wait3A_356 = tpu.memref_slice %arg7[%dma_wait3A_355] : memref<10240xf32, #tpu.memory_space<vmem_shared>> -> memref<10240xf32, #tpu.memory_space<vmem_shared>>
      tpu.wait_indirect_dma semaphore(%arg17 : memref<!tpu.dma_semaphore, #tpu.memory_space<semaphore_mem>>) src(%dma_wait3A_351 : memref<128xf32, #tpu.memory_space<vmem>>) dst(%dma_wait3A_356 : memref<10240xf32, #tpu.memory_space<vmem_shared>>)
      %mul3A_357 = arith.constant 16 : i32
      %mul3A_358 = arith.muli %scan3A_82, %mul3A_357 : i32
      %add3A_359 = arith.constant 7 : i32
      %add3A_360 = arith.addi %mul3A_358, %add3A_359 : i32
      %mul3A_361 = arith.constant 128 : i32
      %mul3A_362 = arith.muli %add3A_360, %mul3A_361 : i32
      %dma_wait3A_363 = tpu.memref_slice %arg12[%mul3A_362] : memref<20480xf32, #tpu.memory_space<vmem>> -> memref<128xf32, #tpu.memory_space<vmem>>
      %dma_wait3A_364 = arith.constant 0 : i32
      %dma_wait3A_365 = tpu.memref_slice %arg11[%add3A_360, %dma_wait3A_364] : memref<160x128xi32, #tpu.memory_space<vmem>> -> memref<1x128xi32, #tpu.memory_space<vmem>>
      %dma_wait3A_366 = tpu.memref_squeeze %dma_wait3A_365 : memref<1x128xi32, #tpu.memory_space<vmem>> -> memref<128xi32, #tpu.memory_space<vmem>>
      %dma_wait3A_367 = arith.constant 0 : i32
      %dma_wait3A_368 = tpu.memref_slice %arg7[%dma_wait3A_367] : memref<10240xf32, #tpu.memory_space<vmem_shared>> -> memref<10240xf32, #tpu.memory_space<vmem_shared>>
      tpu.wait_indirect_dma semaphore(%arg17 : memref<!tpu.dma_semaphore, #tpu.memory_space<semaphore_mem>>) src(%dma_wait3A_363 : memref<128xf32, #tpu.memory_space<vmem>>) dst(%dma_wait3A_368 : memref<10240xf32, #tpu.memory_space<vmem_shared>>)
      %mul3A_369 = arith.constant 16 : i32
      %mul3A_370 = arith.muli %scan3A_82, %mul3A_369 : i32
      %add3A_371 = arith.constant 8 : i32
      %add3A_372 = arith.addi %mul3A_370, %add3A_371 : i32
      %mul3A_373 = arith.constant 128 : i32
      %mul3A_374 = arith.muli %add3A_372, %mul3A_373 : i32
      %dma_wait3A_375 = tpu.memref_slice %arg12[%mul3A_374] : memref<20480xf32, #tpu.memory_space<vmem>> -> memref<128xf32, #tpu.memory_space<vmem>>
      %dma_wait3A_376 = arith.constant 0 : i32
      %dma_wait3A_377 = tpu.memref_slice %arg11[%add3A_372, %dma_wait3A_376] : memref<160x128xi32, #tpu.memory_space<vmem>> -> memref<1x128xi32, #tpu.memory_space<vmem>>
      %dma_wait3A_378 = tpu.memref_squeeze %dma_wait3A_377 : memref<1x128xi32, #tpu.memory_space<vmem>> -> memref<128xi32, #tpu.memory_space<vmem>>
      %dma_wait3A_379 = arith.constant 0 : i32
      %dma_wait3A_380 = tpu.memref_slice %arg7[%dma_wait3A_379] : memref<10240xf32, #tpu.memory_space<vmem_shared>> -> memref<10240xf32, #tpu.memory_space<vmem_shared>>
      tpu.wait_indirect_dma semaphore(%arg17 : memref<!tpu.dma_semaphore, #tpu.memory_space<semaphore_mem>>) src(%dma_wait3A_375 : memref<128xf32, #tpu.memory_space<vmem>>) dst(%dma_wait3A_380 : memref<10240xf32, #tpu.memory_space<vmem_shared>>)
      %mul3A_381 = arith.constant 16 : i32
      %mul3A_382 = arith.muli %scan3A_82, %mul3A_381 : i32
      %add3A_383 = arith.constant 9 : i32
      %add3A_384 = arith.addi %mul3A_382, %add3A_383 : i32
      %mul3A_385 = arith.constant 128 : i32
      %mul3A_386 = arith.muli %add3A_384, %mul3A_385 : i32
      %dma_wait3A_387 = tpu.memref_slice %arg12[%mul3A_386] : memref<20480xf32, #tpu.memory_space<vmem>> -> memref<128xf32, #tpu.memory_space<vmem>>
      %dma_wait3A_388 = arith.constant 0 : i32
      %dma_wait3A_389 = tpu.memref_slice %arg11[%add3A_384, %dma_wait3A_388] : memref<160x128xi32, #tpu.memory_space<vmem>> -> memref<1x128xi32, #tpu.memory_space<vmem>>
      %dma_wait3A_390 = tpu.memref_squeeze %dma_wait3A_389 : memref<1x128xi32, #tpu.memory_space<vmem>> -> memref<128xi32, #tpu.memory_space<vmem>>
      %dma_wait3A_391 = arith.constant 0 : i32
      %dma_wait3A_392 = tpu.memref_slice %arg7[%dma_wait3A_391] : memref<10240xf32, #tpu.memory_space<vmem_shared>> -> memref<10240xf32, #tpu.memory_space<vmem_shared>>
      tpu.wait_indirect_dma semaphore(%arg17 : memref<!tpu.dma_semaphore, #tpu.memory_space<semaphore_mem>>) src(%dma_wait3A_387 : memref<128xf32, #tpu.memory_space<vmem>>) dst(%dma_wait3A_392 : memref<10240xf32, #tpu.memory_space<vmem_shared>>)
      %mul3A_393 = arith.constant 16 : i32
      %mul3A_394 = arith.muli %scan3A_82, %mul3A_393 : i32
      %add3A_395 = arith.constant 10 : i32
      %add3A_396 = arith.addi %mul3A_394, %add3A_395 : i32
      %mul3A_397 = arith.constant 128 : i32
      %mul3A_398 = arith.muli %add3A_396, %mul3A_397 : i32
      %dma_wait3A_399 = tpu.memref_slice %arg12[%mul3A_398] : memref<20480xf32, #tpu.memory_space<vmem>> -> memref<128xf32, #tpu.memory_space<vmem>>
      %dma_wait3A_400 = arith.constant 0 : i32
      %dma_wait3A_401 = tpu.memref_slice %arg11[%add3A_396, %dma_wait3A_400] : memref<160x128xi32, #tpu.memory_space<vmem>> -> memref<1x128xi32, #tpu.memory_space<vmem>>
      %dma_wait3A_402 = tpu.memref_squeeze %dma_wait3A_401 : memref<1x128xi32, #tpu.memory_space<vmem>> -> memref<128xi32, #tpu.memory_space<vmem>>
      %dma_wait3A_403 = arith.constant 0 : i32
      %dma_wait3A_404 = tpu.memref_slice %arg7[%dma_wait3A_403] : memref<10240xf32, #tpu.memory_space<vmem_shared>> -> memref<10240xf32, #tpu.memory_space<vmem_shared>>
      tpu.wait_indirect_dma semaphore(%arg17 : memref<!tpu.dma_semaphore, #tpu.memory_space<semaphore_mem>>) src(%dma_wait3A_399 : memref<128xf32, #tpu.memory_space<vmem>>) dst(%dma_wait3A_404 : memref<10240xf32, #tpu.memory_space<vmem_shared>>)
      %mul3A_405 = arith.constant 16 : i32
      %mul3A_406 = arith.muli %scan3A_82, %mul3A_405 : i32
      %add3A_407 = arith.constant 11 : i32
      %add3A_408 = arith.addi %mul3A_406, %add3A_407 : i32
      %mul3A_409 = arith.constant 128 : i32
      %mul3A_410 = arith.muli %add3A_408, %mul3A_409 : i32
      %dma_wait3A_411 = tpu.memref_slice %arg12[%mul3A_410] : memref<20480xf32, #tpu.memory_space<vmem>> -> memref<128xf32, #tpu.memory_space<vmem>>
      %dma_wait3A_412 = arith.constant 0 : i32
      %dma_wait3A_413 = tpu.memref_slice %arg11[%add3A_408, %dma_wait3A_412] : memref<160x128xi32, #tpu.memory_space<vmem>> -> memref<1x128xi32, #tpu.memory_space<vmem>>
      %dma_wait3A_414 = tpu.memref_squeeze %dma_wait3A_413 : memref<1x128xi32, #tpu.memory_space<vmem>> -> memref<128xi32, #tpu.memory_space<vmem>>
      %dma_wait3A_415 = arith.constant 0 : i32
      %dma_wait3A_416 = tpu.memref_slice %arg7[%dma_wait3A_415] : memref<10240xf32, #tpu.memory_space<vmem_shared>> -> memref<10240xf32, #tpu.memory_space<vmem_shared>>
      tpu.wait_indirect_dma semaphore(%arg17 : memref<!tpu.dma_semaphore, #tpu.memory_space<semaphore_mem>>) src(%dma_wait3A_411 : memref<128xf32, #tpu.memory_space<vmem>>) dst(%dma_wait3A_416 : memref<10240xf32, #tpu.memory_space<vmem_shared>>)
      %mul3A_417 = arith.constant 16 : i32
      %mul3A_418 = arith.muli %scan3A_82, %mul3A_417 : i32
      %add3A_419 = arith.constant 12 : i32
      %add3A_420 = arith.addi %mul3A_418, %add3A_419 : i32
      %mul3A_421 = arith.constant 128 : i32
      %mul3A_422 = arith.muli %add3A_420, %mul3A_421 : i32
      %dma_wait3A_423 = tpu.memref_slice %arg12[%mul3A_422] : memref<20480xf32, #tpu.memory_space<vmem>> -> memref<128xf32, #tpu.memory_space<vmem>>
      %dma_wait3A_424 = arith.constant 0 : i32
      %dma_wait3A_425 = tpu.memref_slice %arg11[%add3A_420, %dma_wait3A_424] : memref<160x128xi32, #tpu.memory_space<vmem>> -> memref<1x128xi32, #tpu.memory_space<vmem>>
      %dma_wait3A_426 = tpu.memref_squeeze %dma_wait3A_425 : memref<1x128xi32, #tpu.memory_space<vmem>> -> memref<128xi32, #tpu.memory_space<vmem>>
      %dma_wait3A_427 = arith.constant 0 : i32
      %dma_wait3A_428 = tpu.memref_slice %arg7[%dma_wait3A_427] : memref<10240xf32, #tpu.memory_space<vmem_shared>> -> memref<10240xf32, #tpu.memory_space<vmem_shared>>
      tpu.wait_indirect_dma semaphore(%arg17 : memref<!tpu.dma_semaphore, #tpu.memory_space<semaphore_mem>>) src(%dma_wait3A_423 : memref<128xf32, #tpu.memory_space<vmem>>) dst(%dma_wait3A_428 : memref<10240xf32, #tpu.memory_space<vmem_shared>>)
      %mul3A_429 = arith.constant 16 : i32
      %mul3A_430 = arith.muli %scan3A_82, %mul3A_429 : i32
      %add3A_431 = arith.constant 13 : i32
      %add3A_432 = arith.addi %mul3A_430, %add3A_431 : i32
      %mul3A_433 = arith.constant 128 : i32
      %mul3A_434 = arith.muli %add3A_432, %mul3A_433 : i32
      %dma_wait3A_435 = tpu.memref_slice %arg12[%mul3A_434] : memref<20480xf32, #tpu.memory_space<vmem>> -> memref<128xf32, #tpu.memory_space<vmem>>
      %dma_wait3A_436 = arith.constant 0 : i32
      %dma_wait3A_437 = tpu.memref_slice %arg11[%add3A_432, %dma_wait3A_436] : memref<160x128xi32, #tpu.memory_space<vmem>> -> memref<1x128xi32, #tpu.memory_space<vmem>>
      %dma_wait3A_438 = tpu.memref_squeeze %dma_wait3A_437 : memref<1x128xi32, #tpu.memory_space<vmem>> -> memref<128xi32, #tpu.memory_space<vmem>>
      %dma_wait3A_439 = arith.constant 0 : i32
      %dma_wait3A_440 = tpu.memref_slice %arg7[%dma_wait3A_439] : memref<10240xf32, #tpu.memory_space<vmem_shared>> -> memref<10240xf32, #tpu.memory_space<vmem_shared>>
      tpu.wait_indirect_dma semaphore(%arg17 : memref<!tpu.dma_semaphore, #tpu.memory_space<semaphore_mem>>) src(%dma_wait3A_435 : memref<128xf32, #tpu.memory_space<vmem>>) dst(%dma_wait3A_440 : memref<10240xf32, #tpu.memory_space<vmem_shared>>)
      %mul3A_441 = arith.constant 16 : i32
      %mul3A_442 = arith.muli %scan3A_82, %mul3A_441 : i32
      %add3A_443 = arith.constant 14 : i32
      %add3A_444 = arith.addi %mul3A_442, %add3A_443 : i32
      %mul3A_445 = arith.constant 128 : i32
      %mul3A_446 = arith.muli %add3A_444, %mul3A_445 : i32
      %dma_wait3A_447 = tpu.memref_slice %arg12[%mul3A_446] : memref<20480xf32, #tpu.memory_space<vmem>> -> memref<128xf32, #tpu.memory_space<vmem>>
      %dma_wait3A_448 = arith.constant 0 : i32
      %dma_wait3A_449 = tpu.memref_slice %arg11[%add3A_444, %dma_wait3A_448] : memref<160x128xi32, #tpu.memory_space<vmem>> -> memref<1x128xi32, #tpu.memory_space<vmem>>
      %dma_wait3A_450 = tpu.memref_squeeze %dma_wait3A_449 : memref<1x128xi32, #tpu.memory_space<vmem>> -> memref<128xi32, #tpu.memory_space<vmem>>
      %dma_wait3A_451 = arith.constant 0 : i32
      %dma_wait3A_452 = tpu.memref_slice %arg7[%dma_wait3A_451] : memref<10240xf32, #tpu.memory_space<vmem_shared>> -> memref<10240xf32, #tpu.memory_space<vmem_shared>>
      tpu.wait_indirect_dma semaphore(%arg17 : memref<!tpu.dma_semaphore, #tpu.memory_space<semaphore_mem>>) src(%dma_wait3A_447 : memref<128xf32, #tpu.memory_space<vmem>>) dst(%dma_wait3A_452 : memref<10240xf32, #tpu.memory_space<vmem_shared>>)
      %mul3A_453 = arith.constant 16 : i32
      %mul3A_454 = arith.muli %scan3A_82, %mul3A_453 : i32
      %add3A_455 = arith.constant 15 : i32
      %add3A_456 = arith.addi %mul3A_454, %add3A_455 : i32
      %mul3A_457 = arith.constant 128 : i32
      %mul3A_458 = arith.muli %add3A_456, %mul3A_457 : i32
      %dma_wait3A_459 = tpu.memref_slice %arg12[%mul3A_458] : memref<20480xf32, #tpu.memory_space<vmem>> -> memref<128xf32, #tpu.memory_space<vmem>>
      %dma_wait3A_460 = arith.constant 0 : i32
      %dma_wait3A_461 = tpu.memref_slice %arg11[%add3A_456, %dma_wait3A_460] : memref<160x128xi32, #tpu.memory_space<vmem>> -> memref<1x128xi32, #tpu.memory_space<vmem>>
      %dma_wait3A_462 = tpu.memref_squeeze %dma_wait3A_461 : memref<1x128xi32, #tpu.memory_space<vmem>> -> memref<128xi32, #tpu.memory_space<vmem>>
      %dma_wait3A_463 = arith.constant 0 : i32
      %dma_wait3A_464 = tpu.memref_slice %arg7[%dma_wait3A_463] : memref<10240xf32, #tpu.memory_space<vmem_shared>> -> memref<10240xf32, #tpu.memory_space<vmem_shared>>
      tpu.wait_indirect_dma semaphore(%arg17 : memref<!tpu.dma_semaphore, #tpu.memory_space<semaphore_mem>>) src(%dma_wait3A_459 : memref<128xf32, #tpu.memory_space<vmem>>) dst(%dma_wait3A_464 : memref<10240xf32, #tpu.memory_space<vmem_shared>>)
      %scan3A_465 = arith.constant 0 : i32
      scf.yield %scan3A_465 : i32
    }
    %scan3A_68 = arith.constant 10 : i32
    %barrier3A_69 = arith.constant 0 : index
    tpu.barrier barrier_id(%barrier3A_69)
    "tpu.region"() ({
      %run_scoped3A = tpu.sem_alloc : memref<!tpu.dma_semaphore, #tpu.memory_space<semaphore_mem>>
      %dma_start3A = tpu.memref_slice %arg7[%mul3A_0] : memref<10240xf32, #tpu.memory_space<vmem_shared>> -> memref<640xf32, #tpu.memory_space<vmem_shared>>
      %dma_start3A_82 = tpu.memref_slice %arg7[%mul3A_0] : memref<10240xf32, #tpu.memory_space<vmem_shared>> -> memref<640xf32, #tpu.memory_space<vmem_shared>>
      tpu.enqueue_dma source(%dma_start3A_82 : memref<640xf32, #tpu.memory_space<vmem_shared>>) target(%arg15 : memref<640xf32, #tpu.memory_space<vmem>>) target_semaphore(%run_scoped3A : memref<!tpu.dma_semaphore, #tpu.memory_space<semaphore_mem>>)
      %dma_wait3A = tpu.memref_slice %arg7[%mul3A_0] : memref<10240xf32, #tpu.memory_space<vmem_shared>> -> memref<640xf32, #tpu.memory_space<vmem_shared>>
      %dma_wait3A_83 = tpu.memref_slice %arg7[%mul3A_0] : memref<10240xf32, #tpu.memory_space<vmem_shared>> -> memref<640xf32, #tpu.memory_space<vmem_shared>>
      tpu.wait_dma2 semaphore(%run_scoped3A : memref<!tpu.dma_semaphore, #tpu.memory_space<semaphore_mem>>) src(%dma_wait3A_83 : memref<640xf32, #tpu.memory_space<vmem_shared>>) dst(%arg15 : memref<640xf32, #tpu.memory_space<vmem>>)
      tpu.yield
    }) : () -> ()
    %scan3A_70 = arith.constant 0 : i32
    %scan3A_71 = arith.constant 0 : i32
    %scan3A_72 = arith.constant 40 : i32
    %scan3A_73 = arith.addi %scan3A_71, %scan3A_72 : i32
    %scan3A_74 = arith.constant 1 : i32
    %scan3A_75 = scf.for %scan3A_82 = %scan3A_71 to %scan3A_73 step %scan3A_74 iter_args(%scan3A_83 = %scan3A_70) -> (i32)  : i32 {
      %mul3A_84 = arith.constant 16 : i32
      %mul3A_85 = arith.muli %scan3A_82, %mul3A_84 : i32
      %get3A = arith.index_cast %mul3A_85 : i32 to index
      %get3A_86 = tpu.vector_load %arg16[%get3A] {strides = array<i32>} : memref<640xf32, #tpu.memory_space<vmem>>, vector<16xf32>,
      %mul3A_87 = arith.constant 16 : i32
      %mul3A_88 = arith.muli %scan3A_82, %mul3A_87 : i32
      %get3A_89 = arith.index_cast %mul3A_88 : i32 to index
      %get3A_90 = tpu.vector_load %arg15[%get3A_89] {strides = array<i32>} : memref<640xf32, #tpu.memory_space<vmem>>, vector<16xf32>,
      %add3A = arith.addf %get3A_90, %get3A_86 : vector<16xf32>
      %mul3A_91 = arith.mulf %get3A_86, %add3A : vector<16xf32>
      %mul3A_92 = arith.constant 16 : i32
      %mul3A_93 = arith.muli %scan3A_82, %mul3A_92 : i32
      %swap3A = arith.index_cast %mul3A_93 : i32 to index
      %swap3A_94 = tpu.vector_load %arg15[%swap3A] {strides = array<i32>} : memref<640xf32, #tpu.memory_space<vmem>>, vector<16xf32>,
      tpu.vector_store %arg15[%swap3A], %mul3A_91 {strides = array<i32>} : memref<640xf32, #tpu.memory_space<vmem>>, vector<16xf32>,
      %scan3A_95 = arith.constant 0 : i32
      scf.yield %scan3A_95 : i32
    }
    %scan3A_76 = arith.constant 40 : i32
    %eq3A_77 = arith.constant 0 : i32
    %eq3A_78 = arith.cmpi eq, %arg0, %eq3A_77 : i32
    %convert_element_type3A_79 = arith.extui %eq3A_78 : i1 to i32
    %cond3A_80 = arith.constant 0 : i32
    %cond3A_81 = arith.cmpi ne, %convert_element_type3A_79, %cond3A_80 : i32
    scf.if %cond3A_81 {
      "tpu.region"() ({
        %run_scoped3A = tpu.sem_alloc : memref<!tpu.dma_semaphore, #tpu.memory_space<semaphore_mem>>
        %dma_start3A = tpu.memref_slice %arg5[%mul3A_0] : memref<10240xf32, #tpu.memory_space<hbm>> -> memref<640xf32, #tpu.memory_space<hbm>>
        %dma_start3A_82 = tpu.memref_slice %arg5[%mul3A_0] : memref<10240xf32, #tpu.memory_space<hbm>> -> memref<640xf32, #tpu.memory_space<hbm>>
        tpu.enqueue_dma source(%arg15 : memref<640xf32, #tpu.memory_space<vmem>>) target(%dma_start3A_82 : memref<640xf32, #tpu.memory_space<hbm>>) target_semaphore(%run_scoped3A : memref<!tpu.dma_semaphore, #tpu.memory_space<semaphore_mem>>)
        %dma_wait3A = tpu.memref_slice %arg5[%mul3A_0] : memref<10240xf32, #tpu.memory_space<hbm>> -> memref<640xf32, #tpu.memory_space<hbm>>
        %dma_wait3A_83 = tpu.memref_slice %arg5[%mul3A_0] : memref<10240xf32, #tpu.memory_space<hbm>> -> memref<640xf32, #tpu.memory_space<hbm>>
        tpu.wait_dma2 semaphore(%run_scoped3A : memref<!tpu.dma_semaphore, #tpu.memory_space<semaphore_mem>>) src(%arg15 : memref<640xf32, #tpu.memory_space<vmem>>) dst(%dma_wait3A_83 : memref<640xf32, #tpu.memory_space<hbm>>)
        tpu.yield
      }) : () -> ()
    } else {
    }
    return
  }
}

#map = affine_map<(d0, d1) -> (0, 0)>
#map1 = affine_map<(d0, d1) -> (0)>
#map2 = affine_map<(d0, d1) -> (0, 0, 0)>
module attributes {stable_mosaic.version = 14 : i64} {
  func.func @_prop_stage(%arg0: i32, %arg1: i32, %arg2: memref<10000x128xf32, #tpu.memory_space<hbm>>, %arg3: memref<320000xi32, #tpu.memory_space<hbm>>, %arg4: memref<320000xi32, #tpu.memory_space<hbm>>, %arg5: memref<2x10112x128xf32, #tpu.memory_space<hbm>>, %arg6: memref<10112x128xf32, #tpu.memory_space<vmem_shared>>, %arg7: memref<64xi32, #tpu.memory_space<vmem>>, %arg8: memref<64xi32, #tpu.memory_space<vmem>>, %arg9: memref<64xi32, #tpu.memory_space<vmem>>, %arg10: memref<64xi32, #tpu.memory_space<vmem>>, %arg11: memref<64xi32, #tpu.memory_space<vmem>>, %arg12: memref<64xi32, #tpu.memory_space<vmem>>, %arg13: memref<64xi32, #tpu.memory_space<vmem>>, %arg14: memref<64xi32, #tpu.memory_space<vmem>>, %arg15: memref<64xi32, #tpu.memory_space<vmem>>, %arg16: memref<64xi32, #tpu.memory_space<vmem>>, %arg17: memref<64x128xf32, #tpu.memory_space<vmem>>, %arg18: memref<64x128xf32, #tpu.memory_space<vmem>>, %arg19: memref<64x128xf32, #tpu.memory_space<vmem>>, %arg20: memref<64x128xf32, #tpu.memory_space<vmem>>, %arg21: memref<64x128xf32, #tpu.memory_space<vmem>>, %arg22: memref<!tpu.dma_semaphore, #tpu.memory_space<semaphore_mem>>, %arg23: memref<!tpu.dma_semaphore, #tpu.memory_space<semaphore_mem>>, %arg24: memref<!tpu.dma_semaphore, #tpu.memory_space<semaphore_mem>>, %arg25: memref<!tpu.dma_semaphore, #tpu.memory_space<semaphore_mem>>, %arg26: memref<!tpu.dma_semaphore, #tpu.memory_space<semaphore_mem>>, %arg27: memref<!tpu.dma_semaphore, #tpu.memory_space<semaphore_mem>>, %arg28: memref<!tpu.dma_semaphore, #tpu.memory_space<semaphore_mem>>, %arg29: memref<!tpu.dma_semaphore, #tpu.memory_space<semaphore_mem>>, %arg30: memref<!tpu.dma_semaphore, #tpu.memory_space<semaphore_mem>>, %arg31: memref<!tpu.dma_semaphore, #tpu.memory_space<semaphore_mem>>, %arg32: memref<!tpu.dma_semaphore, #tpu.memory_space<semaphore_mem>>, %arg33: memref<!tpu.dma_semaphore, #tpu.memory_space<semaphore_mem>>, %arg34: memref<!tpu.dma_semaphore, #tpu.memory_space<semaphore_mem>>, %arg35: memref<!tpu.dma_semaphore, #tpu.memory_space<semaphore_mem>>, %arg36: memref<!tpu.dma_semaphore, #tpu.memory_space<semaphore_mem>>) attributes {dimension_semantics = [#tpu.dimension_semantics<core_parallel>, #tpu.dimension_semantics<subcore_parallel>], iteration_bounds = array<i64: 2, 16>, scalar_prefetch = 0 : i64, scratch_operands = 31 : i64, tpu.core_type = #tpu.core_type<sc_vector_subcore>, window_params = [{transform_indices = #map}, {transform_indices = #map1}, {transform_indices = #map1}, {transform_indices = #map2}]} {
    %mul3A = arith.constant 632 : i32
    %mul3A_0 = arith.muli %arg1, %mul3A : i32
    %mul3A_1 = arith.constant 16 : i32
    %mul3A_2 = arith.muli %arg0, %mul3A_1 : i32
    %add3A = arith.addi %mul3A_2, %arg1 : i32
    %mul3A_3 = arith.constant 10000 : i32
    %mul3A_4 = arith.muli %add3A, %mul3A_3 : i32
    %scan3A = arith.constant 0 : i32
    %scan3A_5 = arith.constant 0 : i32
    %scan3A_6 = arith.constant 512 : i32
    %scan3A_7 = arith.addi %scan3A_5, %scan3A_6 : i32
    %scan3A_8 = arith.constant 1 : i32
    %scan3A_9 = scf.for %scan3A_97 = %scan3A_5 to %scan3A_7 step %scan3A_8 iter_args(%scan3A_98 = %scan3A) -> (i32)  : i32 {
      %jit3A = arith.constant 8 : i32
      %div3A = arith.divsi %scan3A_97, %jit3A : i32
      %sign3A = arith.constant 0 : i32
      %sign3A_99 = arith.cmpi sgt, %scan3A_97, %sign3A : i32
      %sign3A_100 = arith.extui %sign3A_99 : i1 to i32
      %sign3A_101 = arith.constant 0 : i32
      %sign3A_102 = arith.cmpi slt, %scan3A_97, %sign3A_101 : i32
      %sign3A_103 = arith.extui %sign3A_102 : i1 to i32
      %sign3A_104 = arith.subi %sign3A_100, %sign3A_103 : i32
      %sign3A_105 = arith.constant 0 : i32
      %sign3A_106 = arith.cmpi sgt, %jit3A, %sign3A_105 : i32
      %sign3A_107 = arith.extui %sign3A_106 : i1 to i32
      %sign3A_108 = arith.constant 0 : i32
      %sign3A_109 = arith.cmpi slt, %jit3A, %sign3A_108 : i32
      %sign3A_110 = arith.extui %sign3A_109 : i1 to i32
      %sign3A_111 = arith.subi %sign3A_107, %sign3A_110 : i32
      %ne3A = arith.cmpi ne, %sign3A_104, %sign3A_111 : i32
      %rem3A = arith.remsi %scan3A_97, %jit3A : i32
      %ne3A_112 = arith.constant 0 : i32
      %ne3A_113 = arith.cmpi ne, %rem3A, %ne3A_112 : i32
      %and3A = arith.andi %ne3A, %ne3A_113 : i1
      %sub3A = arith.constant 1 : i32
      %sub3A_114 = arith.subi %div3A, %sub3A : i32
      %select_n3A = arith.select %and3A, %sub3A_114, %div3A : i32
      %jit3A_115 = arith.constant 8 : i32
      %eq3A = arith.constant 0 : i32
      %eq3A_116 = arith.cmpi eq, %jit3A_115, %eq3A : i32
      %jit3A_117 = arith.constant 1 : i32
      %select_n3A_118 = arith.select %eq3A_116, %jit3A_117, %jit3A_115 : i32
      %rem3A_119 = arith.remsi %scan3A_97, %select_n3A_118 : i32
      %ne3A_120 = arith.constant 0 : i32
      %ne3A_121 = arith.cmpi ne, %rem3A_119, %ne3A_120 : i32
      %lt3A = arith.constant 0 : i32
      %lt3A_122 = arith.cmpi slt, %rem3A_119, %lt3A : i32
      %lt3A_123 = arith.constant 0 : i32
      %lt3A_124 = arith.cmpi slt, %select_n3A_118, %lt3A_123 : i32
      %ne3A_125 = arith.xori %lt3A_122, %lt3A_124 : i1
      %and3A_126 = arith.andi %ne3A_125, %ne3A_121 : i1
      %add3A_127 = arith.addi %rem3A_119, %select_n3A_118 : i32
      %select_n3A_128 = arith.select %and3A_126, %add3A_127, %rem3A_119 : i32
      %mul3A_129 = arith.constant 16 : i32
      %mul3A_130 = arith.muli %select_n3A_128, %mul3A_129 : i32
      %broadcast_in_dim3A = arith.constant 0.000000e+00 : f32
      %broadcast_in_dim3A_131 = vector.broadcast %broadcast_in_dim3A : f32 to vector<16xf32>
      %swap3A = arith.index_cast %select_n3A : i32 to index
      %swap3A_132 = arith.index_cast %mul3A_130 : i32 to index
      %swap3A_133 = tpu.vector_load %arg17[%swap3A, %swap3A_132] {strides = array<i32>} : memref<64x128xf32, #tpu.memory_space<vmem>>, vector<16xf32>,
      tpu.vector_store %arg17[%swap3A, %swap3A_132], %broadcast_in_dim3A_131 {strides = array<i32>} : memref<64x128xf32, #tpu.memory_space<vmem>>, vector<16xf32>,
      %scan3A_134 = arith.constant 0 : i32
      scf.yield %scan3A_134 : i32
    }
    %scan3A_10 = arith.constant 512 : i32
    %add3A_11 = arith.constant 0 : i32
    %add3A_12 = arith.addi %mul3A_0, %add3A_11 : i32
    "tpu.region"() ({
      %run_scoped3A = tpu.sem_alloc : memref<!tpu.dma_semaphore, #tpu.memory_space<semaphore_mem>>
      %dma_start3A_97 = arith.constant 0 : i32
      %dma_start3A_98 = tpu.memref_slice %arg6[%add3A_12, %dma_start3A_97] : memref<10112x128xf32, #tpu.memory_space<vmem_shared>> -> memref<64x128xf32, #tpu.memory_space<vmem_shared>>
      %dma_start3A_99 = arith.constant 0 : i32
      %dma_start3A_100 = tpu.memref_slice %arg6[%add3A_12, %dma_start3A_99] : memref<10112x128xf32, #tpu.memory_space<vmem_shared>> -> memref<64x128xf32, #tpu.memory_space<vmem_shared>>
      tpu.enqueue_dma source(%arg17 : memref<64x128xf32, #tpu.memory_space<vmem>>) target(%dma_start3A_100 : memref<64x128xf32, #tpu.memory_space<vmem_shared>>) target_semaphore(%run_scoped3A : memref<!tpu.dma_semaphore, #tpu.memory_space<semaphore_mem>>)
      %dma_wait3A_101 = arith.constant 0 : i32
      %dma_wait3A_102 = tpu.memref_slice %arg6[%add3A_12, %dma_wait3A_101] : memref<10112x128xf32, #tpu.memory_space<vmem_shared>> -> memref<64x128xf32, #tpu.memory_space<vmem_shared>>
      %dma_wait3A_103 = arith.constant 0 : i32
      %dma_wait3A_104 = tpu.memref_slice %arg6[%add3A_12, %dma_wait3A_103] : memref<10112x128xf32, #tpu.memory_space<vmem_shared>> -> memref<64x128xf32, #tpu.memory_space<vmem_shared>>
      tpu.wait_dma2 semaphore(%run_scoped3A : memref<!tpu.dma_semaphore, #tpu.memory_space<semaphore_mem>>) src(%arg17 : memref<64x128xf32, #tpu.memory_space<vmem>>) dst(%dma_wait3A_104 : memref<64x128xf32, #tpu.memory_space<vmem_shared>>)
      tpu.yield
    }) : () -> ()
    %add3A_13 = arith.constant 64 : i32
    %add3A_14 = arith.addi %mul3A_0, %add3A_13 : i32
    "tpu.region"() ({
      %run_scoped3A = tpu.sem_alloc : memref<!tpu.dma_semaphore, #tpu.memory_space<semaphore_mem>>
      %dma_start3A_97 = arith.constant 0 : i32
      %dma_start3A_98 = tpu.memref_slice %arg6[%add3A_14, %dma_start3A_97] : memref<10112x128xf32, #tpu.memory_space<vmem_shared>> -> memref<64x128xf32, #tpu.memory_space<vmem_shared>>
      %dma_start3A_99 = arith.constant 0 : i32
      %dma_start3A_100 = tpu.memref_slice %arg6[%add3A_14, %dma_start3A_99] : memref<10112x128xf32, #tpu.memory_space<vmem_shared>> -> memref<64x128xf32, #tpu.memory_space<vmem_shared>>
      tpu.enqueue_dma source(%arg17 : memref<64x128xf32, #tpu.memory_space<vmem>>) target(%dma_start3A_100 : memref<64x128xf32, #tpu.memory_space<vmem_shared>>) target_semaphore(%run_scoped3A : memref<!tpu.dma_semaphore, #tpu.memory_space<semaphore_mem>>)
      %dma_wait3A_101 = arith.constant 0 : i32
      %dma_wait3A_102 = tpu.memref_slice %arg6[%add3A_14, %dma_wait3A_101] : memref<10112x128xf32, #tpu.memory_space<vmem_shared>> -> memref<64x128xf32, #tpu.memory_space<vmem_shared>>
      %dma_wait3A_103 = arith.constant 0 : i32
      %dma_wait3A_104 = tpu.memref_slice %arg6[%add3A_14, %dma_wait3A_103] : memref<10112x128xf32, #tpu.memory_space<vmem_shared>> -> memref<64x128xf32, #tpu.memory_space<vmem_shared>>
      tpu.wait_dma2 semaphore(%run_scoped3A : memref<!tpu.dma_semaphore, #tpu.memory_space<semaphore_mem>>) src(%arg17 : memref<64x128xf32, #tpu.memory_space<vmem>>) dst(%dma_wait3A_104 : memref<64x128xf32, #tpu.memory_space<vmem_shared>>)
      tpu.yield
    }) : () -> ()
    %add3A_15 = arith.constant 128 : i32
    %add3A_16 = arith.addi %mul3A_0, %add3A_15 : i32
    "tpu.region"() ({
      %run_scoped3A = tpu.sem_alloc : memref<!tpu.dma_semaphore, #tpu.memory_space<semaphore_mem>>
      %dma_start3A_97 = arith.constant 0 : i32
      %dma_start3A_98 = tpu.memref_slice %arg6[%add3A_16, %dma_start3A_97] : memref<10112x128xf32, #tpu.memory_space<vmem_shared>> -> memref<64x128xf32, #tpu.memory_space<vmem_shared>>
      %dma_start3A_99 = arith.constant 0 : i32
      %dma_start3A_100 = tpu.memref_slice %arg6[%add3A_16, %dma_start3A_99] : memref<10112x128xf32, #tpu.memory_space<vmem_shared>> -> memref<64x128xf32, #tpu.memory_space<vmem_shared>>
      tpu.enqueue_dma source(%arg17 : memref<64x128xf32, #tpu.memory_space<vmem>>) target(%dma_start3A_100 : memref<64x128xf32, #tpu.memory_space<vmem_shared>>) target_semaphore(%run_scoped3A : memref<!tpu.dma_semaphore, #tpu.memory_space<semaphore_mem>>)
      %dma_wait3A_101 = arith.constant 0 : i32
      %dma_wait3A_102 = tpu.memref_slice %arg6[%add3A_16, %dma_wait3A_101] : memref<10112x128xf32, #tpu.memory_space<vmem_shared>> -> memref<64x128xf32, #tpu.memory_space<vmem_shared>>
      %dma_wait3A_103 = arith.constant 0 : i32
      %dma_wait3A_104 = tpu.memref_slice %arg6[%add3A_16, %dma_wait3A_103] : memref<10112x128xf32, #tpu.memory_space<vmem_shared>> -> memref<64x128xf32, #tpu.memory_space<vmem_shared>>
      tpu.wait_dma2 semaphore(%run_scoped3A : memref<!tpu.dma_semaphore, #tpu.memory_space<semaphore_mem>>) src(%arg17 : memref<64x128xf32, #tpu.memory_space<vmem>>) dst(%dma_wait3A_104 : memref<64x128xf32, #tpu.memory_space<vmem_shared>>)
      tpu.yield
    }) : () -> ()
    %add3A_17 = arith.constant 192 : i32
    %add3A_18 = arith.addi %mul3A_0, %add3A_17 : i32
    "tpu.region"() ({
      %run_scoped3A = tpu.sem_alloc : memref<!tpu.dma_semaphore, #tpu.memory_space<semaphore_mem>>
      %dma_start3A_97 = arith.constant 0 : i32
      %dma_start3A_98 = tpu.memref_slice %arg6[%add3A_18, %dma_start3A_97] : memref<10112x128xf32, #tpu.memory_space<vmem_shared>> -> memref<64x128xf32, #tpu.memory_space<vmem_shared>>
      %dma_start3A_99 = arith.constant 0 : i32
      %dma_start3A_100 = tpu.memref_slice %arg6[%add3A_18, %dma_start3A_99] : memref<10112x128xf32, #tpu.memory_space<vmem_shared>> -> memref<64x128xf32, #tpu.memory_space<vmem_shared>>
      tpu.enqueue_dma source(%arg17 : memref<64x128xf32, #tpu.memory_space<vmem>>) target(%dma_start3A_100 : memref<64x128xf32, #tpu.memory_space<vmem_shared>>) target_semaphore(%run_scoped3A : memref<!tpu.dma_semaphore, #tpu.memory_space<semaphore_mem>>)
      %dma_wait3A_101 = arith.constant 0 : i32
      %dma_wait3A_102 = tpu.memref_slice %arg6[%add3A_18, %dma_wait3A_101] : memref<10112x128xf32, #tpu.memory_space<vmem_shared>> -> memref<64x128xf32, #tpu.memory_space<vmem_shared>>
      %dma_wait3A_103 = arith.constant 0 : i32
      %dma_wait3A_104 = tpu.memref_slice %arg6[%add3A_18, %dma_wait3A_103] : memref<10112x128xf32, #tpu.memory_space<vmem_shared>> -> memref<64x128xf32, #tpu.memory_space<vmem_shared>>
      tpu.wait_dma2 semaphore(%run_scoped3A : memref<!tpu.dma_semaphore, #tpu.memory_space<semaphore_mem>>) src(%arg17 : memref<64x128xf32, #tpu.memory_space<vmem>>) dst(%dma_wait3A_104 : memref<64x128xf32, #tpu.memory_space<vmem_shared>>)
      tpu.yield
    }) : () -> ()
    %add3A_19 = arith.constant 256 : i32
    %add3A_20 = arith.addi %mul3A_0, %add3A_19 : i32
    "tpu.region"() ({
      %run_scoped3A = tpu.sem_alloc : memref<!tpu.dma_semaphore, #tpu.memory_space<semaphore_mem>>
      %dma_start3A_97 = arith.constant 0 : i32
      %dma_start3A_98 = tpu.memref_slice %arg6[%add3A_20, %dma_start3A_97] : memref<10112x128xf32, #tpu.memory_space<vmem_shared>> -> memref<64x128xf32, #tpu.memory_space<vmem_shared>>
      %dma_start3A_99 = arith.constant 0 : i32
      %dma_start3A_100 = tpu.memref_slice %arg6[%add3A_20, %dma_start3A_99] : memref<10112x128xf32, #tpu.memory_space<vmem_shared>> -> memref<64x128xf32, #tpu.memory_space<vmem_shared>>
      tpu.enqueue_dma source(%arg17 : memref<64x128xf32, #tpu.memory_space<vmem>>) target(%dma_start3A_100 : memref<64x128xf32, #tpu.memory_space<vmem_shared>>) target_semaphore(%run_scoped3A : memref<!tpu.dma_semaphore, #tpu.memory_space<semaphore_mem>>)
      %dma_wait3A_101 = arith.constant 0 : i32
      %dma_wait3A_102 = tpu.memref_slice %arg6[%add3A_20, %dma_wait3A_101] : memref<10112x128xf32, #tpu.memory_space<vmem_shared>> -> memref<64x128xf32, #tpu.memory_space<vmem_shared>>
      %dma_wait3A_103 = arith.constant 0 : i32
      %dma_wait3A_104 = tpu.memref_slice %arg6[%add3A_20, %dma_wait3A_103] : memref<10112x128xf32, #tpu.memory_space<vmem_shared>> -> memref<64x128xf32, #tpu.memory_space<vmem_shared>>
      tpu.wait_dma2 semaphore(%run_scoped3A : memref<!tpu.dma_semaphore, #tpu.memory_space<semaphore_mem>>) src(%arg17 : memref<64x128xf32, #tpu.memory_space<vmem>>) dst(%dma_wait3A_104 : memref<64x128xf32, #tpu.memory_space<vmem_shared>>)
      tpu.yield
    }) : () -> ()
    %add3A_21 = arith.constant 320 : i32
    %add3A_22 = arith.addi %mul3A_0, %add3A_21 : i32
    "tpu.region"() ({
      %run_scoped3A = tpu.sem_alloc : memref<!tpu.dma_semaphore, #tpu.memory_space<semaphore_mem>>
      %dma_start3A_97 = arith.constant 0 : i32
      %dma_start3A_98 = tpu.memref_slice %arg6[%add3A_22, %dma_start3A_97] : memref<10112x128xf32, #tpu.memory_space<vmem_shared>> -> memref<64x128xf32, #tpu.memory_space<vmem_shared>>
      %dma_start3A_99 = arith.constant 0 : i32
      %dma_start3A_100 = tpu.memref_slice %arg6[%add3A_22, %dma_start3A_99] : memref<10112x128xf32, #tpu.memory_space<vmem_shared>> -> memref<64x128xf32, #tpu.memory_space<vmem_shared>>
      tpu.enqueue_dma source(%arg17 : memref<64x128xf32, #tpu.memory_space<vmem>>) target(%dma_start3A_100 : memref<64x128xf32, #tpu.memory_space<vmem_shared>>) target_semaphore(%run_scoped3A : memref<!tpu.dma_semaphore, #tpu.memory_space<semaphore_mem>>)
      %dma_wait3A_101 = arith.constant 0 : i32
      %dma_wait3A_102 = tpu.memref_slice %arg6[%add3A_22, %dma_wait3A_101] : memref<10112x128xf32, #tpu.memory_space<vmem_shared>> -> memref<64x128xf32, #tpu.memory_space<vmem_shared>>
      %dma_wait3A_103 = arith.constant 0 : i32
      %dma_wait3A_104 = tpu.memref_slice %arg6[%add3A_22, %dma_wait3A_103] : memref<10112x128xf32, #tpu.memory_space<vmem_shared>> -> memref<64x128xf32, #tpu.memory_space<vmem_shared>>
      tpu.wait_dma2 semaphore(%run_scoped3A : memref<!tpu.dma_semaphore, #tpu.memory_space<semaphore_mem>>) src(%arg17 : memref<64x128xf32, #tpu.memory_space<vmem>>) dst(%dma_wait3A_104 : memref<64x128xf32, #tpu.memory_space<vmem_shared>>)
      tpu.yield
    }) : () -> ()
    %add3A_23 = arith.constant 384 : i32
    %add3A_24 = arith.addi %mul3A_0, %add3A_23 : i32
    "tpu.region"() ({
      %run_scoped3A = tpu.sem_alloc : memref<!tpu.dma_semaphore, #tpu.memory_space<semaphore_mem>>
      %dma_start3A_97 = arith.constant 0 : i32
      %dma_start3A_98 = tpu.memref_slice %arg6[%add3A_24, %dma_start3A_97] : memref<10112x128xf32, #tpu.memory_space<vmem_shared>> -> memref<64x128xf32, #tpu.memory_space<vmem_shared>>
      %dma_start3A_99 = arith.constant 0 : i32
      %dma_start3A_100 = tpu.memref_slice %arg6[%add3A_24, %dma_start3A_99] : memref<10112x128xf32, #tpu.memory_space<vmem_shared>> -> memref<64x128xf32, #tpu.memory_space<vmem_shared>>
      tpu.enqueue_dma source(%arg17 : memref<64x128xf32, #tpu.memory_space<vmem>>) target(%dma_start3A_100 : memref<64x128xf32, #tpu.memory_space<vmem_shared>>) target_semaphore(%run_scoped3A : memref<!tpu.dma_semaphore, #tpu.memory_space<semaphore_mem>>)
      %dma_wait3A_101 = arith.constant 0 : i32
      %dma_wait3A_102 = tpu.memref_slice %arg6[%add3A_24, %dma_wait3A_101] : memref<10112x128xf32, #tpu.memory_space<vmem_shared>> -> memref<64x128xf32, #tpu.memory_space<vmem_shared>>
      %dma_wait3A_103 = arith.constant 0 : i32
      %dma_wait3A_104 = tpu.memref_slice %arg6[%add3A_24, %dma_wait3A_103] : memref<10112x128xf32, #tpu.memory_space<vmem_shared>> -> memref<64x128xf32, #tpu.memory_space<vmem_shared>>
      tpu.wait_dma2 semaphore(%run_scoped3A : memref<!tpu.dma_semaphore, #tpu.memory_space<semaphore_mem>>) src(%arg17 : memref<64x128xf32, #tpu.memory_space<vmem>>) dst(%dma_wait3A_104 : memref<64x128xf32, #tpu.memory_space<vmem_shared>>)
      tpu.yield
    }) : () -> ()
    %add3A_25 = arith.constant 448 : i32
    %add3A_26 = arith.addi %mul3A_0, %add3A_25 : i32
    "tpu.region"() ({
      %run_scoped3A = tpu.sem_alloc : memref<!tpu.dma_semaphore, #tpu.memory_space<semaphore_mem>>
      %dma_start3A_97 = arith.constant 0 : i32
      %dma_start3A_98 = tpu.memref_slice %arg6[%add3A_26, %dma_start3A_97] : memref<10112x128xf32, #tpu.memory_space<vmem_shared>> -> memref<64x128xf32, #tpu.memory_space<vmem_shared>>
      %dma_start3A_99 = arith.constant 0 : i32
      %dma_start3A_100 = tpu.memref_slice %arg6[%add3A_26, %dma_start3A_99] : memref<10112x128xf32, #tpu.memory_space<vmem_shared>> -> memref<64x128xf32, #tpu.memory_space<vmem_shared>>
      tpu.enqueue_dma source(%arg17 : memref<64x128xf32, #tpu.memory_space<vmem>>) target(%dma_start3A_100 : memref<64x128xf32, #tpu.memory_space<vmem_shared>>) target_semaphore(%run_scoped3A : memref<!tpu.dma_semaphore, #tpu.memory_space<semaphore_mem>>)
      %dma_wait3A_101 = arith.constant 0 : i32
      %dma_wait3A_102 = tpu.memref_slice %arg6[%add3A_26, %dma_wait3A_101] : memref<10112x128xf32, #tpu.memory_space<vmem_shared>> -> memref<64x128xf32, #tpu.memory_space<vmem_shared>>
      %dma_wait3A_103 = arith.constant 0 : i32
      %dma_wait3A_104 = tpu.memref_slice %arg6[%add3A_26, %dma_wait3A_103] : memref<10112x128xf32, #tpu.memory_space<vmem_shared>> -> memref<64x128xf32, #tpu.memory_space<vmem_shared>>
      tpu.wait_dma2 semaphore(%run_scoped3A : memref<!tpu.dma_semaphore, #tpu.memory_space<semaphore_mem>>) src(%arg17 : memref<64x128xf32, #tpu.memory_space<vmem>>) dst(%dma_wait3A_104 : memref<64x128xf32, #tpu.memory_space<vmem_shared>>)
      tpu.yield
    }) : () -> ()
    %add3A_27 = arith.constant 512 : i32
    %add3A_28 = arith.addi %mul3A_0, %add3A_27 : i32
    "tpu.region"() ({
      %run_scoped3A = tpu.sem_alloc : memref<!tpu.dma_semaphore, #tpu.memory_space<semaphore_mem>>
      %dma_start3A_97 = arith.constant 0 : i32
      %dma_start3A_98 = tpu.memref_slice %arg6[%add3A_28, %dma_start3A_97] : memref<10112x128xf32, #tpu.memory_space<vmem_shared>> -> memref<64x128xf32, #tpu.memory_space<vmem_shared>>
      %dma_start3A_99 = arith.constant 0 : i32
      %dma_start3A_100 = tpu.memref_slice %arg6[%add3A_28, %dma_start3A_99] : memref<10112x128xf32, #tpu.memory_space<vmem_shared>> -> memref<64x128xf32, #tpu.memory_space<vmem_shared>>
      tpu.enqueue_dma source(%arg17 : memref<64x128xf32, #tpu.memory_space<vmem>>) target(%dma_start3A_100 : memref<64x128xf32, #tpu.memory_space<vmem_shared>>) target_semaphore(%run_scoped3A : memref<!tpu.dma_semaphore, #tpu.memory_space<semaphore_mem>>)
      %dma_wait3A_101 = arith.constant 0 : i32
      %dma_wait3A_102 = tpu.memref_slice %arg6[%add3A_28, %dma_wait3A_101] : memref<10112x128xf32, #tpu.memory_space<vmem_shared>> -> memref<64x128xf32, #tpu.memory_space<vmem_shared>>
      %dma_wait3A_103 = arith.constant 0 : i32
      %dma_wait3A_104 = tpu.memref_slice %arg6[%add3A_28, %dma_wait3A_103] : memref<10112x128xf32, #tpu.memory_space<vmem_shared>> -> memref<64x128xf32, #tpu.memory_space<vmem_shared>>
      tpu.wait_dma2 semaphore(%run_scoped3A : memref<!tpu.dma_semaphore, #tpu.memory_space<semaphore_mem>>) src(%arg17 : memref<64x128xf32, #tpu.memory_space<vmem>>) dst(%dma_wait3A_104 : memref<64x128xf32, #tpu.memory_space<vmem_shared>>)
      tpu.yield
    }) : () -> ()
    %add3A_29 = arith.constant 576 : i32
    %add3A_30 = arith.addi %mul3A_0, %add3A_29 : i32
    "tpu.region"() ({
      %run_scoped3A = tpu.sem_alloc : memref<!tpu.dma_semaphore, #tpu.memory_space<semaphore_mem>>
      %dma_start3A_97 = arith.constant 0 : i32
      %dma_start3A_98 = arith.constant 0 : i32
      %dma_start3A_99 = tpu.memref_slice %arg17[%dma_start3A_97, %dma_start3A_98] : memref<64x128xf32, #tpu.memory_space<vmem>> -> memref<56x128xf32, #tpu.memory_space<vmem>>
      %dma_start3A_100 = arith.constant 0 : i32
      %dma_start3A_101 = tpu.memref_slice %arg6[%add3A_30, %dma_start3A_100] : memref<10112x128xf32, #tpu.memory_space<vmem_shared>> -> memref<56x128xf32, #tpu.memory_space<vmem_shared>>
      %dma_start3A_102 = arith.constant 0 : i32
      %dma_start3A_103 = tpu.memref_slice %arg6[%add3A_30, %dma_start3A_102] : memref<10112x128xf32, #tpu.memory_space<vmem_shared>> -> memref<56x128xf32, #tpu.memory_space<vmem_shared>>
      %dma_start3A_104 = arith.constant 0 : i32
      %dma_start3A_105 = arith.constant 0 : i32
      %dma_start3A_106 = tpu.memref_slice %arg17[%dma_start3A_104, %dma_start3A_105] : memref<64x128xf32, #tpu.memory_space<vmem>> -> memref<56x128xf32, #tpu.memory_space<vmem>>
      tpu.enqueue_dma source(%dma_start3A_106 : memref<56x128xf32, #tpu.memory_space<vmem>>) target(%dma_start3A_103 : memref<56x128xf32, #tpu.memory_space<vmem_shared>>) target_semaphore(%run_scoped3A : memref<!tpu.dma_semaphore, #tpu.memory_space<semaphore_mem>>)
      %dma_wait3A_107 = arith.constant 0 : i32
      %dma_wait3A_108 = arith.constant 0 : i32
      %dma_wait3A_109 = tpu.memref_slice %arg17[%dma_wait3A_107, %dma_wait3A_108] : memref<64x128xf32, #tpu.memory_space<vmem>> -> memref<56x128xf32, #tpu.memory_space<vmem>>
      %dma_wait3A_110 = arith.constant 0 : i32
      %dma_wait3A_111 = tpu.memref_slice %arg6[%add3A_30, %dma_wait3A_110] : memref<10112x128xf32, #tpu.memory_space<vmem_shared>> -> memref<56x128xf32, #tpu.memory_space<vmem_shared>>
      %dma_wait3A_112 = arith.constant 0 : i32
      %dma_wait3A_113 = tpu.memref_slice %arg6[%add3A_30, %dma_wait3A_112] : memref<10112x128xf32, #tpu.memory_space<vmem_shared>> -> memref<56x128xf32, #tpu.memory_space<vmem_shared>>
      %dma_wait3A_114 = arith.constant 0 : i32
      %dma_wait3A_115 = arith.constant 0 : i32
      %dma_wait3A_116 = tpu.memref_slice %arg17[%dma_wait3A_114, %dma_wait3A_115] : memref<64x128xf32, #tpu.memory_space<vmem>> -> memref<56x128xf32, #tpu.memory_space<vmem>>
      tpu.wait_dma2 semaphore(%run_scoped3A : memref<!tpu.dma_semaphore, #tpu.memory_space<semaphore_mem>>) src(%dma_wait3A_116 : memref<56x128xf32, #tpu.memory_space<vmem>>) dst(%dma_wait3A_113 : memref<56x128xf32, #tpu.memory_space<vmem_shared>>)
      tpu.yield
    }) : () -> ()
    %barrier3A = arith.constant 0 : index
    tpu.barrier barrier_id(%barrier3A)
    %min3A = arith.constant 0 : i32
    %min3A_31 = arith.constant 9936 : i32
    %min3A_32 = arith.minsi %min3A, %min3A_31 : i32
    %add3A_33 = arith.addi %mul3A_4, %min3A_32 : i32
    %dma_start3A = tpu.memref_slice %arg3[%add3A_33] : memref<320000xi32, #tpu.memory_space<hbm>> -> memref<64xi32, #tpu.memory_space<hbm>>
    %dma_start3A_34 = tpu.memref_slice %arg3[%add3A_33] : memref<320000xi32, #tpu.memory_space<hbm>> -> memref<64xi32, #tpu.memory_space<hbm>>
    tpu.enqueue_dma source(%dma_start3A_34 : memref<64xi32, #tpu.memory_space<hbm>>) target(%arg7 : memref<64xi32, #tpu.memory_space<vmem>>) target_semaphore(%arg22 : memref<!tpu.dma_semaphore, #tpu.memory_space<semaphore_mem>>)
    %dma_start3A_35 = tpu.memref_slice %arg4[%add3A_33] : memref<320000xi32, #tpu.memory_space<hbm>> -> memref<64xi32, #tpu.memory_space<hbm>>
    %dma_start3A_36 = tpu.memref_slice %arg4[%add3A_33] : memref<320000xi32, #tpu.memory_space<hbm>> -> memref<64xi32, #tpu.memory_space<hbm>>
    tpu.enqueue_dma source(%dma_start3A_36 : memref<64xi32, #tpu.memory_space<hbm>>) target(%arg12 : memref<64xi32, #tpu.memory_space<vmem>>) target_semaphore(%arg22 : memref<!tpu.dma_semaphore, #tpu.memory_space<semaphore_mem>>)
    %min3A_37 = arith.constant 64 : i32
    %min3A_38 = arith.constant 9936 : i32
    %min3A_39 = arith.minsi %min3A_37, %min3A_38 : i32
    %add3A_40 = arith.addi %mul3A_4, %min3A_39 : i32
    %dma_start3A_41 = tpu.memref_slice %arg3[%add3A_40] : memref<320000xi32, #tpu.memory_space<hbm>> -> memref<64xi32, #tpu.memory_space<hbm>>
    %dma_start3A_42 = tpu.memref_slice %arg3[%add3A_40] : memref<320000xi32, #tpu.memory_space<hbm>> -> memref<64xi32, #tpu.memory_space<hbm>>
    tpu.enqueue_dma source(%dma_start3A_42 : memref<64xi32, #tpu.memory_space<hbm>>) target(%arg8 : memref<64xi32, #tpu.memory_space<vmem>>) target_semaphore(%arg23 : memref<!tpu.dma_semaphore, #tpu.memory_space<semaphore_mem>>)
    %dma_start3A_43 = tpu.memref_slice %arg4[%add3A_40] : memref<320000xi32, #tpu.memory_space<hbm>> -> memref<64xi32, #tpu.memory_space<hbm>>
    %dma_start3A_44 = tpu.memref_slice %arg4[%add3A_40] : memref<320000xi32, #tpu.memory_space<hbm>> -> memref<64xi32, #tpu.memory_space<hbm>>
    tpu.enqueue_dma source(%dma_start3A_44 : memref<64xi32, #tpu.memory_space<hbm>>) target(%arg13 : memref<64xi32, #tpu.memory_space<vmem>>) target_semaphore(%arg23 : memref<!tpu.dma_semaphore, #tpu.memory_space<semaphore_mem>>)
    %scan3A_45 = arith.constant 0 : i32
    %scan3A_46 = arith.constant 0 : i32
    %scan3A_47 = arith.constant 32 : i32
    %scan3A_48 = arith.addi %scan3A_46, %scan3A_47 : i32
    %scan3A_49 = arith.constant 1 : i32
    %scan3A_50 = scf.for %scan3A_97 = %scan3A_46 to %scan3A_48 step %scan3A_49 iter_args(%scan3A_98 = %scan3A_45) -> (i32)  : i32 {
      %mul3A_99 = arith.constant 5 : i32
      %mul3A_100 = arith.muli %scan3A_97, %mul3A_99 : i32
      %add3A_101 = arith.constant 0 : i32
      %add3A_102 = arith.addi %mul3A_100, %add3A_101 : i32
      %ge3A = arith.constant 5 : i32
      %ge3A_103 = arith.cmpi sge, %add3A_102, %ge3A : i32
      %convert_element_type3A = arith.extui %ge3A_103 : i1 to i32
      %cond3A = arith.constant 0 : i32
      %cond3A_104 = arith.cmpi ne, %convert_element_type3A, %cond3A : i32
      scf.if %cond3A_104 {
        %sub3A = arith.constant 5 : i32
        %sub3A_256 = arith.subi %add3A_102, %sub3A : i32
        %lt3A_257 = arith.constant 156 : i32
        %lt3A_258 = arith.cmpi slt, %sub3A_256, %lt3A_257 : i32
        %convert_element_type3A_259 = arith.extui %lt3A_258 : i1 to i32
        %cond3A_260 = arith.constant 0 : i32
        %cond3A_261 = arith.cmpi ne, %convert_element_type3A_259, %cond3A_260 : i32
        scf.if %cond3A_261 {
          %get3A_277 = arith.constant 0 : index
          %get3A_278 = tpu.vector_load %arg12[%get3A_277] {strides = array<i32>} : memref<64xi32, #tpu.memory_space<vmem>>, vector<16xi32>,
          %dma_wait3A_279 = arith.constant 0 : i32
          %dma_wait3A_280 = arith.constant 0 : i32
          %dma_wait3A_281 = tpu.memref_slice %arg17[%dma_wait3A_279, %dma_wait3A_280] : memref<64x128xf32, #tpu.memory_space<vmem>> -> memref<16x128xf32, #tpu.memory_space<vmem>>
          %dma_wait3A_282 = arith.constant 0 : i32
          %dma_wait3A_283 = arith.constant 0 : i32
          %dma_wait3A_284 = tpu.memref_slice %arg6[%dma_wait3A_282, %dma_wait3A_283] : memref<10112x128xf32, #tpu.memory_space<vmem_shared>> -> memref<10112x128xf32, #tpu.memory_space<vmem_shared>>
          tpu.wait_indirect_dma semaphore(%arg32 : memref<!tpu.dma_semaphore, #tpu.memory_space<semaphore_mem>>) src(%dma_wait3A_281 : memref<16x128xf32, #tpu.memory_space<vmem>>) dst(%dma_wait3A_284 : memref<10112x128xf32, #tpu.memory_space<vmem_shared>>)
        } else {
        }
        %lt3A_262 = arith.constant 156 : i32
        %lt3A_263 = arith.cmpi slt, %sub3A_256, %lt3A_262 : i32
        %convert_element_type3A_264 = arith.extui %lt3A_263 : i1 to i32
        %cond3A_265 = arith.constant 0 : i32
        %cond3A_266 = arith.cmpi ne, %convert_element_type3A_264, %cond3A_265 : i32
        scf.if %cond3A_266 {
          %get3A_277 = arith.constant 16 : index
          %get3A_278 = tpu.vector_load %arg12[%get3A_277] {strides = array<i32>} : memref<64xi32, #tpu.memory_space<vmem>>, vector<16xi32>,
          %dma_wait3A_279 = arith.constant 16 : i32
          %dma_wait3A_280 = arith.constant 0 : i32
          %dma_wait3A_281 = tpu.memref_slice %arg17[%dma_wait3A_279, %dma_wait3A_280] : memref<64x128xf32, #tpu.memory_space<vmem>> -> memref<16x128xf32, #tpu.memory_space<vmem>>
          %dma_wait3A_282 = arith.constant 0 : i32
          %dma_wait3A_283 = arith.constant 0 : i32
          %dma_wait3A_284 = tpu.memref_slice %arg6[%dma_wait3A_282, %dma_wait3A_283] : memref<10112x128xf32, #tpu.memory_space<vmem_shared>> -> memref<10112x128xf32, #tpu.memory_space<vmem_shared>>
          tpu.wait_indirect_dma semaphore(%arg32 : memref<!tpu.dma_semaphore, #tpu.memory_space<semaphore_mem>>) src(%dma_wait3A_281 : memref<16x128xf32, #tpu.memory_space<vmem>>) dst(%dma_wait3A_284 : memref<10112x128xf32, #tpu.memory_space<vmem_shared>>)
        } else {
        }
        %lt3A_267 = arith.constant 156 : i32
        %lt3A_268 = arith.cmpi slt, %sub3A_256, %lt3A_267 : i32
        %convert_element_type3A_269 = arith.extui %lt3A_268 : i1 to i32
        %cond3A_270 = arith.constant 0 : i32
        %cond3A_271 = arith.cmpi ne, %convert_element_type3A_269, %cond3A_270 : i32
        scf.if %cond3A_271 {
          %get3A_277 = arith.constant 32 : index
          %get3A_278 = tpu.vector_load %arg12[%get3A_277] {strides = array<i32>} : memref<64xi32, #tpu.memory_space<vmem>>, vector<16xi32>,
          %dma_wait3A_279 = arith.constant 32 : i32
          %dma_wait3A_280 = arith.constant 0 : i32
          %dma_wait3A_281 = tpu.memref_slice %arg17[%dma_wait3A_279, %dma_wait3A_280] : memref<64x128xf32, #tpu.memory_space<vmem>> -> memref<16x128xf32, #tpu.memory_space<vmem>>
          %dma_wait3A_282 = arith.constant 0 : i32
          %dma_wait3A_283 = arith.constant 0 : i32
          %dma_wait3A_284 = tpu.memref_slice %arg6[%dma_wait3A_282, %dma_wait3A_283] : memref<10112x128xf32, #tpu.memory_space<vmem_shared>> -> memref<10112x128xf32, #tpu.memory_space<vmem_shared>>
          tpu.wait_indirect_dma semaphore(%arg32 : memref<!tpu.dma_semaphore, #tpu.memory_space<semaphore_mem>>) src(%dma_wait3A_281 : memref<16x128xf32, #tpu.memory_space<vmem>>) dst(%dma_wait3A_284 : memref<10112x128xf32, #tpu.memory_space<vmem_shared>>)
        } else {
        }
        %lt3A_272 = arith.constant 157 : i32
        %lt3A_273 = arith.cmpi slt, %sub3A_256, %lt3A_272 : i32
        %convert_element_type3A_274 = arith.extui %lt3A_273 : i1 to i32
        %cond3A_275 = arith.constant 0 : i32
        %cond3A_276 = arith.cmpi ne, %convert_element_type3A_274, %cond3A_275 : i32
        scf.if %cond3A_276 {
          %get3A_277 = arith.constant 48 : index
          %get3A_278 = tpu.vector_load %arg12[%get3A_277] {strides = array<i32>} : memref<64xi32, #tpu.memory_space<vmem>>, vector<16xi32>,
          %dma_wait3A_279 = arith.constant 48 : i32
          %dma_wait3A_280 = arith.constant 0 : i32
          %dma_wait3A_281 = tpu.memref_slice %arg17[%dma_wait3A_279, %dma_wait3A_280] : memref<64x128xf32, #tpu.memory_space<vmem>> -> memref<16x128xf32, #tpu.memory_space<vmem>>
          %dma_wait3A_282 = arith.constant 0 : i32
          %dma_wait3A_283 = arith.constant 0 : i32
          %dma_wait3A_284 = tpu.memref_slice %arg6[%dma_wait3A_282, %dma_wait3A_283] : memref<10112x128xf32, #tpu.memory_space<vmem_shared>> -> memref<10112x128xf32, #tpu.memory_space<vmem_shared>>
          tpu.wait_indirect_dma semaphore(%arg32 : memref<!tpu.dma_semaphore, #tpu.memory_space<semaphore_mem>>) src(%dma_wait3A_281 : memref<16x128xf32, #tpu.memory_space<vmem>>) dst(%dma_wait3A_284 : memref<10112x128xf32, #tpu.memory_space<vmem_shared>>)
        } else {
        }
      } else {
      }
      %ge3A_105 = arith.constant 2 : i32
      %ge3A_106 = arith.cmpi sge, %add3A_102, %ge3A_105 : i32
      %convert_element_type3A_107 = arith.extui %ge3A_106 : i1 to i32
      %cond3A_108 = arith.constant 0 : i32
      %cond3A_109 = arith.cmpi ne, %convert_element_type3A_107, %cond3A_108 : i32
      scf.if %cond3A_109 {
        %sub3A = arith.constant 2 : i32
        %sub3A_256 = arith.subi %add3A_102, %sub3A : i32
        %dma_wait3A_257 = arith.constant 0 : i32
        %dma_wait3A_258 = arith.constant 0 : i32
        %dma_wait3A_259 = tpu.memref_slice %arg2[%dma_wait3A_257, %dma_wait3A_258] : memref<10000x128xf32, #tpu.memory_space<hbm>> -> memref<10000x128xf32, #tpu.memory_space<hbm>>
        tpu.wait_indirect_dma semaphore(%arg30 : memref<!tpu.dma_semaphore, #tpu.memory_space<semaphore_mem>>) src(%dma_wait3A_259 : memref<10000x128xf32, #tpu.memory_space<hbm>>) dst(%arg20 : memref<64x128xf32, #tpu.memory_space<vmem>>)
        %sub3A_260 = arith.constant 2 : i32
        %sub3A_261 = arith.subi %add3A_102, %sub3A_260 : i32
        %lt3A_262 = arith.constant 156 : i32
        %lt3A_263 = arith.cmpi slt, %sub3A_261, %lt3A_262 : i32
        %convert_element_type3A_264 = arith.extui %lt3A_263 : i1 to i32
        %cond3A_265 = arith.constant 0 : i32
        %cond3A_266 = arith.cmpi ne, %convert_element_type3A_264, %cond3A_265 : i32
        scf.if %cond3A_266 {
          %get3A_282 = arith.constant 0 : index
          %get3A_283 = tpu.vector_load %arg15[%get3A_282] {strides = array<i32>} : memref<64xi32, #tpu.memory_space<vmem>>, vector<16xi32>,
          %dma_start3A_284 = arith.constant 0 : i32
          %dma_start3A_285 = arith.constant 0 : i32
          %dma_start3A_286 = tpu.memref_slice %arg20[%dma_start3A_284, %dma_start3A_285] : memref<64x128xf32, #tpu.memory_space<vmem>> -> memref<16x128xf32, #tpu.memory_space<vmem>>
          %dma_start3A_287 = arith.constant 0 : i32
          %dma_start3A_288 = arith.constant 0 : i32
          %dma_start3A_289 = tpu.memref_slice %arg6[%dma_start3A_287, %dma_start3A_288] : memref<10112x128xf32, #tpu.memory_space<vmem_shared>> -> memref<10112x128xf32, #tpu.memory_space<vmem_shared>>
          tpu.enqueue_indirect_dma source(%dma_start3A_286 : memref<16x128xf32, #tpu.memory_space<vmem>>) target(%dma_start3A_289 : memref<10112x128xf32, #tpu.memory_space<vmem_shared>>) offsets(%get3A_283 : vector<16xi32>) semaphore(%arg35 : memref<!tpu.dma_semaphore, #tpu.memory_space<semaphore_mem>>) {add = true}
        } else {
        }
        %lt3A_267 = arith.constant 156 : i32
        %lt3A_268 = arith.cmpi slt, %sub3A_261, %lt3A_267 : i32
        %convert_element_type3A_269 = arith.extui %lt3A_268 : i1 to i32
        %cond3A_270 = arith.constant 0 : i32
        %cond3A_271 = arith.cmpi ne, %convert_element_type3A_269, %cond3A_270 : i32
        scf.if %cond3A_271 {
          %get3A_282 = arith.constant 16 : index
          %get3A_283 = tpu.vector_load %arg15[%get3A_282] {strides = array<i32>} : memref<64xi32, #tpu.memory_space<vmem>>, vector<16xi32>,
          %dma_start3A_284 = arith.constant 16 : i32
          %dma_start3A_285 = arith.constant 0 : i32
          %dma_start3A_286 = tpu.memref_slice %arg20[%dma_start3A_284, %dma_start3A_285] : memref<64x128xf32, #tpu.memory_space<vmem>> -> memref<16x128xf32, #tpu.memory_space<vmem>>
          %dma_start3A_287 = arith.constant 0 : i32
          %dma_start3A_288 = arith.constant 0 : i32
          %dma_start3A_289 = tpu.memref_slice %arg6[%dma_start3A_287, %dma_start3A_288] : memref<10112x128xf32, #tpu.memory_space<vmem_shared>> -> memref<10112x128xf32, #tpu.memory_space<vmem_shared>>
          tpu.enqueue_indirect_dma source(%dma_start3A_286 : memref<16x128xf32, #tpu.memory_space<vmem>>) target(%dma_start3A_289 : memref<10112x128xf32, #tpu.memory_space<vmem_shared>>) offsets(%get3A_283 : vector<16xi32>) semaphore(%arg35 : memref<!tpu.dma_semaphore, #tpu.memory_space<semaphore_mem>>) {add = true}
        } else {
        }
        %lt3A_272 = arith.constant 156 : i32
        %lt3A_273 = arith.cmpi slt, %sub3A_261, %lt3A_272 : i32
        %convert_element_type3A_274 = arith.extui %lt3A_273 : i1 to i32
        %cond3A_275 = arith.constant 0 : i32
        %cond3A_276 = arith.cmpi ne, %convert_element_type3A_274, %cond3A_275 : i32
        scf.if %cond3A_276 {
          %get3A_282 = arith.constant 32 : index
          %get3A_283 = tpu.vector_load %arg15[%get3A_282] {strides = array<i32>} : memref<64xi32, #tpu.memory_space<vmem>>, vector<16xi32>,
          %dma_start3A_284 = arith.constant 32 : i32
          %dma_start3A_285 = arith.constant 0 : i32
          %dma_start3A_286 = tpu.memref_slice %arg20[%dma_start3A_284, %dma_start3A_285] : memref<64x128xf32, #tpu.memory_space<vmem>> -> memref<16x128xf32, #tpu.memory_space<vmem>>
          %dma_start3A_287 = arith.constant 0 : i32
          %dma_start3A_288 = arith.constant 0 : i32
          %dma_start3A_289 = tpu.memref_slice %arg6[%dma_start3A_287, %dma_start3A_288] : memref<10112x128xf32, #tpu.memory_space<vmem_shared>> -> memref<10112x128xf32, #tpu.memory_space<vmem_shared>>
          tpu.enqueue_indirect_dma source(%dma_start3A_286 : memref<16x128xf32, #tpu.memory_space<vmem>>) target(%dma_start3A_289 : memref<10112x128xf32, #tpu.memory_space<vmem_shared>>) offsets(%get3A_283 : vector<16xi32>) semaphore(%arg35 : memref<!tpu.dma_semaphore, #tpu.memory_space<semaphore_mem>>) {add = true}
        } else {
        }
        %lt3A_277 = arith.constant 157 : i32
        %lt3A_278 = arith.cmpi slt, %sub3A_261, %lt3A_277 : i32
        %convert_element_type3A_279 = arith.extui %lt3A_278 : i1 to i32
        %cond3A_280 = arith.constant 0 : i32
        %cond3A_281 = arith.cmpi ne, %convert_element_type3A_279, %cond3A_280 : i32
        scf.if %cond3A_281 {
          %get3A_282 = arith.constant 48 : index
          %get3A_283 = tpu.vector_load %arg15[%get3A_282] {strides = array<i32>} : memref<64xi32, #tpu.memory_space<vmem>>, vector<16xi32>,
          %dma_start3A_284 = arith.constant 48 : i32
          %dma_start3A_285 = arith.constant 0 : i32
          %dma_start3A_286 = tpu.memref_slice %arg20[%dma_start3A_284, %dma_start3A_285] : memref<64x128xf32, #tpu.memory_space<vmem>> -> memref<16x128xf32, #tpu.memory_space<vmem>>
          %dma_start3A_287 = arith.constant 0 : i32
          %dma_start3A_288 = arith.constant 0 : i32
          %dma_start3A_289 = tpu.memref_slice %arg6[%dma_start3A_287, %dma_start3A_288] : memref<10112x128xf32, #tpu.memory_space<vmem_shared>> -> memref<10112x128xf32, #tpu.memory_space<vmem_shared>>
          tpu.enqueue_indirect_dma source(%dma_start3A_286 : memref<16x128xf32, #tpu.memory_space<vmem>>) target(%dma_start3A_289 : memref<10112x128xf32, #tpu.memory_space<vmem_shared>>) offsets(%get3A_283 : vector<16xi32>) semaphore(%arg35 : memref<!tpu.dma_semaphore, #tpu.memory_space<semaphore_mem>>) {add = true}
        } else {
        }
      } else {
      }
      %dma_wait3A_110 = arith.constant 0 : i32
      %dma_wait3A_111 = tpu.memref_slice %arg3[%dma_wait3A_110] : memref<320000xi32, #tpu.memory_space<hbm>> -> memref<64xi32, #tpu.memory_space<hbm>>
      %dma_wait3A_112 = arith.constant 0 : i32
      %dma_wait3A_113 = tpu.memref_slice %arg3[%dma_wait3A_112] : memref<320000xi32, #tpu.memory_space<hbm>> -> memref<64xi32, #tpu.memory_space<hbm>>
      tpu.wait_dma2 semaphore(%arg22 : memref<!tpu.dma_semaphore, #tpu.memory_space<semaphore_mem>>) src(%dma_wait3A_113 : memref<64xi32, #tpu.memory_space<hbm>>) dst(%arg7 : memref<64xi32, #tpu.memory_space<vmem>>)
      %dma_wait3A_114 = arith.constant 0 : i32
      %dma_wait3A_115 = tpu.memref_slice %arg4[%dma_wait3A_114] : memref<320000xi32, #tpu.memory_space<hbm>> -> memref<64xi32, #tpu.memory_space<hbm>>
      %dma_wait3A_116 = arith.constant 0 : i32
      %dma_wait3A_117 = tpu.memref_slice %arg4[%dma_wait3A_116] : memref<320000xi32, #tpu.memory_space<hbm>> -> memref<64xi32, #tpu.memory_space<hbm>>
      tpu.wait_dma2 semaphore(%arg22 : memref<!tpu.dma_semaphore, #tpu.memory_space<semaphore_mem>>) src(%dma_wait3A_117 : memref<64xi32, #tpu.memory_space<hbm>>) dst(%arg12 : memref<64xi32, #tpu.memory_space<vmem>>)
      %dma_start3A_118 = arith.constant 0 : i32
      %dma_start3A_119 = arith.constant 0 : i32
      %dma_start3A_120 = tpu.memref_slice %arg2[%dma_start3A_118, %dma_start3A_119] : memref<10000x128xf32, #tpu.memory_space<hbm>> -> memref<10000x128xf32, #tpu.memory_space<hbm>>
      tpu.enqueue_indirect_dma source(%dma_start3A_120 : memref<10000x128xf32, #tpu.memory_space<hbm>>) target(%arg17 : memref<64x128xf32, #tpu.memory_space<vmem>>) offsets(%arg7 : memref<64xi32, #tpu.memory_space<vmem>>) semaphore(%arg27 : memref<!tpu.dma_semaphore, #tpu.memory_space<semaphore_mem>>)
      %add3A_121 = arith.constant 2 : i32
      %add3A_122 = arith.addi %add3A_102, %add3A_121 : i32
      %lt3A = arith.constant 160 : i32
      %lt3A_123 = arith.cmpi slt, %add3A_122, %lt3A : i32
      %convert_element_type3A_124 = arith.extui %lt3A_123 : i1 to i32
      %cond3A_125 = arith.constant 0 : i32
      %cond3A_126 = arith.cmpi ne, %convert_element_type3A_124, %cond3A_125 : i32
      scf.if %cond3A_126 {
        %add3A_256 = arith.constant 2 : i32
        %add3A_257 = arith.addi %add3A_102, %add3A_256 : i32
        %mul3A_258 = arith.constant 64 : i32
        %mul3A_259 = arith.muli %add3A_257, %mul3A_258 : i32
        %min3A_260 = arith.constant 9936 : i32
        %min3A_261 = arith.minsi %mul3A_259, %min3A_260 : i32
        %add3A_262 = arith.addi %mul3A_4, %min3A_261 : i32
        %dma_start3A_263 = tpu.memref_slice %arg3[%add3A_262] : memref<320000xi32, #tpu.memory_space<hbm>> -> memref<64xi32, #tpu.memory_space<hbm>>
        %dma_start3A_264 = tpu.memref_slice %arg3[%add3A_262] : memref<320000xi32, #tpu.memory_space<hbm>> -> memref<64xi32, #tpu.memory_space<hbm>>
        tpu.enqueue_dma source(%dma_start3A_264 : memref<64xi32, #tpu.memory_space<hbm>>) target(%arg9 : memref<64xi32, #tpu.memory_space<vmem>>) target_semaphore(%arg24 : memref<!tpu.dma_semaphore, #tpu.memory_space<semaphore_mem>>)
        %dma_start3A_265 = tpu.memref_slice %arg4[%add3A_262] : memref<320000xi32, #tpu.memory_space<hbm>> -> memref<64xi32, #tpu.memory_space<hbm>>
        %dma_start3A_266 = tpu.memref_slice %arg4[%add3A_262] : memref<320000xi32, #tpu.memory_space<hbm>> -> memref<64xi32, #tpu.memory_space<hbm>>
        tpu.enqueue_dma source(%dma_start3A_266 : memref<64xi32, #tpu.memory_space<hbm>>) target(%arg14 : memref<64xi32, #tpu.memory_space<vmem>>) target_semaphore(%arg24 : memref<!tpu.dma_semaphore, #tpu.memory_space<semaphore_mem>>)
      } else {
      }
      %mul3A_127 = arith.constant 5 : i32
      %mul3A_128 = arith.muli %scan3A_97, %mul3A_127 : i32
      %add3A_129 = arith.constant 1 : i32
      %add3A_130 = arith.addi %mul3A_128, %add3A_129 : i32
      %ge3A_131 = arith.constant 5 : i32
      %ge3A_132 = arith.cmpi sge, %add3A_130, %ge3A_131 : i32
      %convert_element_type3A_133 = arith.extui %ge3A_132 : i1 to i32
      %cond3A_134 = arith.constant 0 : i32
      %cond3A_135 = arith.cmpi ne, %convert_element_type3A_133, %cond3A_134 : i32
      scf.if %cond3A_135 {
        %sub3A = arith.constant 5 : i32
        %sub3A_256 = arith.subi %add3A_130, %sub3A : i32
        %lt3A_257 = arith.constant 156 : i32
        %lt3A_258 = arith.cmpi slt, %sub3A_256, %lt3A_257 : i32
        %convert_element_type3A_259 = arith.extui %lt3A_258 : i1 to i32
        %cond3A_260 = arith.constant 0 : i32
        %cond3A_261 = arith.cmpi ne, %convert_element_type3A_259, %cond3A_260 : i32
        scf.if %cond3A_261 {
          %get3A_277 = arith.constant 0 : index
          %get3A_278 = tpu.vector_load %arg13[%get3A_277] {strides = array<i32>} : memref<64xi32, #tpu.memory_space<vmem>>, vector<16xi32>,
          %dma_wait3A_279 = arith.constant 0 : i32
          %dma_wait3A_280 = arith.constant 0 : i32
          %dma_wait3A_281 = tpu.memref_slice %arg18[%dma_wait3A_279, %dma_wait3A_280] : memref<64x128xf32, #tpu.memory_space<vmem>> -> memref<16x128xf32, #tpu.memory_space<vmem>>
          %dma_wait3A_282 = arith.constant 0 : i32
          %dma_wait3A_283 = arith.constant 0 : i32
          %dma_wait3A_284 = tpu.memref_slice %arg6[%dma_wait3A_282, %dma_wait3A_283] : memref<10112x128xf32, #tpu.memory_space<vmem_shared>> -> memref<10112x128xf32, #tpu.memory_space<vmem_shared>>
          tpu.wait_indirect_dma semaphore(%arg33 : memref<!tpu.dma_semaphore, #tpu.memory_space<semaphore_mem>>) src(%dma_wait3A_281 : memref<16x128xf32, #tpu.memory_space<vmem>>) dst(%dma_wait3A_284 : memref<10112x128xf32, #tpu.memory_space<vmem_shared>>)
        } else {
        }
        %lt3A_262 = arith.constant 156 : i32
        %lt3A_263 = arith.cmpi slt, %sub3A_256, %lt3A_262 : i32
        %convert_element_type3A_264 = arith.extui %lt3A_263 : i1 to i32
        %cond3A_265 = arith.constant 0 : i32
        %cond3A_266 = arith.cmpi ne, %convert_element_type3A_264, %cond3A_265 : i32
        scf.if %cond3A_266 {
          %get3A_277 = arith.constant 16 : index
          %get3A_278 = tpu.vector_load %arg13[%get3A_277] {strides = array<i32>} : memref<64xi32, #tpu.memory_space<vmem>>, vector<16xi32>,
          %dma_wait3A_279 = arith.constant 16 : i32
          %dma_wait3A_280 = arith.constant 0 : i32
          %dma_wait3A_281 = tpu.memref_slice %arg18[%dma_wait3A_279, %dma_wait3A_280] : memref<64x128xf32, #tpu.memory_space<vmem>> -> memref<16x128xf32, #tpu.memory_space<vmem>>
          %dma_wait3A_282 = arith.constant 0 : i32
          %dma_wait3A_283 = arith.constant 0 : i32
          %dma_wait3A_284 = tpu.memref_slice %arg6[%dma_wait3A_282, %dma_wait3A_283] : memref<10112x128xf32, #tpu.memory_space<vmem_shared>> -> memref<10112x128xf32, #tpu.memory_space<vmem_shared>>
          tpu.wait_indirect_dma semaphore(%arg33 : memref<!tpu.dma_semaphore, #tpu.memory_space<semaphore_mem>>) src(%dma_wait3A_281 : memref<16x128xf32, #tpu.memory_space<vmem>>) dst(%dma_wait3A_284 : memref<10112x128xf32, #tpu.memory_space<vmem_shared>>)
        } else {
        }
        %lt3A_267 = arith.constant 156 : i32
        %lt3A_268 = arith.cmpi slt, %sub3A_256, %lt3A_267 : i32
        %convert_element_type3A_269 = arith.extui %lt3A_268 : i1 to i32
        %cond3A_270 = arith.constant 0 : i32
        %cond3A_271 = arith.cmpi ne, %convert_element_type3A_269, %cond3A_270 : i32
        scf.if %cond3A_271 {
          %get3A_277 = arith.constant 32 : index
          %get3A_278 = tpu.vector_load %arg13[%get3A_277] {strides = array<i32>} : memref<64xi32, #tpu.memory_space<vmem>>, vector<16xi32>,
          %dma_wait3A_279 = arith.constant 32 : i32
          %dma_wait3A_280 = arith.constant 0 : i32
          %dma_wait3A_281 = tpu.memref_slice %arg18[%dma_wait3A_279, %dma_wait3A_280] : memref<64x128xf32, #tpu.memory_space<vmem>> -> memref<16x128xf32, #tpu.memory_space<vmem>>
          %dma_wait3A_282 = arith.constant 0 : i32
          %dma_wait3A_283 = arith.constant 0 : i32
          %dma_wait3A_284 = tpu.memref_slice %arg6[%dma_wait3A_282, %dma_wait3A_283] : memref<10112x128xf32, #tpu.memory_space<vmem_shared>> -> memref<10112x128xf32, #tpu.memory_space<vmem_shared>>
          tpu.wait_indirect_dma semaphore(%arg33 : memref<!tpu.dma_semaphore, #tpu.memory_space<semaphore_mem>>) src(%dma_wait3A_281 : memref<16x128xf32, #tpu.memory_space<vmem>>) dst(%dma_wait3A_284 : memref<10112x128xf32, #tpu.memory_space<vmem_shared>>)
        } else {
        }
        %lt3A_272 = arith.constant 157 : i32
        %lt3A_273 = arith.cmpi slt, %sub3A_256, %lt3A_272 : i32
        %convert_element_type3A_274 = arith.extui %lt3A_273 : i1 to i32
        %cond3A_275 = arith.constant 0 : i32
        %cond3A_276 = arith.cmpi ne, %convert_element_type3A_274, %cond3A_275 : i32
        scf.if %cond3A_276 {
          %get3A_277 = arith.constant 48 : index
          %get3A_278 = tpu.vector_load %arg13[%get3A_277] {strides = array<i32>} : memref<64xi32, #tpu.memory_space<vmem>>, vector<16xi32>,
          %dma_wait3A_279 = arith.constant 48 : i32
          %dma_wait3A_280 = arith.constant 0 : i32
          %dma_wait3A_281 = tpu.memref_slice %arg18[%dma_wait3A_279, %dma_wait3A_280] : memref<64x128xf32, #tpu.memory_space<vmem>> -> memref<16x128xf32, #tpu.memory_space<vmem>>
          %dma_wait3A_282 = arith.constant 0 : i32
          %dma_wait3A_283 = arith.constant 0 : i32
          %dma_wait3A_284 = tpu.memref_slice %arg6[%dma_wait3A_282, %dma_wait3A_283] : memref<10112x128xf32, #tpu.memory_space<vmem_shared>> -> memref<10112x128xf32, #tpu.memory_space<vmem_shared>>
          tpu.wait_indirect_dma semaphore(%arg33 : memref<!tpu.dma_semaphore, #tpu.memory_space<semaphore_mem>>) src(%dma_wait3A_281 : memref<16x128xf32, #tpu.memory_space<vmem>>) dst(%dma_wait3A_284 : memref<10112x128xf32, #tpu.memory_space<vmem_shared>>)
        } else {
        }
      } else {
      }
      %ge3A_136 = arith.constant 2 : i32
      %ge3A_137 = arith.cmpi sge, %add3A_130, %ge3A_136 : i32
      %convert_element_type3A_138 = arith.extui %ge3A_137 : i1 to i32
      %cond3A_139 = arith.constant 0 : i32
      %cond3A_140 = arith.cmpi ne, %convert_element_type3A_138, %cond3A_139 : i32
      scf.if %cond3A_140 {
        %sub3A = arith.constant 2 : i32
        %sub3A_256 = arith.subi %add3A_130, %sub3A : i32
        %dma_wait3A_257 = arith.constant 0 : i32
        %dma_wait3A_258 = arith.constant 0 : i32
        %dma_wait3A_259 = tpu.memref_slice %arg2[%dma_wait3A_257, %dma_wait3A_258] : memref<10000x128xf32, #tpu.memory_space<hbm>> -> memref<10000x128xf32, #tpu.memory_space<hbm>>
        tpu.wait_indirect_dma semaphore(%arg31 : memref<!tpu.dma_semaphore, #tpu.memory_space<semaphore_mem>>) src(%dma_wait3A_259 : memref<10000x128xf32, #tpu.memory_space<hbm>>) dst(%arg21 : memref<64x128xf32, #tpu.memory_space<vmem>>)
        %sub3A_260 = arith.constant 2 : i32
        %sub3A_261 = arith.subi %add3A_130, %sub3A_260 : i32
        %lt3A_262 = arith.constant 156 : i32
        %lt3A_263 = arith.cmpi slt, %sub3A_261, %lt3A_262 : i32
        %convert_element_type3A_264 = arith.extui %lt3A_263 : i1 to i32
        %cond3A_265 = arith.constant 0 : i32
        %cond3A_266 = arith.cmpi ne, %convert_element_type3A_264, %cond3A_265 : i32
        scf.if %cond3A_266 {
          %get3A_282 = arith.constant 0 : index
          %get3A_283 = tpu.vector_load %arg16[%get3A_282] {strides = array<i32>} : memref<64xi32, #tpu.memory_space<vmem>>, vector<16xi32>,
          %dma_start3A_284 = arith.constant 0 : i32
          %dma_start3A_285 = arith.constant 0 : i32
          %dma_start3A_286 = tpu.memref_slice %arg21[%dma_start3A_284, %dma_start3A_285] : memref<64x128xf32, #tpu.memory_space<vmem>> -> memref<16x128xf32, #tpu.memory_space<vmem>>
          %dma_start3A_287 = arith.constant 0 : i32
          %dma_start3A_288 = arith.constant 0 : i32
          %dma_start3A_289 = tpu.memref_slice %arg6[%dma_start3A_287, %dma_start3A_288] : memref<10112x128xf32, #tpu.memory_space<vmem_shared>> -> memref<10112x128xf32, #tpu.memory_space<vmem_shared>>
          tpu.enqueue_indirect_dma source(%dma_start3A_286 : memref<16x128xf32, #tpu.memory_space<vmem>>) target(%dma_start3A_289 : memref<10112x128xf32, #tpu.memory_space<vmem_shared>>) offsets(%get3A_283 : vector<16xi32>) semaphore(%arg36 : memref<!tpu.dma_semaphore, #tpu.memory_space<semaphore_mem>>) {add = true}
        } else {
        }
        %lt3A_267 = arith.constant 156 : i32
        %lt3A_268 = arith.cmpi slt, %sub3A_261, %lt3A_267 : i32
        %convert_element_type3A_269 = arith.extui %lt3A_268 : i1 to i32
        %cond3A_270 = arith.constant 0 : i32
        %cond3A_271 = arith.cmpi ne, %convert_element_type3A_269, %cond3A_270 : i32
        scf.if %cond3A_271 {
          %get3A_282 = arith.constant 16 : index
          %get3A_283 = tpu.vector_load %arg16[%get3A_282] {strides = array<i32>} : memref<64xi32, #tpu.memory_space<vmem>>, vector<16xi32>,
          %dma_start3A_284 = arith.constant 16 : i32
          %dma_start3A_285 = arith.constant 0 : i32
          %dma_start3A_286 = tpu.memref_slice %arg21[%dma_start3A_284, %dma_start3A_285] : memref<64x128xf32, #tpu.memory_space<vmem>> -> memref<16x128xf32, #tpu.memory_space<vmem>>
          %dma_start3A_287 = arith.constant 0 : i32
          %dma_start3A_288 = arith.constant 0 : i32
          %dma_start3A_289 = tpu.memref_slice %arg6[%dma_start3A_287, %dma_start3A_288] : memref<10112x128xf32, #tpu.memory_space<vmem_shared>> -> memref<10112x128xf32, #tpu.memory_space<vmem_shared>>
          tpu.enqueue_indirect_dma source(%dma_start3A_286 : memref<16x128xf32, #tpu.memory_space<vmem>>) target(%dma_start3A_289 : memref<10112x128xf32, #tpu.memory_space<vmem_shared>>) offsets(%get3A_283 : vector<16xi32>) semaphore(%arg36 : memref<!tpu.dma_semaphore, #tpu.memory_space<semaphore_mem>>) {add = true}
        } else {
        }
        %lt3A_272 = arith.constant 156 : i32
        %lt3A_273 = arith.cmpi slt, %sub3A_261, %lt3A_272 : i32
        %convert_element_type3A_274 = arith.extui %lt3A_273 : i1 to i32
        %cond3A_275 = arith.constant 0 : i32
        %cond3A_276 = arith.cmpi ne, %convert_element_type3A_274, %cond3A_275 : i32
        scf.if %cond3A_276 {
          %get3A_282 = arith.constant 32 : index
          %get3A_283 = tpu.vector_load %arg16[%get3A_282] {strides = array<i32>} : memref<64xi32, #tpu.memory_space<vmem>>, vector<16xi32>,
          %dma_start3A_284 = arith.constant 32 : i32
          %dma_start3A_285 = arith.constant 0 : i32
          %dma_start3A_286 = tpu.memref_slice %arg21[%dma_start3A_284, %dma_start3A_285] : memref<64x128xf32, #tpu.memory_space<vmem>> -> memref<16x128xf32, #tpu.memory_space<vmem>>
          %dma_start3A_287 = arith.constant 0 : i32
          %dma_start3A_288 = arith.constant 0 : i32
          %dma_start3A_289 = tpu.memref_slice %arg6[%dma_start3A_287, %dma_start3A_288] : memref<10112x128xf32, #tpu.memory_space<vmem_shared>> -> memref<10112x128xf32, #tpu.memory_space<vmem_shared>>
          tpu.enqueue_indirect_dma source(%dma_start3A_286 : memref<16x128xf32, #tpu.memory_space<vmem>>) target(%dma_start3A_289 : memref<10112x128xf32, #tpu.memory_space<vmem_shared>>) offsets(%get3A_283 : vector<16xi32>) semaphore(%arg36 : memref<!tpu.dma_semaphore, #tpu.memory_space<semaphore_mem>>) {add = true}
        } else {
        }
        %lt3A_277 = arith.constant 157 : i32
        %lt3A_278 = arith.cmpi slt, %sub3A_261, %lt3A_277 : i32
        %convert_element_type3A_279 = arith.extui %lt3A_278 : i1 to i32
        %cond3A_280 = arith.constant 0 : i32
        %cond3A_281 = arith.cmpi ne, %convert_element_type3A_279, %cond3A_280 : i32
        scf.if %cond3A_281 {
          %get3A_282 = arith.constant 48 : index
          %get3A_283 = tpu.vector_load %arg16[%get3A_282] {strides = array<i32>} : memref<64xi32, #tpu.memory_space<vmem>>, vector<16xi32>,
          %dma_start3A_284 = arith.constant 48 : i32
          %dma_start3A_285 = arith.constant 0 : i32
          %dma_start3A_286 = tpu.memref_slice %arg21[%dma_start3A_284, %dma_start3A_285] : memref<64x128xf32, #tpu.memory_space<vmem>> -> memref<16x128xf32, #tpu.memory_space<vmem>>
          %dma_start3A_287 = arith.constant 0 : i32
          %dma_start3A_288 = arith.constant 0 : i32
          %dma_start3A_289 = tpu.memref_slice %arg6[%dma_start3A_287, %dma_start3A_288] : memref<10112x128xf32, #tpu.memory_space<vmem_shared>> -> memref<10112x128xf32, #tpu.memory_space<vmem_shared>>
          tpu.enqueue_indirect_dma source(%dma_start3A_286 : memref<16x128xf32, #tpu.memory_space<vmem>>) target(%dma_start3A_289 : memref<10112x128xf32, #tpu.memory_space<vmem_shared>>) offsets(%get3A_283 : vector<16xi32>) semaphore(%arg36 : memref<!tpu.dma_semaphore, #tpu.memory_space<semaphore_mem>>) {add = true}
        } else {
        }
      } else {
      }
      %dma_wait3A_141 = arith.constant 0 : i32
      %dma_wait3A_142 = tpu.memref_slice %arg3[%dma_wait3A_141] : memref<320000xi32, #tpu.memory_space<hbm>> -> memref<64xi32, #tpu.memory_space<hbm>>
      %dma_wait3A_143 = arith.constant 0 : i32
      %dma_wait3A_144 = tpu.memref_slice %arg3[%dma_wait3A_143] : memref<320000xi32, #tpu.memory_space<hbm>> -> memref<64xi32, #tpu.memory_space<hbm>>
      tpu.wait_dma2 semaphore(%arg23 : memref<!tpu.dma_semaphore, #tpu.memory_space<semaphore_mem>>) src(%dma_wait3A_144 : memref<64xi32, #tpu.memory_space<hbm>>) dst(%arg8 : memref<64xi32, #tpu.memory_space<vmem>>)
      %dma_wait3A_145 = arith.constant 0 : i32
      %dma_wait3A_146 = tpu.memref_slice %arg4[%dma_wait3A_145] : memref<320000xi32, #tpu.memory_space<hbm>> -> memref<64xi32, #tpu.memory_space<hbm>>
      %dma_wait3A_147 = arith.constant 0 : i32
      %dma_wait3A_148 = tpu.memref_slice %arg4[%dma_wait3A_147] : memref<320000xi32, #tpu.memory_space<hbm>> -> memref<64xi32, #tpu.memory_space<hbm>>
      tpu.wait_dma2 semaphore(%arg23 : memref<!tpu.dma_semaphore, #tpu.memory_space<semaphore_mem>>) src(%dma_wait3A_148 : memref<64xi32, #tpu.memory_space<hbm>>) dst(%arg13 : memref<64xi32, #tpu.memory_space<vmem>>)
      %dma_start3A_149 = arith.constant 0 : i32
      %dma_start3A_150 = arith.constant 0 : i32
      %dma_start3A_151 = tpu.memref_slice %arg2[%dma_start3A_149, %dma_start3A_150] : memref<10000x128xf32, #tpu.memory_space<hbm>> -> memref<10000x128xf32, #tpu.memory_space<hbm>>
      tpu.enqueue_indirect_dma source(%dma_start3A_151 : memref<10000x128xf32, #tpu.memory_space<hbm>>) target(%arg18 : memref<64x128xf32, #tpu.memory_space<vmem>>) offsets(%arg8 : memref<64xi32, #tpu.memory_space<vmem>>) semaphore(%arg28 : memref<!tpu.dma_semaphore, #tpu.memory_space<semaphore_mem>>)
      %add3A_152 = arith.constant 2 : i32
      %add3A_153 = arith.addi %add3A_130, %add3A_152 : i32
      %lt3A_154 = arith.constant 160 : i32
      %lt3A_155 = arith.cmpi slt, %add3A_153, %lt3A_154 : i32
      %convert_element_type3A_156 = arith.extui %lt3A_155 : i1 to i32
      %cond3A_157 = arith.constant 0 : i32
      %cond3A_158 = arith.cmpi ne, %convert_element_type3A_156, %cond3A_157 : i32
      scf.if %cond3A_158 {
        %add3A_256 = arith.constant 2 : i32
        %add3A_257 = arith.addi %add3A_130, %add3A_256 : i32
        %mul3A_258 = arith.constant 64 : i32
        %mul3A_259 = arith.muli %add3A_257, %mul3A_258 : i32
        %min3A_260 = arith.constant 9936 : i32
        %min3A_261 = arith.minsi %mul3A_259, %min3A_260 : i32
        %add3A_262 = arith.addi %mul3A_4, %min3A_261 : i32
        %dma_start3A_263 = tpu.memref_slice %arg3[%add3A_262] : memref<320000xi32, #tpu.memory_space<hbm>> -> memref<64xi32, #tpu.memory_space<hbm>>
        %dma_start3A_264 = tpu.memref_slice %arg3[%add3A_262] : memref<320000xi32, #tpu.memory_space<hbm>> -> memref<64xi32, #tpu.memory_space<hbm>>
        tpu.enqueue_dma source(%dma_start3A_264 : memref<64xi32, #tpu.memory_space<hbm>>) target(%arg10 : memref<64xi32, #tpu.memory_space<vmem>>) target_semaphore(%arg25 : memref<!tpu.dma_semaphore, #tpu.memory_space<semaphore_mem>>)
        %dma_start3A_265 = tpu.memref_slice %arg4[%add3A_262] : memref<320000xi32, #tpu.memory_space<hbm>> -> memref<64xi32, #tpu.memory_space<hbm>>
        %dma_start3A_266 = tpu.memref_slice %arg4[%add3A_262] : memref<320000xi32, #tpu.memory_space<hbm>> -> memref<64xi32, #tpu.memory_space<hbm>>
        tpu.enqueue_dma source(%dma_start3A_266 : memref<64xi32, #tpu.memory_space<hbm>>) target(%arg15 : memref<64xi32, #tpu.memory_space<vmem>>) target_semaphore(%arg25 : memref<!tpu.dma_semaphore, #tpu.memory_space<semaphore_mem>>)
      } else {
      }
      %mul3A_159 = arith.constant 5 : i32
      %mul3A_160 = arith.muli %scan3A_97, %mul3A_159 : i32
      %add3A_161 = arith.constant 2 : i32
      %add3A_162 = arith.addi %mul3A_160, %add3A_161 : i32
      %ge3A_163 = arith.constant 5 : i32
      %ge3A_164 = arith.cmpi sge, %add3A_162, %ge3A_163 : i32
      %convert_element_type3A_165 = arith.extui %ge3A_164 : i1 to i32
      %cond3A_166 = arith.constant 0 : i32
      %cond3A_167 = arith.cmpi ne, %convert_element_type3A_165, %cond3A_166 : i32
      scf.if %cond3A_167 {
        %sub3A = arith.constant 5 : i32
        %sub3A_256 = arith.subi %add3A_162, %sub3A : i32
        %lt3A_257 = arith.constant 156 : i32
        %lt3A_258 = arith.cmpi slt, %sub3A_256, %lt3A_257 : i32
        %convert_element_type3A_259 = arith.extui %lt3A_258 : i1 to i32
        %cond3A_260 = arith.constant 0 : i32
        %cond3A_261 = arith.cmpi ne, %convert_element_type3A_259, %cond3A_260 : i32
        scf.if %cond3A_261 {
          %get3A_277 = arith.constant 0 : index
          %get3A_278 = tpu.vector_load %arg14[%get3A_277] {strides = array<i32>} : memref<64xi32, #tpu.memory_space<vmem>>, vector<16xi32>,
          %dma_wait3A_279 = arith.constant 0 : i32
          %dma_wait3A_280 = arith.constant 0 : i32
          %dma_wait3A_281 = tpu.memref_slice %arg19[%dma_wait3A_279, %dma_wait3A_280] : memref<64x128xf32, #tpu.memory_space<vmem>> -> memref<16x128xf32, #tpu.memory_space<vmem>>
          %dma_wait3A_282 = arith.constant 0 : i32
          %dma_wait3A_283 = arith.constant 0 : i32
          %dma_wait3A_284 = tpu.memref_slice %arg6[%dma_wait3A_282, %dma_wait3A_283] : memref<10112x128xf32, #tpu.memory_space<vmem_shared>> -> memref<10112x128xf32, #tpu.memory_space<vmem_shared>>
          tpu.wait_indirect_dma semaphore(%arg34 : memref<!tpu.dma_semaphore, #tpu.memory_space<semaphore_mem>>) src(%dma_wait3A_281 : memref<16x128xf32, #tpu.memory_space<vmem>>) dst(%dma_wait3A_284 : memref<10112x128xf32, #tpu.memory_space<vmem_shared>>)
        } else {
        }
        %lt3A_262 = arith.constant 156 : i32
        %lt3A_263 = arith.cmpi slt, %sub3A_256, %lt3A_262 : i32
        %convert_element_type3A_264 = arith.extui %lt3A_263 : i1 to i32
        %cond3A_265 = arith.constant 0 : i32
        %cond3A_266 = arith.cmpi ne, %convert_element_type3A_264, %cond3A_265 : i32
        scf.if %cond3A_266 {
          %get3A_277 = arith.constant 16 : index
          %get3A_278 = tpu.vector_load %arg14[%get3A_277] {strides = array<i32>} : memref<64xi32, #tpu.memory_space<vmem>>, vector<16xi32>,
          %dma_wait3A_279 = arith.constant 16 : i32
          %dma_wait3A_280 = arith.constant 0 : i32
          %dma_wait3A_281 = tpu.memref_slice %arg19[%dma_wait3A_279, %dma_wait3A_280] : memref<64x128xf32, #tpu.memory_space<vmem>> -> memref<16x128xf32, #tpu.memory_space<vmem>>
          %dma_wait3A_282 = arith.constant 0 : i32
          %dma_wait3A_283 = arith.constant 0 : i32
          %dma_wait3A_284 = tpu.memref_slice %arg6[%dma_wait3A_282, %dma_wait3A_283] : memref<10112x128xf32, #tpu.memory_space<vmem_shared>> -> memref<10112x128xf32, #tpu.memory_space<vmem_shared>>
          tpu.wait_indirect_dma semaphore(%arg34 : memref<!tpu.dma_semaphore, #tpu.memory_space<semaphore_mem>>) src(%dma_wait3A_281 : memref<16x128xf32, #tpu.memory_space<vmem>>) dst(%dma_wait3A_284 : memref<10112x128xf32, #tpu.memory_space<vmem_shared>>)
        } else {
        }
        %lt3A_267 = arith.constant 156 : i32
        %lt3A_268 = arith.cmpi slt, %sub3A_256, %lt3A_267 : i32
        %convert_element_type3A_269 = arith.extui %lt3A_268 : i1 to i32
        %cond3A_270 = arith.constant 0 : i32
        %cond3A_271 = arith.cmpi ne, %convert_element_type3A_269, %cond3A_270 : i32
        scf.if %cond3A_271 {
          %get3A_277 = arith.constant 32 : index
          %get3A_278 = tpu.vector_load %arg14[%get3A_277] {strides = array<i32>} : memref<64xi32, #tpu.memory_space<vmem>>, vector<16xi32>,
          %dma_wait3A_279 = arith.constant 32 : i32
          %dma_wait3A_280 = arith.constant 0 : i32
          %dma_wait3A_281 = tpu.memref_slice %arg19[%dma_wait3A_279, %dma_wait3A_280] : memref<64x128xf32, #tpu.memory_space<vmem>> -> memref<16x128xf32, #tpu.memory_space<vmem>>
          %dma_wait3A_282 = arith.constant 0 : i32
          %dma_wait3A_283 = arith.constant 0 : i32
          %dma_wait3A_284 = tpu.memref_slice %arg6[%dma_wait3A_282, %dma_wait3A_283] : memref<10112x128xf32, #tpu.memory_space<vmem_shared>> -> memref<10112x128xf32, #tpu.memory_space<vmem_shared>>
          tpu.wait_indirect_dma semaphore(%arg34 : memref<!tpu.dma_semaphore, #tpu.memory_space<semaphore_mem>>) src(%dma_wait3A_281 : memref<16x128xf32, #tpu.memory_space<vmem>>) dst(%dma_wait3A_284 : memref<10112x128xf32, #tpu.memory_space<vmem_shared>>)
        } else {
        }
        %lt3A_272 = arith.constant 157 : i32
        %lt3A_273 = arith.cmpi slt, %sub3A_256, %lt3A_272 : i32
        %convert_element_type3A_274 = arith.extui %lt3A_273 : i1 to i32
        %cond3A_275 = arith.constant 0 : i32
        %cond3A_276 = arith.cmpi ne, %convert_element_type3A_274, %cond3A_275 : i32
        scf.if %cond3A_276 {
          %get3A_277 = arith.constant 48 : index
          %get3A_278 = tpu.vector_load %arg14[%get3A_277] {strides = array<i32>} : memref<64xi32, #tpu.memory_space<vmem>>, vector<16xi32>,
          %dma_wait3A_279 = arith.constant 48 : i32
          %dma_wait3A_280 = arith.constant 0 : i32
          %dma_wait3A_281 = tpu.memref_slice %arg19[%dma_wait3A_279, %dma_wait3A_280] : memref<64x128xf32, #tpu.memory_space<vmem>> -> memref<16x128xf32, #tpu.memory_space<vmem>>
          %dma_wait3A_282 = arith.constant 0 : i32
          %dma_wait3A_283 = arith.constant 0 : i32
          %dma_wait3A_284 = tpu.memref_slice %arg6[%dma_wait3A_282, %dma_wait3A_283] : memref<10112x128xf32, #tpu.memory_space<vmem_shared>> -> memref<10112x128xf32, #tpu.memory_space<vmem_shared>>
          tpu.wait_indirect_dma semaphore(%arg34 : memref<!tpu.dma_semaphore, #tpu.memory_space<semaphore_mem>>) src(%dma_wait3A_281 : memref<16x128xf32, #tpu.memory_space<vmem>>) dst(%dma_wait3A_284 : memref<10112x128xf32, #tpu.memory_space<vmem_shared>>)
        } else {
        }
      } else {
      }
      %ge3A_168 = arith.constant 2 : i32
      %ge3A_169 = arith.cmpi sge, %add3A_162, %ge3A_168 : i32
      %convert_element_type3A_170 = arith.extui %ge3A_169 : i1 to i32
      %cond3A_171 = arith.constant 0 : i32
      %cond3A_172 = arith.cmpi ne, %convert_element_type3A_170, %cond3A_171 : i32
      scf.if %cond3A_172 {
        %sub3A = arith.constant 2 : i32
        %sub3A_256 = arith.subi %add3A_162, %sub3A : i32
        %dma_wait3A_257 = arith.constant 0 : i32
        %dma_wait3A_258 = arith.constant 0 : i32
        %dma_wait3A_259 = tpu.memref_slice %arg2[%dma_wait3A_257, %dma_wait3A_258] : memref<10000x128xf32, #tpu.memory_space<hbm>> -> memref<10000x128xf32, #tpu.memory_space<hbm>>
        tpu.wait_indirect_dma semaphore(%arg27 : memref<!tpu.dma_semaphore, #tpu.memory_space<semaphore_mem>>) src(%dma_wait3A_259 : memref<10000x128xf32, #tpu.memory_space<hbm>>) dst(%arg17 : memref<64x128xf32, #tpu.memory_space<vmem>>)
        %sub3A_260 = arith.constant 2 : i32
        %sub3A_261 = arith.subi %add3A_162, %sub3A_260 : i32
        %lt3A_262 = arith.constant 156 : i32
        %lt3A_263 = arith.cmpi slt, %sub3A_261, %lt3A_262 : i32
        %convert_element_type3A_264 = arith.extui %lt3A_263 : i1 to i32
        %cond3A_265 = arith.constant 0 : i32
        %cond3A_266 = arith.cmpi ne, %convert_element_type3A_264, %cond3A_265 : i32
        scf.if %cond3A_266 {
          %get3A_282 = arith.constant 0 : index
          %get3A_283 = tpu.vector_load %arg12[%get3A_282] {strides = array<i32>} : memref<64xi32, #tpu.memory_space<vmem>>, vector<16xi32>,
          %dma_start3A_284 = arith.constant 0 : i32
          %dma_start3A_285 = arith.constant 0 : i32
          %dma_start3A_286 = tpu.memref_slice %arg17[%dma_start3A_284, %dma_start3A_285] : memref<64x128xf32, #tpu.memory_space<vmem>> -> memref<16x128xf32, #tpu.memory_space<vmem>>
          %dma_start3A_287 = arith.constant 0 : i32
          %dma_start3A_288 = arith.constant 0 : i32
          %dma_start3A_289 = tpu.memref_slice %arg6[%dma_start3A_287, %dma_start3A_288] : memref<10112x128xf32, #tpu.memory_space<vmem_shared>> -> memref<10112x128xf32, #tpu.memory_space<vmem_shared>>
          tpu.enqueue_indirect_dma source(%dma_start3A_286 : memref<16x128xf32, #tpu.memory_space<vmem>>) target(%dma_start3A_289 : memref<10112x128xf32, #tpu.memory_space<vmem_shared>>) offsets(%get3A_283 : vector<16xi32>) semaphore(%arg32 : memref<!tpu.dma_semaphore, #tpu.memory_space<semaphore_mem>>) {add = true}
        } else {
        }
        %lt3A_267 = arith.constant 156 : i32
        %lt3A_268 = arith.cmpi slt, %sub3A_261, %lt3A_267 : i32
        %convert_element_type3A_269 = arith.extui %lt3A_268 : i1 to i32
        %cond3A_270 = arith.constant 0 : i32
        %cond3A_271 = arith.cmpi ne, %convert_element_type3A_269, %cond3A_270 : i32
        scf.if %cond3A_271 {
          %get3A_282 = arith.constant 16 : index
          %get3A_283 = tpu.vector_load %arg12[%get3A_282] {strides = array<i32>} : memref<64xi32, #tpu.memory_space<vmem>>, vector<16xi32>,
          %dma_start3A_284 = arith.constant 16 : i32
          %dma_start3A_285 = arith.constant 0 : i32
          %dma_start3A_286 = tpu.memref_slice %arg17[%dma_start3A_284, %dma_start3A_285] : memref<64x128xf32, #tpu.memory_space<vmem>> -> memref<16x128xf32, #tpu.memory_space<vmem>>
          %dma_start3A_287 = arith.constant 0 : i32
          %dma_start3A_288 = arith.constant 0 : i32
          %dma_start3A_289 = tpu.memref_slice %arg6[%dma_start3A_287, %dma_start3A_288] : memref<10112x128xf32, #tpu.memory_space<vmem_shared>> -> memref<10112x128xf32, #tpu.memory_space<vmem_shared>>
          tpu.enqueue_indirect_dma source(%dma_start3A_286 : memref<16x128xf32, #tpu.memory_space<vmem>>) target(%dma_start3A_289 : memref<10112x128xf32, #tpu.memory_space<vmem_shared>>) offsets(%get3A_283 : vector<16xi32>) semaphore(%arg32 : memref<!tpu.dma_semaphore, #tpu.memory_space<semaphore_mem>>) {add = true}
        } else {
        }
        %lt3A_272 = arith.constant 156 : i32
        %lt3A_273 = arith.cmpi slt, %sub3A_261, %lt3A_272 : i32
        %convert_element_type3A_274 = arith.extui %lt3A_273 : i1 to i32
        %cond3A_275 = arith.constant 0 : i32
        %cond3A_276 = arith.cmpi ne, %convert_element_type3A_274, %cond3A_275 : i32
        scf.if %cond3A_276 {
          %get3A_282 = arith.constant 32 : index
          %get3A_283 = tpu.vector_load %arg12[%get3A_282] {strides = array<i32>} : memref<64xi32, #tpu.memory_space<vmem>>, vector<16xi32>,
          %dma_start3A_284 = arith.constant 32 : i32
          %dma_start3A_285 = arith.constant 0 : i32
          %dma_start3A_286 = tpu.memref_slice %arg17[%dma_start3A_284, %dma_start3A_285] : memref<64x128xf32, #tpu.memory_space<vmem>> -> memref<16x128xf32, #tpu.memory_space<vmem>>
          %dma_start3A_287 = arith.constant 0 : i32
          %dma_start3A_288 = arith.constant 0 : i32
          %dma_start3A_289 = tpu.memref_slice %arg6[%dma_start3A_287, %dma_start3A_288] : memref<10112x128xf32, #tpu.memory_space<vmem_shared>> -> memref<10112x128xf32, #tpu.memory_space<vmem_shared>>
          tpu.enqueue_indirect_dma source(%dma_start3A_286 : memref<16x128xf32, #tpu.memory_space<vmem>>) target(%dma_start3A_289 : memref<10112x128xf32, #tpu.memory_space<vmem_shared>>) offsets(%get3A_283 : vector<16xi32>) semaphore(%arg32 : memref<!tpu.dma_semaphore, #tpu.memory_space<semaphore_mem>>) {add = true}
        } else {
        }
        %lt3A_277 = arith.constant 157 : i32
        %lt3A_278 = arith.cmpi slt, %sub3A_261, %lt3A_277 : i32
        %convert_element_type3A_279 = arith.extui %lt3A_278 : i1 to i32
        %cond3A_280 = arith.constant 0 : i32
        %cond3A_281 = arith.cmpi ne, %convert_element_type3A_279, %cond3A_280 : i32
        scf.if %cond3A_281 {
          %get3A_282 = arith.constant 48 : index
          %get3A_283 = tpu.vector_load %arg12[%get3A_282] {strides = array<i32>} : memref<64xi32, #tpu.memory_space<vmem>>, vector<16xi32>,
          %dma_start3A_284 = arith.constant 48 : i32
          %dma_start3A_285 = arith.constant 0 : i32
          %dma_start3A_286 = tpu.memref_slice %arg17[%dma_start3A_284, %dma_start3A_285] : memref<64x128xf32, #tpu.memory_space<vmem>> -> memref<16x128xf32, #tpu.memory_space<vmem>>
          %dma_start3A_287 = arith.constant 0 : i32
          %dma_start3A_288 = arith.constant 0 : i32
          %dma_start3A_289 = tpu.memref_slice %arg6[%dma_start3A_287, %dma_start3A_288] : memref<10112x128xf32, #tpu.memory_space<vmem_shared>> -> memref<10112x128xf32, #tpu.memory_space<vmem_shared>>
          tpu.enqueue_indirect_dma source(%dma_start3A_286 : memref<16x128xf32, #tpu.memory_space<vmem>>) target(%dma_start3A_289 : memref<10112x128xf32, #tpu.memory_space<vmem_shared>>) offsets(%get3A_283 : vector<16xi32>) semaphore(%arg32 : memref<!tpu.dma_semaphore, #tpu.memory_space<semaphore_mem>>) {add = true}
        } else {
        }
      } else {
      }
      %dma_wait3A_173 = arith.constant 0 : i32
      %dma_wait3A_174 = tpu.memref_slice %arg3[%dma_wait3A_173] : memref<320000xi32, #tpu.memory_space<hbm>> -> memref<64xi32, #tpu.memory_space<hbm>>
      %dma_wait3A_175 = arith.constant 0 : i32
      %dma_wait3A_176 = tpu.memref_slice %arg3[%dma_wait3A_175] : memref<320000xi32, #tpu.memory_space<hbm>> -> memref<64xi32, #tpu.memory_space<hbm>>
      tpu.wait_dma2 semaphore(%arg24 : memref<!tpu.dma_semaphore, #tpu.memory_space<semaphore_mem>>) src(%dma_wait3A_176 : memref<64xi32, #tpu.memory_space<hbm>>) dst(%arg9 : memref<64xi32, #tpu.memory_space<vmem>>)
      %dma_wait3A_177 = arith.constant 0 : i32
      %dma_wait3A_178 = tpu.memref_slice %arg4[%dma_wait3A_177] : memref<320000xi32, #tpu.memory_space<hbm>> -> memref<64xi32, #tpu.memory_space<hbm>>
      %dma_wait3A_179 = arith.constant 0 : i32
      %dma_wait3A_180 = tpu.memref_slice %arg4[%dma_wait3A_179] : memref<320000xi32, #tpu.memory_space<hbm>> -> memref<64xi32, #tpu.memory_space<hbm>>
      tpu.wait_dma2 semaphore(%arg24 : memref<!tpu.dma_semaphore, #tpu.memory_space<semaphore_mem>>) src(%dma_wait3A_180 : memref<64xi32, #tpu.memory_space<hbm>>) dst(%arg14 : memref<64xi32, #tpu.memory_space<vmem>>)
      %dma_start3A_181 = arith.constant 0 : i32
      %dma_start3A_182 = arith.constant 0 : i32
      %dma_start3A_183 = tpu.memref_slice %arg2[%dma_start3A_181, %dma_start3A_182] : memref<10000x128xf32, #tpu.memory_space<hbm>> -> memref<10000x128xf32, #tpu.memory_space<hbm>>
      tpu.enqueue_indirect_dma source(%dma_start3A_183 : memref<10000x128xf32, #tpu.memory_space<hbm>>) target(%arg19 : memref<64x128xf32, #tpu.memory_space<vmem>>) offsets(%arg9 : memref<64xi32, #tpu.memory_space<vmem>>) semaphore(%arg29 : memref<!tpu.dma_semaphore, #tpu.memory_space<semaphore_mem>>)
      %add3A_184 = arith.constant 2 : i32
      %add3A_185 = arith.addi %add3A_162, %add3A_184 : i32
      %lt3A_186 = arith.constant 160 : i32
      %lt3A_187 = arith.cmpi slt, %add3A_185, %lt3A_186 : i32
      %convert_element_type3A_188 = arith.extui %lt3A_187 : i1 to i32
      %cond3A_189 = arith.constant 0 : i32
      %cond3A_190 = arith.cmpi ne, %convert_element_type3A_188, %cond3A_189 : i32
      scf.if %cond3A_190 {
        %add3A_256 = arith.constant 2 : i32
        %add3A_257 = arith.addi %add3A_162, %add3A_256 : i32
        %mul3A_258 = arith.constant 64 : i32
        %mul3A_259 = arith.muli %add3A_257, %mul3A_258 : i32
        %min3A_260 = arith.constant 9936 : i32
        %min3A_261 = arith.minsi %mul3A_259, %min3A_260 : i32
        %add3A_262 = arith.addi %mul3A_4, %min3A_261 : i32
        %dma_start3A_263 = tpu.memref_slice %arg3[%add3A_262] : memref<320000xi32, #tpu.memory_space<hbm>> -> memref<64xi32, #tpu.memory_space<hbm>>
        %dma_start3A_264 = tpu.memref_slice %arg3[%add3A_262] : memref<320000xi32, #tpu.memory_space<hbm>> -> memref<64xi32, #tpu.memory_space<hbm>>
        tpu.enqueue_dma source(%dma_start3A_264 : memref<64xi32, #tpu.memory_space<hbm>>) target(%arg11 : memref<64xi32, #tpu.memory_space<vmem>>) target_semaphore(%arg26 : memref<!tpu.dma_semaphore, #tpu.memory_space<semaphore_mem>>)
        %dma_start3A_265 = tpu.memref_slice %arg4[%add3A_262] : memref<320000xi32, #tpu.memory_space<hbm>> -> memref<64xi32, #tpu.memory_space<hbm>>
        %dma_start3A_266 = tpu.memref_slice %arg4[%add3A_262] : memref<320000xi32, #tpu.memory_space<hbm>> -> memref<64xi32, #tpu.memory_space<hbm>>
        tpu.enqueue_dma source(%dma_start3A_266 : memref<64xi32, #tpu.memory_space<hbm>>) target(%arg16 : memref<64xi32, #tpu.memory_space<vmem>>) target_semaphore(%arg26 : memref<!tpu.dma_semaphore, #tpu.memory_space<semaphore_mem>>)
      } else {
      }
      %mul3A_191 = arith.constant 5 : i32
      %mul3A_192 = arith.muli %scan3A_97, %mul3A_191 : i32
      %add3A_193 = arith.constant 3 : i32
      %add3A_194 = arith.addi %mul3A_192, %add3A_193 : i32
      %ge3A_195 = arith.constant 5 : i32
      %ge3A_196 = arith.cmpi sge, %add3A_194, %ge3A_195 : i32
      %convert_element_type3A_197 = arith.extui %ge3A_196 : i1 to i32
      %cond3A_198 = arith.constant 0 : i32
      %cond3A_199 = arith.cmpi ne, %convert_element_type3A_197, %cond3A_198 : i32
      scf.if %cond3A_199 {
        %sub3A = arith.constant 5 : i32
        %sub3A_256 = arith.subi %add3A_194, %sub3A : i32
        %lt3A_257 = arith.constant 156 : i32
        %lt3A_258 = arith.cmpi slt, %sub3A_256, %lt3A_257 : i32
        %convert_element_type3A_259 = arith.extui %lt3A_258 : i1 to i32
        %cond3A_260 = arith.constant 0 : i32
        %cond3A_261 = arith.cmpi ne, %convert_element_type3A_259, %cond3A_260 : i32
        scf.if %cond3A_261 {
          %get3A_277 = arith.constant 0 : index
          %get3A_278 = tpu.vector_load %arg15[%get3A_277] {strides = array<i32>} : memref<64xi32, #tpu.memory_space<vmem>>, vector<16xi32>,
          %dma_wait3A_279 = arith.constant 0 : i32
          %dma_wait3A_280 = arith.constant 0 : i32
          %dma_wait3A_281 = tpu.memref_slice %arg20[%dma_wait3A_279, %dma_wait3A_280] : memref<64x128xf32, #tpu.memory_space<vmem>> -> memref<16x128xf32, #tpu.memory_space<vmem>>
          %dma_wait3A_282 = arith.constant 0 : i32
          %dma_wait3A_283 = arith.constant 0 : i32
          %dma_wait3A_284 = tpu.memref_slice %arg6[%dma_wait3A_282, %dma_wait3A_283] : memref<10112x128xf32, #tpu.memory_space<vmem_shared>> -> memref<10112x128xf32, #tpu.memory_space<vmem_shared>>
          tpu.wait_indirect_dma semaphore(%arg35 : memref<!tpu.dma_semaphore, #tpu.memory_space<semaphore_mem>>) src(%dma_wait3A_281 : memref<16x128xf32, #tpu.memory_space<vmem>>) dst(%dma_wait3A_284 : memref<10112x128xf32, #tpu.memory_space<vmem_shared>>)
        } else {
        }
        %lt3A_262 = arith.constant 156 : i32
        %lt3A_263 = arith.cmpi slt, %sub3A_256, %lt3A_262 : i32
        %convert_element_type3A_264 = arith.extui %lt3A_263 : i1 to i32
        %cond3A_265 = arith.constant 0 : i32
        %cond3A_266 = arith.cmpi ne, %convert_element_type3A_264, %cond3A_265 : i32
        scf.if %cond3A_266 {
          %get3A_277 = arith.constant 16 : index
          %get3A_278 = tpu.vector_load %arg15[%get3A_277] {strides = array<i32>} : memref<64xi32, #tpu.memory_space<vmem>>, vector<16xi32>,
          %dma_wait3A_279 = arith.constant 16 : i32
          %dma_wait3A_280 = arith.constant 0 : i32
          %dma_wait3A_281 = tpu.memref_slice %arg20[%dma_wait3A_279, %dma_wait3A_280] : memref<64x128xf32, #tpu.memory_space<vmem>> -> memref<16x128xf32, #tpu.memory_space<vmem>>
          %dma_wait3A_282 = arith.constant 0 : i32
          %dma_wait3A_283 = arith.constant 0 : i32
          %dma_wait3A_284 = tpu.memref_slice %arg6[%dma_wait3A_282, %dma_wait3A_283] : memref<10112x128xf32, #tpu.memory_space<vmem_shared>> -> memref<10112x128xf32, #tpu.memory_space<vmem_shared>>
          tpu.wait_indirect_dma semaphore(%arg35 : memref<!tpu.dma_semaphore, #tpu.memory_space<semaphore_mem>>) src(%dma_wait3A_281 : memref<16x128xf32, #tpu.memory_space<vmem>>) dst(%dma_wait3A_284 : memref<10112x128xf32, #tpu.memory_space<vmem_shared>>)
        } else {
        }
        %lt3A_267 = arith.constant 156 : i32
        %lt3A_268 = arith.cmpi slt, %sub3A_256, %lt3A_267 : i32
        %convert_element_type3A_269 = arith.extui %lt3A_268 : i1 to i32
        %cond3A_270 = arith.constant 0 : i32
        %cond3A_271 = arith.cmpi ne, %convert_element_type3A_269, %cond3A_270 : i32
        scf.if %cond3A_271 {
          %get3A_277 = arith.constant 32 : index
          %get3A_278 = tpu.vector_load %arg15[%get3A_277] {strides = array<i32>} : memref<64xi32, #tpu.memory_space<vmem>>, vector<16xi32>,
          %dma_wait3A_279 = arith.constant 32 : i32
          %dma_wait3A_280 = arith.constant 0 : i32
          %dma_wait3A_281 = tpu.memref_slice %arg20[%dma_wait3A_279, %dma_wait3A_280] : memref<64x128xf32, #tpu.memory_space<vmem>> -> memref<16x128xf32, #tpu.memory_space<vmem>>
          %dma_wait3A_282 = arith.constant 0 : i32
          %dma_wait3A_283 = arith.constant 0 : i32
          %dma_wait3A_284 = tpu.memref_slice %arg6[%dma_wait3A_282, %dma_wait3A_283] : memref<10112x128xf32, #tpu.memory_space<vmem_shared>> -> memref<10112x128xf32, #tpu.memory_space<vmem_shared>>
          tpu.wait_indirect_dma semaphore(%arg35 : memref<!tpu.dma_semaphore, #tpu.memory_space<semaphore_mem>>) src(%dma_wait3A_281 : memref<16x128xf32, #tpu.memory_space<vmem>>) dst(%dma_wait3A_284 : memref<10112x128xf32, #tpu.memory_space<vmem_shared>>)
        } else {
        }
        %lt3A_272 = arith.constant 157 : i32
        %lt3A_273 = arith.cmpi slt, %sub3A_256, %lt3A_272 : i32
        %convert_element_type3A_274 = arith.extui %lt3A_273 : i1 to i32
        %cond3A_275 = arith.constant 0 : i32
        %cond3A_276 = arith.cmpi ne, %convert_element_type3A_274, %cond3A_275 : i32
        scf.if %cond3A_276 {
          %get3A_277 = arith.constant 48 : index
          %get3A_278 = tpu.vector_load %arg15[%get3A_277] {strides = array<i32>} : memref<64xi32, #tpu.memory_space<vmem>>, vector<16xi32>,
          %dma_wait3A_279 = arith.constant 48 : i32
          %dma_wait3A_280 = arith.constant 0 : i32
          %dma_wait3A_281 = tpu.memref_slice %arg20[%dma_wait3A_279, %dma_wait3A_280] : memref<64x128xf32, #tpu.memory_space<vmem>> -> memref<16x128xf32, #tpu.memory_space<vmem>>
          %dma_wait3A_282 = arith.constant 0 : i32
          %dma_wait3A_283 = arith.constant 0 : i32
          %dma_wait3A_284 = tpu.memref_slice %arg6[%dma_wait3A_282, %dma_wait3A_283] : memref<10112x128xf32, #tpu.memory_space<vmem_shared>> -> memref<10112x128xf32, #tpu.memory_space<vmem_shared>>
          tpu.wait_indirect_dma semaphore(%arg35 : memref<!tpu.dma_semaphore, #tpu.memory_space<semaphore_mem>>) src(%dma_wait3A_281 : memref<16x128xf32, #tpu.memory_space<vmem>>) dst(%dma_wait3A_284 : memref<10112x128xf32, #tpu.memory_space<vmem_shared>>)
        } else {
        }
      } else {
      }
      %ge3A_200 = arith.constant 2 : i32
      %ge3A_201 = arith.cmpi sge, %add3A_194, %ge3A_200 : i32
      %convert_element_type3A_202 = arith.extui %ge3A_201 : i1 to i32
      %cond3A_203 = arith.constant 0 : i32
      %cond3A_204 = arith.cmpi ne, %convert_element_type3A_202, %cond3A_203 : i32
      scf.if %cond3A_204 {
        %sub3A = arith.constant 2 : i32
        %sub3A_256 = arith.subi %add3A_194, %sub3A : i32
        %dma_wait3A_257 = arith.constant 0 : i32
        %dma_wait3A_258 = arith.constant 0 : i32
        %dma_wait3A_259 = tpu.memref_slice %arg2[%dma_wait3A_257, %dma_wait3A_258] : memref<10000x128xf32, #tpu.memory_space<hbm>> -> memref<10000x128xf32, #tpu.memory_space<hbm>>
        tpu.wait_indirect_dma semaphore(%arg28 : memref<!tpu.dma_semaphore, #tpu.memory_space<semaphore_mem>>) src(%dma_wait3A_259 : memref<10000x128xf32, #tpu.memory_space<hbm>>) dst(%arg18 : memref<64x128xf32, #tpu.memory_space<vmem>>)
        %sub3A_260 = arith.constant 2 : i32
        %sub3A_261 = arith.subi %add3A_194, %sub3A_260 : i32
        %lt3A_262 = arith.constant 156 : i32
        %lt3A_263 = arith.cmpi slt, %sub3A_261, %lt3A_262 : i32
        %convert_element_type3A_264 = arith.extui %lt3A_263 : i1 to i32
        %cond3A_265 = arith.constant 0 : i32
        %cond3A_266 = arith.cmpi ne, %convert_element_type3A_264, %cond3A_265 : i32
        scf.if %cond3A_266 {
          %get3A_282 = arith.constant 0 : index
          %get3A_283 = tpu.vector_load %arg13[%get3A_282] {strides = array<i32>} : memref<64xi32, #tpu.memory_space<vmem>>, vector<16xi32>,
          %dma_start3A_284 = arith.constant 0 : i32
          %dma_start3A_285 = arith.constant 0 : i32
          %dma_start3A_286 = tpu.memref_slice %arg18[%dma_start3A_284, %dma_start3A_285] : memref<64x128xf32, #tpu.memory_space<vmem>> -> memref<16x128xf32, #tpu.memory_space<vmem>>
          %dma_start3A_287 = arith.constant 0 : i32
          %dma_start3A_288 = arith.constant 0 : i32
          %dma_start3A_289 = tpu.memref_slice %arg6[%dma_start3A_287, %dma_start3A_288] : memref<10112x128xf32, #tpu.memory_space<vmem_shared>> -> memref<10112x128xf32, #tpu.memory_space<vmem_shared>>
          tpu.enqueue_indirect_dma source(%dma_start3A_286 : memref<16x128xf32, #tpu.memory_space<vmem>>) target(%dma_start3A_289 : memref<10112x128xf32, #tpu.memory_space<vmem_shared>>) offsets(%get3A_283 : vector<16xi32>) semaphore(%arg33 : memref<!tpu.dma_semaphore, #tpu.memory_space<semaphore_mem>>) {add = true}
        } else {
        }
        %lt3A_267 = arith.constant 156 : i32
        %lt3A_268 = arith.cmpi slt, %sub3A_261, %lt3A_267 : i32
        %convert_element_type3A_269 = arith.extui %lt3A_268 : i1 to i32
        %cond3A_270 = arith.constant 0 : i32
        %cond3A_271 = arith.cmpi ne, %convert_element_type3A_269, %cond3A_270 : i32
        scf.if %cond3A_271 {
          %get3A_282 = arith.constant 16 : index
          %get3A_283 = tpu.vector_load %arg13[%get3A_282] {strides = array<i32>} : memref<64xi32, #tpu.memory_space<vmem>>, vector<16xi32>,
          %dma_start3A_284 = arith.constant 16 : i32
          %dma_start3A_285 = arith.constant 0 : i32
          %dma_start3A_286 = tpu.memref_slice %arg18[%dma_start3A_284, %dma_start3A_285] : memref<64x128xf32, #tpu.memory_space<vmem>> -> memref<16x128xf32, #tpu.memory_space<vmem>>
          %dma_start3A_287 = arith.constant 0 : i32
          %dma_start3A_288 = arith.constant 0 : i32
          %dma_start3A_289 = tpu.memref_slice %arg6[%dma_start3A_287, %dma_start3A_288] : memref<10112x128xf32, #tpu.memory_space<vmem_shared>> -> memref<10112x128xf32, #tpu.memory_space<vmem_shared>>
          tpu.enqueue_indirect_dma source(%dma_start3A_286 : memref<16x128xf32, #tpu.memory_space<vmem>>) target(%dma_start3A_289 : memref<10112x128xf32, #tpu.memory_space<vmem_shared>>) offsets(%get3A_283 : vector<16xi32>) semaphore(%arg33 : memref<!tpu.dma_semaphore, #tpu.memory_space<semaphore_mem>>) {add = true}
        } else {
        }
        %lt3A_272 = arith.constant 156 : i32
        %lt3A_273 = arith.cmpi slt, %sub3A_261, %lt3A_272 : i32
        %convert_element_type3A_274 = arith.extui %lt3A_273 : i1 to i32
        %cond3A_275 = arith.constant 0 : i32
        %cond3A_276 = arith.cmpi ne, %convert_element_type3A_274, %cond3A_275 : i32
        scf.if %cond3A_276 {
          %get3A_282 = arith.constant 32 : index
          %get3A_283 = tpu.vector_load %arg13[%get3A_282] {strides = array<i32>} : memref<64xi32, #tpu.memory_space<vmem>>, vector<16xi32>,
          %dma_start3A_284 = arith.constant 32 : i32
          %dma_start3A_285 = arith.constant 0 : i32
          %dma_start3A_286 = tpu.memref_slice %arg18[%dma_start3A_284, %dma_start3A_285] : memref<64x128xf32, #tpu.memory_space<vmem>> -> memref<16x128xf32, #tpu.memory_space<vmem>>
          %dma_start3A_287 = arith.constant 0 : i32
          %dma_start3A_288 = arith.constant 0 : i32
          %dma_start3A_289 = tpu.memref_slice %arg6[%dma_start3A_287, %dma_start3A_288] : memref<10112x128xf32, #tpu.memory_space<vmem_shared>> -> memref<10112x128xf32, #tpu.memory_space<vmem_shared>>
          tpu.enqueue_indirect_dma source(%dma_start3A_286 : memref<16x128xf32, #tpu.memory_space<vmem>>) target(%dma_start3A_289 : memref<10112x128xf32, #tpu.memory_space<vmem_shared>>) offsets(%get3A_283 : vector<16xi32>) semaphore(%arg33 : memref<!tpu.dma_semaphore, #tpu.memory_space<semaphore_mem>>) {add = true}
        } else {
        }
        %lt3A_277 = arith.constant 157 : i32
        %lt3A_278 = arith.cmpi slt, %sub3A_261, %lt3A_277 : i32
        %convert_element_type3A_279 = arith.extui %lt3A_278 : i1 to i32
        %cond3A_280 = arith.constant 0 : i32
        %cond3A_281 = arith.cmpi ne, %convert_element_type3A_279, %cond3A_280 : i32
        scf.if %cond3A_281 {
          %get3A_282 = arith.constant 48 : index
          %get3A_283 = tpu.vector_load %arg13[%get3A_282] {strides = array<i32>} : memref<64xi32, #tpu.memory_space<vmem>>, vector<16xi32>,
          %dma_start3A_284 = arith.constant 48 : i32
          %dma_start3A_285 = arith.constant 0 : i32
          %dma_start3A_286 = tpu.memref_slice %arg18[%dma_start3A_284, %dma_start3A_285] : memref<64x128xf32, #tpu.memory_space<vmem>> -> memref<16x128xf32, #tpu.memory_space<vmem>>
          %dma_start3A_287 = arith.constant 0 : i32
          %dma_start3A_288 = arith.constant 0 : i32
          %dma_start3A_289 = tpu.memref_slice %arg6[%dma_start3A_287, %dma_start3A_288] : memref<10112x128xf32, #tpu.memory_space<vmem_shared>> -> memref<10112x128xf32, #tpu.memory_space<vmem_shared>>
          tpu.enqueue_indirect_dma source(%dma_start3A_286 : memref<16x128xf32, #tpu.memory_space<vmem>>) target(%dma_start3A_289 : memref<10112x128xf32, #tpu.memory_space<vmem_shared>>) offsets(%get3A_283 : vector<16xi32>) semaphore(%arg33 : memref<!tpu.dma_semaphore, #tpu.memory_space<semaphore_mem>>) {add = true}
        } else {
        }
      } else {
      }
      %dma_wait3A_205 = arith.constant 0 : i32
      %dma_wait3A_206 = tpu.memref_slice %arg3[%dma_wait3A_205] : memref<320000xi32, #tpu.memory_space<hbm>> -> memref<64xi32, #tpu.memory_space<hbm>>
      %dma_wait3A_207 = arith.constant 0 : i32
      %dma_wait3A_208 = tpu.memref_slice %arg3[%dma_wait3A_207] : memref<320000xi32, #tpu.memory_space<hbm>> -> memref<64xi32, #tpu.memory_space<hbm>>
      tpu.wait_dma2 semaphore(%arg25 : memref<!tpu.dma_semaphore, #tpu.memory_space<semaphore_mem>>) src(%dma_wait3A_208 : memref<64xi32, #tpu.memory_space<hbm>>) dst(%arg10 : memref<64xi32, #tpu.memory_space<vmem>>)
      %dma_wait3A_209 = arith.constant 0 : i32
      %dma_wait3A_210 = tpu.memref_slice %arg4[%dma_wait3A_209] : memref<320000xi32, #tpu.memory_space<hbm>> -> memref<64xi32, #tpu.memory_space<hbm>>
      %dma_wait3A_211 = arith.constant 0 : i32
      %dma_wait3A_212 = tpu.memref_slice %arg4[%dma_wait3A_211] : memref<320000xi32, #tpu.memory_space<hbm>> -> memref<64xi32, #tpu.memory_space<hbm>>
      tpu.wait_dma2 semaphore(%arg25 : memref<!tpu.dma_semaphore, #tpu.memory_space<semaphore_mem>>) src(%dma_wait3A_212 : memref<64xi32, #tpu.memory_space<hbm>>) dst(%arg15 : memref<64xi32, #tpu.memory_space<vmem>>)
      %dma_start3A_213 = arith.constant 0 : i32
      %dma_start3A_214 = arith.constant 0 : i32
      %dma_start3A_215 = tpu.memref_slice %arg2[%dma_start3A_213, %dma_start3A_214] : memref<10000x128xf32, #tpu.memory_space<hbm>> -> memref<10000x128xf32, #tpu.memory_space<hbm>>
      tpu.enqueue_indirect_dma source(%dma_start3A_215 : memref<10000x128xf32, #tpu.memory_space<hbm>>) target(%arg20 : memref<64x128xf32, #tpu.memory_space<vmem>>) offsets(%arg10 : memref<64xi32, #tpu.memory_space<vmem>>) semaphore(%arg30 : memref<!tpu.dma_semaphore, #tpu.memory_space<semaphore_mem>>)
      %add3A_216 = arith.constant 2 : i32
      %add3A_217 = arith.addi %add3A_194, %add3A_216 : i32
      %lt3A_218 = arith.constant 160 : i32
      %lt3A_219 = arith.cmpi slt, %add3A_217, %lt3A_218 : i32
      %convert_element_type3A_220 = arith.extui %lt3A_219 : i1 to i32
      %cond3A_221 = arith.constant 0 : i32
      %cond3A_222 = arith.cmpi ne, %convert_element_type3A_220, %cond3A_221 : i32
      scf.if %cond3A_222 {
        %add3A_256 = arith.constant 2 : i32
        %add3A_257 = arith.addi %add3A_194, %add3A_256 : i32
        %mul3A_258 = arith.constant 64 : i32
        %mul3A_259 = arith.muli %add3A_257, %mul3A_258 : i32
        %min3A_260 = arith.constant 9936 : i32
        %min3A_261 = arith.minsi %mul3A_259, %min3A_260 : i32
        %add3A_262 = arith.addi %mul3A_4, %min3A_261 : i32
        %dma_start3A_263 = tpu.memref_slice %arg3[%add3A_262] : memref<320000xi32, #tpu.memory_space<hbm>> -> memref<64xi32, #tpu.memory_space<hbm>>
        %dma_start3A_264 = tpu.memref_slice %arg3[%add3A_262] : memref<320000xi32, #tpu.memory_space<hbm>> -> memref<64xi32, #tpu.memory_space<hbm>>
        tpu.enqueue_dma source(%dma_start3A_264 : memref<64xi32, #tpu.memory_space<hbm>>) target(%arg7 : memref<64xi32, #tpu.memory_space<vmem>>) target_semaphore(%arg22 : memref<!tpu.dma_semaphore, #tpu.memory_space<semaphore_mem>>)
        %dma_start3A_265 = tpu.memref_slice %arg4[%add3A_262] : memref<320000xi32, #tpu.memory_space<hbm>> -> memref<64xi32, #tpu.memory_space<hbm>>
        %dma_start3A_266 = tpu.memref_slice %arg4[%add3A_262] : memref<320000xi32, #tpu.memory_space<hbm>> -> memref<64xi32, #tpu.memory_space<hbm>>
        tpu.enqueue_dma source(%dma_start3A_266 : memref<64xi32, #tpu.memory_space<hbm>>) target(%arg12 : memref<64xi32, #tpu.memory_space<vmem>>) target_semaphore(%arg22 : memref<!tpu.dma_semaphore, #tpu.memory_space<semaphore_mem>>)
      } else {
      }
      %mul3A_223 = arith.constant 5 : i32
      %mul3A_224 = arith.muli %scan3A_97, %mul3A_223 : i32
      %add3A_225 = arith.constant 4 : i32
      %add3A_226 = arith.addi %mul3A_224, %add3A_225 : i32
      %ge3A_227 = arith.constant 5 : i32
      %ge3A_228 = arith.cmpi sge, %add3A_226, %ge3A_227 : i32
      %convert_element_type3A_229 = arith.extui %ge3A_228 : i1 to i32
      %cond3A_230 = arith.constant 0 : i32
      %cond3A_231 = arith.cmpi ne, %convert_element_type3A_229, %cond3A_230 : i32
      scf.if %cond3A_231 {
        %sub3A = arith.constant 5 : i32
        %sub3A_256 = arith.subi %add3A_226, %sub3A : i32
        %lt3A_257 = arith.constant 156 : i32
        %lt3A_258 = arith.cmpi slt, %sub3A_256, %lt3A_257 : i32
        %convert_element_type3A_259 = arith.extui %lt3A_258 : i1 to i32
        %cond3A_260 = arith.constant 0 : i32
        %cond3A_261 = arith.cmpi ne, %convert_element_type3A_259, %cond3A_260 : i32
        scf.if %cond3A_261 {
          %get3A_277 = arith.constant 0 : index
          %get3A_278 = tpu.vector_load %arg16[%get3A_277] {strides = array<i32>} : memref<64xi32, #tpu.memory_space<vmem>>, vector<16xi32>,
          %dma_wait3A_279 = arith.constant 0 : i32
          %dma_wait3A_280 = arith.constant 0 : i32
          %dma_wait3A_281 = tpu.memref_slice %arg21[%dma_wait3A_279, %dma_wait3A_280] : memref<64x128xf32, #tpu.memory_space<vmem>> -> memref<16x128xf32, #tpu.memory_space<vmem>>
          %dma_wait3A_282 = arith.constant 0 : i32
          %dma_wait3A_283 = arith.constant 0 : i32
          %dma_wait3A_284 = tpu.memref_slice %arg6[%dma_wait3A_282, %dma_wait3A_283] : memref<10112x128xf32, #tpu.memory_space<vmem_shared>> -> memref<10112x128xf32, #tpu.memory_space<vmem_shared>>
          tpu.wait_indirect_dma semaphore(%arg36 : memref<!tpu.dma_semaphore, #tpu.memory_space<semaphore_mem>>) src(%dma_wait3A_281 : memref<16x128xf32, #tpu.memory_space<vmem>>) dst(%dma_wait3A_284 : memref<10112x128xf32, #tpu.memory_space<vmem_shared>>)
        } else {
        }
        %lt3A_262 = arith.constant 156 : i32
        %lt3A_263 = arith.cmpi slt, %sub3A_256, %lt3A_262 : i32
        %convert_element_type3A_264 = arith.extui %lt3A_263 : i1 to i32
        %cond3A_265 = arith.constant 0 : i32
        %cond3A_266 = arith.cmpi ne, %convert_element_type3A_264, %cond3A_265 : i32
        scf.if %cond3A_266 {
          %get3A_277 = arith.constant 16 : index
          %get3A_278 = tpu.vector_load %arg16[%get3A_277] {strides = array<i32>} : memref<64xi32, #tpu.memory_space<vmem>>, vector<16xi32>,
          %dma_wait3A_279 = arith.constant 16 : i32
          %dma_wait3A_280 = arith.constant 0 : i32
          %dma_wait3A_281 = tpu.memref_slice %arg21[%dma_wait3A_279, %dma_wait3A_280] : memref<64x128xf32, #tpu.memory_space<vmem>> -> memref<16x128xf32, #tpu.memory_space<vmem>>
          %dma_wait3A_282 = arith.constant 0 : i32
          %dma_wait3A_283 = arith.constant 0 : i32
          %dma_wait3A_284 = tpu.memref_slice %arg6[%dma_wait3A_282, %dma_wait3A_283] : memref<10112x128xf32, #tpu.memory_space<vmem_shared>> -> memref<10112x128xf32, #tpu.memory_space<vmem_shared>>
          tpu.wait_indirect_dma semaphore(%arg36 : memref<!tpu.dma_semaphore, #tpu.memory_space<semaphore_mem>>) src(%dma_wait3A_281 : memref<16x128xf32, #tpu.memory_space<vmem>>) dst(%dma_wait3A_284 : memref<10112x128xf32, #tpu.memory_space<vmem_shared>>)
        } else {
        }
        %lt3A_267 = arith.constant 156 : i32
        %lt3A_268 = arith.cmpi slt, %sub3A_256, %lt3A_267 : i32
        %convert_element_type3A_269 = arith.extui %lt3A_268 : i1 to i32
        %cond3A_270 = arith.constant 0 : i32
        %cond3A_271 = arith.cmpi ne, %convert_element_type3A_269, %cond3A_270 : i32
        scf.if %cond3A_271 {
          %get3A_277 = arith.constant 32 : index
          %get3A_278 = tpu.vector_load %arg16[%get3A_277] {strides = array<i32>} : memref<64xi32, #tpu.memory_space<vmem>>, vector<16xi32>,
          %dma_wait3A_279 = arith.constant 32 : i32
          %dma_wait3A_280 = arith.constant 0 : i32
          %dma_wait3A_281 = tpu.memref_slice %arg21[%dma_wait3A_279, %dma_wait3A_280] : memref<64x128xf32, #tpu.memory_space<vmem>> -> memref<16x128xf32, #tpu.memory_space<vmem>>
          %dma_wait3A_282 = arith.constant 0 : i32
          %dma_wait3A_283 = arith.constant 0 : i32
          %dma_wait3A_284 = tpu.memref_slice %arg6[%dma_wait3A_282, %dma_wait3A_283] : memref<10112x128xf32, #tpu.memory_space<vmem_shared>> -> memref<10112x128xf32, #tpu.memory_space<vmem_shared>>
          tpu.wait_indirect_dma semaphore(%arg36 : memref<!tpu.dma_semaphore, #tpu.memory_space<semaphore_mem>>) src(%dma_wait3A_281 : memref<16x128xf32, #tpu.memory_space<vmem>>) dst(%dma_wait3A_284 : memref<10112x128xf32, #tpu.memory_space<vmem_shared>>)
        } else {
        }
        %lt3A_272 = arith.constant 157 : i32
        %lt3A_273 = arith.cmpi slt, %sub3A_256, %lt3A_272 : i32
        %convert_element_type3A_274 = arith.extui %lt3A_273 : i1 to i32
        %cond3A_275 = arith.constant 0 : i32
        %cond3A_276 = arith.cmpi ne, %convert_element_type3A_274, %cond3A_275 : i32
        scf.if %cond3A_276 {
          %get3A_277 = arith.constant 48 : index
          %get3A_278 = tpu.vector_load %arg16[%get3A_277] {strides = array<i32>} : memref<64xi32, #tpu.memory_space<vmem>>, vector<16xi32>,
          %dma_wait3A_279 = arith.constant 48 : i32
          %dma_wait3A_280 = arith.constant 0 : i32
          %dma_wait3A_281 = tpu.memref_slice %arg21[%dma_wait3A_279, %dma_wait3A_280] : memref<64x128xf32, #tpu.memory_space<vmem>> -> memref<16x128xf32, #tpu.memory_space<vmem>>
          %dma_wait3A_282 = arith.constant 0 : i32
          %dma_wait3A_283 = arith.constant 0 : i32
          %dma_wait3A_284 = tpu.memref_slice %arg6[%dma_wait3A_282, %dma_wait3A_283] : memref<10112x128xf32, #tpu.memory_space<vmem_shared>> -> memref<10112x128xf32, #tpu.memory_space<vmem_shared>>
          tpu.wait_indirect_dma semaphore(%arg36 : memref<!tpu.dma_semaphore, #tpu.memory_space<semaphore_mem>>) src(%dma_wait3A_281 : memref<16x128xf32, #tpu.memory_space<vmem>>) dst(%dma_wait3A_284 : memref<10112x128xf32, #tpu.memory_space<vmem_shared>>)
        } else {
        }
      } else {
      }
      %ge3A_232 = arith.constant 2 : i32
      %ge3A_233 = arith.cmpi sge, %add3A_226, %ge3A_232 : i32
      %convert_element_type3A_234 = arith.extui %ge3A_233 : i1 to i32
      %cond3A_235 = arith.constant 0 : i32
      %cond3A_236 = arith.cmpi ne, %convert_element_type3A_234, %cond3A_235 : i32
      scf.if %cond3A_236 {
        %sub3A = arith.constant 2 : i32
        %sub3A_256 = arith.subi %add3A_226, %sub3A : i32
        %dma_wait3A_257 = arith.constant 0 : i32
        %dma_wait3A_258 = arith.constant 0 : i32
        %dma_wait3A_259 = tpu.memref_slice %arg2[%dma_wait3A_257, %dma_wait3A_258] : memref<10000x128xf32, #tpu.memory_space<hbm>> -> memref<10000x128xf32, #tpu.memory_space<hbm>>
        tpu.wait_indirect_dma semaphore(%arg29 : memref<!tpu.dma_semaphore, #tpu.memory_space<semaphore_mem>>) src(%dma_wait3A_259 : memref<10000x128xf32, #tpu.memory_space<hbm>>) dst(%arg19 : memref<64x128xf32, #tpu.memory_space<vmem>>)
        %sub3A_260 = arith.constant 2 : i32
        %sub3A_261 = arith.subi %add3A_226, %sub3A_260 : i32
        %lt3A_262 = arith.constant 156 : i32
        %lt3A_263 = arith.cmpi slt, %sub3A_261, %lt3A_262 : i32
        %convert_element_type3A_264 = arith.extui %lt3A_263 : i1 to i32
        %cond3A_265 = arith.constant 0 : i32
        %cond3A_266 = arith.cmpi ne, %convert_element_type3A_264, %cond3A_265 : i32
        scf.if %cond3A_266 {
          %get3A_282 = arith.constant 0 : index
          %get3A_283 = tpu.vector_load %arg14[%get3A_282] {strides = array<i32>} : memref<64xi32, #tpu.memory_space<vmem>>, vector<16xi32>,
          %dma_start3A_284 = arith.constant 0 : i32
          %dma_start3A_285 = arith.constant 0 : i32
          %dma_start3A_286 = tpu.memref_slice %arg19[%dma_start3A_284, %dma_start3A_285] : memref<64x128xf32, #tpu.memory_space<vmem>> -> memref<16x128xf32, #tpu.memory_space<vmem>>
          %dma_start3A_287 = arith.constant 0 : i32
          %dma_start3A_288 = arith.constant 0 : i32
          %dma_start3A_289 = tpu.memref_slice %arg6[%dma_start3A_287, %dma_start3A_288] : memref<10112x128xf32, #tpu.memory_space<vmem_shared>> -> memref<10112x128xf32, #tpu.memory_space<vmem_shared>>
          tpu.enqueue_indirect_dma source(%dma_start3A_286 : memref<16x128xf32, #tpu.memory_space<vmem>>) target(%dma_start3A_289 : memref<10112x128xf32, #tpu.memory_space<vmem_shared>>) offsets(%get3A_283 : vector<16xi32>) semaphore(%arg34 : memref<!tpu.dma_semaphore, #tpu.memory_space<semaphore_mem>>) {add = true}
        } else {
        }
        %lt3A_267 = arith.constant 156 : i32
        %lt3A_268 = arith.cmpi slt, %sub3A_261, %lt3A_267 : i32
        %convert_element_type3A_269 = arith.extui %lt3A_268 : i1 to i32
        %cond3A_270 = arith.constant 0 : i32
        %cond3A_271 = arith.cmpi ne, %convert_element_type3A_269, %cond3A_270 : i32
        scf.if %cond3A_271 {
          %get3A_282 = arith.constant 16 : index
          %get3A_283 = tpu.vector_load %arg14[%get3A_282] {strides = array<i32>} : memref<64xi32, #tpu.memory_space<vmem>>, vector<16xi32>,
          %dma_start3A_284 = arith.constant 16 : i32
          %dma_start3A_285 = arith.constant 0 : i32
          %dma_start3A_286 = tpu.memref_slice %arg19[%dma_start3A_284, %dma_start3A_285] : memref<64x128xf32, #tpu.memory_space<vmem>> -> memref<16x128xf32, #tpu.memory_space<vmem>>
          %dma_start3A_287 = arith.constant 0 : i32
          %dma_start3A_288 = arith.constant 0 : i32
          %dma_start3A_289 = tpu.memref_slice %arg6[%dma_start3A_287, %dma_start3A_288] : memref<10112x128xf32, #tpu.memory_space<vmem_shared>> -> memref<10112x128xf32, #tpu.memory_space<vmem_shared>>
          tpu.enqueue_indirect_dma source(%dma_start3A_286 : memref<16x128xf32, #tpu.memory_space<vmem>>) target(%dma_start3A_289 : memref<10112x128xf32, #tpu.memory_space<vmem_shared>>) offsets(%get3A_283 : vector<16xi32>) semaphore(%arg34 : memref<!tpu.dma_semaphore, #tpu.memory_space<semaphore_mem>>) {add = true}
        } else {
        }
        %lt3A_272 = arith.constant 156 : i32
        %lt3A_273 = arith.cmpi slt, %sub3A_261, %lt3A_272 : i32
        %convert_element_type3A_274 = arith.extui %lt3A_273 : i1 to i32
        %cond3A_275 = arith.constant 0 : i32
        %cond3A_276 = arith.cmpi ne, %convert_element_type3A_274, %cond3A_275 : i32
        scf.if %cond3A_276 {
          %get3A_282 = arith.constant 32 : index
          %get3A_283 = tpu.vector_load %arg14[%get3A_282] {strides = array<i32>} : memref<64xi32, #tpu.memory_space<vmem>>, vector<16xi32>,
          %dma_start3A_284 = arith.constant 32 : i32
          %dma_start3A_285 = arith.constant 0 : i32
          %dma_start3A_286 = tpu.memref_slice %arg19[%dma_start3A_284, %dma_start3A_285] : memref<64x128xf32, #tpu.memory_space<vmem>> -> memref<16x128xf32, #tpu.memory_space<vmem>>
          %dma_start3A_287 = arith.constant 0 : i32
          %dma_start3A_288 = arith.constant 0 : i32
          %dma_start3A_289 = tpu.memref_slice %arg6[%dma_start3A_287, %dma_start3A_288] : memref<10112x128xf32, #tpu.memory_space<vmem_shared>> -> memref<10112x128xf32, #tpu.memory_space<vmem_shared>>
          tpu.enqueue_indirect_dma source(%dma_start3A_286 : memref<16x128xf32, #tpu.memory_space<vmem>>) target(%dma_start3A_289 : memref<10112x128xf32, #tpu.memory_space<vmem_shared>>) offsets(%get3A_283 : vector<16xi32>) semaphore(%arg34 : memref<!tpu.dma_semaphore, #tpu.memory_space<semaphore_mem>>) {add = true}
        } else {
        }
        %lt3A_277 = arith.constant 157 : i32
        %lt3A_278 = arith.cmpi slt, %sub3A_261, %lt3A_277 : i32
        %convert_element_type3A_279 = arith.extui %lt3A_278 : i1 to i32
        %cond3A_280 = arith.constant 0 : i32
        %cond3A_281 = arith.cmpi ne, %convert_element_type3A_279, %cond3A_280 : i32
        scf.if %cond3A_281 {
          %get3A_282 = arith.constant 48 : index
          %get3A_283 = tpu.vector_load %arg14[%get3A_282] {strides = array<i32>} : memref<64xi32, #tpu.memory_space<vmem>>, vector<16xi32>,
          %dma_start3A_284 = arith.constant 48 : i32
          %dma_start3A_285 = arith.constant 0 : i32
          %dma_start3A_286 = tpu.memref_slice %arg19[%dma_start3A_284, %dma_start3A_285] : memref<64x128xf32, #tpu.memory_space<vmem>> -> memref<16x128xf32, #tpu.memory_space<vmem>>
          %dma_start3A_287 = arith.constant 0 : i32
          %dma_start3A_288 = arith.constant 0 : i32
          %dma_start3A_289 = tpu.memref_slice %arg6[%dma_start3A_287, %dma_start3A_288] : memref<10112x128xf32, #tpu.memory_space<vmem_shared>> -> memref<10112x128xf32, #tpu.memory_space<vmem_shared>>
          tpu.enqueue_indirect_dma source(%dma_start3A_286 : memref<16x128xf32, #tpu.memory_space<vmem>>) target(%dma_start3A_289 : memref<10112x128xf32, #tpu.memory_space<vmem_shared>>) offsets(%get3A_283 : vector<16xi32>) semaphore(%arg34 : memref<!tpu.dma_semaphore, #tpu.memory_space<semaphore_mem>>) {add = true}
        } else {
        }
      } else {
      }
      %dma_wait3A_237 = arith.constant 0 : i32
      %dma_wait3A_238 = tpu.memref_slice %arg3[%dma_wait3A_237] : memref<320000xi32, #tpu.memory_space<hbm>> -> memref<64xi32, #tpu.memory_space<hbm>>
      %dma_wait3A_239 = arith.constant 0 : i32
      %dma_wait3A_240 = tpu.memref_slice %arg3[%dma_wait3A_239] : memref<320000xi32, #tpu.memory_space<hbm>> -> memref<64xi32, #tpu.memory_space<hbm>>
      tpu.wait_dma2 semaphore(%arg26 : memref<!tpu.dma_semaphore, #tpu.memory_space<semaphore_mem>>) src(%dma_wait3A_240 : memref<64xi32, #tpu.memory_space<hbm>>) dst(%arg11 : memref<64xi32, #tpu.memory_space<vmem>>)
      %dma_wait3A_241 = arith.constant 0 : i32
      %dma_wait3A_242 = tpu.memref_slice %arg4[%dma_wait3A_241] : memref<320000xi32, #tpu.memory_space<hbm>> -> memref<64xi32, #tpu.memory_space<hbm>>
      %dma_wait3A_243 = arith.constant 0 : i32
      %dma_wait3A_244 = tpu.memref_slice %arg4[%dma_wait3A_243] : memref<320000xi32, #tpu.memory_space<hbm>> -> memref<64xi32, #tpu.memory_space<hbm>>
      tpu.wait_dma2 semaphore(%arg26 : memref<!tpu.dma_semaphore, #tpu.memory_space<semaphore_mem>>) src(%dma_wait3A_244 : memref<64xi32, #tpu.memory_space<hbm>>) dst(%arg16 : memref<64xi32, #tpu.memory_space<vmem>>)
      %dma_start3A_245 = arith.constant 0 : i32
      %dma_start3A_246 = arith.constant 0 : i32
      %dma_start3A_247 = tpu.memref_slice %arg2[%dma_start3A_245, %dma_start3A_246] : memref<10000x128xf32, #tpu.memory_space<hbm>> -> memref<10000x128xf32, #tpu.memory_space<hbm>>
      tpu.enqueue_indirect_dma source(%dma_start3A_247 : memref<10000x128xf32, #tpu.memory_space<hbm>>) target(%arg21 : memref<64x128xf32, #tpu.memory_space<vmem>>) offsets(%arg11 : memref<64xi32, #tpu.memory_space<vmem>>) semaphore(%arg31 : memref<!tpu.dma_semaphore, #tpu.memory_space<semaphore_mem>>)
      %add3A_248 = arith.constant 2 : i32
      %add3A_249 = arith.addi %add3A_226, %add3A_248 : i32
      %lt3A_250 = arith.constant 160 : i32
      %lt3A_251 = arith.cmpi slt, %add3A_249, %lt3A_250 : i32
      %convert_element_type3A_252 = arith.extui %lt3A_251 : i1 to i32
      %cond3A_253 = arith.constant 0 : i32
      %cond3A_254 = arith.cmpi ne, %convert_element_type3A_252, %cond3A_253 : i32
      scf.if %cond3A_254 {
        %add3A_256 = arith.constant 2 : i32
        %add3A_257 = arith.addi %add3A_226, %add3A_256 : i32
        %mul3A_258 = arith.constant 64 : i32
        %mul3A_259 = arith.muli %add3A_257, %mul3A_258 : i32
        %min3A_260 = arith.constant 9936 : i32
        %min3A_261 = arith.minsi %mul3A_259, %min3A_260 : i32
        %add3A_262 = arith.addi %mul3A_4, %min3A_261 : i32
        %dma_start3A_263 = tpu.memref_slice %arg3[%add3A_262] : memref<320000xi32, #tpu.memory_space<hbm>> -> memref<64xi32, #tpu.memory_space<hbm>>
        %dma_start3A_264 = tpu.memref_slice %arg3[%add3A_262] : memref<320000xi32, #tpu.memory_space<hbm>> -> memref<64xi32, #tpu.memory_space<hbm>>
        tpu.enqueue_dma source(%dma_start3A_264 : memref<64xi32, #tpu.memory_space<hbm>>) target(%arg8 : memref<64xi32, #tpu.memory_space<vmem>>) target_semaphore(%arg23 : memref<!tpu.dma_semaphore, #tpu.memory_space<semaphore_mem>>)
        %dma_start3A_265 = tpu.memref_slice %arg4[%add3A_262] : memref<320000xi32, #tpu.memory_space<hbm>> -> memref<64xi32, #tpu.memory_space<hbm>>
        %dma_start3A_266 = tpu.memref_slice %arg4[%add3A_262] : memref<320000xi32, #tpu.memory_space<hbm>> -> memref<64xi32, #tpu.memory_space<hbm>>
        tpu.enqueue_dma source(%dma_start3A_266 : memref<64xi32, #tpu.memory_space<hbm>>) target(%arg13 : memref<64xi32, #tpu.memory_space<vmem>>) target_semaphore(%arg23 : memref<!tpu.dma_semaphore, #tpu.memory_space<semaphore_mem>>)
      } else {
      }
      %scan3A_255 = arith.constant 0 : i32
      scf.yield %scan3A_255 : i32
    }
    %scan3A_51 = arith.constant 32 : i32
    %dma_wait3A = arith.constant 0 : i32
    %dma_wait3A_52 = arith.constant 0 : i32
    %dma_wait3A_53 = tpu.memref_slice %arg2[%dma_wait3A, %dma_wait3A_52] : memref<10000x128xf32, #tpu.memory_space<hbm>> -> memref<10000x128xf32, #tpu.memory_space<hbm>>
    tpu.wait_indirect_dma semaphore(%arg30 : memref<!tpu.dma_semaphore, #tpu.memory_space<semaphore_mem>>) src(%dma_wait3A_53 : memref<10000x128xf32, #tpu.memory_space<hbm>>) dst(%arg20 : memref<64x128xf32, #tpu.memory_space<vmem>>)
    %dma_wait3A_54 = arith.constant 0 : i32
    %dma_wait3A_55 = arith.constant 0 : i32
    %dma_wait3A_56 = tpu.memref_slice %arg2[%dma_wait3A_54, %dma_wait3A_55] : memref<10000x128xf32, #tpu.memory_space<hbm>> -> memref<10000x128xf32, #tpu.memory_space<hbm>>
    tpu.wait_indirect_dma semaphore(%arg31 : memref<!tpu.dma_semaphore, #tpu.memory_space<semaphore_mem>>) src(%dma_wait3A_56 : memref<10000x128xf32, #tpu.memory_space<hbm>>) dst(%arg21 : memref<64x128xf32, #tpu.memory_space<vmem>>)
    %get3A = arith.constant 0 : index
    %get3A_57 = tpu.vector_load %arg12[%get3A] {strides = array<i32>} : memref<64xi32, #tpu.memory_space<vmem>>, vector<16xi32>,
    %dma_wait3A_58 = arith.constant 0 : i32
    %dma_wait3A_59 = arith.constant 0 : i32
    %dma_wait3A_60 = tpu.memref_slice %arg17[%dma_wait3A_58, %dma_wait3A_59] : memref<64x128xf32, #tpu.memory_space<vmem>> -> memref<16x128xf32, #tpu.memory_space<vmem>>
    %dma_wait3A_61 = arith.constant 0 : i32
    %dma_wait3A_62 = arith.constant 0 : i32
    %dma_wait3A_63 = tpu.memref_slice %arg6[%dma_wait3A_61, %dma_wait3A_62] : memref<10112x128xf32, #tpu.memory_space<vmem_shared>> -> memref<10112x128xf32, #tpu.memory_space<vmem_shared>>
    tpu.wait_indirect_dma semaphore(%arg32 : memref<!tpu.dma_semaphore, #tpu.memory_space<semaphore_mem>>) src(%dma_wait3A_60 : memref<16x128xf32, #tpu.memory_space<vmem>>) dst(%dma_wait3A_63 : memref<10112x128xf32, #tpu.memory_space<vmem_shared>>)
    %get3A_64 = arith.constant 16 : index
    %get3A_65 = tpu.vector_load %arg12[%get3A_64] {strides = array<i32>} : memref<64xi32, #tpu.memory_space<vmem>>, vector<16xi32>,
    %dma_wait3A_66 = arith.constant 16 : i32
    %dma_wait3A_67 = arith.constant 0 : i32
    %dma_wait3A_68 = tpu.memref_slice %arg17[%dma_wait3A_66, %dma_wait3A_67] : memref<64x128xf32, #tpu.memory_space<vmem>> -> memref<16x128xf32, #tpu.memory_space<vmem>>
    %dma_wait3A_69 = arith.constant 0 : i32
    %dma_wait3A_70 = arith.constant 0 : i32
    %dma_wait3A_71 = tpu.memref_slice %arg6[%dma_wait3A_69, %dma_wait3A_70] : memref<10112x128xf32, #tpu.memory_space<vmem_shared>> -> memref<10112x128xf32, #tpu.memory_space<vmem_shared>>
    tpu.wait_indirect_dma semaphore(%arg32 : memref<!tpu.dma_semaphore, #tpu.memory_space<semaphore_mem>>) src(%dma_wait3A_68 : memref<16x128xf32, #tpu.memory_space<vmem>>) dst(%dma_wait3A_71 : memref<10112x128xf32, #tpu.memory_space<vmem_shared>>)
    %get3A_72 = arith.constant 32 : index
    %get3A_73 = tpu.vector_load %arg12[%get3A_72] {strides = array<i32>} : memref<64xi32, #tpu.memory_space<vmem>>, vector<16xi32>,
    %dma_wait3A_74 = arith.constant 32 : i32
    %dma_wait3A_75 = arith.constant 0 : i32
    %dma_wait3A_76 = tpu.memref_slice %arg17[%dma_wait3A_74, %dma_wait3A_75] : memref<64x128xf32, #tpu.memory_space<vmem>> -> memref<16x128xf32, #tpu.memory_space<vmem>>
    %dma_wait3A_77 = arith.constant 0 : i32
    %dma_wait3A_78 = arith.constant 0 : i32
    %dma_wait3A_79 = tpu.memref_slice %arg6[%dma_wait3A_77, %dma_wait3A_78] : memref<10112x128xf32, #tpu.memory_space<vmem_shared>> -> memref<10112x128xf32, #tpu.memory_space<vmem_shared>>
    tpu.wait_indirect_dma semaphore(%arg32 : memref<!tpu.dma_semaphore, #tpu.memory_space<semaphore_mem>>) src(%dma_wait3A_76 : memref<16x128xf32, #tpu.memory_space<vmem>>) dst(%dma_wait3A_79 : memref<10112x128xf32, #tpu.memory_space<vmem_shared>>)
    %get3A_80 = arith.constant 48 : index
    %get3A_81 = tpu.vector_load %arg12[%get3A_80] {strides = array<i32>} : memref<64xi32, #tpu.memory_space<vmem>>, vector<16xi32>,
    %dma_wait3A_82 = arith.constant 48 : i32
    %dma_wait3A_83 = arith.constant 0 : i32
    %dma_wait3A_84 = tpu.memref_slice %arg17[%dma_wait3A_82, %dma_wait3A_83] : memref<64x128xf32, #tpu.memory_space<vmem>> -> memref<16x128xf32, #tpu.memory_space<vmem>>
    %dma_wait3A_85 = arith.constant 0 : i32
    %dma_wait3A_86 = arith.constant 0 : i32
    %dma_wait3A_87 = tpu.memref_slice %arg6[%dma_wait3A_85, %dma_wait3A_86] : memref<10112x128xf32, #tpu.memory_space<vmem_shared>> -> memref<10112x128xf32, #tpu.memory_space<vmem_shared>>
    tpu.wait_indirect_dma semaphore(%arg32 : memref<!tpu.dma_semaphore, #tpu.memory_space<semaphore_mem>>) src(%dma_wait3A_84 : memref<16x128xf32, #tpu.memory_space<vmem>>) dst(%dma_wait3A_87 : memref<10112x128xf32, #tpu.memory_space<vmem_shared>>)
    %get3A_88 = arith.constant 48 : index
    %get3A_89 = tpu.vector_load %arg13[%get3A_88] {strides = array<i32>} : memref<64xi32, #tpu.memory_space<vmem>>, vector<16xi32>,
    %dma_wait3A_90 = arith.constant 48 : i32
    %dma_wait3A_91 = arith.constant 0 : i32
    %dma_wait3A_92 = tpu.memref_slice %arg18[%dma_wait3A_90, %dma_wait3A_91] : memref<64x128xf32, #tpu.memory_space<vmem>> -> memref<16x128xf32, #tpu.memory_space<vmem>>
    %dma_wait3A_93 = arith.constant 0 : i32
    %dma_wait3A_94 = arith.constant 0 : i32
    %dma_wait3A_95 = tpu.memref_slice %arg6[%dma_wait3A_93, %dma_wait3A_94] : memref<10112x128xf32, #tpu.memory_space<vmem_shared>> -> memref<10112x128xf32, #tpu.memory_space<vmem_shared>>
    tpu.wait_indirect_dma semaphore(%arg33 : memref<!tpu.dma_semaphore, #tpu.memory_space<semaphore_mem>>) src(%dma_wait3A_92 : memref<16x128xf32, #tpu.memory_space<vmem>>) dst(%dma_wait3A_95 : memref<10112x128xf32, #tpu.memory_space<vmem_shared>>)
    %barrier3A_96 = arith.constant 0 : index
    tpu.barrier barrier_id(%barrier3A_96)
    "tpu.region"() ({
      %run_scoped3A = tpu.sem_alloc : memref<!tpu.dma_semaphore, #tpu.memory_space<semaphore_mem>>
      %dma_start3A_97 = arith.constant 0 : i32
      %dma_start3A_98 = arith.constant 0 : i32
      %dma_start3A_99 = tpu.memref_slice %arg5[%arg0, %dma_start3A_97, %dma_start3A_98] : memref<2x10112x128xf32, #tpu.memory_space<hbm>> -> memref<1x10112x128xf32, #tpu.memory_space<hbm>>
      %dma_start3A_100 = tpu.memref_squeeze %dma_start3A_99 : memref<1x10112x128xf32, #tpu.memory_space<hbm>> -> memref<10112x128xf32, #tpu.memory_space<hbm>>
      %dma_start3A_101 = arith.constant 0 : i32
      %dma_start3A_102 = tpu.memref_slice %dma_start3A_100[%mul3A_0, %dma_start3A_101] : memref<10112x128xf32, #tpu.memory_space<hbm>> -> memref<632x128xf32, #tpu.memory_space<hbm>>
      %dma_start3A_103 = arith.constant 0 : i32
      %dma_start3A_104 = tpu.memref_slice %arg6[%mul3A_0, %dma_start3A_103] : memref<10112x128xf32, #tpu.memory_space<vmem_shared>> -> memref<632x128xf32, #tpu.memory_space<vmem_shared>>
      tpu.enqueue_dma source(%dma_start3A_104 : memref<632x128xf32, #tpu.memory_space<vmem_shared>>) target(%dma_start3A_102 : memref<632x128xf32, #tpu.memory_space<hbm>>) target_semaphore(%run_scoped3A : memref<!tpu.dma_semaphore, #tpu.memory_space<semaphore_mem>>)
      %dma_wait3A_105 = arith.constant 0 : i32
      %dma_wait3A_106 = arith.constant 0 : i32
      %dma_wait3A_107 = tpu.memref_slice %arg5[%arg0, %dma_wait3A_105, %dma_wait3A_106] : memref<2x10112x128xf32, #tpu.memory_space<hbm>> -> memref<1x10112x128xf32, #tpu.memory_space<hbm>>
      %dma_wait3A_108 = tpu.memref_squeeze %dma_wait3A_107 : memref<1x10112x128xf32, #tpu.memory_space<hbm>> -> memref<10112x128xf32, #tpu.memory_space<hbm>>
      %dma_wait3A_109 = arith.constant 0 : i32
      %dma_wait3A_110 = tpu.memref_slice %dma_wait3A_108[%mul3A_0, %dma_wait3A_109] : memref<10112x128xf32, #tpu.memory_space<hbm>> -> memref<632x128xf32, #tpu.memory_space<hbm>>
      %dma_wait3A_111 = arith.constant 0 : i32
      %dma_wait3A_112 = tpu.memref_slice %arg6[%mul3A_0, %dma_wait3A_111] : memref<10112x128xf32, #tpu.memory_space<vmem_shared>> -> memref<632x128xf32, #tpu.memory_space<vmem_shared>>
      tpu.wait_dma2 semaphore(%run_scoped3A : memref<!tpu.dma_semaphore, #tpu.memory_space<semaphore_mem>>) src(%dma_wait3A_112 : memref<632x128xf32, #tpu.memory_space<vmem_shared>>) dst(%dma_wait3A_110 : memref<632x128xf32, #tpu.memory_space<hbm>>)
      tpu.yield
    }) : () -> ()
    return
  }
}

#map = affine_map<(d0, d1) -> (0, 0)>
#map1 = affine_map<(d0, d1) -> (0)>
#map2 = affine_map<(d0, d1) -> (0, 0, 0)>
module attributes {stable_mosaic.version = 14 : i64} {
  func.func @_prop_stage(%arg0: i32, %arg1: i32, %arg2: memref<10000x128xf32, #tpu.memory_space<hbm>>, %arg3: memref<320000xi32, #tpu.memory_space<hbm>>, %arg4: memref<320000xi32, #tpu.memory_space<hbm>>, %arg5: memref<2x10112x128xf32, #tpu.memory_space<hbm>>, %arg6: memref<10112x128xf32, #tpu.memory_space<vmem_shared>>, %arg7: memref<64xi32, #tpu.memory_space<vmem>>, %arg8: memref<64xi32, #tpu.memory_space<vmem>>, %arg9: memref<64xi32, #tpu.memory_space<vmem>>, %arg10: memref<64xi32, #tpu.memory_space<vmem>>, %arg11: memref<64xi32, #tpu.memory_space<vmem>>, %arg12: memref<64xi32, #tpu.memory_space<vmem>>, %arg13: memref<64xi32, #tpu.memory_space<vmem>>, %arg14: memref<64xi32, #tpu.memory_space<vmem>>, %arg15: memref<64xi32, #tpu.memory_space<vmem>>, %arg16: memref<64xi32, #tpu.memory_space<vmem>>, %arg17: memref<64x128xf32, #tpu.memory_space<vmem>>, %arg18: memref<64x128xf32, #tpu.memory_space<vmem>>, %arg19: memref<64x128xf32, #tpu.memory_space<vmem>>, %arg20: memref<64x128xf32, #tpu.memory_space<vmem>>, %arg21: memref<64x128xf32, #tpu.memory_space<vmem>>, %arg22: memref<!tpu.dma_semaphore, #tpu.memory_space<semaphore_mem>>, %arg23: memref<!tpu.dma_semaphore, #tpu.memory_space<semaphore_mem>>, %arg24: memref<!tpu.dma_semaphore, #tpu.memory_space<semaphore_mem>>, %arg25: memref<!tpu.dma_semaphore, #tpu.memory_space<semaphore_mem>>, %arg26: memref<!tpu.dma_semaphore, #tpu.memory_space<semaphore_mem>>, %arg27: memref<!tpu.dma_semaphore, #tpu.memory_space<semaphore_mem>>, %arg28: memref<!tpu.dma_semaphore, #tpu.memory_space<semaphore_mem>>, %arg29: memref<!tpu.dma_semaphore, #tpu.memory_space<semaphore_mem>>, %arg30: memref<!tpu.dma_semaphore, #tpu.memory_space<semaphore_mem>>, %arg31: memref<!tpu.dma_semaphore, #tpu.memory_space<semaphore_mem>>, %arg32: memref<!tpu.dma_semaphore, #tpu.memory_space<semaphore_mem>>, %arg33: memref<!tpu.dma_semaphore, #tpu.memory_space<semaphore_mem>>, %arg34: memref<!tpu.dma_semaphore, #tpu.memory_space<semaphore_mem>>, %arg35: memref<!tpu.dma_semaphore, #tpu.memory_space<semaphore_mem>>, %arg36: memref<!tpu.dma_semaphore, #tpu.memory_space<semaphore_mem>>) attributes {dimension_semantics = [#tpu.dimension_semantics<core_parallel>, #tpu.dimension_semantics<subcore_parallel>], iteration_bounds = array<i64: 2, 16>, scalar_prefetch = 0 : i64, scratch_operands = 31 : i64, tpu.core_type = #tpu.core_type<sc_vector_subcore>, window_params = [{transform_indices = #map}, {transform_indices = #map1}, {transform_indices = #map1}, {transform_indices = #map2}]} {
    %mul3A = arith.constant 632 : i32
    %mul3A_0 = arith.muli %arg1, %mul3A : i32
    %mul3A_1 = arith.constant 16 : i32
    %mul3A_2 = arith.muli %arg0, %mul3A_1 : i32
    %add3A = arith.addi %mul3A_2, %arg1 : i32
    %mul3A_3 = arith.constant 10000 : i32
    %mul3A_4 = arith.muli %add3A, %mul3A_3 : i32
    %scan3A = arith.constant 0 : i32
    %scan3A_5 = arith.constant 0 : i32
    %scan3A_6 = arith.constant 512 : i32
    %scan3A_7 = arith.addi %scan3A_5, %scan3A_6 : i32
    %scan3A_8 = arith.constant 1 : i32
    %scan3A_9 = scf.for %scan3A_97 = %scan3A_5 to %scan3A_7 step %scan3A_8 iter_args(%scan3A_98 = %scan3A) -> (i32)  : i32 {
      %jit3A = arith.constant 8 : i32
      %div3A = arith.divsi %scan3A_97, %jit3A : i32
      %sign3A = arith.constant 0 : i32
      %sign3A_99 = arith.cmpi sgt, %scan3A_97, %sign3A : i32
      %sign3A_100 = arith.extui %sign3A_99 : i1 to i32
      %sign3A_101 = arith.constant 0 : i32
      %sign3A_102 = arith.cmpi slt, %scan3A_97, %sign3A_101 : i32
      %sign3A_103 = arith.extui %sign3A_102 : i1 to i32
      %sign3A_104 = arith.subi %sign3A_100, %sign3A_103 : i32
      %sign3A_105 = arith.constant 0 : i32
      %sign3A_106 = arith.cmpi sgt, %jit3A, %sign3A_105 : i32
      %sign3A_107 = arith.extui %sign3A_106 : i1 to i32
      %sign3A_108 = arith.constant 0 : i32
      %sign3A_109 = arith.cmpi slt, %jit3A, %sign3A_108 : i32
      %sign3A_110 = arith.extui %sign3A_109 : i1 to i32
      %sign3A_111 = arith.subi %sign3A_107, %sign3A_110 : i32
      %ne3A = arith.cmpi ne, %sign3A_104, %sign3A_111 : i32
      %rem3A = arith.remsi %scan3A_97, %jit3A : i32
      %ne3A_112 = arith.constant 0 : i32
      %ne3A_113 = arith.cmpi ne, %rem3A, %ne3A_112 : i32
      %and3A = arith.andi %ne3A, %ne3A_113 : i1
      %sub3A = arith.constant 1 : i32
      %sub3A_114 = arith.subi %div3A, %sub3A : i32
      %select_n3A = arith.select %and3A, %sub3A_114, %div3A : i32
      %jit3A_115 = arith.constant 8 : i32
      %eq3A = arith.constant 0 : i32
      %eq3A_116 = arith.cmpi eq, %jit3A_115, %eq3A : i32
      %jit3A_117 = arith.constant 1 : i32
      %select_n3A_118 = arith.select %eq3A_116, %jit3A_117, %jit3A_115 : i32
      %rem3A_119 = arith.remsi %scan3A_97, %select_n3A_118 : i32
      %ne3A_120 = arith.constant 0 : i32
      %ne3A_121 = arith.cmpi ne, %rem3A_119, %ne3A_120 : i32
      %lt3A = arith.constant 0 : i32
      %lt3A_122 = arith.cmpi slt, %rem3A_119, %lt3A : i32
      %lt3A_123 = arith.constant 0 : i32
      %lt3A_124 = arith.cmpi slt, %select_n3A_118, %lt3A_123 : i32
      %ne3A_125 = arith.xori %lt3A_122, %lt3A_124 : i1
      %and3A_126 = arith.andi %ne3A_125, %ne3A_121 : i1
      %add3A_127 = arith.addi %rem3A_119, %select_n3A_118 : i32
      %select_n3A_128 = arith.select %and3A_126, %add3A_127, %rem3A_119 : i32
      %mul3A_129 = arith.constant 16 : i32
      %mul3A_130 = arith.muli %select_n3A_128, %mul3A_129 : i32
      %broadcast_in_dim3A = arith.constant 0.000000e+00 : f32
      %broadcast_in_dim3A_131 = vector.broadcast %broadcast_in_dim3A : f32 to vector<16xf32>
      %swap3A = arith.index_cast %select_n3A : i32 to index
      %swap3A_132 = arith.index_cast %mul3A_130 : i32 to index
      %swap3A_133 = tpu.vector_load %arg17[%swap3A, %swap3A_132] {strides = array<i32>} : memref<64x128xf32, #tpu.memory_space<vmem>>, vector<16xf32>,
      tpu.vector_store %arg17[%swap3A, %swap3A_132], %broadcast_in_dim3A_131 {strides = array<i32>} : memref<64x128xf32, #tpu.memory_space<vmem>>, vector<16xf32>,
      %scan3A_134 = arith.constant 0 : i32
      scf.yield %scan3A_134 : i32
    }
    %scan3A_10 = arith.constant 512 : i32
    %add3A_11 = arith.constant 0 : i32
    %add3A_12 = arith.addi %mul3A_0, %add3A_11 : i32
    "tpu.region"() ({
      %run_scoped3A = tpu.sem_alloc : memref<!tpu.dma_semaphore, #tpu.memory_space<semaphore_mem>>
      %dma_start3A_97 = arith.constant 0 : i32
      %dma_start3A_98 = tpu.memref_slice %arg6[%add3A_12, %dma_start3A_97] : memref<10112x128xf32, #tpu.memory_space<vmem_shared>> -> memref<64x128xf32, #tpu.memory_space<vmem_shared>>
      %dma_start3A_99 = arith.constant 0 : i32
      %dma_start3A_100 = tpu.memref_slice %arg6[%add3A_12, %dma_start3A_99] : memref<10112x128xf32, #tpu.memory_space<vmem_shared>> -> memref<64x128xf32, #tpu.memory_space<vmem_shared>>
      tpu.enqueue_dma source(%arg17 : memref<64x128xf32, #tpu.memory_space<vmem>>) target(%dma_start3A_100 : memref<64x128xf32, #tpu.memory_space<vmem_shared>>) target_semaphore(%run_scoped3A : memref<!tpu.dma_semaphore, #tpu.memory_space<semaphore_mem>>)
      %dma_wait3A_101 = arith.constant 0 : i32
      %dma_wait3A_102 = tpu.memref_slice %arg6[%add3A_12, %dma_wait3A_101] : memref<10112x128xf32, #tpu.memory_space<vmem_shared>> -> memref<64x128xf32, #tpu.memory_space<vmem_shared>>
      %dma_wait3A_103 = arith.constant 0 : i32
      %dma_wait3A_104 = tpu.memref_slice %arg6[%add3A_12, %dma_wait3A_103] : memref<10112x128xf32, #tpu.memory_space<vmem_shared>> -> memref<64x128xf32, #tpu.memory_space<vmem_shared>>
      tpu.wait_dma2 semaphore(%run_scoped3A : memref<!tpu.dma_semaphore, #tpu.memory_space<semaphore_mem>>) src(%arg17 : memref<64x128xf32, #tpu.memory_space<vmem>>) dst(%dma_wait3A_104 : memref<64x128xf32, #tpu.memory_space<vmem_shared>>)
      tpu.yield
    }) : () -> ()
    %add3A_13 = arith.constant 64 : i32
    %add3A_14 = arith.addi %mul3A_0, %add3A_13 : i32
    "tpu.region"() ({
      %run_scoped3A = tpu.sem_alloc : memref<!tpu.dma_semaphore, #tpu.memory_space<semaphore_mem>>
      %dma_start3A_97 = arith.constant 0 : i32
      %dma_start3A_98 = tpu.memref_slice %arg6[%add3A_14, %dma_start3A_97] : memref<10112x128xf32, #tpu.memory_space<vmem_shared>> -> memref<64x128xf32, #tpu.memory_space<vmem_shared>>
      %dma_start3A_99 = arith.constant 0 : i32
      %dma_start3A_100 = tpu.memref_slice %arg6[%add3A_14, %dma_start3A_99] : memref<10112x128xf32, #tpu.memory_space<vmem_shared>> -> memref<64x128xf32, #tpu.memory_space<vmem_shared>>
      tpu.enqueue_dma source(%arg17 : memref<64x128xf32, #tpu.memory_space<vmem>>) target(%dma_start3A_100 : memref<64x128xf32, #tpu.memory_space<vmem_shared>>) target_semaphore(%run_scoped3A : memref<!tpu.dma_semaphore, #tpu.memory_space<semaphore_mem>>)
      %dma_wait3A_101 = arith.constant 0 : i32
      %dma_wait3A_102 = tpu.memref_slice %arg6[%add3A_14, %dma_wait3A_101] : memref<10112x128xf32, #tpu.memory_space<vmem_shared>> -> memref<64x128xf32, #tpu.memory_space<vmem_shared>>
      %dma_wait3A_103 = arith.constant 0 : i32
      %dma_wait3A_104 = tpu.memref_slice %arg6[%add3A_14, %dma_wait3A_103] : memref<10112x128xf32, #tpu.memory_space<vmem_shared>> -> memref<64x128xf32, #tpu.memory_space<vmem_shared>>
      tpu.wait_dma2 semaphore(%run_scoped3A : memref<!tpu.dma_semaphore, #tpu.memory_space<semaphore_mem>>) src(%arg17 : memref<64x128xf32, #tpu.memory_space<vmem>>) dst(%dma_wait3A_104 : memref<64x128xf32, #tpu.memory_space<vmem_shared>>)
      tpu.yield
    }) : () -> ()
    %add3A_15 = arith.constant 128 : i32
    %add3A_16 = arith.addi %mul3A_0, %add3A_15 : i32
    "tpu.region"() ({
      %run_scoped3A = tpu.sem_alloc : memref<!tpu.dma_semaphore, #tpu.memory_space<semaphore_mem>>
      %dma_start3A_97 = arith.constant 0 : i32
      %dma_start3A_98 = tpu.memref_slice %arg6[%add3A_16, %dma_start3A_97] : memref<10112x128xf32, #tpu.memory_space<vmem_shared>> -> memref<64x128xf32, #tpu.memory_space<vmem_shared>>
      %dma_start3A_99 = arith.constant 0 : i32
      %dma_start3A_100 = tpu.memref_slice %arg6[%add3A_16, %dma_start3A_99] : memref<10112x128xf32, #tpu.memory_space<vmem_shared>> -> memref<64x128xf32, #tpu.memory_space<vmem_shared>>
      tpu.enqueue_dma source(%arg17 : memref<64x128xf32, #tpu.memory_space<vmem>>) target(%dma_start3A_100 : memref<64x128xf32, #tpu.memory_space<vmem_shared>>) target_semaphore(%run_scoped3A : memref<!tpu.dma_semaphore, #tpu.memory_space<semaphore_mem>>)
      %dma_wait3A_101 = arith.constant 0 : i32
      %dma_wait3A_102 = tpu.memref_slice %arg6[%add3A_16, %dma_wait3A_101] : memref<10112x128xf32, #tpu.memory_space<vmem_shared>> -> memref<64x128xf32, #tpu.memory_space<vmem_shared>>
      %dma_wait3A_103 = arith.constant 0 : i32
      %dma_wait3A_104 = tpu.memref_slice %arg6[%add3A_16, %dma_wait3A_103] : memref<10112x128xf32, #tpu.memory_space<vmem_shared>> -> memref<64x128xf32, #tpu.memory_space<vmem_shared>>
      tpu.wait_dma2 semaphore(%run_scoped3A : memref<!tpu.dma_semaphore, #tpu.memory_space<semaphore_mem>>) src(%arg17 : memref<64x128xf32, #tpu.memory_space<vmem>>) dst(%dma_wait3A_104 : memref<64x128xf32, #tpu.memory_space<vmem_shared>>)
      tpu.yield
    }) : () -> ()
    %add3A_17 = arith.constant 192 : i32
    %add3A_18 = arith.addi %mul3A_0, %add3A_17 : i32
    "tpu.region"() ({
      %run_scoped3A = tpu.sem_alloc : memref<!tpu.dma_semaphore, #tpu.memory_space<semaphore_mem>>
      %dma_start3A_97 = arith.constant 0 : i32
      %dma_start3A_98 = tpu.memref_slice %arg6[%add3A_18, %dma_start3A_97] : memref<10112x128xf32, #tpu.memory_space<vmem_shared>> -> memref<64x128xf32, #tpu.memory_space<vmem_shared>>
      %dma_start3A_99 = arith.constant 0 : i32
      %dma_start3A_100 = tpu.memref_slice %arg6[%add3A_18, %dma_start3A_99] : memref<10112x128xf32, #tpu.memory_space<vmem_shared>> -> memref<64x128xf32, #tpu.memory_space<vmem_shared>>
      tpu.enqueue_dma source(%arg17 : memref<64x128xf32, #tpu.memory_space<vmem>>) target(%dma_start3A_100 : memref<64x128xf32, #tpu.memory_space<vmem_shared>>) target_semaphore(%run_scoped3A : memref<!tpu.dma_semaphore, #tpu.memory_space<semaphore_mem>>)
      %dma_wait3A_101 = arith.constant 0 : i32
      %dma_wait3A_102 = tpu.memref_slice %arg6[%add3A_18, %dma_wait3A_101] : memref<10112x128xf32, #tpu.memory_space<vmem_shared>> -> memref<64x128xf32, #tpu.memory_space<vmem_shared>>
      %dma_wait3A_103 = arith.constant 0 : i32
      %dma_wait3A_104 = tpu.memref_slice %arg6[%add3A_18, %dma_wait3A_103] : memref<10112x128xf32, #tpu.memory_space<vmem_shared>> -> memref<64x128xf32, #tpu.memory_space<vmem_shared>>
      tpu.wait_dma2 semaphore(%run_scoped3A : memref<!tpu.dma_semaphore, #tpu.memory_space<semaphore_mem>>) src(%arg17 : memref<64x128xf32, #tpu.memory_space<vmem>>) dst(%dma_wait3A_104 : memref<64x128xf32, #tpu.memory_space<vmem_shared>>)
      tpu.yield
    }) : () -> ()
    %add3A_19 = arith.constant 256 : i32
    %add3A_20 = arith.addi %mul3A_0, %add3A_19 : i32
    "tpu.region"() ({
      %run_scoped3A = tpu.sem_alloc : memref<!tpu.dma_semaphore, #tpu.memory_space<semaphore_mem>>
      %dma_start3A_97 = arith.constant 0 : i32
      %dma_start3A_98 = tpu.memref_slice %arg6[%add3A_20, %dma_start3A_97] : memref<10112x128xf32, #tpu.memory_space<vmem_shared>> -> memref<64x128xf32, #tpu.memory_space<vmem_shared>>
      %dma_start3A_99 = arith.constant 0 : i32
      %dma_start3A_100 = tpu.memref_slice %arg6[%add3A_20, %dma_start3A_99] : memref<10112x128xf32, #tpu.memory_space<vmem_shared>> -> memref<64x128xf32, #tpu.memory_space<vmem_shared>>
      tpu.enqueue_dma source(%arg17 : memref<64x128xf32, #tpu.memory_space<vmem>>) target(%dma_start3A_100 : memref<64x128xf32, #tpu.memory_space<vmem_shared>>) target_semaphore(%run_scoped3A : memref<!tpu.dma_semaphore, #tpu.memory_space<semaphore_mem>>)
      %dma_wait3A_101 = arith.constant 0 : i32
      %dma_wait3A_102 = tpu.memref_slice %arg6[%add3A_20, %dma_wait3A_101] : memref<10112x128xf32, #tpu.memory_space<vmem_shared>> -> memref<64x128xf32, #tpu.memory_space<vmem_shared>>
      %dma_wait3A_103 = arith.constant 0 : i32
      %dma_wait3A_104 = tpu.memref_slice %arg6[%add3A_20, %dma_wait3A_103] : memref<10112x128xf32, #tpu.memory_space<vmem_shared>> -> memref<64x128xf32, #tpu.memory_space<vmem_shared>>
      tpu.wait_dma2 semaphore(%run_scoped3A : memref<!tpu.dma_semaphore, #tpu.memory_space<semaphore_mem>>) src(%arg17 : memref<64x128xf32, #tpu.memory_space<vmem>>) dst(%dma_wait3A_104 : memref<64x128xf32, #tpu.memory_space<vmem_shared>>)
      tpu.yield
    }) : () -> ()
    %add3A_21 = arith.constant 320 : i32
    %add3A_22 = arith.addi %mul3A_0, %add3A_21 : i32
    "tpu.region"() ({
      %run_scoped3A = tpu.sem_alloc : memref<!tpu.dma_semaphore, #tpu.memory_space<semaphore_mem>>
      %dma_start3A_97 = arith.constant 0 : i32
      %dma_start3A_98 = tpu.memref_slice %arg6[%add3A_22, %dma_start3A_97] : memref<10112x128xf32, #tpu.memory_space<vmem_shared>> -> memref<64x128xf32, #tpu.memory_space<vmem_shared>>
      %dma_start3A_99 = arith.constant 0 : i32
      %dma_start3A_100 = tpu.memref_slice %arg6[%add3A_22, %dma_start3A_99] : memref<10112x128xf32, #tpu.memory_space<vmem_shared>> -> memref<64x128xf32, #tpu.memory_space<vmem_shared>>
      tpu.enqueue_dma source(%arg17 : memref<64x128xf32, #tpu.memory_space<vmem>>) target(%dma_start3A_100 : memref<64x128xf32, #tpu.memory_space<vmem_shared>>) target_semaphore(%run_scoped3A : memref<!tpu.dma_semaphore, #tpu.memory_space<semaphore_mem>>)
      %dma_wait3A_101 = arith.constant 0 : i32
      %dma_wait3A_102 = tpu.memref_slice %arg6[%add3A_22, %dma_wait3A_101] : memref<10112x128xf32, #tpu.memory_space<vmem_shared>> -> memref<64x128xf32, #tpu.memory_space<vmem_shared>>
      %dma_wait3A_103 = arith.constant 0 : i32
      %dma_wait3A_104 = tpu.memref_slice %arg6[%add3A_22, %dma_wait3A_103] : memref<10112x128xf32, #tpu.memory_space<vmem_shared>> -> memref<64x128xf32, #tpu.memory_space<vmem_shared>>
      tpu.wait_dma2 semaphore(%run_scoped3A : memref<!tpu.dma_semaphore, #tpu.memory_space<semaphore_mem>>) src(%arg17 : memref<64x128xf32, #tpu.memory_space<vmem>>) dst(%dma_wait3A_104 : memref<64x128xf32, #tpu.memory_space<vmem_shared>>)
      tpu.yield
    }) : () -> ()
    %add3A_23 = arith.constant 384 : i32
    %add3A_24 = arith.addi %mul3A_0, %add3A_23 : i32
    "tpu.region"() ({
      %run_scoped3A = tpu.sem_alloc : memref<!tpu.dma_semaphore, #tpu.memory_space<semaphore_mem>>
      %dma_start3A_97 = arith.constant 0 : i32
      %dma_start3A_98 = tpu.memref_slice %arg6[%add3A_24, %dma_start3A_97] : memref<10112x128xf32, #tpu.memory_space<vmem_shared>> -> memref<64x128xf32, #tpu.memory_space<vmem_shared>>
      %dma_start3A_99 = arith.constant 0 : i32
      %dma_start3A_100 = tpu.memref_slice %arg6[%add3A_24, %dma_start3A_99] : memref<10112x128xf32, #tpu.memory_space<vmem_shared>> -> memref<64x128xf32, #tpu.memory_space<vmem_shared>>
      tpu.enqueue_dma source(%arg17 : memref<64x128xf32, #tpu.memory_space<vmem>>) target(%dma_start3A_100 : memref<64x128xf32, #tpu.memory_space<vmem_shared>>) target_semaphore(%run_scoped3A : memref<!tpu.dma_semaphore, #tpu.memory_space<semaphore_mem>>)
      %dma_wait3A_101 = arith.constant 0 : i32
      %dma_wait3A_102 = tpu.memref_slice %arg6[%add3A_24, %dma_wait3A_101] : memref<10112x128xf32, #tpu.memory_space<vmem_shared>> -> memref<64x128xf32, #tpu.memory_space<vmem_shared>>
      %dma_wait3A_103 = arith.constant 0 : i32
      %dma_wait3A_104 = tpu.memref_slice %arg6[%add3A_24, %dma_wait3A_103] : memref<10112x128xf32, #tpu.memory_space<vmem_shared>> -> memref<64x128xf32, #tpu.memory_space<vmem_shared>>
      tpu.wait_dma2 semaphore(%run_scoped3A : memref<!tpu.dma_semaphore, #tpu.memory_space<semaphore_mem>>) src(%arg17 : memref<64x128xf32, #tpu.memory_space<vmem>>) dst(%dma_wait3A_104 : memref<64x128xf32, #tpu.memory_space<vmem_shared>>)
      tpu.yield
    }) : () -> ()
    %add3A_25 = arith.constant 448 : i32
    %add3A_26 = arith.addi %mul3A_0, %add3A_25 : i32
    "tpu.region"() ({
      %run_scoped3A = tpu.sem_alloc : memref<!tpu.dma_semaphore, #tpu.memory_space<semaphore_mem>>
      %dma_start3A_97 = arith.constant 0 : i32
      %dma_start3A_98 = tpu.memref_slice %arg6[%add3A_26, %dma_start3A_97] : memref<10112x128xf32, #tpu.memory_space<vmem_shared>> -> memref<64x128xf32, #tpu.memory_space<vmem_shared>>
      %dma_start3A_99 = arith.constant 0 : i32
      %dma_start3A_100 = tpu.memref_slice %arg6[%add3A_26, %dma_start3A_99] : memref<10112x128xf32, #tpu.memory_space<vmem_shared>> -> memref<64x128xf32, #tpu.memory_space<vmem_shared>>
      tpu.enqueue_dma source(%arg17 : memref<64x128xf32, #tpu.memory_space<vmem>>) target(%dma_start3A_100 : memref<64x128xf32, #tpu.memory_space<vmem_shared>>) target_semaphore(%run_scoped3A : memref<!tpu.dma_semaphore, #tpu.memory_space<semaphore_mem>>)
      %dma_wait3A_101 = arith.constant 0 : i32
      %dma_wait3A_102 = tpu.memref_slice %arg6[%add3A_26, %dma_wait3A_101] : memref<10112x128xf32, #tpu.memory_space<vmem_shared>> -> memref<64x128xf32, #tpu.memory_space<vmem_shared>>
      %dma_wait3A_103 = arith.constant 0 : i32
      %dma_wait3A_104 = tpu.memref_slice %arg6[%add3A_26, %dma_wait3A_103] : memref<10112x128xf32, #tpu.memory_space<vmem_shared>> -> memref<64x128xf32, #tpu.memory_space<vmem_shared>>
      tpu.wait_dma2 semaphore(%run_scoped3A : memref<!tpu.dma_semaphore, #tpu.memory_space<semaphore_mem>>) src(%arg17 : memref<64x128xf32, #tpu.memory_space<vmem>>) dst(%dma_wait3A_104 : memref<64x128xf32, #tpu.memory_space<vmem_shared>>)
      tpu.yield
    }) : () -> ()
    %add3A_27 = arith.constant 512 : i32
    %add3A_28 = arith.addi %mul3A_0, %add3A_27 : i32
    "tpu.region"() ({
      %run_scoped3A = tpu.sem_alloc : memref<!tpu.dma_semaphore, #tpu.memory_space<semaphore_mem>>
      %dma_start3A_97 = arith.constant 0 : i32
      %dma_start3A_98 = tpu.memref_slice %arg6[%add3A_28, %dma_start3A_97] : memref<10112x128xf32, #tpu.memory_space<vmem_shared>> -> memref<64x128xf32, #tpu.memory_space<vmem_shared>>
      %dma_start3A_99 = arith.constant 0 : i32
      %dma_start3A_100 = tpu.memref_slice %arg6[%add3A_28, %dma_start3A_99] : memref<10112x128xf32, #tpu.memory_space<vmem_shared>> -> memref<64x128xf32, #tpu.memory_space<vmem_shared>>
      tpu.enqueue_dma source(%arg17 : memref<64x128xf32, #tpu.memory_space<vmem>>) target(%dma_start3A_100 : memref<64x128xf32, #tpu.memory_space<vmem_shared>>) target_semaphore(%run_scoped3A : memref<!tpu.dma_semaphore, #tpu.memory_space<semaphore_mem>>)
      %dma_wait3A_101 = arith.constant 0 : i32
      %dma_wait3A_102 = tpu.memref_slice %arg6[%add3A_28, %dma_wait3A_101] : memref<10112x128xf32, #tpu.memory_space<vmem_shared>> -> memref<64x128xf32, #tpu.memory_space<vmem_shared>>
      %dma_wait3A_103 = arith.constant 0 : i32
      %dma_wait3A_104 = tpu.memref_slice %arg6[%add3A_28, %dma_wait3A_103] : memref<10112x128xf32, #tpu.memory_space<vmem_shared>> -> memref<64x128xf32, #tpu.memory_space<vmem_shared>>
      tpu.wait_dma2 semaphore(%run_scoped3A : memref<!tpu.dma_semaphore, #tpu.memory_space<semaphore_mem>>) src(%arg17 : memref<64x128xf32, #tpu.memory_space<vmem>>) dst(%dma_wait3A_104 : memref<64x128xf32, #tpu.memory_space<vmem_shared>>)
      tpu.yield
    }) : () -> ()
    %add3A_29 = arith.constant 576 : i32
    %add3A_30 = arith.addi %mul3A_0, %add3A_29 : i32
    "tpu.region"() ({
      %run_scoped3A = tpu.sem_alloc : memref<!tpu.dma_semaphore, #tpu.memory_space<semaphore_mem>>
      %dma_start3A_97 = arith.constant 0 : i32
      %dma_start3A_98 = arith.constant 0 : i32
      %dma_start3A_99 = tpu.memref_slice %arg17[%dma_start3A_97, %dma_start3A_98] : memref<64x128xf32, #tpu.memory_space<vmem>> -> memref<56x128xf32, #tpu.memory_space<vmem>>
      %dma_start3A_100 = arith.constant 0 : i32
      %dma_start3A_101 = tpu.memref_slice %arg6[%add3A_30, %dma_start3A_100] : memref<10112x128xf32, #tpu.memory_space<vmem_shared>> -> memref<56x128xf32, #tpu.memory_space<vmem_shared>>
      %dma_start3A_102 = arith.constant 0 : i32
      %dma_start3A_103 = tpu.memref_slice %arg6[%add3A_30, %dma_start3A_102] : memref<10112x128xf32, #tpu.memory_space<vmem_shared>> -> memref<56x128xf32, #tpu.memory_space<vmem_shared>>
      %dma_start3A_104 = arith.constant 0 : i32
      %dma_start3A_105 = arith.constant 0 : i32
      %dma_start3A_106 = tpu.memref_slice %arg17[%dma_start3A_104, %dma_start3A_105] : memref<64x128xf32, #tpu.memory_space<vmem>> -> memref<56x128xf32, #tpu.memory_space<vmem>>
      tpu.enqueue_dma source(%dma_start3A_106 : memref<56x128xf32, #tpu.memory_space<vmem>>) target(%dma_start3A_103 : memref<56x128xf32, #tpu.memory_space<vmem_shared>>) target_semaphore(%run_scoped3A : memref<!tpu.dma_semaphore, #tpu.memory_space<semaphore_mem>>)
      %dma_wait3A_107 = arith.constant 0 : i32
      %dma_wait3A_108 = arith.constant 0 : i32
      %dma_wait3A_109 = tpu.memref_slice %arg17[%dma_wait3A_107, %dma_wait3A_108] : memref<64x128xf32, #tpu.memory_space<vmem>> -> memref<56x128xf32, #tpu.memory_space<vmem>>
      %dma_wait3A_110 = arith.constant 0 : i32
      %dma_wait3A_111 = tpu.memref_slice %arg6[%add3A_30, %dma_wait3A_110] : memref<10112x128xf32, #tpu.memory_space<vmem_shared>> -> memref<56x128xf32, #tpu.memory_space<vmem_shared>>
      %dma_wait3A_112 = arith.constant 0 : i32
      %dma_wait3A_113 = tpu.memref_slice %arg6[%add3A_30, %dma_wait3A_112] : memref<10112x128xf32, #tpu.memory_space<vmem_shared>> -> memref<56x128xf32, #tpu.memory_space<vmem_shared>>
      %dma_wait3A_114 = arith.constant 0 : i32
      %dma_wait3A_115 = arith.constant 0 : i32
      %dma_wait3A_116 = tpu.memref_slice %arg17[%dma_wait3A_114, %dma_wait3A_115] : memref<64x128xf32, #tpu.memory_space<vmem>> -> memref<56x128xf32, #tpu.memory_space<vmem>>
      tpu.wait_dma2 semaphore(%run_scoped3A : memref<!tpu.dma_semaphore, #tpu.memory_space<semaphore_mem>>) src(%dma_wait3A_116 : memref<56x128xf32, #tpu.memory_space<vmem>>) dst(%dma_wait3A_113 : memref<56x128xf32, #tpu.memory_space<vmem_shared>>)
      tpu.yield
    }) : () -> ()
    %barrier3A = arith.constant 0 : index
    tpu.barrier barrier_id(%barrier3A)
    %min3A = arith.constant 0 : i32
    %min3A_31 = arith.constant 9936 : i32
    %min3A_32 = arith.minsi %min3A, %min3A_31 : i32
    %add3A_33 = arith.addi %mul3A_4, %min3A_32 : i32
    %dma_start3A = tpu.memref_slice %arg3[%add3A_33] : memref<320000xi32, #tpu.memory_space<hbm>> -> memref<64xi32, #tpu.memory_space<hbm>>
    %dma_start3A_34 = tpu.memref_slice %arg3[%add3A_33] : memref<320000xi32, #tpu.memory_space<hbm>> -> memref<64xi32, #tpu.memory_space<hbm>>
    tpu.enqueue_dma source(%dma_start3A_34 : memref<64xi32, #tpu.memory_space<hbm>>) target(%arg7 : memref<64xi32, #tpu.memory_space<vmem>>) target_semaphore(%arg22 : memref<!tpu.dma_semaphore, #tpu.memory_space<semaphore_mem>>)
    %dma_start3A_35 = tpu.memref_slice %arg4[%add3A_33] : memref<320000xi32, #tpu.memory_space<hbm>> -> memref<64xi32, #tpu.memory_space<hbm>>
    %dma_start3A_36 = tpu.memref_slice %arg4[%add3A_33] : memref<320000xi32, #tpu.memory_space<hbm>> -> memref<64xi32, #tpu.memory_space<hbm>>
    tpu.enqueue_dma source(%dma_start3A_36 : memref<64xi32, #tpu.memory_space<hbm>>) target(%arg12 : memref<64xi32, #tpu.memory_space<vmem>>) target_semaphore(%arg22 : memref<!tpu.dma_semaphore, #tpu.memory_space<semaphore_mem>>)
    %min3A_37 = arith.constant 64 : i32
    %min3A_38 = arith.constant 9936 : i32
    %min3A_39 = arith.minsi %min3A_37, %min3A_38 : i32
    %add3A_40 = arith.addi %mul3A_4, %min3A_39 : i32
    %dma_start3A_41 = tpu.memref_slice %arg3[%add3A_40] : memref<320000xi32, #tpu.memory_space<hbm>> -> memref<64xi32, #tpu.memory_space<hbm>>
    %dma_start3A_42 = tpu.memref_slice %arg3[%add3A_40] : memref<320000xi32, #tpu.memory_space<hbm>> -> memref<64xi32, #tpu.memory_space<hbm>>
    tpu.enqueue_dma source(%dma_start3A_42 : memref<64xi32, #tpu.memory_space<hbm>>) target(%arg8 : memref<64xi32, #tpu.memory_space<vmem>>) target_semaphore(%arg23 : memref<!tpu.dma_semaphore, #tpu.memory_space<semaphore_mem>>)
    %dma_start3A_43 = tpu.memref_slice %arg4[%add3A_40] : memref<320000xi32, #tpu.memory_space<hbm>> -> memref<64xi32, #tpu.memory_space<hbm>>
    %dma_start3A_44 = tpu.memref_slice %arg4[%add3A_40] : memref<320000xi32, #tpu.memory_space<hbm>> -> memref<64xi32, #tpu.memory_space<hbm>>
    tpu.enqueue_dma source(%dma_start3A_44 : memref<64xi32, #tpu.memory_space<hbm>>) target(%arg13 : memref<64xi32, #tpu.memory_space<vmem>>) target_semaphore(%arg23 : memref<!tpu.dma_semaphore, #tpu.memory_space<semaphore_mem>>)
    %scan3A_45 = arith.constant 0 : i32
    %scan3A_46 = arith.constant 0 : i32
    %scan3A_47 = arith.constant 32 : i32
    %scan3A_48 = arith.addi %scan3A_46, %scan3A_47 : i32
    %scan3A_49 = arith.constant 1 : i32
    %scan3A_50 = scf.for %scan3A_97 = %scan3A_46 to %scan3A_48 step %scan3A_49 iter_args(%scan3A_98 = %scan3A_45) -> (i32)  : i32 {
      %mul3A_99 = arith.constant 5 : i32
      %mul3A_100 = arith.muli %scan3A_97, %mul3A_99 : i32
      %add3A_101 = arith.constant 0 : i32
      %add3A_102 = arith.addi %mul3A_100, %add3A_101 : i32
      %ge3A = arith.constant 5 : i32
      %ge3A_103 = arith.cmpi sge, %add3A_102, %ge3A : i32
      %convert_element_type3A = arith.extui %ge3A_103 : i1 to i32
      %cond3A = arith.constant 0 : i32
      %cond3A_104 = arith.cmpi ne, %convert_element_type3A, %cond3A : i32
      scf.if %cond3A_104 {
        %sub3A = arith.constant 5 : i32
        %sub3A_256 = arith.subi %add3A_102, %sub3A : i32
        %lt3A_257 = arith.constant 156 : i32
        %lt3A_258 = arith.cmpi slt, %sub3A_256, %lt3A_257 : i32
        %convert_element_type3A_259 = arith.extui %lt3A_258 : i1 to i32
        %cond3A_260 = arith.constant 0 : i32
        %cond3A_261 = arith.cmpi ne, %convert_element_type3A_259, %cond3A_260 : i32
        scf.if %cond3A_261 {
          %get3A_277 = arith.constant 0 : index
          %get3A_278 = tpu.vector_load %arg12[%get3A_277] {strides = array<i32>} : memref<64xi32, #tpu.memory_space<vmem>>, vector<16xi32>,
          %dma_wait3A_279 = arith.constant 0 : i32
          %dma_wait3A_280 = arith.constant 0 : i32
          %dma_wait3A_281 = tpu.memref_slice %arg17[%dma_wait3A_279, %dma_wait3A_280] : memref<64x128xf32, #tpu.memory_space<vmem>> -> memref<16x128xf32, #tpu.memory_space<vmem>>
          %dma_wait3A_282 = arith.constant 0 : i32
          %dma_wait3A_283 = arith.constant 0 : i32
          %dma_wait3A_284 = tpu.memref_slice %arg6[%dma_wait3A_282, %dma_wait3A_283] : memref<10112x128xf32, #tpu.memory_space<vmem_shared>> -> memref<10112x128xf32, #tpu.memory_space<vmem_shared>>
          tpu.wait_indirect_dma semaphore(%arg32 : memref<!tpu.dma_semaphore, #tpu.memory_space<semaphore_mem>>) src(%dma_wait3A_281 : memref<16x128xf32, #tpu.memory_space<vmem>>) dst(%dma_wait3A_284 : memref<10112x128xf32, #tpu.memory_space<vmem_shared>>)
        } else {
        }
        %lt3A_262 = arith.constant 156 : i32
        %lt3A_263 = arith.cmpi slt, %sub3A_256, %lt3A_262 : i32
        %convert_element_type3A_264 = arith.extui %lt3A_263 : i1 to i32
        %cond3A_265 = arith.constant 0 : i32
        %cond3A_266 = arith.cmpi ne, %convert_element_type3A_264, %cond3A_265 : i32
        scf.if %cond3A_266 {
          %get3A_277 = arith.constant 16 : index
          %get3A_278 = tpu.vector_load %arg12[%get3A_277] {strides = array<i32>} : memref<64xi32, #tpu.memory_space<vmem>>, vector<16xi32>,
          %dma_wait3A_279 = arith.constant 16 : i32
          %dma_wait3A_280 = arith.constant 0 : i32
          %dma_wait3A_281 = tpu.memref_slice %arg17[%dma_wait3A_279, %dma_wait3A_280] : memref<64x128xf32, #tpu.memory_space<vmem>> -> memref<16x128xf32, #tpu.memory_space<vmem>>
          %dma_wait3A_282 = arith.constant 0 : i32
          %dma_wait3A_283 = arith.constant 0 : i32
          %dma_wait3A_284 = tpu.memref_slice %arg6[%dma_wait3A_282, %dma_wait3A_283] : memref<10112x128xf32, #tpu.memory_space<vmem_shared>> -> memref<10112x128xf32, #tpu.memory_space<vmem_shared>>
          tpu.wait_indirect_dma semaphore(%arg32 : memref<!tpu.dma_semaphore, #tpu.memory_space<semaphore_mem>>) src(%dma_wait3A_281 : memref<16x128xf32, #tpu.memory_space<vmem>>) dst(%dma_wait3A_284 : memref<10112x128xf32, #tpu.memory_space<vmem_shared>>)
        } else {
        }
        %lt3A_267 = arith.constant 156 : i32
        %lt3A_268 = arith.cmpi slt, %sub3A_256, %lt3A_267 : i32
        %convert_element_type3A_269 = arith.extui %lt3A_268 : i1 to i32
        %cond3A_270 = arith.constant 0 : i32
        %cond3A_271 = arith.cmpi ne, %convert_element_type3A_269, %cond3A_270 : i32
        scf.if %cond3A_271 {
          %get3A_277 = arith.constant 32 : index
          %get3A_278 = tpu.vector_load %arg12[%get3A_277] {strides = array<i32>} : memref<64xi32, #tpu.memory_space<vmem>>, vector<16xi32>,
          %dma_wait3A_279 = arith.constant 32 : i32
          %dma_wait3A_280 = arith.constant 0 : i32
          %dma_wait3A_281 = tpu.memref_slice %arg17[%dma_wait3A_279, %dma_wait3A_280] : memref<64x128xf32, #tpu.memory_space<vmem>> -> memref<16x128xf32, #tpu.memory_space<vmem>>
          %dma_wait3A_282 = arith.constant 0 : i32
          %dma_wait3A_283 = arith.constant 0 : i32
          %dma_wait3A_284 = tpu.memref_slice %arg6[%dma_wait3A_282, %dma_wait3A_283] : memref<10112x128xf32, #tpu.memory_space<vmem_shared>> -> memref<10112x128xf32, #tpu.memory_space<vmem_shared>>
          tpu.wait_indirect_dma semaphore(%arg32 : memref<!tpu.dma_semaphore, #tpu.memory_space<semaphore_mem>>) src(%dma_wait3A_281 : memref<16x128xf32, #tpu.memory_space<vmem>>) dst(%dma_wait3A_284 : memref<10112x128xf32, #tpu.memory_space<vmem_shared>>)
        } else {
        }
        %lt3A_272 = arith.constant 157 : i32
        %lt3A_273 = arith.cmpi slt, %sub3A_256, %lt3A_272 : i32
        %convert_element_type3A_274 = arith.extui %lt3A_273 : i1 to i32
        %cond3A_275 = arith.constant 0 : i32
        %cond3A_276 = arith.cmpi ne, %convert_element_type3A_274, %cond3A_275 : i32
        scf.if %cond3A_276 {
          %get3A_277 = arith.constant 48 : index
          %get3A_278 = tpu.vector_load %arg12[%get3A_277] {strides = array<i32>} : memref<64xi32, #tpu.memory_space<vmem>>, vector<16xi32>,
          %dma_wait3A_279 = arith.constant 48 : i32
          %dma_wait3A_280 = arith.constant 0 : i32
          %dma_wait3A_281 = tpu.memref_slice %arg17[%dma_wait3A_279, %dma_wait3A_280] : memref<64x128xf32, #tpu.memory_space<vmem>> -> memref<16x128xf32, #tpu.memory_space<vmem>>
          %dma_wait3A_282 = arith.constant 0 : i32
          %dma_wait3A_283 = arith.constant 0 : i32
          %dma_wait3A_284 = tpu.memref_slice %arg6[%dma_wait3A_282, %dma_wait3A_283] : memref<10112x128xf32, #tpu.memory_space<vmem_shared>> -> memref<10112x128xf32, #tpu.memory_space<vmem_shared>>
          tpu.wait_indirect_dma semaphore(%arg32 : memref<!tpu.dma_semaphore, #tpu.memory_space<semaphore_mem>>) src(%dma_wait3A_281 : memref<16x128xf32, #tpu.memory_space<vmem>>) dst(%dma_wait3A_284 : memref<10112x128xf32, #tpu.memory_space<vmem_shared>>)
        } else {
        }
      } else {
      }
      %ge3A_105 = arith.constant 2 : i32
      %ge3A_106 = arith.cmpi sge, %add3A_102, %ge3A_105 : i32
      %convert_element_type3A_107 = arith.extui %ge3A_106 : i1 to i32
      %cond3A_108 = arith.constant 0 : i32
      %cond3A_109 = arith.cmpi ne, %convert_element_type3A_107, %cond3A_108 : i32
      scf.if %cond3A_109 {
        %sub3A = arith.constant 2 : i32
        %sub3A_256 = arith.subi %add3A_102, %sub3A : i32
        %dma_wait3A_257 = arith.constant 0 : i32
        %dma_wait3A_258 = arith.constant 0 : i32
        %dma_wait3A_259 = tpu.memref_slice %arg2[%dma_wait3A_257, %dma_wait3A_258] : memref<10000x128xf32, #tpu.memory_space<hbm>> -> memref<10000x128xf32, #tpu.memory_space<hbm>>
        tpu.wait_indirect_dma semaphore(%arg30 : memref<!tpu.dma_semaphore, #tpu.memory_space<semaphore_mem>>) src(%dma_wait3A_259 : memref<10000x128xf32, #tpu.memory_space<hbm>>) dst(%arg20 : memref<64x128xf32, #tpu.memory_space<vmem>>)
        %sub3A_260 = arith.constant 2 : i32
        %sub3A_261 = arith.subi %add3A_102, %sub3A_260 : i32
        %lt3A_262 = arith.constant 156 : i32
        %lt3A_263 = arith.cmpi slt, %sub3A_261, %lt3A_262 : i32
        %convert_element_type3A_264 = arith.extui %lt3A_263 : i1 to i32
        %cond3A_265 = arith.constant 0 : i32
        %cond3A_266 = arith.cmpi ne, %convert_element_type3A_264, %cond3A_265 : i32
        scf.if %cond3A_266 {
          %get3A_282 = arith.constant 0 : index
          %get3A_283 = tpu.vector_load %arg15[%get3A_282] {strides = array<i32>} : memref<64xi32, #tpu.memory_space<vmem>>, vector<16xi32>,
          %dma_start3A_284 = arith.constant 0 : i32
          %dma_start3A_285 = arith.constant 0 : i32
          %dma_start3A_286 = tpu.memref_slice %arg20[%dma_start3A_284, %dma_start3A_285] : memref<64x128xf32, #tpu.memory_space<vmem>> -> memref<16x128xf32, #tpu.memory_space<vmem>>
          %dma_start3A_287 = arith.constant 0 : i32
          %dma_start3A_288 = arith.constant 0 : i32
          %dma_start3A_289 = tpu.memref_slice %arg6[%dma_start3A_287, %dma_start3A_288] : memref<10112x128xf32, #tpu.memory_space<vmem_shared>> -> memref<10112x128xf32, #tpu.memory_space<vmem_shared>>
          tpu.enqueue_indirect_dma source(%dma_start3A_286 : memref<16x128xf32, #tpu.memory_space<vmem>>) target(%dma_start3A_289 : memref<10112x128xf32, #tpu.memory_space<vmem_shared>>) offsets(%get3A_283 : vector<16xi32>) semaphore(%arg35 : memref<!tpu.dma_semaphore, #tpu.memory_space<semaphore_mem>>) {add = true}
        } else {
        }
        %lt3A_267 = arith.constant 156 : i32
        %lt3A_268 = arith.cmpi slt, %sub3A_261, %lt3A_267 : i32
        %convert_element_type3A_269 = arith.extui %lt3A_268 : i1 to i32
        %cond3A_270 = arith.constant 0 : i32
        %cond3A_271 = arith.cmpi ne, %convert_element_type3A_269, %cond3A_270 : i32
        scf.if %cond3A_271 {
          %get3A_282 = arith.constant 16 : index
          %get3A_283 = tpu.vector_load %arg15[%get3A_282] {strides = array<i32>} : memref<64xi32, #tpu.memory_space<vmem>>, vector<16xi32>,
          %dma_start3A_284 = arith.constant 16 : i32
          %dma_start3A_285 = arith.constant 0 : i32
          %dma_start3A_286 = tpu.memref_slice %arg20[%dma_start3A_284, %dma_start3A_285] : memref<64x128xf32, #tpu.memory_space<vmem>> -> memref<16x128xf32, #tpu.memory_space<vmem>>
          %dma_start3A_287 = arith.constant 0 : i32
          %dma_start3A_288 = arith.constant 0 : i32
          %dma_start3A_289 = tpu.memref_slice %arg6[%dma_start3A_287, %dma_start3A_288] : memref<10112x128xf32, #tpu.memory_space<vmem_shared>> -> memref<10112x128xf32, #tpu.memory_space<vmem_shared>>
          tpu.enqueue_indirect_dma source(%dma_start3A_286 : memref<16x128xf32, #tpu.memory_space<vmem>>) target(%dma_start3A_289 : memref<10112x128xf32, #tpu.memory_space<vmem_shared>>) offsets(%get3A_283 : vector<16xi32>) semaphore(%arg35 : memref<!tpu.dma_semaphore, #tpu.memory_space<semaphore_mem>>) {add = true}
        } else {
        }
        %lt3A_272 = arith.constant 156 : i32
        %lt3A_273 = arith.cmpi slt, %sub3A_261, %lt3A_272 : i32
        %convert_element_type3A_274 = arith.extui %lt3A_273 : i1 to i32
        %cond3A_275 = arith.constant 0 : i32
        %cond3A_276 = arith.cmpi ne, %convert_element_type3A_274, %cond3A_275 : i32
        scf.if %cond3A_276 {
          %get3A_282 = arith.constant 32 : index
          %get3A_283 = tpu.vector_load %arg15[%get3A_282] {strides = array<i32>} : memref<64xi32, #tpu.memory_space<vmem>>, vector<16xi32>,
          %dma_start3A_284 = arith.constant 32 : i32
          %dma_start3A_285 = arith.constant 0 : i32
          %dma_start3A_286 = tpu.memref_slice %arg20[%dma_start3A_284, %dma_start3A_285] : memref<64x128xf32, #tpu.memory_space<vmem>> -> memref<16x128xf32, #tpu.memory_space<vmem>>
          %dma_start3A_287 = arith.constant 0 : i32
          %dma_start3A_288 = arith.constant 0 : i32
          %dma_start3A_289 = tpu.memref_slice %arg6[%dma_start3A_287, %dma_start3A_288] : memref<10112x128xf32, #tpu.memory_space<vmem_shared>> -> memref<10112x128xf32, #tpu.memory_space<vmem_shared>>
          tpu.enqueue_indirect_dma source(%dma_start3A_286 : memref<16x128xf32, #tpu.memory_space<vmem>>) target(%dma_start3A_289 : memref<10112x128xf32, #tpu.memory_space<vmem_shared>>) offsets(%get3A_283 : vector<16xi32>) semaphore(%arg35 : memref<!tpu.dma_semaphore, #tpu.memory_space<semaphore_mem>>) {add = true}
        } else {
        }
        %lt3A_277 = arith.constant 157 : i32
        %lt3A_278 = arith.cmpi slt, %sub3A_261, %lt3A_277 : i32
        %convert_element_type3A_279 = arith.extui %lt3A_278 : i1 to i32
        %cond3A_280 = arith.constant 0 : i32
        %cond3A_281 = arith.cmpi ne, %convert_element_type3A_279, %cond3A_280 : i32
        scf.if %cond3A_281 {
          %get3A_282 = arith.constant 48 : index
          %get3A_283 = tpu.vector_load %arg15[%get3A_282] {strides = array<i32>} : memref<64xi32, #tpu.memory_space<vmem>>, vector<16xi32>,
          %dma_start3A_284 = arith.constant 48 : i32
          %dma_start3A_285 = arith.constant 0 : i32
          %dma_start3A_286 = tpu.memref_slice %arg20[%dma_start3A_284, %dma_start3A_285] : memref<64x128xf32, #tpu.memory_space<vmem>> -> memref<16x128xf32, #tpu.memory_space<vmem>>
          %dma_start3A_287 = arith.constant 0 : i32
          %dma_start3A_288 = arith.constant 0 : i32
          %dma_start3A_289 = tpu.memref_slice %arg6[%dma_start3A_287, %dma_start3A_288] : memref<10112x128xf32, #tpu.memory_space<vmem_shared>> -> memref<10112x128xf32, #tpu.memory_space<vmem_shared>>
          tpu.enqueue_indirect_dma source(%dma_start3A_286 : memref<16x128xf32, #tpu.memory_space<vmem>>) target(%dma_start3A_289 : memref<10112x128xf32, #tpu.memory_space<vmem_shared>>) offsets(%get3A_283 : vector<16xi32>) semaphore(%arg35 : memref<!tpu.dma_semaphore, #tpu.memory_space<semaphore_mem>>) {add = true}
        } else {
        }
      } else {
      }
      %dma_wait3A_110 = arith.constant 0 : i32
      %dma_wait3A_111 = tpu.memref_slice %arg3[%dma_wait3A_110] : memref<320000xi32, #tpu.memory_space<hbm>> -> memref<64xi32, #tpu.memory_space<hbm>>
      %dma_wait3A_112 = arith.constant 0 : i32
      %dma_wait3A_113 = tpu.memref_slice %arg3[%dma_wait3A_112] : memref<320000xi32, #tpu.memory_space<hbm>> -> memref<64xi32, #tpu.memory_space<hbm>>
      tpu.wait_dma2 semaphore(%arg22 : memref<!tpu.dma_semaphore, #tpu.memory_space<semaphore_mem>>) src(%dma_wait3A_113 : memref<64xi32, #tpu.memory_space<hbm>>) dst(%arg7 : memref<64xi32, #tpu.memory_space<vmem>>)
      %dma_wait3A_114 = arith.constant 0 : i32
      %dma_wait3A_115 = tpu.memref_slice %arg4[%dma_wait3A_114] : memref<320000xi32, #tpu.memory_space<hbm>> -> memref<64xi32, #tpu.memory_space<hbm>>
      %dma_wait3A_116 = arith.constant 0 : i32
      %dma_wait3A_117 = tpu.memref_slice %arg4[%dma_wait3A_116] : memref<320000xi32, #tpu.memory_space<hbm>> -> memref<64xi32, #tpu.memory_space<hbm>>
      tpu.wait_dma2 semaphore(%arg22 : memref<!tpu.dma_semaphore, #tpu.memory_space<semaphore_mem>>) src(%dma_wait3A_117 : memref<64xi32, #tpu.memory_space<hbm>>) dst(%arg12 : memref<64xi32, #tpu.memory_space<vmem>>)
      %dma_start3A_118 = arith.constant 0 : i32
      %dma_start3A_119 = arith.constant 0 : i32
      %dma_start3A_120 = tpu.memref_slice %arg2[%dma_start3A_118, %dma_start3A_119] : memref<10000x128xf32, #tpu.memory_space<hbm>> -> memref<10000x128xf32, #tpu.memory_space<hbm>>
      tpu.enqueue_indirect_dma source(%dma_start3A_120 : memref<10000x128xf32, #tpu.memory_space<hbm>>) target(%arg17 : memref<64x128xf32, #tpu.memory_space<vmem>>) offsets(%arg7 : memref<64xi32, #tpu.memory_space<vmem>>) semaphore(%arg27 : memref<!tpu.dma_semaphore, #tpu.memory_space<semaphore_mem>>)
      %add3A_121 = arith.constant 2 : i32
      %add3A_122 = arith.addi %add3A_102, %add3A_121 : i32
      %lt3A = arith.constant 160 : i32
      %lt3A_123 = arith.cmpi slt, %add3A_122, %lt3A : i32
      %convert_element_type3A_124 = arith.extui %lt3A_123 : i1 to i32
      %cond3A_125 = arith.constant 0 : i32
      %cond3A_126 = arith.cmpi ne, %convert_element_type3A_124, %cond3A_125 : i32
      scf.if %cond3A_126 {
        %add3A_256 = arith.constant 2 : i32
        %add3A_257 = arith.addi %add3A_102, %add3A_256 : i32
        %mul3A_258 = arith.constant 64 : i32
        %mul3A_259 = arith.muli %add3A_257, %mul3A_258 : i32
        %min3A_260 = arith.constant 9936 : i32
        %min3A_261 = arith.minsi %mul3A_259, %min3A_260 : i32
        %add3A_262 = arith.addi %mul3A_4, %min3A_261 : i32
        %dma_start3A_263 = tpu.memref_slice %arg3[%add3A_262] : memref<320000xi32, #tpu.memory_space<hbm>> -> memref<64xi32, #tpu.memory_space<hbm>>
        %dma_start3A_264 = tpu.memref_slice %arg3[%add3A_262] : memref<320000xi32, #tpu.memory_space<hbm>> -> memref<64xi32, #tpu.memory_space<hbm>>
        tpu.enqueue_dma source(%dma_start3A_264 : memref<64xi32, #tpu.memory_space<hbm>>) target(%arg9 : memref<64xi32, #tpu.memory_space<vmem>>) target_semaphore(%arg24 : memref<!tpu.dma_semaphore, #tpu.memory_space<semaphore_mem>>)
        %dma_start3A_265 = tpu.memref_slice %arg4[%add3A_262] : memref<320000xi32, #tpu.memory_space<hbm>> -> memref<64xi32, #tpu.memory_space<hbm>>
        %dma_start3A_266 = tpu.memref_slice %arg4[%add3A_262] : memref<320000xi32, #tpu.memory_space<hbm>> -> memref<64xi32, #tpu.memory_space<hbm>>
        tpu.enqueue_dma source(%dma_start3A_266 : memref<64xi32, #tpu.memory_space<hbm>>) target(%arg14 : memref<64xi32, #tpu.memory_space<vmem>>) target_semaphore(%arg24 : memref<!tpu.dma_semaphore, #tpu.memory_space<semaphore_mem>>)
      } else {
      }
      %mul3A_127 = arith.constant 5 : i32
      %mul3A_128 = arith.muli %scan3A_97, %mul3A_127 : i32
      %add3A_129 = arith.constant 1 : i32
      %add3A_130 = arith.addi %mul3A_128, %add3A_129 : i32
      %ge3A_131 = arith.constant 5 : i32
      %ge3A_132 = arith.cmpi sge, %add3A_130, %ge3A_131 : i32
      %convert_element_type3A_133 = arith.extui %ge3A_132 : i1 to i32
      %cond3A_134 = arith.constant 0 : i32
      %cond3A_135 = arith.cmpi ne, %convert_element_type3A_133, %cond3A_134 : i32
      scf.if %cond3A_135 {
        %sub3A = arith.constant 5 : i32
        %sub3A_256 = arith.subi %add3A_130, %sub3A : i32
        %lt3A_257 = arith.constant 156 : i32
        %lt3A_258 = arith.cmpi slt, %sub3A_256, %lt3A_257 : i32
        %convert_element_type3A_259 = arith.extui %lt3A_258 : i1 to i32
        %cond3A_260 = arith.constant 0 : i32
        %cond3A_261 = arith.cmpi ne, %convert_element_type3A_259, %cond3A_260 : i32
        scf.if %cond3A_261 {
          %get3A_277 = arith.constant 0 : index
          %get3A_278 = tpu.vector_load %arg13[%get3A_277] {strides = array<i32>} : memref<64xi32, #tpu.memory_space<vmem>>, vector<16xi32>,
          %dma_wait3A_279 = arith.constant 0 : i32
          %dma_wait3A_280 = arith.constant 0 : i32
          %dma_wait3A_281 = tpu.memref_slice %arg18[%dma_wait3A_279, %dma_wait3A_280] : memref<64x128xf32, #tpu.memory_space<vmem>> -> memref<16x128xf32, #tpu.memory_space<vmem>>
          %dma_wait3A_282 = arith.constant 0 : i32
          %dma_wait3A_283 = arith.constant 0 : i32
          %dma_wait3A_284 = tpu.memref_slice %arg6[%dma_wait3A_282, %dma_wait3A_283] : memref<10112x128xf32, #tpu.memory_space<vmem_shared>> -> memref<10112x128xf32, #tpu.memory_space<vmem_shared>>
          tpu.wait_indirect_dma semaphore(%arg33 : memref<!tpu.dma_semaphore, #tpu.memory_space<semaphore_mem>>) src(%dma_wait3A_281 : memref<16x128xf32, #tpu.memory_space<vmem>>) dst(%dma_wait3A_284 : memref<10112x128xf32, #tpu.memory_space<vmem_shared>>)
        } else {
        }
        %lt3A_262 = arith.constant 156 : i32
        %lt3A_263 = arith.cmpi slt, %sub3A_256, %lt3A_262 : i32
        %convert_element_type3A_264 = arith.extui %lt3A_263 : i1 to i32
        %cond3A_265 = arith.constant 0 : i32
        %cond3A_266 = arith.cmpi ne, %convert_element_type3A_264, %cond3A_265 : i32
        scf.if %cond3A_266 {
          %get3A_277 = arith.constant 16 : index
          %get3A_278 = tpu.vector_load %arg13[%get3A_277] {strides = array<i32>} : memref<64xi32, #tpu.memory_space<vmem>>, vector<16xi32>,
          %dma_wait3A_279 = arith.constant 16 : i32
          %dma_wait3A_280 = arith.constant 0 : i32
          %dma_wait3A_281 = tpu.memref_slice %arg18[%dma_wait3A_279, %dma_wait3A_280] : memref<64x128xf32, #tpu.memory_space<vmem>> -> memref<16x128xf32, #tpu.memory_space<vmem>>
          %dma_wait3A_282 = arith.constant 0 : i32
          %dma_wait3A_283 = arith.constant 0 : i32
          %dma_wait3A_284 = tpu.memref_slice %arg6[%dma_wait3A_282, %dma_wait3A_283] : memref<10112x128xf32, #tpu.memory_space<vmem_shared>> -> memref<10112x128xf32, #tpu.memory_space<vmem_shared>>
          tpu.wait_indirect_dma semaphore(%arg33 : memref<!tpu.dma_semaphore, #tpu.memory_space<semaphore_mem>>) src(%dma_wait3A_281 : memref<16x128xf32, #tpu.memory_space<vmem>>) dst(%dma_wait3A_284 : memref<10112x128xf32, #tpu.memory_space<vmem_shared>>)
        } else {
        }
        %lt3A_267 = arith.constant 156 : i32
        %lt3A_268 = arith.cmpi slt, %sub3A_256, %lt3A_267 : i32
        %convert_element_type3A_269 = arith.extui %lt3A_268 : i1 to i32
        %cond3A_270 = arith.constant 0 : i32
        %cond3A_271 = arith.cmpi ne, %convert_element_type3A_269, %cond3A_270 : i32
        scf.if %cond3A_271 {
          %get3A_277 = arith.constant 32 : index
          %get3A_278 = tpu.vector_load %arg13[%get3A_277] {strides = array<i32>} : memref<64xi32, #tpu.memory_space<vmem>>, vector<16xi32>,
          %dma_wait3A_279 = arith.constant 32 : i32
          %dma_wait3A_280 = arith.constant 0 : i32
          %dma_wait3A_281 = tpu.memref_slice %arg18[%dma_wait3A_279, %dma_wait3A_280] : memref<64x128xf32, #tpu.memory_space<vmem>> -> memref<16x128xf32, #tpu.memory_space<vmem>>
          %dma_wait3A_282 = arith.constant 0 : i32
          %dma_wait3A_283 = arith.constant 0 : i32
          %dma_wait3A_284 = tpu.memref_slice %arg6[%dma_wait3A_282, %dma_wait3A_283] : memref<10112x128xf32, #tpu.memory_space<vmem_shared>> -> memref<10112x128xf32, #tpu.memory_space<vmem_shared>>
          tpu.wait_indirect_dma semaphore(%arg33 : memref<!tpu.dma_semaphore, #tpu.memory_space<semaphore_mem>>) src(%dma_wait3A_281 : memref<16x128xf32, #tpu.memory_space<vmem>>) dst(%dma_wait3A_284 : memref<10112x128xf32, #tpu.memory_space<vmem_shared>>)
        } else {
        }
        %lt3A_272 = arith.constant 157 : i32
        %lt3A_273 = arith.cmpi slt, %sub3A_256, %lt3A_272 : i32
        %convert_element_type3A_274 = arith.extui %lt3A_273 : i1 to i32
        %cond3A_275 = arith.constant 0 : i32
        %cond3A_276 = arith.cmpi ne, %convert_element_type3A_274, %cond3A_275 : i32
        scf.if %cond3A_276 {
          %get3A_277 = arith.constant 48 : index
          %get3A_278 = tpu.vector_load %arg13[%get3A_277] {strides = array<i32>} : memref<64xi32, #tpu.memory_space<vmem>>, vector<16xi32>,
          %dma_wait3A_279 = arith.constant 48 : i32
          %dma_wait3A_280 = arith.constant 0 : i32
          %dma_wait3A_281 = tpu.memref_slice %arg18[%dma_wait3A_279, %dma_wait3A_280] : memref<64x128xf32, #tpu.memory_space<vmem>> -> memref<16x128xf32, #tpu.memory_space<vmem>>
          %dma_wait3A_282 = arith.constant 0 : i32
          %dma_wait3A_283 = arith.constant 0 : i32
          %dma_wait3A_284 = tpu.memref_slice %arg6[%dma_wait3A_282, %dma_wait3A_283] : memref<10112x128xf32, #tpu.memory_space<vmem_shared>> -> memref<10112x128xf32, #tpu.memory_space<vmem_shared>>
          tpu.wait_indirect_dma semaphore(%arg33 : memref<!tpu.dma_semaphore, #tpu.memory_space<semaphore_mem>>) src(%dma_wait3A_281 : memref<16x128xf32, #tpu.memory_space<vmem>>) dst(%dma_wait3A_284 : memref<10112x128xf32, #tpu.memory_space<vmem_shared>>)
        } else {
        }
      } else {
      }
      %ge3A_136 = arith.constant 2 : i32
      %ge3A_137 = arith.cmpi sge, %add3A_130, %ge3A_136 : i32
      %convert_element_type3A_138 = arith.extui %ge3A_137 : i1 to i32
      %cond3A_139 = arith.constant 0 : i32
      %cond3A_140 = arith.cmpi ne, %convert_element_type3A_138, %cond3A_139 : i32
      scf.if %cond3A_140 {
        %sub3A = arith.constant 2 : i32
        %sub3A_256 = arith.subi %add3A_130, %sub3A : i32
        %dma_wait3A_257 = arith.constant 0 : i32
        %dma_wait3A_258 = arith.constant 0 : i32
        %dma_wait3A_259 = tpu.memref_slice %arg2[%dma_wait3A_257, %dma_wait3A_258] : memref<10000x128xf32, #tpu.memory_space<hbm>> -> memref<10000x128xf32, #tpu.memory_space<hbm>>
        tpu.wait_indirect_dma semaphore(%arg31 : memref<!tpu.dma_semaphore, #tpu.memory_space<semaphore_mem>>) src(%dma_wait3A_259 : memref<10000x128xf32, #tpu.memory_space<hbm>>) dst(%arg21 : memref<64x128xf32, #tpu.memory_space<vmem>>)
        %sub3A_260 = arith.constant 2 : i32
        %sub3A_261 = arith.subi %add3A_130, %sub3A_260 : i32
        %lt3A_262 = arith.constant 156 : i32
        %lt3A_263 = arith.cmpi slt, %sub3A_261, %lt3A_262 : i32
        %convert_element_type3A_264 = arith.extui %lt3A_263 : i1 to i32
        %cond3A_265 = arith.constant 0 : i32
        %cond3A_266 = arith.cmpi ne, %convert_element_type3A_264, %cond3A_265 : i32
        scf.if %cond3A_266 {
          %get3A_282 = arith.constant 0 : index
          %get3A_283 = tpu.vector_load %arg16[%get3A_282] {strides = array<i32>} : memref<64xi32, #tpu.memory_space<vmem>>, vector<16xi32>,
          %dma_start3A_284 = arith.constant 0 : i32
          %dma_start3A_285 = arith.constant 0 : i32
          %dma_start3A_286 = tpu.memref_slice %arg21[%dma_start3A_284, %dma_start3A_285] : memref<64x128xf32, #tpu.memory_space<vmem>> -> memref<16x128xf32, #tpu.memory_space<vmem>>
          %dma_start3A_287 = arith.constant 0 : i32
          %dma_start3A_288 = arith.constant 0 : i32
          %dma_start3A_289 = tpu.memref_slice %arg6[%dma_start3A_287, %dma_start3A_288] : memref<10112x128xf32, #tpu.memory_space<vmem_shared>> -> memref<10112x128xf32, #tpu.memory_space<vmem_shared>>
          tpu.enqueue_indirect_dma source(%dma_start3A_286 : memref<16x128xf32, #tpu.memory_space<vmem>>) target(%dma_start3A_289 : memref<10112x128xf32, #tpu.memory_space<vmem_shared>>) offsets(%get3A_283 : vector<16xi32>) semaphore(%arg36 : memref<!tpu.dma_semaphore, #tpu.memory_space<semaphore_mem>>) {add = true}
        } else {
        }
        %lt3A_267 = arith.constant 156 : i32
        %lt3A_268 = arith.cmpi slt, %sub3A_261, %lt3A_267 : i32
        %convert_element_type3A_269 = arith.extui %lt3A_268 : i1 to i32
        %cond3A_270 = arith.constant 0 : i32
        %cond3A_271 = arith.cmpi ne, %convert_element_type3A_269, %cond3A_270 : i32
        scf.if %cond3A_271 {
          %get3A_282 = arith.constant 16 : index
          %get3A_283 = tpu.vector_load %arg16[%get3A_282] {strides = array<i32>} : memref<64xi32, #tpu.memory_space<vmem>>, vector<16xi32>,
          %dma_start3A_284 = arith.constant 16 : i32
          %dma_start3A_285 = arith.constant 0 : i32
          %dma_start3A_286 = tpu.memref_slice %arg21[%dma_start3A_284, %dma_start3A_285] : memref<64x128xf32, #tpu.memory_space<vmem>> -> memref<16x128xf32, #tpu.memory_space<vmem>>
          %dma_start3A_287 = arith.constant 0 : i32
          %dma_start3A_288 = arith.constant 0 : i32
          %dma_start3A_289 = tpu.memref_slice %arg6[%dma_start3A_287, %dma_start3A_288] : memref<10112x128xf32, #tpu.memory_space<vmem_shared>> -> memref<10112x128xf32, #tpu.memory_space<vmem_shared>>
          tpu.enqueue_indirect_dma source(%dma_start3A_286 : memref<16x128xf32, #tpu.memory_space<vmem>>) target(%dma_start3A_289 : memref<10112x128xf32, #tpu.memory_space<vmem_shared>>) offsets(%get3A_283 : vector<16xi32>) semaphore(%arg36 : memref<!tpu.dma_semaphore, #tpu.memory_space<semaphore_mem>>) {add = true}
        } else {
        }
        %lt3A_272 = arith.constant 156 : i32
        %lt3A_273 = arith.cmpi slt, %sub3A_261, %lt3A_272 : i32
        %convert_element_type3A_274 = arith.extui %lt3A_273 : i1 to i32
        %cond3A_275 = arith.constant 0 : i32
        %cond3A_276 = arith.cmpi ne, %convert_element_type3A_274, %cond3A_275 : i32
        scf.if %cond3A_276 {
          %get3A_282 = arith.constant 32 : index
          %get3A_283 = tpu.vector_load %arg16[%get3A_282] {strides = array<i32>} : memref<64xi32, #tpu.memory_space<vmem>>, vector<16xi32>,
          %dma_start3A_284 = arith.constant 32 : i32
          %dma_start3A_285 = arith.constant 0 : i32
          %dma_start3A_286 = tpu.memref_slice %arg21[%dma_start3A_284, %dma_start3A_285] : memref<64x128xf32, #tpu.memory_space<vmem>> -> memref<16x128xf32, #tpu.memory_space<vmem>>
          %dma_start3A_287 = arith.constant 0 : i32
          %dma_start3A_288 = arith.constant 0 : i32
          %dma_start3A_289 = tpu.memref_slice %arg6[%dma_start3A_287, %dma_start3A_288] : memref<10112x128xf32, #tpu.memory_space<vmem_shared>> -> memref<10112x128xf32, #tpu.memory_space<vmem_shared>>
          tpu.enqueue_indirect_dma source(%dma_start3A_286 : memref<16x128xf32, #tpu.memory_space<vmem>>) target(%dma_start3A_289 : memref<10112x128xf32, #tpu.memory_space<vmem_shared>>) offsets(%get3A_283 : vector<16xi32>) semaphore(%arg36 : memref<!tpu.dma_semaphore, #tpu.memory_space<semaphore_mem>>) {add = true}
        } else {
        }
        %lt3A_277 = arith.constant 157 : i32
        %lt3A_278 = arith.cmpi slt, %sub3A_261, %lt3A_277 : i32
        %convert_element_type3A_279 = arith.extui %lt3A_278 : i1 to i32
        %cond3A_280 = arith.constant 0 : i32
        %cond3A_281 = arith.cmpi ne, %convert_element_type3A_279, %cond3A_280 : i32
        scf.if %cond3A_281 {
          %get3A_282 = arith.constant 48 : index
          %get3A_283 = tpu.vector_load %arg16[%get3A_282] {strides = array<i32>} : memref<64xi32, #tpu.memory_space<vmem>>, vector<16xi32>,
          %dma_start3A_284 = arith.constant 48 : i32
          %dma_start3A_285 = arith.constant 0 : i32
          %dma_start3A_286 = tpu.memref_slice %arg21[%dma_start3A_284, %dma_start3A_285] : memref<64x128xf32, #tpu.memory_space<vmem>> -> memref<16x128xf32, #tpu.memory_space<vmem>>
          %dma_start3A_287 = arith.constant 0 : i32
          %dma_start3A_288 = arith.constant 0 : i32
          %dma_start3A_289 = tpu.memref_slice %arg6[%dma_start3A_287, %dma_start3A_288] : memref<10112x128xf32, #tpu.memory_space<vmem_shared>> -> memref<10112x128xf32, #tpu.memory_space<vmem_shared>>
          tpu.enqueue_indirect_dma source(%dma_start3A_286 : memref<16x128xf32, #tpu.memory_space<vmem>>) target(%dma_start3A_289 : memref<10112x128xf32, #tpu.memory_space<vmem_shared>>) offsets(%get3A_283 : vector<16xi32>) semaphore(%arg36 : memref<!tpu.dma_semaphore, #tpu.memory_space<semaphore_mem>>) {add = true}
        } else {
        }
      } else {
      }
      %dma_wait3A_141 = arith.constant 0 : i32
      %dma_wait3A_142 = tpu.memref_slice %arg3[%dma_wait3A_141] : memref<320000xi32, #tpu.memory_space<hbm>> -> memref<64xi32, #tpu.memory_space<hbm>>
      %dma_wait3A_143 = arith.constant 0 : i32
      %dma_wait3A_144 = tpu.memref_slice %arg3[%dma_wait3A_143] : memref<320000xi32, #tpu.memory_space<hbm>> -> memref<64xi32, #tpu.memory_space<hbm>>
      tpu.wait_dma2 semaphore(%arg23 : memref<!tpu.dma_semaphore, #tpu.memory_space<semaphore_mem>>) src(%dma_wait3A_144 : memref<64xi32, #tpu.memory_space<hbm>>) dst(%arg8 : memref<64xi32, #tpu.memory_space<vmem>>)
      %dma_wait3A_145 = arith.constant 0 : i32
      %dma_wait3A_146 = tpu.memref_slice %arg4[%dma_wait3A_145] : memref<320000xi32, #tpu.memory_space<hbm>> -> memref<64xi32, #tpu.memory_space<hbm>>
      %dma_wait3A_147 = arith.constant 0 : i32
      %dma_wait3A_148 = tpu.memref_slice %arg4[%dma_wait3A_147] : memref<320000xi32, #tpu.memory_space<hbm>> -> memref<64xi32, #tpu.memory_space<hbm>>
      tpu.wait_dma2 semaphore(%arg23 : memref<!tpu.dma_semaphore, #tpu.memory_space<semaphore_mem>>) src(%dma_wait3A_148 : memref<64xi32, #tpu.memory_space<hbm>>) dst(%arg13 : memref<64xi32, #tpu.memory_space<vmem>>)
      %dma_start3A_149 = arith.constant 0 : i32
      %dma_start3A_150 = arith.constant 0 : i32
      %dma_start3A_151 = tpu.memref_slice %arg2[%dma_start3A_149, %dma_start3A_150] : memref<10000x128xf32, #tpu.memory_space<hbm>> -> memref<10000x128xf32, #tpu.memory_space<hbm>>
      tpu.enqueue_indirect_dma source(%dma_start3A_151 : memref<10000x128xf32, #tpu.memory_space<hbm>>) target(%arg18 : memref<64x128xf32, #tpu.memory_space<vmem>>) offsets(%arg8 : memref<64xi32, #tpu.memory_space<vmem>>) semaphore(%arg28 : memref<!tpu.dma_semaphore, #tpu.memory_space<semaphore_mem>>)
      %add3A_152 = arith.constant 2 : i32
      %add3A_153 = arith.addi %add3A_130, %add3A_152 : i32
      %lt3A_154 = arith.constant 160 : i32
      %lt3A_155 = arith.cmpi slt, %add3A_153, %lt3A_154 : i32
      %convert_element_type3A_156 = arith.extui %lt3A_155 : i1 to i32
      %cond3A_157 = arith.constant 0 : i32
      %cond3A_158 = arith.cmpi ne, %convert_element_type3A_156, %cond3A_157 : i32
      scf.if %cond3A_158 {
        %add3A_256 = arith.constant 2 : i32
        %add3A_257 = arith.addi %add3A_130, %add3A_256 : i32
        %mul3A_258 = arith.constant 64 : i32
        %mul3A_259 = arith.muli %add3A_257, %mul3A_258 : i32
        %min3A_260 = arith.constant 9936 : i32
        %min3A_261 = arith.minsi %mul3A_259, %min3A_260 : i32
        %add3A_262 = arith.addi %mul3A_4, %min3A_261 : i32
        %dma_start3A_263 = tpu.memref_slice %arg3[%add3A_262] : memref<320000xi32, #tpu.memory_space<hbm>> -> memref<64xi32, #tpu.memory_space<hbm>>
        %dma_start3A_264 = tpu.memref_slice %arg3[%add3A_262] : memref<320000xi32, #tpu.memory_space<hbm>> -> memref<64xi32, #tpu.memory_space<hbm>>
        tpu.enqueue_dma source(%dma_start3A_264 : memref<64xi32, #tpu.memory_space<hbm>>) target(%arg10 : memref<64xi32, #tpu.memory_space<vmem>>) target_semaphore(%arg25 : memref<!tpu.dma_semaphore, #tpu.memory_space<semaphore_mem>>)
        %dma_start3A_265 = tpu.memref_slice %arg4[%add3A_262] : memref<320000xi32, #tpu.memory_space<hbm>> -> memref<64xi32, #tpu.memory_space<hbm>>
        %dma_start3A_266 = tpu.memref_slice %arg4[%add3A_262] : memref<320000xi32, #tpu.memory_space<hbm>> -> memref<64xi32, #tpu.memory_space<hbm>>
        tpu.enqueue_dma source(%dma_start3A_266 : memref<64xi32, #tpu.memory_space<hbm>>) target(%arg15 : memref<64xi32, #tpu.memory_space<vmem>>) target_semaphore(%arg25 : memref<!tpu.dma_semaphore, #tpu.memory_space<semaphore_mem>>)
      } else {
      }
      %mul3A_159 = arith.constant 5 : i32
      %mul3A_160 = arith.muli %scan3A_97, %mul3A_159 : i32
      %add3A_161 = arith.constant 2 : i32
      %add3A_162 = arith.addi %mul3A_160, %add3A_161 : i32
      %ge3A_163 = arith.constant 5 : i32
      %ge3A_164 = arith.cmpi sge, %add3A_162, %ge3A_163 : i32
      %convert_element_type3A_165 = arith.extui %ge3A_164 : i1 to i32
      %cond3A_166 = arith.constant 0 : i32
      %cond3A_167 = arith.cmpi ne, %convert_element_type3A_165, %cond3A_166 : i32
      scf.if %cond3A_167 {
        %sub3A = arith.constant 5 : i32
        %sub3A_256 = arith.subi %add3A_162, %sub3A : i32
        %lt3A_257 = arith.constant 156 : i32
        %lt3A_258 = arith.cmpi slt, %sub3A_256, %lt3A_257 : i32
        %convert_element_type3A_259 = arith.extui %lt3A_258 : i1 to i32
        %cond3A_260 = arith.constant 0 : i32
        %cond3A_261 = arith.cmpi ne, %convert_element_type3A_259, %cond3A_260 : i32
        scf.if %cond3A_261 {
          %get3A_277 = arith.constant 0 : index
          %get3A_278 = tpu.vector_load %arg14[%get3A_277] {strides = array<i32>} : memref<64xi32, #tpu.memory_space<vmem>>, vector<16xi32>,
          %dma_wait3A_279 = arith.constant 0 : i32
          %dma_wait3A_280 = arith.constant 0 : i32
          %dma_wait3A_281 = tpu.memref_slice %arg19[%dma_wait3A_279, %dma_wait3A_280] : memref<64x128xf32, #tpu.memory_space<vmem>> -> memref<16x128xf32, #tpu.memory_space<vmem>>
          %dma_wait3A_282 = arith.constant 0 : i32
          %dma_wait3A_283 = arith.constant 0 : i32
          %dma_wait3A_284 = tpu.memref_slice %arg6[%dma_wait3A_282, %dma_wait3A_283] : memref<10112x128xf32, #tpu.memory_space<vmem_shared>> -> memref<10112x128xf32, #tpu.memory_space<vmem_shared>>
          tpu.wait_indirect_dma semaphore(%arg34 : memref<!tpu.dma_semaphore, #tpu.memory_space<semaphore_mem>>) src(%dma_wait3A_281 : memref<16x128xf32, #tpu.memory_space<vmem>>) dst(%dma_wait3A_284 : memref<10112x128xf32, #tpu.memory_space<vmem_shared>>)
        } else {
        }
        %lt3A_262 = arith.constant 156 : i32
        %lt3A_263 = arith.cmpi slt, %sub3A_256, %lt3A_262 : i32
        %convert_element_type3A_264 = arith.extui %lt3A_263 : i1 to i32
        %cond3A_265 = arith.constant 0 : i32
        %cond3A_266 = arith.cmpi ne, %convert_element_type3A_264, %cond3A_265 : i32
        scf.if %cond3A_266 {
          %get3A_277 = arith.constant 16 : index
          %get3A_278 = tpu.vector_load %arg14[%get3A_277] {strides = array<i32>} : memref<64xi32, #tpu.memory_space<vmem>>, vector<16xi32>,
          %dma_wait3A_279 = arith.constant 16 : i32
          %dma_wait3A_280 = arith.constant 0 : i32
          %dma_wait3A_281 = tpu.memref_slice %arg19[%dma_wait3A_279, %dma_wait3A_280] : memref<64x128xf32, #tpu.memory_space<vmem>> -> memref<16x128xf32, #tpu.memory_space<vmem>>
          %dma_wait3A_282 = arith.constant 0 : i32
          %dma_wait3A_283 = arith.constant 0 : i32
          %dma_wait3A_284 = tpu.memref_slice %arg6[%dma_wait3A_282, %dma_wait3A_283] : memref<10112x128xf32, #tpu.memory_space<vmem_shared>> -> memref<10112x128xf32, #tpu.memory_space<vmem_shared>>
          tpu.wait_indirect_dma semaphore(%arg34 : memref<!tpu.dma_semaphore, #tpu.memory_space<semaphore_mem>>) src(%dma_wait3A_281 : memref<16x128xf32, #tpu.memory_space<vmem>>) dst(%dma_wait3A_284 : memref<10112x128xf32, #tpu.memory_space<vmem_shared>>)
        } else {
        }
        %lt3A_267 = arith.constant 156 : i32
        %lt3A_268 = arith.cmpi slt, %sub3A_256, %lt3A_267 : i32
        %convert_element_type3A_269 = arith.extui %lt3A_268 : i1 to i32
        %cond3A_270 = arith.constant 0 : i32
        %cond3A_271 = arith.cmpi ne, %convert_element_type3A_269, %cond3A_270 : i32
        scf.if %cond3A_271 {
          %get3A_277 = arith.constant 32 : index
          %get3A_278 = tpu.vector_load %arg14[%get3A_277] {strides = array<i32>} : memref<64xi32, #tpu.memory_space<vmem>>, vector<16xi32>,
          %dma_wait3A_279 = arith.constant 32 : i32
          %dma_wait3A_280 = arith.constant 0 : i32
          %dma_wait3A_281 = tpu.memref_slice %arg19[%dma_wait3A_279, %dma_wait3A_280] : memref<64x128xf32, #tpu.memory_space<vmem>> -> memref<16x128xf32, #tpu.memory_space<vmem>>
          %dma_wait3A_282 = arith.constant 0 : i32
          %dma_wait3A_283 = arith.constant 0 : i32
          %dma_wait3A_284 = tpu.memref_slice %arg6[%dma_wait3A_282, %dma_wait3A_283] : memref<10112x128xf32, #tpu.memory_space<vmem_shared>> -> memref<10112x128xf32, #tpu.memory_space<vmem_shared>>
          tpu.wait_indirect_dma semaphore(%arg34 : memref<!tpu.dma_semaphore, #tpu.memory_space<semaphore_mem>>) src(%dma_wait3A_281 : memref<16x128xf32, #tpu.memory_space<vmem>>) dst(%dma_wait3A_284 : memref<10112x128xf32, #tpu.memory_space<vmem_shared>>)
        } else {
        }
        %lt3A_272 = arith.constant 157 : i32
        %lt3A_273 = arith.cmpi slt, %sub3A_256, %lt3A_272 : i32
        %convert_element_type3A_274 = arith.extui %lt3A_273 : i1 to i32
        %cond3A_275 = arith.constant 0 : i32
        %cond3A_276 = arith.cmpi ne, %convert_element_type3A_274, %cond3A_275 : i32
        scf.if %cond3A_276 {
          %get3A_277 = arith.constant 48 : index
          %get3A_278 = tpu.vector_load %arg14[%get3A_277] {strides = array<i32>} : memref<64xi32, #tpu.memory_space<vmem>>, vector<16xi32>,
          %dma_wait3A_279 = arith.constant 48 : i32
          %dma_wait3A_280 = arith.constant 0 : i32
          %dma_wait3A_281 = tpu.memref_slice %arg19[%dma_wait3A_279, %dma_wait3A_280] : memref<64x128xf32, #tpu.memory_space<vmem>> -> memref<16x128xf32, #tpu.memory_space<vmem>>
          %dma_wait3A_282 = arith.constant 0 : i32
          %dma_wait3A_283 = arith.constant 0 : i32
          %dma_wait3A_284 = tpu.memref_slice %arg6[%dma_wait3A_282, %dma_wait3A_283] : memref<10112x128xf32, #tpu.memory_space<vmem_shared>> -> memref<10112x128xf32, #tpu.memory_space<vmem_shared>>
          tpu.wait_indirect_dma semaphore(%arg34 : memref<!tpu.dma_semaphore, #tpu.memory_space<semaphore_mem>>) src(%dma_wait3A_281 : memref<16x128xf32, #tpu.memory_space<vmem>>) dst(%dma_wait3A_284 : memref<10112x128xf32, #tpu.memory_space<vmem_shared>>)
        } else {
        }
      } else {
      }
      %ge3A_168 = arith.constant 2 : i32
      %ge3A_169 = arith.cmpi sge, %add3A_162, %ge3A_168 : i32
      %convert_element_type3A_170 = arith.extui %ge3A_169 : i1 to i32
      %cond3A_171 = arith.constant 0 : i32
      %cond3A_172 = arith.cmpi ne, %convert_element_type3A_170, %cond3A_171 : i32
      scf.if %cond3A_172 {
        %sub3A = arith.constant 2 : i32
        %sub3A_256 = arith.subi %add3A_162, %sub3A : i32
        %dma_wait3A_257 = arith.constant 0 : i32
        %dma_wait3A_258 = arith.constant 0 : i32
        %dma_wait3A_259 = tpu.memref_slice %arg2[%dma_wait3A_257, %dma_wait3A_258] : memref<10000x128xf32, #tpu.memory_space<hbm>> -> memref<10000x128xf32, #tpu.memory_space<hbm>>
        tpu.wait_indirect_dma semaphore(%arg27 : memref<!tpu.dma_semaphore, #tpu.memory_space<semaphore_mem>>) src(%dma_wait3A_259 : memref<10000x128xf32, #tpu.memory_space<hbm>>) dst(%arg17 : memref<64x128xf32, #tpu.memory_space<vmem>>)
        %sub3A_260 = arith.constant 2 : i32
        %sub3A_261 = arith.subi %add3A_162, %sub3A_260 : i32
        %lt3A_262 = arith.constant 156 : i32
        %lt3A_263 = arith.cmpi slt, %sub3A_261, %lt3A_262 : i32
        %convert_element_type3A_264 = arith.extui %lt3A_263 : i1 to i32
        %cond3A_265 = arith.constant 0 : i32
        %cond3A_266 = arith.cmpi ne, %convert_element_type3A_264, %cond3A_265 : i32
        scf.if %cond3A_266 {
          %get3A_282 = arith.constant 0 : index
          %get3A_283 = tpu.vector_load %arg12[%get3A_282] {strides = array<i32>} : memref<64xi32, #tpu.memory_space<vmem>>, vector<16xi32>,
          %dma_start3A_284 = arith.constant 0 : i32
          %dma_start3A_285 = arith.constant 0 : i32
          %dma_start3A_286 = tpu.memref_slice %arg17[%dma_start3A_284, %dma_start3A_285] : memref<64x128xf32, #tpu.memory_space<vmem>> -> memref<16x128xf32, #tpu.memory_space<vmem>>
          %dma_start3A_287 = arith.constant 0 : i32
          %dma_start3A_288 = arith.constant 0 : i32
          %dma_start3A_289 = tpu.memref_slice %arg6[%dma_start3A_287, %dma_start3A_288] : memref<10112x128xf32, #tpu.memory_space<vmem_shared>> -> memref<10112x128xf32, #tpu.memory_space<vmem_shared>>
          tpu.enqueue_indirect_dma source(%dma_start3A_286 : memref<16x128xf32, #tpu.memory_space<vmem>>) target(%dma_start3A_289 : memref<10112x128xf32, #tpu.memory_space<vmem_shared>>) offsets(%get3A_283 : vector<16xi32>) semaphore(%arg32 : memref<!tpu.dma_semaphore, #tpu.memory_space<semaphore_mem>>) {add = true}
        } else {
        }
        %lt3A_267 = arith.constant 156 : i32
        %lt3A_268 = arith.cmpi slt, %sub3A_261, %lt3A_267 : i32
        %convert_element_type3A_269 = arith.extui %lt3A_268 : i1 to i32
        %cond3A_270 = arith.constant 0 : i32
        %cond3A_271 = arith.cmpi ne, %convert_element_type3A_269, %cond3A_270 : i32
        scf.if %cond3A_271 {
          %get3A_282 = arith.constant 16 : index
          %get3A_283 = tpu.vector_load %arg12[%get3A_282] {strides = array<i32>} : memref<64xi32, #tpu.memory_space<vmem>>, vector<16xi32>,
          %dma_start3A_284 = arith.constant 16 : i32
          %dma_start3A_285 = arith.constant 0 : i32
          %dma_start3A_286 = tpu.memref_slice %arg17[%dma_start3A_284, %dma_start3A_285] : memref<64x128xf32, #tpu.memory_space<vmem>> -> memref<16x128xf32, #tpu.memory_space<vmem>>
          %dma_start3A_287 = arith.constant 0 : i32
          %dma_start3A_288 = arith.constant 0 : i32
          %dma_start3A_289 = tpu.memref_slice %arg6[%dma_start3A_287, %dma_start3A_288] : memref<10112x128xf32, #tpu.memory_space<vmem_shared>> -> memref<10112x128xf32, #tpu.memory_space<vmem_shared>>
          tpu.enqueue_indirect_dma source(%dma_start3A_286 : memref<16x128xf32, #tpu.memory_space<vmem>>) target(%dma_start3A_289 : memref<10112x128xf32, #tpu.memory_space<vmem_shared>>) offsets(%get3A_283 : vector<16xi32>) semaphore(%arg32 : memref<!tpu.dma_semaphore, #tpu.memory_space<semaphore_mem>>) {add = true}
        } else {
        }
        %lt3A_272 = arith.constant 156 : i32
        %lt3A_273 = arith.cmpi slt, %sub3A_261, %lt3A_272 : i32
        %convert_element_type3A_274 = arith.extui %lt3A_273 : i1 to i32
        %cond3A_275 = arith.constant 0 : i32
        %cond3A_276 = arith.cmpi ne, %convert_element_type3A_274, %cond3A_275 : i32
        scf.if %cond3A_276 {
          %get3A_282 = arith.constant 32 : index
          %get3A_283 = tpu.vector_load %arg12[%get3A_282] {strides = array<i32>} : memref<64xi32, #tpu.memory_space<vmem>>, vector<16xi32>,
          %dma_start3A_284 = arith.constant 32 : i32
          %dma_start3A_285 = arith.constant 0 : i32
          %dma_start3A_286 = tpu.memref_slice %arg17[%dma_start3A_284, %dma_start3A_285] : memref<64x128xf32, #tpu.memory_space<vmem>> -> memref<16x128xf32, #tpu.memory_space<vmem>>
          %dma_start3A_287 = arith.constant 0 : i32
          %dma_start3A_288 = arith.constant 0 : i32
          %dma_start3A_289 = tpu.memref_slice %arg6[%dma_start3A_287, %dma_start3A_288] : memref<10112x128xf32, #tpu.memory_space<vmem_shared>> -> memref<10112x128xf32, #tpu.memory_space<vmem_shared>>
          tpu.enqueue_indirect_dma source(%dma_start3A_286 : memref<16x128xf32, #tpu.memory_space<vmem>>) target(%dma_start3A_289 : memref<10112x128xf32, #tpu.memory_space<vmem_shared>>) offsets(%get3A_283 : vector<16xi32>) semaphore(%arg32 : memref<!tpu.dma_semaphore, #tpu.memory_space<semaphore_mem>>) {add = true}
        } else {
        }
        %lt3A_277 = arith.constant 157 : i32
        %lt3A_278 = arith.cmpi slt, %sub3A_261, %lt3A_277 : i32
        %convert_element_type3A_279 = arith.extui %lt3A_278 : i1 to i32
        %cond3A_280 = arith.constant 0 : i32
        %cond3A_281 = arith.cmpi ne, %convert_element_type3A_279, %cond3A_280 : i32
        scf.if %cond3A_281 {
          %get3A_282 = arith.constant 48 : index
          %get3A_283 = tpu.vector_load %arg12[%get3A_282] {strides = array<i32>} : memref<64xi32, #tpu.memory_space<vmem>>, vector<16xi32>,
          %dma_start3A_284 = arith.constant 48 : i32
          %dma_start3A_285 = arith.constant 0 : i32
          %dma_start3A_286 = tpu.memref_slice %arg17[%dma_start3A_284, %dma_start3A_285] : memref<64x128xf32, #tpu.memory_space<vmem>> -> memref<16x128xf32, #tpu.memory_space<vmem>>
          %dma_start3A_287 = arith.constant 0 : i32
          %dma_start3A_288 = arith.constant 0 : i32
          %dma_start3A_289 = tpu.memref_slice %arg6[%dma_start3A_287, %dma_start3A_288] : memref<10112x128xf32, #tpu.memory_space<vmem_shared>> -> memref<10112x128xf32, #tpu.memory_space<vmem_shared>>
          tpu.enqueue_indirect_dma source(%dma_start3A_286 : memref<16x128xf32, #tpu.memory_space<vmem>>) target(%dma_start3A_289 : memref<10112x128xf32, #tpu.memory_space<vmem_shared>>) offsets(%get3A_283 : vector<16xi32>) semaphore(%arg32 : memref<!tpu.dma_semaphore, #tpu.memory_space<semaphore_mem>>) {add = true}
        } else {
        }
      } else {
      }
      %dma_wait3A_173 = arith.constant 0 : i32
      %dma_wait3A_174 = tpu.memref_slice %arg3[%dma_wait3A_173] : memref<320000xi32, #tpu.memory_space<hbm>> -> memref<64xi32, #tpu.memory_space<hbm>>
      %dma_wait3A_175 = arith.constant 0 : i32
      %dma_wait3A_176 = tpu.memref_slice %arg3[%dma_wait3A_175] : memref<320000xi32, #tpu.memory_space<hbm>> -> memref<64xi32, #tpu.memory_space<hbm>>
      tpu.wait_dma2 semaphore(%arg24 : memref<!tpu.dma_semaphore, #tpu.memory_space<semaphore_mem>>) src(%dma_wait3A_176 : memref<64xi32, #tpu.memory_space<hbm>>) dst(%arg9 : memref<64xi32, #tpu.memory_space<vmem>>)
      %dma_wait3A_177 = arith.constant 0 : i32
      %dma_wait3A_178 = tpu.memref_slice %arg4[%dma_wait3A_177] : memref<320000xi32, #tpu.memory_space<hbm>> -> memref<64xi32, #tpu.memory_space<hbm>>
      %dma_wait3A_179 = arith.constant 0 : i32
      %dma_wait3A_180 = tpu.memref_slice %arg4[%dma_wait3A_179] : memref<320000xi32, #tpu.memory_space<hbm>> -> memref<64xi32, #tpu.memory_space<hbm>>
      tpu.wait_dma2 semaphore(%arg24 : memref<!tpu.dma_semaphore, #tpu.memory_space<semaphore_mem>>) src(%dma_wait3A_180 : memref<64xi32, #tpu.memory_space<hbm>>) dst(%arg14 : memref<64xi32, #tpu.memory_space<vmem>>)
      %dma_start3A_181 = arith.constant 0 : i32
      %dma_start3A_182 = arith.constant 0 : i32
      %dma_start3A_183 = tpu.memref_slice %arg2[%dma_start3A_181, %dma_start3A_182] : memref<10000x128xf32, #tpu.memory_space<hbm>> -> memref<10000x128xf32, #tpu.memory_space<hbm>>
      tpu.enqueue_indirect_dma source(%dma_start3A_183 : memref<10000x128xf32, #tpu.memory_space<hbm>>) target(%arg19 : memref<64x128xf32, #tpu.memory_space<vmem>>) offsets(%arg9 : memref<64xi32, #tpu.memory_space<vmem>>) semaphore(%arg29 : memref<!tpu.dma_semaphore, #tpu.memory_space<semaphore_mem>>)
      %add3A_184 = arith.constant 2 : i32
      %add3A_185 = arith.addi %add3A_162, %add3A_184 : i32
      %lt3A_186 = arith.constant 160 : i32
      %lt3A_187 = arith.cmpi slt, %add3A_185, %lt3A_186 : i32
      %convert_element_type3A_188 = arith.extui %lt3A_187 : i1 to i32
      %cond3A_189 = arith.constant 0 : i32
      %cond3A_190 = arith.cmpi ne, %convert_element_type3A_188, %cond3A_189 : i32
      scf.if %cond3A_190 {
        %add3A_256 = arith.constant 2 : i32
        %add3A_257 = arith.addi %add3A_162, %add3A_256 : i32
        %mul3A_258 = arith.constant 64 : i32
        %mul3A_259 = arith.muli %add3A_257, %mul3A_258 : i32
        %min3A_260 = arith.constant 9936 : i32
        %min3A_261 = arith.minsi %mul3A_259, %min3A_260 : i32
        %add3A_262 = arith.addi %mul3A_4, %min3A_261 : i32
        %dma_start3A_263 = tpu.memref_slice %arg3[%add3A_262] : memref<320000xi32, #tpu.memory_space<hbm>> -> memref<64xi32, #tpu.memory_space<hbm>>
        %dma_start3A_264 = tpu.memref_slice %arg3[%add3A_262] : memref<320000xi32, #tpu.memory_space<hbm>> -> memref<64xi32, #tpu.memory_space<hbm>>
        tpu.enqueue_dma source(%dma_start3A_264 : memref<64xi32, #tpu.memory_space<hbm>>) target(%arg11 : memref<64xi32, #tpu.memory_space<vmem>>) target_semaphore(%arg26 : memref<!tpu.dma_semaphore, #tpu.memory_space<semaphore_mem>>)
        %dma_start3A_265 = tpu.memref_slice %arg4[%add3A_262] : memref<320000xi32, #tpu.memory_space<hbm>> -> memref<64xi32, #tpu.memory_space<hbm>>
        %dma_start3A_266 = tpu.memref_slice %arg4[%add3A_262] : memref<320000xi32, #tpu.memory_space<hbm>> -> memref<64xi32, #tpu.memory_space<hbm>>
        tpu.enqueue_dma source(%dma_start3A_266 : memref<64xi32, #tpu.memory_space<hbm>>) target(%arg16 : memref<64xi32, #tpu.memory_space<vmem>>) target_semaphore(%arg26 : memref<!tpu.dma_semaphore, #tpu.memory_space<semaphore_mem>>)
      } else {
      }
      %mul3A_191 = arith.constant 5 : i32
      %mul3A_192 = arith.muli %scan3A_97, %mul3A_191 : i32
      %add3A_193 = arith.constant 3 : i32
      %add3A_194 = arith.addi %mul3A_192, %add3A_193 : i32
      %ge3A_195 = arith.constant 5 : i32
      %ge3A_196 = arith.cmpi sge, %add3A_194, %ge3A_195 : i32
      %convert_element_type3A_197 = arith.extui %ge3A_196 : i1 to i32
      %cond3A_198 = arith.constant 0 : i32
      %cond3A_199 = arith.cmpi ne, %convert_element_type3A_197, %cond3A_198 : i32
      scf.if %cond3A_199 {
        %sub3A = arith.constant 5 : i32
        %sub3A_256 = arith.subi %add3A_194, %sub3A : i32
        %lt3A_257 = arith.constant 156 : i32
        %lt3A_258 = arith.cmpi slt, %sub3A_256, %lt3A_257 : i32
        %convert_element_type3A_259 = arith.extui %lt3A_258 : i1 to i32
        %cond3A_260 = arith.constant 0 : i32
        %cond3A_261 = arith.cmpi ne, %convert_element_type3A_259, %cond3A_260 : i32
        scf.if %cond3A_261 {
          %get3A_277 = arith.constant 0 : index
          %get3A_278 = tpu.vector_load %arg15[%get3A_277] {strides = array<i32>} : memref<64xi32, #tpu.memory_space<vmem>>, vector<16xi32>,
          %dma_wait3A_279 = arith.constant 0 : i32
          %dma_wait3A_280 = arith.constant 0 : i32
          %dma_wait3A_281 = tpu.memref_slice %arg20[%dma_wait3A_279, %dma_wait3A_280] : memref<64x128xf32, #tpu.memory_space<vmem>> -> memref<16x128xf32, #tpu.memory_space<vmem>>
          %dma_wait3A_282 = arith.constant 0 : i32
          %dma_wait3A_283 = arith.constant 0 : i32
          %dma_wait3A_284 = tpu.memref_slice %arg6[%dma_wait3A_282, %dma_wait3A_283] : memref<10112x128xf32, #tpu.memory_space<vmem_shared>> -> memref<10112x128xf32, #tpu.memory_space<vmem_shared>>
          tpu.wait_indirect_dma semaphore(%arg35 : memref<!tpu.dma_semaphore, #tpu.memory_space<semaphore_mem>>) src(%dma_wait3A_281 : memref<16x128xf32, #tpu.memory_space<vmem>>) dst(%dma_wait3A_284 : memref<10112x128xf32, #tpu.memory_space<vmem_shared>>)
        } else {
        }
        %lt3A_262 = arith.constant 156 : i32
        %lt3A_263 = arith.cmpi slt, %sub3A_256, %lt3A_262 : i32
        %convert_element_type3A_264 = arith.extui %lt3A_263 : i1 to i32
        %cond3A_265 = arith.constant 0 : i32
        %cond3A_266 = arith.cmpi ne, %convert_element_type3A_264, %cond3A_265 : i32
        scf.if %cond3A_266 {
          %get3A_277 = arith.constant 16 : index
          %get3A_278 = tpu.vector_load %arg15[%get3A_277] {strides = array<i32>} : memref<64xi32, #tpu.memory_space<vmem>>, vector<16xi32>,
          %dma_wait3A_279 = arith.constant 16 : i32
          %dma_wait3A_280 = arith.constant 0 : i32
          %dma_wait3A_281 = tpu.memref_slice %arg20[%dma_wait3A_279, %dma_wait3A_280] : memref<64x128xf32, #tpu.memory_space<vmem>> -> memref<16x128xf32, #tpu.memory_space<vmem>>
          %dma_wait3A_282 = arith.constant 0 : i32
          %dma_wait3A_283 = arith.constant 0 : i32
          %dma_wait3A_284 = tpu.memref_slice %arg6[%dma_wait3A_282, %dma_wait3A_283] : memref<10112x128xf32, #tpu.memory_space<vmem_shared>> -> memref<10112x128xf32, #tpu.memory_space<vmem_shared>>
          tpu.wait_indirect_dma semaphore(%arg35 : memref<!tpu.dma_semaphore, #tpu.memory_space<semaphore_mem>>) src(%dma_wait3A_281 : memref<16x128xf32, #tpu.memory_space<vmem>>) dst(%dma_wait3A_284 : memref<10112x128xf32, #tpu.memory_space<vmem_shared>>)
        } else {
        }
        %lt3A_267 = arith.constant 156 : i32
        %lt3A_268 = arith.cmpi slt, %sub3A_256, %lt3A_267 : i32
        %convert_element_type3A_269 = arith.extui %lt3A_268 : i1 to i32
        %cond3A_270 = arith.constant 0 : i32
        %cond3A_271 = arith.cmpi ne, %convert_element_type3A_269, %cond3A_270 : i32
        scf.if %cond3A_271 {
          %get3A_277 = arith.constant 32 : index
          %get3A_278 = tpu.vector_load %arg15[%get3A_277] {strides = array<i32>} : memref<64xi32, #tpu.memory_space<vmem>>, vector<16xi32>,
          %dma_wait3A_279 = arith.constant 32 : i32
          %dma_wait3A_280 = arith.constant 0 : i32
          %dma_wait3A_281 = tpu.memref_slice %arg20[%dma_wait3A_279, %dma_wait3A_280] : memref<64x128xf32, #tpu.memory_space<vmem>> -> memref<16x128xf32, #tpu.memory_space<vmem>>
          %dma_wait3A_282 = arith.constant 0 : i32
          %dma_wait3A_283 = arith.constant 0 : i32
          %dma_wait3A_284 = tpu.memref_slice %arg6[%dma_wait3A_282, %dma_wait3A_283] : memref<10112x128xf32, #tpu.memory_space<vmem_shared>> -> memref<10112x128xf32, #tpu.memory_space<vmem_shared>>
          tpu.wait_indirect_dma semaphore(%arg35 : memref<!tpu.dma_semaphore, #tpu.memory_space<semaphore_mem>>) src(%dma_wait3A_281 : memref<16x128xf32, #tpu.memory_space<vmem>>) dst(%dma_wait3A_284 : memref<10112x128xf32, #tpu.memory_space<vmem_shared>>)
        } else {
        }
        %lt3A_272 = arith.constant 157 : i32
        %lt3A_273 = arith.cmpi slt, %sub3A_256, %lt3A_272 : i32
        %convert_element_type3A_274 = arith.extui %lt3A_273 : i1 to i32
        %cond3A_275 = arith.constant 0 : i32
        %cond3A_276 = arith.cmpi ne, %convert_element_type3A_274, %cond3A_275 : i32
        scf.if %cond3A_276 {
          %get3A_277 = arith.constant 48 : index
          %get3A_278 = tpu.vector_load %arg15[%get3A_277] {strides = array<i32>} : memref<64xi32, #tpu.memory_space<vmem>>, vector<16xi32>,
          %dma_wait3A_279 = arith.constant 48 : i32
          %dma_wait3A_280 = arith.constant 0 : i32
          %dma_wait3A_281 = tpu.memref_slice %arg20[%dma_wait3A_279, %dma_wait3A_280] : memref<64x128xf32, #tpu.memory_space<vmem>> -> memref<16x128xf32, #tpu.memory_space<vmem>>
          %dma_wait3A_282 = arith.constant 0 : i32
          %dma_wait3A_283 = arith.constant 0 : i32
          %dma_wait3A_284 = tpu.memref_slice %arg6[%dma_wait3A_282, %dma_wait3A_283] : memref<10112x128xf32, #tpu.memory_space<vmem_shared>> -> memref<10112x128xf32, #tpu.memory_space<vmem_shared>>
          tpu.wait_indirect_dma semaphore(%arg35 : memref<!tpu.dma_semaphore, #tpu.memory_space<semaphore_mem>>) src(%dma_wait3A_281 : memref<16x128xf32, #tpu.memory_space<vmem>>) dst(%dma_wait3A_284 : memref<10112x128xf32, #tpu.memory_space<vmem_shared>>)
        } else {
        }
      } else {
      }
      %ge3A_200 = arith.constant 2 : i32
      %ge3A_201 = arith.cmpi sge, %add3A_194, %ge3A_200 : i32
      %convert_element_type3A_202 = arith.extui %ge3A_201 : i1 to i32
      %cond3A_203 = arith.constant 0 : i32
      %cond3A_204 = arith.cmpi ne, %convert_element_type3A_202, %cond3A_203 : i32
      scf.if %cond3A_204 {
        %sub3A = arith.constant 2 : i32
        %sub3A_256 = arith.subi %add3A_194, %sub3A : i32
        %dma_wait3A_257 = arith.constant 0 : i32
        %dma_wait3A_258 = arith.constant 0 : i32
        %dma_wait3A_259 = tpu.memref_slice %arg2[%dma_wait3A_257, %dma_wait3A_258] : memref<10000x128xf32, #tpu.memory_space<hbm>> -> memref<10000x128xf32, #tpu.memory_space<hbm>>
        tpu.wait_indirect_dma semaphore(%arg28 : memref<!tpu.dma_semaphore, #tpu.memory_space<semaphore_mem>>) src(%dma_wait3A_259 : memref<10000x128xf32, #tpu.memory_space<hbm>>) dst(%arg18 : memref<64x128xf32, #tpu.memory_space<vmem>>)
        %sub3A_260 = arith.constant 2 : i32
        %sub3A_261 = arith.subi %add3A_194, %sub3A_260 : i32
        %lt3A_262 = arith.constant 156 : i32
        %lt3A_263 = arith.cmpi slt, %sub3A_261, %lt3A_262 : i32
        %convert_element_type3A_264 = arith.extui %lt3A_263 : i1 to i32
        %cond3A_265 = arith.constant 0 : i32
        %cond3A_266 = arith.cmpi ne, %convert_element_type3A_264, %cond3A_265 : i32
        scf.if %cond3A_266 {
          %get3A_282 = arith.constant 0 : index
          %get3A_283 = tpu.vector_load %arg13[%get3A_282] {strides = array<i32>} : memref<64xi32, #tpu.memory_space<vmem>>, vector<16xi32>,
          %dma_start3A_284 = arith.constant 0 : i32
          %dma_start3A_285 = arith.constant 0 : i32
          %dma_start3A_286 = tpu.memref_slice %arg18[%dma_start3A_284, %dma_start3A_285] : memref<64x128xf32, #tpu.memory_space<vmem>> -> memref<16x128xf32, #tpu.memory_space<vmem>>
          %dma_start3A_287 = arith.constant 0 : i32
          %dma_start3A_288 = arith.constant 0 : i32
          %dma_start3A_289 = tpu.memref_slice %arg6[%dma_start3A_287, %dma_start3A_288] : memref<10112x128xf32, #tpu.memory_space<vmem_shared>> -> memref<10112x128xf32, #tpu.memory_space<vmem_shared>>
          tpu.enqueue_indirect_dma source(%dma_start3A_286 : memref<16x128xf32, #tpu.memory_space<vmem>>) target(%dma_start3A_289 : memref<10112x128xf32, #tpu.memory_space<vmem_shared>>) offsets(%get3A_283 : vector<16xi32>) semaphore(%arg33 : memref<!tpu.dma_semaphore, #tpu.memory_space<semaphore_mem>>) {add = true}
        } else {
        }
        %lt3A_267 = arith.constant 156 : i32
        %lt3A_268 = arith.cmpi slt, %sub3A_261, %lt3A_267 : i32
        %convert_element_type3A_269 = arith.extui %lt3A_268 : i1 to i32
        %cond3A_270 = arith.constant 0 : i32
        %cond3A_271 = arith.cmpi ne, %convert_element_type3A_269, %cond3A_270 : i32
        scf.if %cond3A_271 {
          %get3A_282 = arith.constant 16 : index
          %get3A_283 = tpu.vector_load %arg13[%get3A_282] {strides = array<i32>} : memref<64xi32, #tpu.memory_space<vmem>>, vector<16xi32>,
          %dma_start3A_284 = arith.constant 16 : i32
          %dma_start3A_285 = arith.constant 0 : i32
          %dma_start3A_286 = tpu.memref_slice %arg18[%dma_start3A_284, %dma_start3A_285] : memref<64x128xf32, #tpu.memory_space<vmem>> -> memref<16x128xf32, #tpu.memory_space<vmem>>
          %dma_start3A_287 = arith.constant 0 : i32
          %dma_start3A_288 = arith.constant 0 : i32
          %dma_start3A_289 = tpu.memref_slice %arg6[%dma_start3A_287, %dma_start3A_288] : memref<10112x128xf32, #tpu.memory_space<vmem_shared>> -> memref<10112x128xf32, #tpu.memory_space<vmem_shared>>
          tpu.enqueue_indirect_dma source(%dma_start3A_286 : memref<16x128xf32, #tpu.memory_space<vmem>>) target(%dma_start3A_289 : memref<10112x128xf32, #tpu.memory_space<vmem_shared>>) offsets(%get3A_283 : vector<16xi32>) semaphore(%arg33 : memref<!tpu.dma_semaphore, #tpu.memory_space<semaphore_mem>>) {add = true}
        } else {
        }
        %lt3A_272 = arith.constant 156 : i32
        %lt3A_273 = arith.cmpi slt, %sub3A_261, %lt3A_272 : i32
        %convert_element_type3A_274 = arith.extui %lt3A_273 : i1 to i32
        %cond3A_275 = arith.constant 0 : i32
        %cond3A_276 = arith.cmpi ne, %convert_element_type3A_274, %cond3A_275 : i32
        scf.if %cond3A_276 {
          %get3A_282 = arith.constant 32 : index
          %get3A_283 = tpu.vector_load %arg13[%get3A_282] {strides = array<i32>} : memref<64xi32, #tpu.memory_space<vmem>>, vector<16xi32>,
          %dma_start3A_284 = arith.constant 32 : i32
          %dma_start3A_285 = arith.constant 0 : i32
          %dma_start3A_286 = tpu.memref_slice %arg18[%dma_start3A_284, %dma_start3A_285] : memref<64x128xf32, #tpu.memory_space<vmem>> -> memref<16x128xf32, #tpu.memory_space<vmem>>
          %dma_start3A_287 = arith.constant 0 : i32
          %dma_start3A_288 = arith.constant 0 : i32
          %dma_start3A_289 = tpu.memref_slice %arg6[%dma_start3A_287, %dma_start3A_288] : memref<10112x128xf32, #tpu.memory_space<vmem_shared>> -> memref<10112x128xf32, #tpu.memory_space<vmem_shared>>
          tpu.enqueue_indirect_dma source(%dma_start3A_286 : memref<16x128xf32, #tpu.memory_space<vmem>>) target(%dma_start3A_289 : memref<10112x128xf32, #tpu.memory_space<vmem_shared>>) offsets(%get3A_283 : vector<16xi32>) semaphore(%arg33 : memref<!tpu.dma_semaphore, #tpu.memory_space<semaphore_mem>>) {add = true}
        } else {
        }
        %lt3A_277 = arith.constant 157 : i32
        %lt3A_278 = arith.cmpi slt, %sub3A_261, %lt3A_277 : i32
        %convert_element_type3A_279 = arith.extui %lt3A_278 : i1 to i32
        %cond3A_280 = arith.constant 0 : i32
        %cond3A_281 = arith.cmpi ne, %convert_element_type3A_279, %cond3A_280 : i32
        scf.if %cond3A_281 {
          %get3A_282 = arith.constant 48 : index
          %get3A_283 = tpu.vector_load %arg13[%get3A_282] {strides = array<i32>} : memref<64xi32, #tpu.memory_space<vmem>>, vector<16xi32>,
          %dma_start3A_284 = arith.constant 48 : i32
          %dma_start3A_285 = arith.constant 0 : i32
          %dma_start3A_286 = tpu.memref_slice %arg18[%dma_start3A_284, %dma_start3A_285] : memref<64x128xf32, #tpu.memory_space<vmem>> -> memref<16x128xf32, #tpu.memory_space<vmem>>
          %dma_start3A_287 = arith.constant 0 : i32
          %dma_start3A_288 = arith.constant 0 : i32
          %dma_start3A_289 = tpu.memref_slice %arg6[%dma_start3A_287, %dma_start3A_288] : memref<10112x128xf32, #tpu.memory_space<vmem_shared>> -> memref<10112x128xf32, #tpu.memory_space<vmem_shared>>
          tpu.enqueue_indirect_dma source(%dma_start3A_286 : memref<16x128xf32, #tpu.memory_space<vmem>>) target(%dma_start3A_289 : memref<10112x128xf32, #tpu.memory_space<vmem_shared>>) offsets(%get3A_283 : vector<16xi32>) semaphore(%arg33 : memref<!tpu.dma_semaphore, #tpu.memory_space<semaphore_mem>>) {add = true}
        } else {
        }
      } else {
      }
      %dma_wait3A_205 = arith.constant 0 : i32
      %dma_wait3A_206 = tpu.memref_slice %arg3[%dma_wait3A_205] : memref<320000xi32, #tpu.memory_space<hbm>> -> memref<64xi32, #tpu.memory_space<hbm>>
      %dma_wait3A_207 = arith.constant 0 : i32
      %dma_wait3A_208 = tpu.memref_slice %arg3[%dma_wait3A_207] : memref<320000xi32, #tpu.memory_space<hbm>> -> memref<64xi32, #tpu.memory_space<hbm>>
      tpu.wait_dma2 semaphore(%arg25 : memref<!tpu.dma_semaphore, #tpu.memory_space<semaphore_mem>>) src(%dma_wait3A_208 : memref<64xi32, #tpu.memory_space<hbm>>) dst(%arg10 : memref<64xi32, #tpu.memory_space<vmem>>)
      %dma_wait3A_209 = arith.constant 0 : i32
      %dma_wait3A_210 = tpu.memref_slice %arg4[%dma_wait3A_209] : memref<320000xi32, #tpu.memory_space<hbm>> -> memref<64xi32, #tpu.memory_space<hbm>>
      %dma_wait3A_211 = arith.constant 0 : i32
      %dma_wait3A_212 = tpu.memref_slice %arg4[%dma_wait3A_211] : memref<320000xi32, #tpu.memory_space<hbm>> -> memref<64xi32, #tpu.memory_space<hbm>>
      tpu.wait_dma2 semaphore(%arg25 : memref<!tpu.dma_semaphore, #tpu.memory_space<semaphore_mem>>) src(%dma_wait3A_212 : memref<64xi32, #tpu.memory_space<hbm>>) dst(%arg15 : memref<64xi32, #tpu.memory_space<vmem>>)
      %dma_start3A_213 = arith.constant 0 : i32
      %dma_start3A_214 = arith.constant 0 : i32
      %dma_start3A_215 = tpu.memref_slice %arg2[%dma_start3A_213, %dma_start3A_214] : memref<10000x128xf32, #tpu.memory_space<hbm>> -> memref<10000x128xf32, #tpu.memory_space<hbm>>
      tpu.enqueue_indirect_dma source(%dma_start3A_215 : memref<10000x128xf32, #tpu.memory_space<hbm>>) target(%arg20 : memref<64x128xf32, #tpu.memory_space<vmem>>) offsets(%arg10 : memref<64xi32, #tpu.memory_space<vmem>>) semaphore(%arg30 : memref<!tpu.dma_semaphore, #tpu.memory_space<semaphore_mem>>)
      %add3A_216 = arith.constant 2 : i32
      %add3A_217 = arith.addi %add3A_194, %add3A_216 : i32
      %lt3A_218 = arith.constant 160 : i32
      %lt3A_219 = arith.cmpi slt, %add3A_217, %lt3A_218 : i32
      %convert_element_type3A_220 = arith.extui %lt3A_219 : i1 to i32
      %cond3A_221 = arith.constant 0 : i32
      %cond3A_222 = arith.cmpi ne, %convert_element_type3A_220, %cond3A_221 : i32
      scf.if %cond3A_222 {
        %add3A_256 = arith.constant 2 : i32
        %add3A_257 = arith.addi %add3A_194, %add3A_256 : i32
        %mul3A_258 = arith.constant 64 : i32
        %mul3A_259 = arith.muli %add3A_257, %mul3A_258 : i32
        %min3A_260 = arith.constant 9936 : i32
        %min3A_261 = arith.minsi %mul3A_259, %min3A_260 : i32
        %add3A_262 = arith.addi %mul3A_4, %min3A_261 : i32
        %dma_start3A_263 = tpu.memref_slice %arg3[%add3A_262] : memref<320000xi32, #tpu.memory_space<hbm>> -> memref<64xi32, #tpu.memory_space<hbm>>
        %dma_start3A_264 = tpu.memref_slice %arg3[%add3A_262] : memref<320000xi32, #tpu.memory_space<hbm>> -> memref<64xi32, #tpu.memory_space<hbm>>
        tpu.enqueue_dma source(%dma_start3A_264 : memref<64xi32, #tpu.memory_space<hbm>>) target(%arg7 : memref<64xi32, #tpu.memory_space<vmem>>) target_semaphore(%arg22 : memref<!tpu.dma_semaphore, #tpu.memory_space<semaphore_mem>>)
        %dma_start3A_265 = tpu.memref_slice %arg4[%add3A_262] : memref<320000xi32, #tpu.memory_space<hbm>> -> memref<64xi32, #tpu.memory_space<hbm>>
        %dma_start3A_266 = tpu.memref_slice %arg4[%add3A_262] : memref<320000xi32, #tpu.memory_space<hbm>> -> memref<64xi32, #tpu.memory_space<hbm>>
        tpu.enqueue_dma source(%dma_start3A_266 : memref<64xi32, #tpu.memory_space<hbm>>) target(%arg12 : memref<64xi32, #tpu.memory_space<vmem>>) target_semaphore(%arg22 : memref<!tpu.dma_semaphore, #tpu.memory_space<semaphore_mem>>)
      } else {
      }
      %mul3A_223 = arith.constant 5 : i32
      %mul3A_224 = arith.muli %scan3A_97, %mul3A_223 : i32
      %add3A_225 = arith.constant 4 : i32
      %add3A_226 = arith.addi %mul3A_224, %add3A_225 : i32
      %ge3A_227 = arith.constant 5 : i32
      %ge3A_228 = arith.cmpi sge, %add3A_226, %ge3A_227 : i32
      %convert_element_type3A_229 = arith.extui %ge3A_228 : i1 to i32
      %cond3A_230 = arith.constant 0 : i32
      %cond3A_231 = arith.cmpi ne, %convert_element_type3A_229, %cond3A_230 : i32
      scf.if %cond3A_231 {
        %sub3A = arith.constant 5 : i32
        %sub3A_256 = arith.subi %add3A_226, %sub3A : i32
        %lt3A_257 = arith.constant 156 : i32
        %lt3A_258 = arith.cmpi slt, %sub3A_256, %lt3A_257 : i32
        %convert_element_type3A_259 = arith.extui %lt3A_258 : i1 to i32
        %cond3A_260 = arith.constant 0 : i32
        %cond3A_261 = arith.cmpi ne, %convert_element_type3A_259, %cond3A_260 : i32
        scf.if %cond3A_261 {
          %get3A_277 = arith.constant 0 : index
          %get3A_278 = tpu.vector_load %arg16[%get3A_277] {strides = array<i32>} : memref<64xi32, #tpu.memory_space<vmem>>, vector<16xi32>,
          %dma_wait3A_279 = arith.constant 0 : i32
          %dma_wait3A_280 = arith.constant 0 : i32
          %dma_wait3A_281 = tpu.memref_slice %arg21[%dma_wait3A_279, %dma_wait3A_280] : memref<64x128xf32, #tpu.memory_space<vmem>> -> memref<16x128xf32, #tpu.memory_space<vmem>>
          %dma_wait3A_282 = arith.constant 0 : i32
          %dma_wait3A_283 = arith.constant 0 : i32
          %dma_wait3A_284 = tpu.memref_slice %arg6[%dma_wait3A_282, %dma_wait3A_283] : memref<10112x128xf32, #tpu.memory_space<vmem_shared>> -> memref<10112x128xf32, #tpu.memory_space<vmem_shared>>
          tpu.wait_indirect_dma semaphore(%arg36 : memref<!tpu.dma_semaphore, #tpu.memory_space<semaphore_mem>>) src(%dma_wait3A_281 : memref<16x128xf32, #tpu.memory_space<vmem>>) dst(%dma_wait3A_284 : memref<10112x128xf32, #tpu.memory_space<vmem_shared>>)
        } else {
        }
        %lt3A_262 = arith.constant 156 : i32
        %lt3A_263 = arith.cmpi slt, %sub3A_256, %lt3A_262 : i32
        %convert_element_type3A_264 = arith.extui %lt3A_263 : i1 to i32
        %cond3A_265 = arith.constant 0 : i32
        %cond3A_266 = arith.cmpi ne, %convert_element_type3A_264, %cond3A_265 : i32
        scf.if %cond3A_266 {
          %get3A_277 = arith.constant 16 : index
          %get3A_278 = tpu.vector_load %arg16[%get3A_277] {strides = array<i32>} : memref<64xi32, #tpu.memory_space<vmem>>, vector<16xi32>,
          %dma_wait3A_279 = arith.constant 16 : i32
          %dma_wait3A_280 = arith.constant 0 : i32
          %dma_wait3A_281 = tpu.memref_slice %arg21[%dma_wait3A_279, %dma_wait3A_280] : memref<64x128xf32, #tpu.memory_space<vmem>> -> memref<16x128xf32, #tpu.memory_space<vmem>>
          %dma_wait3A_282 = arith.constant 0 : i32
          %dma_wait3A_283 = arith.constant 0 : i32
          %dma_wait3A_284 = tpu.memref_slice %arg6[%dma_wait3A_282, %dma_wait3A_283] : memref<10112x128xf32, #tpu.memory_space<vmem_shared>> -> memref<10112x128xf32, #tpu.memory_space<vmem_shared>>
          tpu.wait_indirect_dma semaphore(%arg36 : memref<!tpu.dma_semaphore, #tpu.memory_space<semaphore_mem>>) src(%dma_wait3A_281 : memref<16x128xf32, #tpu.memory_space<vmem>>) dst(%dma_wait3A_284 : memref<10112x128xf32, #tpu.memory_space<vmem_shared>>)
        } else {
        }
        %lt3A_267 = arith.constant 156 : i32
        %lt3A_268 = arith.cmpi slt, %sub3A_256, %lt3A_267 : i32
        %convert_element_type3A_269 = arith.extui %lt3A_268 : i1 to i32
        %cond3A_270 = arith.constant 0 : i32
        %cond3A_271 = arith.cmpi ne, %convert_element_type3A_269, %cond3A_270 : i32
        scf.if %cond3A_271 {
          %get3A_277 = arith.constant 32 : index
          %get3A_278 = tpu.vector_load %arg16[%get3A_277] {strides = array<i32>} : memref<64xi32, #tpu.memory_space<vmem>>, vector<16xi32>,
          %dma_wait3A_279 = arith.constant 32 : i32
          %dma_wait3A_280 = arith.constant 0 : i32
          %dma_wait3A_281 = tpu.memref_slice %arg21[%dma_wait3A_279, %dma_wait3A_280] : memref<64x128xf32, #tpu.memory_space<vmem>> -> memref<16x128xf32, #tpu.memory_space<vmem>>
          %dma_wait3A_282 = arith.constant 0 : i32
          %dma_wait3A_283 = arith.constant 0 : i32
          %dma_wait3A_284 = tpu.memref_slice %arg6[%dma_wait3A_282, %dma_wait3A_283] : memref<10112x128xf32, #tpu.memory_space<vmem_shared>> -> memref<10112x128xf32, #tpu.memory_space<vmem_shared>>
          tpu.wait_indirect_dma semaphore(%arg36 : memref<!tpu.dma_semaphore, #tpu.memory_space<semaphore_mem>>) src(%dma_wait3A_281 : memref<16x128xf32, #tpu.memory_space<vmem>>) dst(%dma_wait3A_284 : memref<10112x128xf32, #tpu.memory_space<vmem_shared>>)
        } else {
        }
        %lt3A_272 = arith.constant 157 : i32
        %lt3A_273 = arith.cmpi slt, %sub3A_256, %lt3A_272 : i32
        %convert_element_type3A_274 = arith.extui %lt3A_273 : i1 to i32
        %cond3A_275 = arith.constant 0 : i32
        %cond3A_276 = arith.cmpi ne, %convert_element_type3A_274, %cond3A_275 : i32
        scf.if %cond3A_276 {
          %get3A_277 = arith.constant 48 : index
          %get3A_278 = tpu.vector_load %arg16[%get3A_277] {strides = array<i32>} : memref<64xi32, #tpu.memory_space<vmem>>, vector<16xi32>,
          %dma_wait3A_279 = arith.constant 48 : i32
          %dma_wait3A_280 = arith.constant 0 : i32
          %dma_wait3A_281 = tpu.memref_slice %arg21[%dma_wait3A_279, %dma_wait3A_280] : memref<64x128xf32, #tpu.memory_space<vmem>> -> memref<16x128xf32, #tpu.memory_space<vmem>>
          %dma_wait3A_282 = arith.constant 0 : i32
          %dma_wait3A_283 = arith.constant 0 : i32
          %dma_wait3A_284 = tpu.memref_slice %arg6[%dma_wait3A_282, %dma_wait3A_283] : memref<10112x128xf32, #tpu.memory_space<vmem_shared>> -> memref<10112x128xf32, #tpu.memory_space<vmem_shared>>
          tpu.wait_indirect_dma semaphore(%arg36 : memref<!tpu.dma_semaphore, #tpu.memory_space<semaphore_mem>>) src(%dma_wait3A_281 : memref<16x128xf32, #tpu.memory_space<vmem>>) dst(%dma_wait3A_284 : memref<10112x128xf32, #tpu.memory_space<vmem_shared>>)
        } else {
        }
      } else {
      }
      %ge3A_232 = arith.constant 2 : i32
      %ge3A_233 = arith.cmpi sge, %add3A_226, %ge3A_232 : i32
      %convert_element_type3A_234 = arith.extui %ge3A_233 : i1 to i32
      %cond3A_235 = arith.constant 0 : i32
      %cond3A_236 = arith.cmpi ne, %convert_element_type3A_234, %cond3A_235 : i32
      scf.if %cond3A_236 {
        %sub3A = arith.constant 2 : i32
        %sub3A_256 = arith.subi %add3A_226, %sub3A : i32
        %dma_wait3A_257 = arith.constant 0 : i32
        %dma_wait3A_258 = arith.constant 0 : i32
        %dma_wait3A_259 = tpu.memref_slice %arg2[%dma_wait3A_257, %dma_wait3A_258] : memref<10000x128xf32, #tpu.memory_space<hbm>> -> memref<10000x128xf32, #tpu.memory_space<hbm>>
        tpu.wait_indirect_dma semaphore(%arg29 : memref<!tpu.dma_semaphore, #tpu.memory_space<semaphore_mem>>) src(%dma_wait3A_259 : memref<10000x128xf32, #tpu.memory_space<hbm>>) dst(%arg19 : memref<64x128xf32, #tpu.memory_space<vmem>>)
        %sub3A_260 = arith.constant 2 : i32
        %sub3A_261 = arith.subi %add3A_226, %sub3A_260 : i32
        %lt3A_262 = arith.constant 156 : i32
        %lt3A_263 = arith.cmpi slt, %sub3A_261, %lt3A_262 : i32
        %convert_element_type3A_264 = arith.extui %lt3A_263 : i1 to i32
        %cond3A_265 = arith.constant 0 : i32
        %cond3A_266 = arith.cmpi ne, %convert_element_type3A_264, %cond3A_265 : i32
        scf.if %cond3A_266 {
          %get3A_282 = arith.constant 0 : index
          %get3A_283 = tpu.vector_load %arg14[%get3A_282] {strides = array<i32>} : memref<64xi32, #tpu.memory_space<vmem>>, vector<16xi32>,
          %dma_start3A_284 = arith.constant 0 : i32
          %dma_start3A_285 = arith.constant 0 : i32
          %dma_start3A_286 = tpu.memref_slice %arg19[%dma_start3A_284, %dma_start3A_285] : memref<64x128xf32, #tpu.memory_space<vmem>> -> memref<16x128xf32, #tpu.memory_space<vmem>>
          %dma_start3A_287 = arith.constant 0 : i32
          %dma_start3A_288 = arith.constant 0 : i32
          %dma_start3A_289 = tpu.memref_slice %arg6[%dma_start3A_287, %dma_start3A_288] : memref<10112x128xf32, #tpu.memory_space<vmem_shared>> -> memref<10112x128xf32, #tpu.memory_space<vmem_shared>>
          tpu.enqueue_indirect_dma source(%dma_start3A_286 : memref<16x128xf32, #tpu.memory_space<vmem>>) target(%dma_start3A_289 : memref<10112x128xf32, #tpu.memory_space<vmem_shared>>) offsets(%get3A_283 : vector<16xi32>) semaphore(%arg34 : memref<!tpu.dma_semaphore, #tpu.memory_space<semaphore_mem>>) {add = true}
        } else {
        }
        %lt3A_267 = arith.constant 156 : i32
        %lt3A_268 = arith.cmpi slt, %sub3A_261, %lt3A_267 : i32
        %convert_element_type3A_269 = arith.extui %lt3A_268 : i1 to i32
        %cond3A_270 = arith.constant 0 : i32
        %cond3A_271 = arith.cmpi ne, %convert_element_type3A_269, %cond3A_270 : i32
        scf.if %cond3A_271 {
          %get3A_282 = arith.constant 16 : index
          %get3A_283 = tpu.vector_load %arg14[%get3A_282] {strides = array<i32>} : memref<64xi32, #tpu.memory_space<vmem>>, vector<16xi32>,
          %dma_start3A_284 = arith.constant 16 : i32
          %dma_start3A_285 = arith.constant 0 : i32
          %dma_start3A_286 = tpu.memref_slice %arg19[%dma_start3A_284, %dma_start3A_285] : memref<64x128xf32, #tpu.memory_space<vmem>> -> memref<16x128xf32, #tpu.memory_space<vmem>>
          %dma_start3A_287 = arith.constant 0 : i32
          %dma_start3A_288 = arith.constant 0 : i32
          %dma_start3A_289 = tpu.memref_slice %arg6[%dma_start3A_287, %dma_start3A_288] : memref<10112x128xf32, #tpu.memory_space<vmem_shared>> -> memref<10112x128xf32, #tpu.memory_space<vmem_shared>>
          tpu.enqueue_indirect_dma source(%dma_start3A_286 : memref<16x128xf32, #tpu.memory_space<vmem>>) target(%dma_start3A_289 : memref<10112x128xf32, #tpu.memory_space<vmem_shared>>) offsets(%get3A_283 : vector<16xi32>) semaphore(%arg34 : memref<!tpu.dma_semaphore, #tpu.memory_space<semaphore_mem>>) {add = true}
        } else {
        }
        %lt3A_272 = arith.constant 156 : i32
        %lt3A_273 = arith.cmpi slt, %sub3A_261, %lt3A_272 : i32
        %convert_element_type3A_274 = arith.extui %lt3A_273 : i1 to i32
        %cond3A_275 = arith.constant 0 : i32
        %cond3A_276 = arith.cmpi ne, %convert_element_type3A_274, %cond3A_275 : i32
        scf.if %cond3A_276 {
          %get3A_282 = arith.constant 32 : index
          %get3A_283 = tpu.vector_load %arg14[%get3A_282] {strides = array<i32>} : memref<64xi32, #tpu.memory_space<vmem>>, vector<16xi32>,
          %dma_start3A_284 = arith.constant 32 : i32
          %dma_start3A_285 = arith.constant 0 : i32
          %dma_start3A_286 = tpu.memref_slice %arg19[%dma_start3A_284, %dma_start3A_285] : memref<64x128xf32, #tpu.memory_space<vmem>> -> memref<16x128xf32, #tpu.memory_space<vmem>>
          %dma_start3A_287 = arith.constant 0 : i32
          %dma_start3A_288 = arith.constant 0 : i32
          %dma_start3A_289 = tpu.memref_slice %arg6[%dma_start3A_287, %dma_start3A_288] : memref<10112x128xf32, #tpu.memory_space<vmem_shared>> -> memref<10112x128xf32, #tpu.memory_space<vmem_shared>>
          tpu.enqueue_indirect_dma source(%dma_start3A_286 : memref<16x128xf32, #tpu.memory_space<vmem>>) target(%dma_start3A_289 : memref<10112x128xf32, #tpu.memory_space<vmem_shared>>) offsets(%get3A_283 : vector<16xi32>) semaphore(%arg34 : memref<!tpu.dma_semaphore, #tpu.memory_space<semaphore_mem>>) {add = true}
        } else {
        }
        %lt3A_277 = arith.constant 157 : i32
        %lt3A_278 = arith.cmpi slt, %sub3A_261, %lt3A_277 : i32
        %convert_element_type3A_279 = arith.extui %lt3A_278 : i1 to i32
        %cond3A_280 = arith.constant 0 : i32
        %cond3A_281 = arith.cmpi ne, %convert_element_type3A_279, %cond3A_280 : i32
        scf.if %cond3A_281 {
          %get3A_282 = arith.constant 48 : index
          %get3A_283 = tpu.vector_load %arg14[%get3A_282] {strides = array<i32>} : memref<64xi32, #tpu.memory_space<vmem>>, vector<16xi32>,
          %dma_start3A_284 = arith.constant 48 : i32
          %dma_start3A_285 = arith.constant 0 : i32
          %dma_start3A_286 = tpu.memref_slice %arg19[%dma_start3A_284, %dma_start3A_285] : memref<64x128xf32, #tpu.memory_space<vmem>> -> memref<16x128xf32, #tpu.memory_space<vmem>>
          %dma_start3A_287 = arith.constant 0 : i32
          %dma_start3A_288 = arith.constant 0 : i32
          %dma_start3A_289 = tpu.memref_slice %arg6[%dma_start3A_287, %dma_start3A_288] : memref<10112x128xf32, #tpu.memory_space<vmem_shared>> -> memref<10112x128xf32, #tpu.memory_space<vmem_shared>>
          tpu.enqueue_indirect_dma source(%dma_start3A_286 : memref<16x128xf32, #tpu.memory_space<vmem>>) target(%dma_start3A_289 : memref<10112x128xf32, #tpu.memory_space<vmem_shared>>) offsets(%get3A_283 : vector<16xi32>) semaphore(%arg34 : memref<!tpu.dma_semaphore, #tpu.memory_space<semaphore_mem>>) {add = true}
        } else {
        }
      } else {
      }
      %dma_wait3A_237 = arith.constant 0 : i32
      %dma_wait3A_238 = tpu.memref_slice %arg3[%dma_wait3A_237] : memref<320000xi32, #tpu.memory_space<hbm>> -> memref<64xi32, #tpu.memory_space<hbm>>
      %dma_wait3A_239 = arith.constant 0 : i32
      %dma_wait3A_240 = tpu.memref_slice %arg3[%dma_wait3A_239] : memref<320000xi32, #tpu.memory_space<hbm>> -> memref<64xi32, #tpu.memory_space<hbm>>
      tpu.wait_dma2 semaphore(%arg26 : memref<!tpu.dma_semaphore, #tpu.memory_space<semaphore_mem>>) src(%dma_wait3A_240 : memref<64xi32, #tpu.memory_space<hbm>>) dst(%arg11 : memref<64xi32, #tpu.memory_space<vmem>>)
      %dma_wait3A_241 = arith.constant 0 : i32
      %dma_wait3A_242 = tpu.memref_slice %arg4[%dma_wait3A_241] : memref<320000xi32, #tpu.memory_space<hbm>> -> memref<64xi32, #tpu.memory_space<hbm>>
      %dma_wait3A_243 = arith.constant 0 : i32
      %dma_wait3A_244 = tpu.memref_slice %arg4[%dma_wait3A_243] : memref<320000xi32, #tpu.memory_space<hbm>> -> memref<64xi32, #tpu.memory_space<hbm>>
      tpu.wait_dma2 semaphore(%arg26 : memref<!tpu.dma_semaphore, #tpu.memory_space<semaphore_mem>>) src(%dma_wait3A_244 : memref<64xi32, #tpu.memory_space<hbm>>) dst(%arg16 : memref<64xi32, #tpu.memory_space<vmem>>)
      %dma_start3A_245 = arith.constant 0 : i32
      %dma_start3A_246 = arith.constant 0 : i32
      %dma_start3A_247 = tpu.memref_slice %arg2[%dma_start3A_245, %dma_start3A_246] : memref<10000x128xf32, #tpu.memory_space<hbm>> -> memref<10000x128xf32, #tpu.memory_space<hbm>>
      tpu.enqueue_indirect_dma source(%dma_start3A_247 : memref<10000x128xf32, #tpu.memory_space<hbm>>) target(%arg21 : memref<64x128xf32, #tpu.memory_space<vmem>>) offsets(%arg11 : memref<64xi32, #tpu.memory_space<vmem>>) semaphore(%arg31 : memref<!tpu.dma_semaphore, #tpu.memory_space<semaphore_mem>>)
      %add3A_248 = arith.constant 2 : i32
      %add3A_249 = arith.addi %add3A_226, %add3A_248 : i32
      %lt3A_250 = arith.constant 160 : i32
      %lt3A_251 = arith.cmpi slt, %add3A_249, %lt3A_250 : i32
      %convert_element_type3A_252 = arith.extui %lt3A_251 : i1 to i32
      %cond3A_253 = arith.constant 0 : i32
      %cond3A_254 = arith.cmpi ne, %convert_element_type3A_252, %cond3A_253 : i32
      scf.if %cond3A_254 {
        %add3A_256 = arith.constant 2 : i32
        %add3A_257 = arith.addi %add3A_226, %add3A_256 : i32
        %mul3A_258 = arith.constant 64 : i32
        %mul3A_259 = arith.muli %add3A_257, %mul3A_258 : i32
        %min3A_260 = arith.constant 9936 : i32
        %min3A_261 = arith.minsi %mul3A_259, %min3A_260 : i32
        %add3A_262 = arith.addi %mul3A_4, %min3A_261 : i32
        %dma_start3A_263 = tpu.memref_slice %arg3[%add3A_262] : memref<320000xi32, #tpu.memory_space<hbm>> -> memref<64xi32, #tpu.memory_space<hbm>>
        %dma_start3A_264 = tpu.memref_slice %arg3[%add3A_262] : memref<320000xi32, #tpu.memory_space<hbm>> -> memref<64xi32, #tpu.memory_space<hbm>>
        tpu.enqueue_dma source(%dma_start3A_264 : memref<64xi32, #tpu.memory_space<hbm>>) target(%arg8 : memref<64xi32, #tpu.memory_space<vmem>>) target_semaphore(%arg23 : memref<!tpu.dma_semaphore, #tpu.memory_space<semaphore_mem>>)
        %dma_start3A_265 = tpu.memref_slice %arg4[%add3A_262] : memref<320000xi32, #tpu.memory_space<hbm>> -> memref<64xi32, #tpu.memory_space<hbm>>
        %dma_start3A_266 = tpu.memref_slice %arg4[%add3A_262] : memref<320000xi32, #tpu.memory_space<hbm>> -> memref<64xi32, #tpu.memory_space<hbm>>
        tpu.enqueue_dma source(%dma_start3A_266 : memref<64xi32, #tpu.memory_space<hbm>>) target(%arg13 : memref<64xi32, #tpu.memory_space<vmem>>) target_semaphore(%arg23 : memref<!tpu.dma_semaphore, #tpu.memory_space<semaphore_mem>>)
      } else {
      }
      %scan3A_255 = arith.constant 0 : i32
      scf.yield %scan3A_255 : i32
    }
    %scan3A_51 = arith.constant 32 : i32
    %dma_wait3A = arith.constant 0 : i32
    %dma_wait3A_52 = arith.constant 0 : i32
    %dma_wait3A_53 = tpu.memref_slice %arg2[%dma_wait3A, %dma_wait3A_52] : memref<10000x128xf32, #tpu.memory_space<hbm>> -> memref<10000x128xf32, #tpu.memory_space<hbm>>
    tpu.wait_indirect_dma semaphore(%arg30 : memref<!tpu.dma_semaphore, #tpu.memory_space<semaphore_mem>>) src(%dma_wait3A_53 : memref<10000x128xf32, #tpu.memory_space<hbm>>) dst(%arg20 : memref<64x128xf32, #tpu.memory_space<vmem>>)
    %dma_wait3A_54 = arith.constant 0 : i32
    %dma_wait3A_55 = arith.constant 0 : i32
    %dma_wait3A_56 = tpu.memref_slice %arg2[%dma_wait3A_54, %dma_wait3A_55] : memref<10000x128xf32, #tpu.memory_space<hbm>> -> memref<10000x128xf32, #tpu.memory_space<hbm>>
    tpu.wait_indirect_dma semaphore(%arg31 : memref<!tpu.dma_semaphore, #tpu.memory_space<semaphore_mem>>) src(%dma_wait3A_56 : memref<10000x128xf32, #tpu.memory_space<hbm>>) dst(%arg21 : memref<64x128xf32, #tpu.memory_space<vmem>>)
    %get3A = arith.constant 0 : index
    %get3A_57 = tpu.vector_load %arg12[%get3A] {strides = array<i32>} : memref<64xi32, #tpu.memory_space<vmem>>, vector<16xi32>,
    %dma_wait3A_58 = arith.constant 0 : i32
    %dma_wait3A_59 = arith.constant 0 : i32
    %dma_wait3A_60 = tpu.memref_slice %arg17[%dma_wait3A_58, %dma_wait3A_59] : memref<64x128xf32, #tpu.memory_space<vmem>> -> memref<16x128xf32, #tpu.memory_space<vmem>>
    %dma_wait3A_61 = arith.constant 0 : i32
    %dma_wait3A_62 = arith.constant 0 : i32
    %dma_wait3A_63 = tpu.memref_slice %arg6[%dma_wait3A_61, %dma_wait3A_62] : memref<10112x128xf32, #tpu.memory_space<vmem_shared>> -> memref<10112x128xf32, #tpu.memory_space<vmem_shared>>
    tpu.wait_indirect_dma semaphore(%arg32 : memref<!tpu.dma_semaphore, #tpu.memory_space<semaphore_mem>>) src(%dma_wait3A_60 : memref<16x128xf32, #tpu.memory_space<vmem>>) dst(%dma_wait3A_63 : memref<10112x128xf32, #tpu.memory_space<vmem_shared>>)
    %get3A_64 = arith.constant 16 : index
    %get3A_65 = tpu.vector_load %arg12[%get3A_64] {strides = array<i32>} : memref<64xi32, #tpu.memory_space<vmem>>, vector<16xi32>,
    %dma_wait3A_66 = arith.constant 16 : i32
    %dma_wait3A_67 = arith.constant 0 : i32
    %dma_wait3A_68 = tpu.memref_slice %arg17[%dma_wait3A_66, %dma_wait3A_67] : memref<64x128xf32, #tpu.memory_space<vmem>> -> memref<16x128xf32, #tpu.memory_space<vmem>>
    %dma_wait3A_69 = arith.constant 0 : i32
    %dma_wait3A_70 = arith.constant 0 : i32
    %dma_wait3A_71 = tpu.memref_slice %arg6[%dma_wait3A_69, %dma_wait3A_70] : memref<10112x128xf32, #tpu.memory_space<vmem_shared>> -> memref<10112x128xf32, #tpu.memory_space<vmem_shared>>
    tpu.wait_indirect_dma semaphore(%arg32 : memref<!tpu.dma_semaphore, #tpu.memory_space<semaphore_mem>>) src(%dma_wait3A_68 : memref<16x128xf32, #tpu.memory_space<vmem>>) dst(%dma_wait3A_71 : memref<10112x128xf32, #tpu.memory_space<vmem_shared>>)
    %get3A_72 = arith.constant 32 : index
    %get3A_73 = tpu.vector_load %arg12[%get3A_72] {strides = array<i32>} : memref<64xi32, #tpu.memory_space<vmem>>, vector<16xi32>,
    %dma_wait3A_74 = arith.constant 32 : i32
    %dma_wait3A_75 = arith.constant 0 : i32
    %dma_wait3A_76 = tpu.memref_slice %arg17[%dma_wait3A_74, %dma_wait3A_75] : memref<64x128xf32, #tpu.memory_space<vmem>> -> memref<16x128xf32, #tpu.memory_space<vmem>>
    %dma_wait3A_77 = arith.constant 0 : i32
    %dma_wait3A_78 = arith.constant 0 : i32
    %dma_wait3A_79 = tpu.memref_slice %arg6[%dma_wait3A_77, %dma_wait3A_78] : memref<10112x128xf32, #tpu.memory_space<vmem_shared>> -> memref<10112x128xf32, #tpu.memory_space<vmem_shared>>
    tpu.wait_indirect_dma semaphore(%arg32 : memref<!tpu.dma_semaphore, #tpu.memory_space<semaphore_mem>>) src(%dma_wait3A_76 : memref<16x128xf32, #tpu.memory_space<vmem>>) dst(%dma_wait3A_79 : memref<10112x128xf32, #tpu.memory_space<vmem_shared>>)
    %get3A_80 = arith.constant 48 : index
    %get3A_81 = tpu.vector_load %arg12[%get3A_80] {strides = array<i32>} : memref<64xi32, #tpu.memory_space<vmem>>, vector<16xi32>,
    %dma_wait3A_82 = arith.constant 48 : i32
    %dma_wait3A_83 = arith.constant 0 : i32
    %dma_wait3A_84 = tpu.memref_slice %arg17[%dma_wait3A_82, %dma_wait3A_83] : memref<64x128xf32, #tpu.memory_space<vmem>> -> memref<16x128xf32, #tpu.memory_space<vmem>>
    %dma_wait3A_85 = arith.constant 0 : i32
    %dma_wait3A_86 = arith.constant 0 : i32
    %dma_wait3A_87 = tpu.memref_slice %arg6[%dma_wait3A_85, %dma_wait3A_86] : memref<10112x128xf32, #tpu.memory_space<vmem_shared>> -> memref<10112x128xf32, #tpu.memory_space<vmem_shared>>
    tpu.wait_indirect_dma semaphore(%arg32 : memref<!tpu.dma_semaphore, #tpu.memory_space<semaphore_mem>>) src(%dma_wait3A_84 : memref<16x128xf32, #tpu.memory_space<vmem>>) dst(%dma_wait3A_87 : memref<10112x128xf32, #tpu.memory_space<vmem_shared>>)
    %get3A_88 = arith.constant 48 : index
    %get3A_89 = tpu.vector_load %arg13[%get3A_88] {strides = array<i32>} : memref<64xi32, #tpu.memory_space<vmem>>, vector<16xi32>,
    %dma_wait3A_90 = arith.constant 48 : i32
    %dma_wait3A_91 = arith.constant 0 : i32
    %dma_wait3A_92 = tpu.memref_slice %arg18[%dma_wait3A_90, %dma_wait3A_91] : memref<64x128xf32, #tpu.memory_space<vmem>> -> memref<16x128xf32, #tpu.memory_space<vmem>>
    %dma_wait3A_93 = arith.constant 0 : i32
    %dma_wait3A_94 = arith.constant 0 : i32
    %dma_wait3A_95 = tpu.memref_slice %arg6[%dma_wait3A_93, %dma_wait3A_94] : memref<10112x128xf32, #tpu.memory_space<vmem_shared>> -> memref<10112x128xf32, #tpu.memory_space<vmem_shared>>
    tpu.wait_indirect_dma semaphore(%arg33 : memref<!tpu.dma_semaphore, #tpu.memory_space<semaphore_mem>>) src(%dma_wait3A_92 : memref<16x128xf32, #tpu.memory_space<vmem>>) dst(%dma_wait3A_95 : memref<10112x128xf32, #tpu.memory_space<vmem_shared>>)
    %barrier3A_96 = arith.constant 0 : index
    tpu.barrier barrier_id(%barrier3A_96)
    "tpu.region"() ({
      %run_scoped3A = tpu.sem_alloc : memref<!tpu.dma_semaphore, #tpu.memory_space<semaphore_mem>>
      %dma_start3A_97 = arith.constant 0 : i32
      %dma_start3A_98 = arith.constant 0 : i32
      %dma_start3A_99 = tpu.memref_slice %arg5[%arg0, %dma_start3A_97, %dma_start3A_98] : memref<2x10112x128xf32, #tpu.memory_space<hbm>> -> memref<1x10112x128xf32, #tpu.memory_space<hbm>>
      %dma_start3A_100 = tpu.memref_squeeze %dma_start3A_99 : memref<1x10112x128xf32, #tpu.memory_space<hbm>> -> memref<10112x128xf32, #tpu.memory_space<hbm>>
      %dma_start3A_101 = arith.constant 0 : i32
      %dma_start3A_102 = tpu.memref_slice %dma_start3A_100[%mul3A_0, %dma_start3A_101] : memref<10112x128xf32, #tpu.memory_space<hbm>> -> memref<632x128xf32, #tpu.memory_space<hbm>>
      %dma_start3A_103 = arith.constant 0 : i32
      %dma_start3A_104 = tpu.memref_slice %arg6[%mul3A_0, %dma_start3A_103] : memref<10112x128xf32, #tpu.memory_space<vmem_shared>> -> memref<632x128xf32, #tpu.memory_space<vmem_shared>>
      tpu.enqueue_dma source(%dma_start3A_104 : memref<632x128xf32, #tpu.memory_space<vmem_shared>>) target(%dma_start3A_102 : memref<632x128xf32, #tpu.memory_space<hbm>>) target_semaphore(%run_scoped3A : memref<!tpu.dma_semaphore, #tpu.memory_space<semaphore_mem>>)
      %dma_wait3A_105 = arith.constant 0 : i32
      %dma_wait3A_106 = arith.constant 0 : i32
      %dma_wait3A_107 = tpu.memref_slice %arg5[%arg0, %dma_wait3A_105, %dma_wait3A_106] : memref<2x10112x128xf32, #tpu.memory_space<hbm>> -> memref<1x10112x128xf32, #tpu.memory_space<hbm>>
      %dma_wait3A_108 = tpu.memref_squeeze %dma_wait3A_107 : memref<1x10112x128xf32, #tpu.memory_space<hbm>> -> memref<10112x128xf32, #tpu.memory_space<hbm>>
      %dma_wait3A_109 = arith.constant 0 : i32
      %dma_wait3A_110 = tpu.memref_slice %dma_wait3A_108[%mul3A_0, %dma_wait3A_109] : memref<10112x128xf32, #tpu.memory_space<hbm>> -> memref<632x128xf32, #tpu.memory_space<hbm>>
      %dma_wait3A_111 = arith.constant 0 : i32
      %dma_wait3A_112 = tpu.memref_slice %arg6[%mul3A_0, %dma_wait3A_111] : memref<10112x128xf32, #tpu.memory_space<vmem_shared>> -> memref<632x128xf32, #tpu.memory_space<vmem_shared>>
      tpu.wait_dma2 semaphore(%run_scoped3A : memref<!tpu.dma_semaphore, #tpu.memory_space<semaphore_mem>>) src(%dma_wait3A_112 : memref<632x128xf32, #tpu.memory_space<vmem_shared>>) dst(%dma_wait3A_110 : memref<632x128xf32, #tpu.memory_space<hbm>>)
      tpu.yield
    }) : () -> ()
    return
  }
}

module attributes {stable_mosaic.version = 14 : i64} {
  func.func @_layer_a_body(%arg0: i32, %arg1: memref<1000x1xf32, #tpu.memory_space<vmem>>, %arg2: memref<1x128xf32, #tpu.memory_space<vmem>>, %arg3: memref<1x128xf32, #tpu.memory_space<vmem>>, %arg4: memref<128x128xf32, #tpu.memory_space<vmem>>, %arg5: memref<1000x1xf32, #tpu.memory_space<vmem>>, %arg6: memref<1000x128xf32, #tpu.memory_space<vmem>>) attributes {dimension_semantics = [#tpu.dimension_semantics<arbitrary>], iteration_bounds = array<i64: 10>, scalar_prefetch = 0 : i64, scratch_operands = 0 : i64, tpu.core_type = #tpu.core_type<tc>, window_params = [{transform_indices = @transform_0, window_bounds = array<i64: 1000, 1>}, {pipeline_mode = #tpu.pipeline_mode<synchronous>, transform_indices = @transform_1, window_bounds = array<i64: 1, 128>}, {pipeline_mode = #tpu.pipeline_mode<synchronous>, transform_indices = @transform_2, window_bounds = array<i64: 1, 128>}, {pipeline_mode = #tpu.pipeline_mode<synchronous>, transform_indices = @transform_3, window_bounds = array<i64: 128, 128>}, {transform_indices = @transform_4, window_bounds = array<i64: 1000, 1>}, {transform_indices = @transform_5, window_bounds = array<i64: 1000, 128>}]} {
    %get3A = arith.constant 0 : index
    %get3A_0 = arith.constant 0 : index
    %get3A_1 = vector.load %arg1[%get3A, %get3A_0] : memref<1000x1xf32, #tpu.memory_space<vmem>>, vector<1000x1xf32>
    %get3A_2 = arith.constant 0 : index
    %get3A_3 = arith.constant 0 : index
    %get3A_4 = vector.load %arg2[%get3A_2, %get3A_3] : memref<1x128xf32, #tpu.memory_space<vmem>>, vector<1x128xf32>
    %mul3A = vector.broadcast %get3A_1 : vector<1000x1xf32> to vector<1000x128xf32>
    %mul3A_5 = vector.broadcast %get3A_4 : vector<1x128xf32> to vector<1000x128xf32>
    %mul3A_6 = arith.mulf %mul3A, %mul3A_5 : vector<1000x128xf32>
    %get3A_7 = arith.constant 0 : index
    %get3A_8 = arith.constant 0 : index
    %get3A_9 = vector.load %arg3[%get3A_7, %get3A_8] : memref<1x128xf32, #tpu.memory_space<vmem>>, vector<1x128xf32>
    %add3A = vector.broadcast %get3A_9 : vector<1x128xf32> to vector<1000x128xf32>
    %add3A_10 = arith.addf %mul3A_6, %add3A : vector<1000x128xf32>
    %max3A = arith.constant 0.000000e+00 : f32
    %max3A_11 = vector.broadcast %max3A : f32 to vector<1000x128xf32>
    %max3A_12 = arith.maximumf %add3A_10, %max3A_11 : vector<1000x128xf32>
    %get3A_13 = arith.constant 0 : index
    %get3A_14 = arith.constant 0 : index
    %get3A_15 = vector.load %arg5[%get3A_13, %get3A_14] : memref<1000x1xf32, #tpu.memory_space<vmem>>, vector<1000x1xf32>
    %get3A_16 = arith.constant 0 : index
    %get3A_17 = arith.constant 0 : index
    %get3A_18 = vector.load %arg4[%get3A_16, %get3A_17] : memref<128x128xf32, #tpu.memory_space<vmem>>, vector<128x128xf32>
    %dot_general3A = arith.constant dense<0.000000e+00> : vector<1000x128xf32>
    %dot_general3A_19 = tpu.matmul %max3A_12, %get3A_18, %dot_general3A {dimension_numbers = #tpu.dot_dimension_numbers<[1], [0], [0], [1], [0, 0, 1, 1], [], []>, transpose_lhs_hint = false} : vector<1000x128xf32>, vector<128x128xf32>, vector<1000x128xf32> -> vector<1000x128xf32>
    %mul3A_20 = vector.broadcast %get3A_15 : vector<1000x1xf32> to vector<1000x128xf32>
    %mul3A_21 = arith.mulf %mul3A_20, %dot_general3A_19 : vector<1000x128xf32>
    %swap3A = arith.constant 0 : index
    %swap3A_22 = arith.constant 0 : index
    %swap3A_23 = vector.load %arg6[%swap3A, %swap3A_22] : memref<1000x128xf32, #tpu.memory_space<vmem>>, vector<1000x128xf32>
    tpu.vector_store %arg6[%swap3A, %swap3A_22], %mul3A_21 {strides = array<i32>} : memref<1000x128xf32, #tpu.memory_space<vmem>>, vector<1000x128xf32>,
    return
  }
  func.func @transform_0(%arg0: i32) -> (i32, i32) {
    %c0_i32 = arith.constant 0 : i32
    %c0_i32_0 = arith.constant 0 : i32
    return %arg0, %c0_i32 : i32, i32
  }
  func.func @transform_1(%arg0: i32) -> (i32, i32) {
    %c0_i32 = arith.constant 0 : i32
    %c0_i32_0 = arith.constant 0 : i32
    %c0_i32_1 = arith.constant 0 : i32
    return %c0_i32, %c0_i32_0 : i32, i32
  }
  func.func @transform_2(%arg0: i32) -> (i32, i32) {
    %c0_i32 = arith.constant 0 : i32
    %c0_i32_0 = arith.constant 0 : i32
    %c0_i32_1 = arith.constant 0 : i32
    return %c0_i32, %c0_i32_0 : i32, i32
  }
  func.func @transform_3(%arg0: i32) -> (i32, i32) {
    %c0_i32 = arith.constant 0 : i32
    %c0_i32_0 = arith.constant 0 : i32
    %c0_i32_1 = arith.constant 0 : i32
    return %c0_i32, %c0_i32_0 : i32, i32
  }
  func.func @transform_4(%arg0: i32) -> (i32, i32) {
    %c0_i32 = arith.constant 0 : i32
    %c0_i32_0 = arith.constant 0 : i32
    return %arg0, %c0_i32 : i32, i32
  }
  func.func @transform_5(%arg0: i32) -> (i32, i32) {
    %c0_i32 = arith.constant 0 : i32
    %c0_i32_0 = arith.constant 0 : i32
    return %arg0, %c0_i32 : i32, i32
  }
}

module attributes {stable_mosaic.version = 14 : i64} {
  func.func @_layer_b_body(%arg0: i32, %arg1: memref<2x1000x128xf32, #tpu.memory_space<vmem>>, %arg2: memref<1000x128xf32, #tpu.memory_space<vmem>>, %arg3: memref<1000x1xf32, #tpu.memory_space<vmem>>, %arg4: memref<1x128xf32, #tpu.memory_space<vmem>>, %arg5: memref<128x128xf32, #tpu.memory_space<vmem>>, %arg6: memref<1000x128xf32, #tpu.memory_space<vmem>>) attributes {dimension_semantics = [#tpu.dimension_semantics<arbitrary>], iteration_bounds = array<i64: 10>, scalar_prefetch = 0 : i64, scratch_operands = 0 : i64, tpu.core_type = #tpu.core_type<tc>, window_params = [{transform_indices = @transform_0, window_bounds = array<i64: 2, 1000, 128>}, {transform_indices = @transform_1, window_bounds = array<i64: 1000, 128>}, {transform_indices = @transform_2, window_bounds = array<i64: 1000, 1>}, {pipeline_mode = #tpu.pipeline_mode<synchronous>, transform_indices = @transform_3, window_bounds = array<i64: 1, 128>}, {pipeline_mode = #tpu.pipeline_mode<synchronous>, transform_indices = @transform_4, window_bounds = array<i64: 128, 128>}, {transform_indices = @transform_5, window_bounds = array<i64: 1000, 128>}]} {
    %get3A = arith.constant 0 : index
    %get3A_0 = arith.constant 0 : index
    %get3A_1 = arith.constant 0 : index
    %get3A_2 = vector.load %arg1[%get3A, %get3A_0, %get3A_1] : memref<2x1000x128xf32, #tpu.memory_space<vmem>>, vector<1x1000x128xf32>
    %get3A_3 = vector.shape_cast %get3A_2 : vector<1x1000x128xf32> to vector<1000x128xf32>
    %get3A_4 = arith.constant 1 : index
    %get3A_5 = arith.constant 0 : index
    %get3A_6 = arith.constant 0 : index
    %get3A_7 = vector.load %arg1[%get3A_4, %get3A_5, %get3A_6] : memref<2x1000x128xf32, #tpu.memory_space<vmem>>, vector<1x1000x128xf32>
    %get3A_8 = vector.shape_cast %get3A_7 : vector<1x1000x128xf32> to vector<1000x128xf32>
    %add3A = arith.addf %get3A_3, %get3A_8 : vector<1000x128xf32>
    %get3A_9 = arith.constant 0 : index
    %get3A_10 = arith.constant 0 : index
    %get3A_11 = vector.load %arg3[%get3A_9, %get3A_10] : memref<1000x1xf32, #tpu.memory_space<vmem>>, vector<1000x1xf32>
    %get3A_12 = arith.constant 0 : index
    %get3A_13 = arith.constant 0 : index
    %get3A_14 = vector.load %arg2[%get3A_12, %get3A_13] : memref<1000x128xf32, #tpu.memory_space<vmem>>, vector<1000x128xf32>
    %add3A_15 = arith.addf %add3A, %get3A_14 : vector<1000x128xf32>
    %mul3A = vector.broadcast %get3A_11 : vector<1000x1xf32> to vector<1000x128xf32>
    %mul3A_16 = arith.mulf %mul3A, %add3A_15 : vector<1000x128xf32>
    %get3A_17 = arith.constant 0 : index
    %get3A_18 = arith.constant 0 : index
    %get3A_19 = vector.load %arg4[%get3A_17, %get3A_18] : memref<1x128xf32, #tpu.memory_space<vmem>>, vector<1x128xf32>
    %add3A_20 = vector.broadcast %get3A_19 : vector<1x128xf32> to vector<1000x128xf32>
    %add3A_21 = arith.addf %mul3A_16, %add3A_20 : vector<1000x128xf32>
    %max3A = arith.constant 0.000000e+00 : f32
    %max3A_22 = vector.broadcast %max3A : f32 to vector<1000x128xf32>
    %max3A_23 = arith.maximumf %add3A_21, %max3A_22 : vector<1000x128xf32>
    %get3A_24 = arith.constant 0 : index
    %get3A_25 = arith.constant 0 : index
    %get3A_26 = vector.load %arg3[%get3A_24, %get3A_25] : memref<1000x1xf32, #tpu.memory_space<vmem>>, vector<1000x1xf32>
    %get3A_27 = arith.constant 0 : index
    %get3A_28 = arith.constant 0 : index
    %get3A_29 = vector.load %arg5[%get3A_27, %get3A_28] : memref<128x128xf32, #tpu.memory_space<vmem>>, vector<128x128xf32>
    %dot_general3A = arith.constant dense<0.000000e+00> : vector<1000x128xf32>
    %dot_general3A_30 = tpu.matmul %max3A_23, %get3A_29, %dot_general3A {dimension_numbers = #tpu.dot_dimension_numbers<[1], [0], [0], [1], [0, 0, 1, 1], [], []>, transpose_lhs_hint = false} : vector<1000x128xf32>, vector<128x128xf32>, vector<1000x128xf32> -> vector<1000x128xf32>
    %mul3A_31 = vector.broadcast %get3A_26 : vector<1000x1xf32> to vector<1000x128xf32>
    %mul3A_32 = arith.mulf %mul3A_31, %dot_general3A_30 : vector<1000x128xf32>
    %swap3A = arith.constant 0 : index
    %swap3A_33 = arith.constant 0 : index
    %swap3A_34 = vector.load %arg6[%swap3A, %swap3A_33] : memref<1000x128xf32, #tpu.memory_space<vmem>>, vector<1000x128xf32>
    tpu.vector_store %arg6[%swap3A, %swap3A_33], %mul3A_32 {strides = array<i32>} : memref<1000x128xf32, #tpu.memory_space<vmem>>, vector<1000x128xf32>,
    return
  }
  func.func @transform_0(%arg0: i32) -> (i32, i32, i32) {
    %c0_i32 = arith.constant 0 : i32
    %c0_i32_0 = arith.constant 0 : i32
    %c0_i32_1 = arith.constant 0 : i32
    return %c0_i32, %arg0, %c0_i32_0 : i32, i32, i32
  }
  func.func @transform_1(%arg0: i32) -> (i32, i32) {
    %c0_i32 = arith.constant 0 : i32
    %c0_i32_0 = arith.constant 0 : i32
    return %arg0, %c0_i32 : i32, i32
  }
  func.func @transform_2(%arg0: i32) -> (i32, i32) {
    %c0_i32 = arith.constant 0 : i32
    %c0_i32_0 = arith.constant 0 : i32
    return %arg0, %c0_i32 : i32, i32
  }
  func.func @transform_3(%arg0: i32) -> (i32, i32) {
    %c0_i32 = arith.constant 0 : i32
    %c0_i32_0 = arith.constant 0 : i32
    %c0_i32_1 = arith.constant 0 : i32
    return %c0_i32, %c0_i32_0 : i32, i32
  }
  func.func @transform_4(%arg0: i32) -> (i32, i32) {
    %c0_i32 = arith.constant 0 : i32
    %c0_i32_0 = arith.constant 0 : i32
    %c0_i32_1 = arith.constant 0 : i32
    return %c0_i32, %c0_i32_0 : i32, i32
  }
  func.func @transform_5(%arg0: i32) -> (i32, i32) {
    %c0_i32 = arith.constant 0 : i32
    %c0_i32_0 = arith.constant 0 : i32
    return %arg0, %c0_i32 : i32, i32
  }
}

module attributes {stable_mosaic.version = 14 : i64} {
  func.func @_final_body(%arg0: i32, %arg1: memref<2x1000x128xf32, #tpu.memory_space<vmem>>, %arg2: memref<1000x128xf32, #tpu.memory_space<vmem>>, %arg3: memref<1000x1xf32, #tpu.memory_space<vmem>>, %arg4: memref<1x128xf32, #tpu.memory_space<vmem>>, %arg5: memref<1000x1xi32, #tpu.memory_space<vmem>>, %arg6: memref<128x16xf32, #tpu.memory_space<vmem>>, %arg7: memref<1x16xf32, #tpu.memory_space<vmem>>, %arg8: memref<64x16xf32, #tpu.memory_space<vmem>>, %arg9: memref<64x128xf32, #tpu.memory_space<vmem>>, %arg10: memref<64x1xf32, #tpu.memory_space<vmem>>) attributes {dimension_semantics = [#tpu.dimension_semantics<arbitrary>], iteration_bounds = array<i64: 10>, scalar_prefetch = 0 : i64, scratch_operands = 2 : i64, tpu.core_type = #tpu.core_type<tc>, window_params = [{transform_indices = @transform_0, window_bounds = array<i64: 2, 1000, 128>}, {transform_indices = @transform_1, window_bounds = array<i64: 1000, 128>}, {transform_indices = @transform_2, window_bounds = array<i64: 1000, 1>}, {pipeline_mode = #tpu.pipeline_mode<synchronous>, transform_indices = @transform_3, window_bounds = array<i64: 1, 128>}, {transform_indices = @transform_4, window_bounds = array<i64: 1000, 1>}, {pipeline_mode = #tpu.pipeline_mode<synchronous>, transform_indices = @transform_5, window_bounds = array<i64: 128, 16>}, {pipeline_mode = #tpu.pipeline_mode<synchronous>, transform_indices = @transform_6, window_bounds = array<i64: 1, 16>}, {pipeline_mode = #tpu.pipeline_mode<synchronous>, transform_indices = @transform_7, window_bounds = array<i64: 64, 16>}]} {
    %eq3A = arith.constant 0 : i32
    %eq3A_0 = arith.cmpi eq, %arg0, %eq3A : i32
    %convert_element_type3A = arith.extui %eq3A_0 : i1 to i32
    %cond3A = arith.constant 0 : i32
    %cond3A_1 = arith.cmpi ne, %convert_element_type3A, %cond3A : i32
    scf.if %cond3A_1 {
      %broadcast_in_dim3A_55 = arith.constant 0.000000e+00 : f32
      %broadcast_in_dim3A_56 = vector.broadcast %broadcast_in_dim3A_55 : f32 to vector<64x128xf32>
      %swap3A_57 = arith.constant 0 : index
      %swap3A_58 = arith.constant 0 : index
      %swap3A_59 = vector.load %arg9[%swap3A_57, %swap3A_58] : memref<64x128xf32, #tpu.memory_space<vmem>>, vector<64x128xf32>
      tpu.vector_store %arg9[%swap3A_57, %swap3A_58], %broadcast_in_dim3A_56 {strides = array<i32>} : memref<64x128xf32, #tpu.memory_space<vmem>>, vector<64x128xf32>,
      %broadcast_in_dim3A_60 = arith.constant 0.000000e+00 : f32
      %broadcast_in_dim3A_61 = vector.broadcast %broadcast_in_dim3A_60 : f32 to vector<64x1xf32>
      %swap3A_62 = arith.constant 0 : index
      %swap3A_63 = arith.constant 0 : index
      %swap3A_64 = vector.load %arg10[%swap3A_62, %swap3A_63] : memref<64x1xf32, #tpu.memory_space<vmem>>, vector<64x1xf32>
      tpu.vector_store %arg10[%swap3A_62, %swap3A_63], %broadcast_in_dim3A_61 {strides = array<i32>} : memref<64x1xf32, #tpu.memory_space<vmem>>, vector<64x1xf32>,
    } else {
    }
    %get3A = arith.constant 0 : index
    %get3A_2 = arith.constant 0 : index
    %get3A_3 = arith.constant 0 : index
    %get3A_4 = vector.load %arg1[%get3A, %get3A_2, %get3A_3] : memref<2x1000x128xf32, #tpu.memory_space<vmem>>, vector<1x1000x128xf32>
    %get3A_5 = vector.shape_cast %get3A_4 : vector<1x1000x128xf32> to vector<1000x128xf32>
    %get3A_6 = arith.constant 1 : index
    %get3A_7 = arith.constant 0 : index
    %get3A_8 = arith.constant 0 : index
    %get3A_9 = vector.load %arg1[%get3A_6, %get3A_7, %get3A_8] : memref<2x1000x128xf32, #tpu.memory_space<vmem>>, vector<1x1000x128xf32>
    %get3A_10 = vector.shape_cast %get3A_9 : vector<1x1000x128xf32> to vector<1000x128xf32>
    %add3A = arith.addf %get3A_5, %get3A_10 : vector<1000x128xf32>
    %get3A_11 = arith.constant 0 : index
    %get3A_12 = arith.constant 0 : index
    %get3A_13 = vector.load %arg3[%get3A_11, %get3A_12] : memref<1000x1xf32, #tpu.memory_space<vmem>>, vector<1000x1xf32>
    %get3A_14 = arith.constant 0 : index
    %get3A_15 = arith.constant 0 : index
    %get3A_16 = vector.load %arg2[%get3A_14, %get3A_15] : memref<1000x128xf32, #tpu.memory_space<vmem>>, vector<1000x128xf32>
    %add3A_17 = arith.addf %add3A, %get3A_16 : vector<1000x128xf32>
    %mul3A = vector.broadcast %get3A_13 : vector<1000x1xf32> to vector<1000x128xf32>
    %mul3A_18 = arith.mulf %mul3A, %add3A_17 : vector<1000x128xf32>
    %get3A_19 = arith.constant 0 : index
    %get3A_20 = arith.constant 0 : index
    %get3A_21 = vector.load %arg4[%get3A_19, %get3A_20] : memref<1x128xf32, #tpu.memory_space<vmem>>, vector<1x128xf32>
    %add3A_22 = vector.broadcast %get3A_21 : vector<1x128xf32> to vector<1000x128xf32>
    %add3A_23 = arith.addf %mul3A_18, %add3A_22 : vector<1000x128xf32>
    %max3A = arith.constant 0.000000e+00 : f32
    %max3A_24 = vector.broadcast %max3A : f32 to vector<1000x128xf32>
    %max3A_25 = arith.maximumf %add3A_23, %max3A_24 : vector<1000x128xf32>
    %get3A_26 = arith.constant 0 : index
    %get3A_27 = arith.constant 0 : index
    %get3A_28 = vector.load %arg5[%get3A_26, %get3A_27] : memref<1000x1xi32, #tpu.memory_space<vmem>>, vector<1000x1xi32>
    %iota3A = tpu.iota {dimensions = array<i32: 1>} : vector<1000x64xi32>
    %eq3A_29 = vector.broadcast %get3A_28 : vector<1000x1xi32> to vector<1000x64xi32>
    %eq3A_30 = arith.cmpi eq, %eq3A_29, %iota3A : vector<1000x64xi32>
    %convert_element_type3A_31 = arith.extui %eq3A_30 : vector<1000x64xi1> to vector<1000x64xi32>
    %convert_element_type3A_32 = arith.sitofp %convert_element_type3A_31 : vector<1000x64xi32> to vector<1000x64xf32>
    %get3A_33 = arith.constant 0 : index
    %get3A_34 = arith.constant 0 : index
    %get3A_35 = vector.load %arg9[%get3A_33, %get3A_34] : memref<64x128xf32, #tpu.memory_space<vmem>>, vector<64x128xf32>
    %dot_general3A = arith.constant dense<0.000000e+00> : vector<64x128xf32>
    %dot_general3A_36 = tpu.matmul %convert_element_type3A_32, %max3A_25, %dot_general3A {dimension_numbers = #tpu.dot_dimension_numbers<[0], [0], [1], [1], [0, 1, 1, 1], [], []>, transpose_lhs_hint = false} : vector<1000x64xf32>, vector<1000x128xf32>, vector<64x128xf32> -> vector<64x128xf32>
    %add3A_37 = arith.addf %get3A_35, %dot_general3A_36 : vector<64x128xf32>
    %swap3A = arith.constant 0 : index
    %swap3A_38 = arith.constant 0 : index
    %swap3A_39 = vector.load %arg9[%swap3A, %swap3A_38] : memref<64x128xf32, #tpu.memory_space<vmem>>, vector<64x128xf32>
    tpu.vector_store %arg9[%swap3A, %swap3A_38], %add3A_37 {strides = array<i32>} : memref<64x128xf32, #tpu.memory_space<vmem>>, vector<64x128xf32>,
    %get3A_40 = arith.constant 0 : index
    %get3A_41 = arith.constant 0 : index
    %get3A_42 = vector.load %arg10[%get3A_40, %get3A_41] : memref<64x1xf32, #tpu.memory_space<vmem>>, vector<64x1xf32>
    %broadcast_in_dim3A = arith.constant 1.000000e+00 : f32
    %broadcast_in_dim3A_43 = vector.broadcast %broadcast_in_dim3A : f32 to vector<1000x1xf32>
    %dot_general3A_44 = arith.constant dense<0.000000e+00> : vector<64x1xf32>
    %dot_general3A_45 = tpu.matmul %convert_element_type3A_32, %broadcast_in_dim3A_43, %dot_general3A_44 {dimension_numbers = #tpu.dot_dimension_numbers<[0], [0], [1], [1], [0, 1, 1, 1], [], []>, transpose_lhs_hint = false} : vector<1000x64xf32>, vector<1000x1xf32>, vector<64x1xf32> -> vector<64x1xf32>
    %add3A_46 = arith.addf %get3A_42, %dot_general3A_45 : vector<64x1xf32>
    %swap3A_47 = arith.constant 0 : index
    %swap3A_48 = arith.constant 0 : index
    %swap3A_49 = vector.load %arg10[%swap3A_47, %swap3A_48] : memref<64x1xf32, #tpu.memory_space<vmem>>, vector<64x1xf32>
    tpu.vector_store %arg10[%swap3A_47, %swap3A_48], %add3A_46 {strides = array<i32>} : memref<64x1xf32, #tpu.memory_space<vmem>>, vector<64x1xf32>,
    %eq3A_50 = arith.constant 9 : i32
    %eq3A_51 = arith.cmpi eq, %arg0, %eq3A_50 : i32
    %convert_element_type3A_52 = arith.extui %eq3A_51 : i1 to i32
    %cond3A_53 = arith.constant 0 : i32
    %cond3A_54 = arith.cmpi ne, %convert_element_type3A_52, %cond3A_53 : i32
    scf.if %cond3A_54 {
      %get3A_55 = arith.constant 0 : index
      %get3A_56 = arith.constant 0 : index
      %get3A_57 = vector.load %arg9[%get3A_55, %get3A_56] : memref<64x128xf32, #tpu.memory_space<vmem>>, vector<64x128xf32>
      %get3A_58 = arith.constant 0 : index
      %get3A_59 = arith.constant 0 : index
      %get3A_60 = vector.load %arg10[%get3A_58, %get3A_59] : memref<64x1xf32, #tpu.memory_space<vmem>>, vector<64x1xf32>
      %max3A_61 = arith.constant 1.000000e+00 : f32
      %max3A_62 = vector.broadcast %max3A_61 : f32 to vector<64x1xf32>
      %max3A_63 = arith.maximumf %get3A_60, %max3A_62 : vector<64x1xf32>
      %div3A = vector.broadcast %max3A_63 : vector<64x1xf32> to vector<64x128xf32>
      %div3A_64 = arith.divf %get3A_57, %div3A : vector<64x128xf32>
      %get3A_65 = arith.constant 0 : index
      %get3A_66 = arith.constant 0 : index
      %get3A_67 = vector.load %arg6[%get3A_65, %get3A_66] : memref<128x16xf32, #tpu.memory_space<vmem>>, vector<128x16xf32>
      %dot_general3A_68 = arith.constant dense<0.000000e+00> : vector<64x16xf32>
      %dot_general3A_69 = tpu.matmul %div3A_64, %get3A_67, %dot_general3A_68 {dimension_numbers = #tpu.dot_dimension_numbers<[1], [0], [0], [1], [0, 0, 1, 1], [], []>, transpose_lhs_hint = false} : vector<64x128xf32>, vector<128x16xf32>, vector<64x16xf32> -> vector<64x16xf32>
      %get3A_70 = arith.constant 0 : index
      %get3A_71 = arith.constant 0 : index
      %get3A_72 = vector.load %arg7[%get3A_70, %get3A_71] : memref<1x16xf32, #tpu.memory_space<vmem>>, vector<1x16xf32>
      %add3A_73 = vector.broadcast %get3A_72 : vector<1x16xf32> to vector<64x16xf32>
      %add3A_74 = arith.addf %dot_general3A_69, %add3A_73 : vector<64x16xf32>
      %reduce_max3A = arith.constant dense<0xFF800000> : vector<64xf32>
      %reduce_max3A_75 = vector.multi_reduction <maximumf>, %add3A_74, %reduce_max3A [1] : vector<64x16xf32> to vector<64xf32>
      %broadcast_in_dim3A_76 = vector.shape_cast %reduce_max3A_75 : vector<64xf32> to vector<64x1xf32>
      %sub3A = vector.broadcast %broadcast_in_dim3A_76 : vector<64x1xf32> to vector<64x16xf32>
      %sub3A_77 = arith.subf %add3A_74, %sub3A : vector<64x16xf32>
      %exp3A = math.exp %sub3A_77 : vector<64x16xf32>
      %sub3A_78 = vector.broadcast %broadcast_in_dim3A_76 : vector<64x1xf32> to vector<64x16xf32>
      %sub3A_79 = arith.subf %add3A_74, %sub3A_78 : vector<64x16xf32>
      %reduce_sum3A = arith.constant dense<0.000000e+00> : vector<64xf32>
      %reduce_sum3A_80 = vector.multi_reduction <add>, %exp3A, %reduce_sum3A [1] : vector<64x16xf32> to vector<64xf32>
      %broadcast_in_dim3A_81 = vector.shape_cast %reduce_sum3A_80 : vector<64xf32> to vector<64x1xf32>
      %log3A = math.log %broadcast_in_dim3A_81 : vector<64x1xf32>
      %sub3A_82 = vector.broadcast %log3A : vector<64x1xf32> to vector<64x16xf32>
      %sub3A_83 = arith.subf %sub3A_79, %sub3A_82 : vector<64x16xf32>
      %swap3A_84 = arith.constant 0 : index
      %swap3A_85 = arith.constant 0 : index
      %swap3A_86 = vector.load %arg8[%swap3A_84, %swap3A_85] : memref<64x16xf32, #tpu.memory_space<vmem>>, vector<64x16xf32>
      tpu.vector_store %arg8[%swap3A_84, %swap3A_85], %sub3A_83 {strides = array<i32>} : memref<64x16xf32, #tpu.memory_space<vmem>>, vector<64x16xf32>,
    } else {
    }
    return
  }
  func.func @transform_0(%arg0: i32) -> (i32, i32, i32) {
    %c0_i32 = arith.constant 0 : i32
    %c0_i32_0 = arith.constant 0 : i32
    %c0_i32_1 = arith.constant 0 : i32
    return %c0_i32, %arg0, %c0_i32_0 : i32, i32, i32
  }
  func.func @transform_1(%arg0: i32) -> (i32, i32) {
    %c0_i32 = arith.constant 0 : i32
    %c0_i32_0 = arith.constant 0 : i32
    return %arg0, %c0_i32 : i32, i32
  }
  func.func @transform_2(%arg0: i32) -> (i32, i32) {
    %c0_i32 = arith.constant 0 : i32
    %c0_i32_0 = arith.constant 0 : i32
    return %arg0, %c0_i32 : i32, i32
  }
  func.func @transform_3(%arg0: i32) -> (i32, i32) {
    %c0_i32 = arith.constant 0 : i32
    %c0_i32_0 = arith.constant 0 : i32
    %c0_i32_1 = arith.constant 0 : i32
    return %c0_i32, %c0_i32_0 : i32, i32
  }
  func.func @transform_4(%arg0: i32) -> (i32, i32) {
    %c0_i32 = arith.constant 0 : i32
    %c0_i32_0 = arith.constant 0 : i32
    return %arg0, %c0_i32 : i32, i32
  }
  func.func @transform_5(%arg0: i32) -> (i32, i32) {
    %c0_i32 = arith.constant 0 : i32
    %c0_i32_0 = arith.constant 0 : i32
    %c0_i32_1 = arith.constant 0 : i32
    return %c0_i32, %c0_i32_0 : i32, i32
  }
  func.func @transform_6(%arg0: i32) -> (i32, i32) {
    %c0_i32 = arith.constant 0 : i32
    %c0_i32_0 = arith.constant 0 : i32
    %c0_i32_1 = arith.constant 0 : i32
    return %c0_i32, %c0_i32_0 : i32, i32
  }
  func.func @transform_7(%arg0: i32) -> (i32, i32) {
    %c0_i32 = arith.constant 0 : i32
    %c0_i32_0 = arith.constant 0 : i32
    %c0_i32_1 = arith.constant 0 : i32
    return %c0_i32, %c0_i32_0 : i32, i32
  }
}

</mosaic_0001>

<sc_bundles>
// kernel: kernel.11.cloned.1.call-start
scs
__scs_entry_jumppad:
0x0: {  	(pc) =	sbr.rel $0x88, $3  }
0x1: {  	(tag) =	ssettag $0x0;
	lr =	simm.s32 $0x1  }
0x2: {  	[smem:$0x3F97] =	sst lr;
	_ =	strace $0xD0000000  }
0x3: {  	_ = 	snop  }
0x4: {  	_ = 	snop  }
0x5: {  	_ = 	snop  }
0x6: {  	_ = 	snop  }
0x7: {  	_ = 	snop  }
__scs_overlays_trampoline_lowered:
0x8: {  	[smem:$0x3FA6] =	sst s0  }
0x9: {  	[smem:$0x3FA7] =	sst s1  }
0xa: {  	[smem:$0x3FA8] =	sst s2  }
0xb: {  	[smem:$0x3FA9] =	sst s3  }
0xc: {  	[smem:$0x3FAA] =	sst s4  }
0xd: {  	[smem:$0x3FAB] =	sst s5  }
0xe: {  	[smem:$0x3FAC] =	sst s6  }
0xf: {  	[smem:$0x3FAD] =	sst s7  }
0x10: {  	[smem:$0x3FAE] =	sst s8  }
0x11: {  	[smem:$0x3FAF] =	sst s9;
	s0 =	simm.s32 @!p0 $0x0  }
0x12: {  	s1 =	sld [smem:$0x3F95];
	s0 =	simm.s32 @p0 $0x1  }
0x13: {  	[smem:$0x3FB0] =	sst s0;
	s0 =	simm.s32 @!p1 $0x0  }
0x14: {  	s2 =	sld [smem:$0x3F94];
	s0 =	simm.s32 @p1 $0x1  }
0x15: {  	[smem:$0x3FB1] =	sst s0;
	s0 =	simm.s32 @!p2 $0x0  }
0x16: {  	s3 =	sld [smem:$0x3FDB];
	s0 =	simm.s32 @p2 $0x1  }
0x17: {  	s4 =	simm.s32 $0x1BF5;
	[smem:$0x3FB3] =	sst s0  }
0x18: {  	s0 =	sld [smem:$0x3F96];
	_ =	swait.ge [sflag:s4], $0x0  }
0x19: {  	s7 =	sld [smem:$0x3F97]  }
0x1a: {  	s8 =	sadd.s32 $0xFFFFE003, lr  }
0x1b: {  	s9 =	sadd.s32 $0xFFFFFEF7, lr;
	s5 =	simm.s32 $0xFFFFFFFF;
	p2 =	slt.u32 s8, $0xFFFFF086  }
0x1c: {  	p1 =	slt.u32 s9, $0xF7A;
	s5 =	simm.s32 @!p2 $0x0  }
0x1d: {  	s5 =	simm.s32 @p1 $0x1;
	p0 =	seq.s32 s7, s2  }
0x1e: {  	s7 =	smul.u32 @!p0 $0xF7A, s2;
	p2 =	seq.s32 @!p0 s5, $0x0  }
0x1f: {  	s9 =	smul.u32 $0xF7A, s1;
	s8 =	simm.s32 @!p0 $0x1BF5;
	p2 =	por !p2, p0  }
0x20: {  	[sflag:s8] =	ssyncset.s32 @!p0 $0xFFFFF086;
	s6 =	sadd.s32 @!p0 s3, s7;
	s7 =	simm.s32 @!p0 $0x108  }
0x21: {  	s3 =	sadd.s32 s3, s9;
	s6 =	sadd.s32 @!p0 $0x88, s6;
	s7 =	simm.s32 @p2 $0x1082  }
0x22: {  	[simem:s7], [sflag:s8] =	dma.local @!p0 [hbm:s6], $0xF7A  }
0x23: {  	s9 =	sor.u32 $0xD0000000, s2;
	s6 =	simm.s32 $0x108;
	_ =	swait.ge @!p0 [sflag:s8], $0x0  }
0x24: {  	s3 =	sadd.s32 $0x88, s3;
	s6 =	simm.s32 @!p1 $0x1082;
	[sflag:s4] =	ssyncset.s32 $0xFFFFF086  }
0x25: {  	[simem:s6], [sflag:s4] =	dma.local [hbm:s3], $0xF7A  }
0x26: {  	[smem:$0x3F97] =	sst s1;
	(tag) =	ssettag s2;
	_ =	strace s9  }
0x27: {  	s1 =	sld [smem:$0x3FA7]  }
0x28: {  	s2 =	sld [smem:$0x3FA8]  }
0x29: {  	s4 =	sld [smem:$0x3FAA]  }
0x2a: {  	p0 =	seq.s32 s5, $0x0;
	s5 =	sld [smem:$0x3FAB]  }
0x2b: {  	s6 =	sld [smem:$0x3FAC]  }
0x2c: {  	s7 =	sld [smem:$0x3FAD]  }
0x2d: {  	s3 =	simm.s32 $0x108;
	s8 =	sld [smem:$0x3FAE]  }
0x2e: {  	s3 =	simm.s32 @!p0 $0x1082;
	s9 =	sld [smem:$0x3FAF]  }
0x2f: {  	lr =	sadd.s32 s0, s3;
	s0 =	sld [smem:$0x3FA6]  }
0x30: {  	s3 =	sld [smem:$0x3FA9]  }
0x31: {  	[smem:$0x3FB2] =	sst s10  }
0x32: {  	s10 =	sld [smem:$0x3FB0];
	_ =	sdelay $0x3  }
0x33: {  	p0 =	seq.s32 s10, $0x1;
	s10 =	sld [smem:$0x3FB2];
	_ =	sdelay $0x3  }
0x34: {  	[smem:$0x3FB2] =	sst s10  }
0x35: {  	s10 =	sld [smem:$0x3FB1];
	_ =	sdelay $0x3  }
0x36: {  	p1 =	seq.s32 s10, $0x1;
	s10 =	sld [smem:$0x3FB2];
	_ =	sdelay $0x3  }
0x37: {  	[smem:$0x3FB2] =	sst s10  }
0x38: {  	s10 =	sld [smem:$0x3FB3]  }
0x39: {  	_ = 	snop;
	(pc) =	sbr.ind lr, $3  }
0x3a: {  	_ = 	snop  }
0x3b: {  	_ = 	snop  }
0x3c: {  	p2 =	seq.s32 s10, $0x1;
	s10 =	sld [smem:$0x3FB2]  }
0x3d: {  	_ =	shalt  }
0x3e: {  	_ =	shalt  }
0x3f: {  	_ =	shalt  }
0x40: {  	_ =	shalt  }
0x41: {  	_ =	shalt  }
0x42: {  	_ =	shalt  }
0x43: {  	_ =	shalt  }
0x44: {  	_ =	shalt  }
0x45: {  	_ =	shalt  }
0x46: {  	_ =	shalt  }
0x47: {  	_ =	shalt  }
0x48: {  	_ =	shalt  }
0x49: {  	_ =	shalt  }
0x4a: {  	_ =	shalt  }
0x4b: {  	_ =	shalt  }
0x4c: {  	_ =	shalt  }
0x4d: {  	_ =	shalt  }
0x4e: {  	_ =	shalt  }
0x4f: {  	_ =	shalt  }
0x50: {  	_ =	shalt  }
0x51: {  	_ =	shalt  }
0x52: {  	_ =	shalt  }
0x53: {  	_ =	shalt  }
0x54: {  	_ =	shalt  }
0x55: {  	_ =	shalt  }
0x56: {  	_ =	shalt  }
0x57: {  	_ =	shalt  }
0x58: {  	_ =	shalt  }
0x59: {  	_ =	shalt  }
0x5a: {  	_ =	shalt  }
0x5b: {  	_ =	shalt  }
0x5c: {  	_ =	shalt  }
0x5d: {  	_ =	shalt  }
0x5e: {  	_ =	shalt  }
0x5f: {  	_ =	shalt  }
0x60: {  	_ =	shalt  }
0x61: {  	_ =	shalt  }
0x62: {  	_ =	shalt  }
0x63: {  	_ =	shalt  }
0x64: {  	_ =	shalt  }
0x65: {  	_ =	shalt  }
0x66: {  	_ =	shalt  }
0x67: {  	_ =	shalt  }
0x68: {  	_ =	shalt  }
0x69: {  	_ =	shalt  }
0x6a: {  	_ =	shalt  }
0x6b: {  	_ =	shalt  }
0x6c: {  	_ =	shalt  }
0x6d: {  	_ =	shalt  }
0x6e: {  	_ =	shalt  }
0x6f: {  	_ =	shalt  }
0x70: {  	_ =	shalt  }
0x71: {  	_ =	shalt  }
0x72: {  	_ =	shalt  }
0x73: {  	_ =	shalt  }
0x74: {  	_ =	shalt  }
0x75: {  	_ =	shalt  }
0x76: {  	_ =	shalt  }
0x77: {  	_ =	shalt  }
0x78: {  	_ =	shalt  }
0x79: {  	_ =	shalt  }
0x7a: {  	_ =	shalt  }
0x7b: {  	_ =	shalt  }
0x7c: {  	_ =	shalt  }
0x7d: {  	_ =	shalt  }
0x7e: {  	_ =	shalt  }
0x7f: {  	_ =	shalt  }
0x80: {  	_ =	shalt  }
0x81: {  	_ =	shalt  }
0x82: {  	_ =	shalt  }
0x83: {  	_ =	shalt  }
0x84: {  	_ =	shalt  }
0x85: {  	_ =	shalt  }
0x86: {  	_ =	shalt  }
0x87: {  	_ =	shalt  }
.Lfunc_end0:
.L_simem_size_0:
called_computation.1_lowered:
.L_overlay_start_0:
0x88: {  	s2 =	sld [smem:$0x3FD9]  }
0x89: {  	s3 =	sld [smem:$0x3FFE];
	_ =	sdelay $0x1  }
0x8a: {  	s1 =	srdreg.scid  }
0x8b: {  	s0 =	sand.u32 $0x1, s1  }
0x8c: {  	s16 =	sshll.u32 s0, $0xA;
	s2 =	sadd.s32 s3, s2  }
0x8d: {  	s2 =	sadd.s32 s2, s16  }
0x8e: {  	[smem:$0x3FBE] =	sst s2  }
0x8f: {  	_ = 	snop  }
0x90: {  	(tm) =	ssettm $0x1  }
0x91: {  	s17 =	sld [smem:$0x3FFB];
	_ =	sdelay $0x3  }
0x92: {  	_ =	strace s17  }
0x93: {  	s2 =	sld [smem:$0x3FFC];
	_ =	sdelay $0x3  }
0x94: {  	_ =	strace s2  }
0x95: {  	s2 =	sld [smem:$0x3FFD];
	_ =	sdelay $0x3  }
0x96: {  	_ =	strace s2  }
0x97: {  	_ =	strace $0x8FFFFFFF  }
0x98: {  	s18 =	sld [smem:$0x3FDB];
	_ =	sdelay $0x1  }
0x99: {  	s19 =	simm.s32 $_scs_section_size  }
0x9a: {  	s4 =	simm.s32 $_size__tile_overlayer_lowered;
	s5 =	simm.s32 $_tile_overlayer_lowered  }
0x9b: {  	s22 =	simm.s32 $0x1BFF;
	s21 =	sshll.u32 s5, $0x1;
	s2 =	sadd.s32 s19, s18  }
0x9c: {  	s6 =	simm.s32 $0x0;
	s20 =	sshll.u32 s4, $0x1;
	s4 =	sadd.s32 s21, s2  }
0x9d: {  	[timem:s6], [sflag:s22] =	dma.local [hbm:s4], s20  }
0x9e: {  	_ =	swait.ge [sflag:s22], s20  }
0x9f: {  	s3 =	ssub.s32 $0x0, s20;
	[sflag:s22] =	ssyncset.done $0x0  }
0xa0: {  	[sflag:s22] =	ssyncadd.s32 s3;
	_ =	sdelay $0x1  }
0xa1: {  	s23 =	simm.s32 $0x1B8B  }
0xa2: {  	_ =	swait.ge [sflag:s23], $0x1  }
0xa3: {  	[sflag:s23] =	ssyncset.done $0x0  }
0xa4: {  	s25 =	simm.s32 $0x1B8E;
	s24 =	sld [smem:$0x3FFE];
	[sflag:s23] =	ssyncadd.s32 $0xFFFFFFFF  }
0xa5: {  	s26 =	simm.s32 $execute0_lowered;
	[smem:$0x3FD2] =	sst s25  }
0xa6: {  	s4 =	sshll.u32 s26, $0x1;
	_ =	strace $0x80000049;
	[dreg:$0x1] =	wrdreg $0xFFFFFFFF  }
0xa7: {  	s28 =	simm.s32 $_size_execute0_lowered;
	s2 =	sadd.s32 s2, s4;
	[dreg:$0x0] =	wrdreg $0x0  }
0xa8: {  	s4 =	sshll.u32 s28, $0x1;
	[dreg:$0x2] =	wrdreg s2  }
0xa9: {  	[dreg:$0x3] =	wrdreg s4  }
0xaa: {  	[dreg:$0x4] =	wrdreg $0xC0  }
0xab: {  	_ =	task [dreg:s6], $0x5FFFF  }
0xac: {  	[dreg:$0x1] =	wrdreg $0xFFFFFFFF  }
0xad: {  	[dreg:$0x0] =	wrdreg $0x60  }
0xae: {  	[dreg:$0x2] =	wrdreg s24  }
0xaf: {  	[dreg:$0x3] =	wrdreg $0x0  }
0xb0: {  	[dreg:$0x4] =	wrdreg $0x9  }
0xb1: {  	_ =	task.clear_ibuf [dreg:s6], $0x5FFFF;
	_ =	strace $0x90000049  }
0xb2: {  	s29 =	simm.s32 $0x9;
	_ =	strace $0x8000004B  }
0xb3: {  	_ =	swait.ge [sflag:s29], $0x1  }
0xb4: {  	[sflag:s29] =	ssyncadd.s32 $0xFFFFFFFF  }
0xb5: {  	_ =	strace $0x9000004B  }
0xb6: {  	_ =	sfence  }
0xb7: {  	s30 =	sld [smem:$0x0];
	_ =	sdelay $0x2  }
0xb8: {  	s31 =	sshll.u32 s1, $0xD;
	s1 =	sshrl.u32 s1, $0x2  }
0xb9: {  	s3 =	sand.u32 $0x4000, s31;
	s1 =	sadd.s32 s1, s30  }
0xba: {  	s0 =	sor.u32 s3, s0;
	s1 =	sshll.u32 s1, $0x11  }
0xbb: {  	s0 =	sor.u32 s1, s0  }
0xbc: {  	s0 =	sadd.s32 $0x8F2B, s0  }
0xbd: {  	[sflag:s0] =	ssyncadd.remote.s32 $0x1  }
0xbe: {  	_ =	sfence.sel $0xFFFF  }
0xbf: {  	[dreg:$0x0] =	wrdreg $0xFFFFFFFF;
	(pc) =	sbr.abs _section_cstart, $3  }
0xc0: {  	[dreg:$0x1] =	wrdreg $0xFFFFFFFF  }
0xc1: {  	_ =	task.clear_ibuf [dreg:s6], $0x2FFFF;
	_ =	strace $0x9FFFFFFF  }
0xc2: {  	(tm) =	ssettm $0x7FFFFFFF  }
0xc3: {  	_ =	shalt  }
tec
execute0_lowered:
.L_overlay_start_1:
0x0: {  	(tag) =	ssettag $0x1  }
0x1: {  	s0 =	rddreg [dreg:$0x0]  }
0x2: {  	s1 =	rddreg [dreg:$0x1];
	s2 =	simm.s32 $0x0;
	s3 =	srdreg.scid  }
0x3: {  	s10 =	stileid.u32;
	s29 =	simm.s32 $0x14100;
	s31 =	simm.s32 $0x13C00  }
0x4: {  	s28 =	simm.s32 $0x18100;
	s30 =	simm.s32 $0x7;
	[smem:$0x7FF] =	sst s2  }
0x5: {  	s3 =	sand.u32 $0x1, s3;
	s4 =	sadd.s32 $0x16000, s0;
	s8 =	smul.u32 $0x4F000, s10  }
0x6: {  	s5 =	sadd.s32 $0xC200, s0;
	s6 =	sadd.s32 $0x2400, s0;
	s18 =	smul.u32 $0x2780, s10  }
0x7: {  	s7 =	smul.u32 $0x27800, s3;
	_ =	strace $0x8000004A;
	s23 =	ssub.s32 $0x2, s3  }
0x8: {  	s3 =	sshll.u32 s3, $0x4;
	s8 =	sshrl.u32 s8, $0x2;
	s9 =	sshrl.u32 s23, $0x1  }
0x9: {  	s3 =	sor.u32 s10, s3;
	s10 =	simm.s32 $0x40;
	s11 =	sadd.s32 s8, s1  }
0xa: {  	s0 =	sadd.s32 s7, s0;
	s8 =	sadd.s32 $0x2000, s11;
	[dreg:$0x3] =	wrdreg s11  }
0xb: {  	s7 =	ssub.s32 s23, s9;
	s24 =	sadd.s32 $0x4000, s11;
	[dreg:$0x4] =	wrdreg s8  }
0xc: {  	s3 =	smul.u32 $0x2710, s3;
	s25 =	sadd.s32 $0x6000, s11;
	[dreg:$0x5] =	wrdreg s24  }
0xd: {  	s26 =	sadd.s32 $0x8000, s11;
	s9 =	sadd.s32 $0xA000, s11;
	[dreg:$0x6] =	wrdreg s25  }
0xe: {  	s12 =	sadd.s32 $0xC000, s11;
	s14 =	sadd.s32 $0xE000, s11;
	[dreg:$0x7] =	wrdreg s26  }
0xf: {  	s0 =	sadd.s32 $0x3D200, s0;
	s23 =	smax.u32 s7, $0x1;
	[dreg:$0x8] =	wrdreg s9  }
0x10: {  	s7 =	simm.s32 $0x13E00;
	[dreg:$0x9] =	wrdreg s12;
	s13 =	sshrl.u32 s3, $0x3  }
0x11: {  	[dreg:$0xa] =	wrdreg s14;
	s19 =	sadd.s32 $0x80, s3;
	s20 =	sadd.s32 $0xC0, s3  }
0x12: {  	s21 =	sadd.s32 $0x100, s3;
	s0 =	sadd.s32 s18, s0;
	s22 =	sadd.s32 $0x140, s3  }
0x13: {  	s24 =	sadd.s32 $0x180, s3;
	[dreg:$0x11] =	wrdreg s23;
	s25 =	sadd.s32 $0x10000, s11  }
0x14: {  	s26 =	sadd.s32 $0x12000, s11;
	s3 =	simm.s32 $0x13C80;
	s11 =	simm.s32 $0x13D00  }
0x15: {  	s14 =	simm.s32 $0x16100;
	s12 =	simm.s32 $0x4;
	[dreg:$0xf] =	wrdreg s0  }
0x16: {  	s18 =	simm.s32 $0xF;
	s15 =	sadd.s32 s5, s13;
	[dreg:$0x10] =	wrdreg s22  }
0x17: {  	s16 =	sadd.s32 $0x8, s13;
	s8 =	sadd.s32 s6, s13;
	[dreg:$0x12] =	wrdreg s25  }
0x18: {  	[dreg:$0x13] =	wrdreg s26;
	s13 =	simm.s32 $0x2;
	s26 =	simm.s32 $0x3  }
0x19: {  	s22 =	simm.s32 $0x8;
	s25 =	simm.s32 $0x5;
	[dreg:$0xb] =	wrdreg s15  }
0x1a: {  	[dreg:$0xc] =	wrdreg s8;
	s17 =	sadd.s32 s5, s16;
	s9 =	sadd.s32 s6, s16  }
0x1b: {  	s15 =	simm.s32 $0x13D80;
	s16 =	simm.s32 $0x0;
	[dreg:$0xd] =	wrdreg s17  }
0x1c: {  	v0 =	vimm.f32 $0.0e+00;
	vm0 =	vmmov $0xffff;
	[dreg:$0xe] =	wrdreg s9;
	s9 =	simm.s32 $0x1;
	s17 =	simm.s32 $0x6  }
.LBB2_1:
0x1d: {  	s0 =	sand.u32 $0x7E00, s2  }
0x1e: {  	[dreg:$0x14] =	wrdreg s16;
	s23 =	sand.u32 $0x70, s2;
	s0 =	sshrl.u32 s0, $0x2  }
0x1f: {  	s8 =	simm.s32 $0x40;
	s16 =	simm.s32 $0x0;
	s0 =	sor.u32 s23, s0  }
.LBB2_2:
0x20: {  	p0 =	sne.s32 s8, $0x7FC0  }
0x21: {  	[tilespmem:s0+$0x14100] =	vst v0;
	s16 =	sadd.s32 $0x10, s16;
	s0 =	smov.u32 s8;
	s8 =	sadd.s32 $0x40, s8  }
.Ltmp0:
0x22: {  	(pc) =	sbr.rel @p0 .LBB2_2-.Ltmp0, $4  }
0x23: {  	_ = 	snop  }
0x24: {  	s0 =	sand.u32 $0x7E00, s0  }
0x25: {  	s23 =	sand.u32 $0x70, s16;
	s0 =	sshrl.u32 s0, $0x2  }
0x26: {  	s0 =	sor.u32 s23, s0  }
0x27: {  	[tilespmem:s0+$0x14100] =	vst v0;
	s8 =	rddreg [dreg:$0x3]  }
0x28: {  	[spmem:s8] =	stream.linear.scatter [tilespmem:s29], [sflag:$0x10], $0x2000, $0x38;
	[tilespmem:$0x1E100] =	vst v63  }
0x29: {  	s8 =	simm.s32 $0x10  }
0x2a: {  	_ =	swait.ge [sflag:s8], $0x2000  }
0x2b: {  	[sflag:s8] =	ssyncset.done $0x0  }
0x2c: {  	s16 =	rddreg [dreg:$0x4];
	[sflag:s8] =	ssyncadd.s32 $0xFFFFE000  }
0x2d: {  	[spmem:s16] =	stream.linear.scatter [tilespmem:s29], [sflag:$0x10], $0x2000, $0x38;
	[tilespmem:$0x1E100] =	vst v63  }
0x2e: {  	_ =	swait.ge [sflag:s8], $0x2000  }
0x2f: {  	[sflag:s8] =	ssyncset.done $0x0  }
0x30: {  	s23 =	rddreg [dreg:$0x5];
	[sflag:s8] =	ssyncadd.s32 $0xFFFFE000  }
0x31: {  	[spmem:s23] =	stream.linear.scatter [tilespmem:s29], [sflag:$0x10], $0x2000, $0x38;
	[tilespmem:$0x1E100] =	vst v63  }
0x32: {  	_ =	swait.ge [sflag:s8], $0x2000  }
0x33: {  	[sflag:s8] =	ssyncset.done $0x0  }
0x34: {  	s16 =	rddreg [dreg:$0x6];
	[sflag:s8] =	ssyncadd.s32 $0xFFFFE000  }
0x35: {  	[spmem:s16] =	stream.linear.scatter [tilespmem:s29], [sflag:$0x10], $0x2000, $0x38;
	[tilespmem:$0x1E100] =	vst v63  }
0x36: {  	_ =	swait.ge [sflag:s8], $0x2000  }
0x37: {  	[sflag:s8] =	ssyncset.done $0x0  }
0x38: {  	s23 =	rddreg [dreg:$0x7];
	[sflag:s8] =	ssyncadd.s32 $0xFFFFE000  }
0x39: {  	[spmem:s23] =	stream.linear.scatter [tilespmem:s29], [sflag:$0x10], $0x2000, $0x38;
	[tilespmem:$0x1E100] =	vst v63  }
0x3a: {  	_ =	swait.ge [sflag:s8], $0x2000  }
0x3b: {  	[sflag:s8] =	ssyncset.done $0x0  }
0x3c: {  	s16 =	rddreg [dreg:$0x8];
	[sflag:s8] =	ssyncadd.s32 $0xFFFFE000  }
0x3d: {  	[spmem:s16] =	stream.linear.scatter [tilespmem:s29], [sflag:$0x10], $0x2000, $0x38;
	[tilespmem:$0x1E100] =	vst v63  }
0x3e: {  	_ =	swait.ge [sflag:s8], $0x2000  }
0x3f: {  	[sflag:s8] =	ssyncset.done $0x0  }
0x40: {  	s23 =	rddreg [dreg:$0x9];
	[sflag:s8] =	ssyncadd.s32 $0xFFFFE000  }
0x41: {  	[spmem:s23] =	stream.linear.scatter [tilespmem:s29], [sflag:$0x10], $0x2000, $0x38;
	[tilespmem:$0x1E100] =	vst v63  }
0x42: {  	_ =	swait.ge [sflag:s8], $0x2000  }
0x43: {  	[sflag:s8] =	ssyncset.done $0x0  }
0x44: {  	s16 =	rddreg [dreg:$0xa];
	[sflag:s8] =	ssyncadd.s32 $0xFFFFE000  }
0x45: {  	[spmem:s16] =	stream.linear.scatter [tilespmem:s29], [sflag:$0x10], $0x2000, $0x38;
	[tilespmem:$0x1E100] =	vst v63  }
0x46: {  	_ =	swait.ge [sflag:s8], $0x2000  }
0x47: {  	[sflag:s8] =	ssyncset.done $0x0  }
0x48: {  	s23 =	rddreg [dreg:$0x12];
	[sflag:s8] =	ssyncadd.s32 $0xFFFFE000  }
0x49: {  	[spmem:s23] =	stream.linear.scatter [tilespmem:s29], [sflag:$0x10], $0x2000, $0x38;
	[tilespmem:$0x1E100] =	vst v63  }
0x4a: {  	_ =	swait.ge [sflag:s8], $0x2000  }
0x4b: {  	[sflag:s8] =	ssyncset.done $0x0  }
0x4c: {  	s16 =	rddreg [dreg:$0x13];
	[sflag:s8] =	ssyncadd.s32 $0xFFFFE000  }
0x4d: {  	[spmem:s16] =	stream.linear.scatter [tilespmem:s29], [sflag:$0x10], $0x1C00, $0x38;
	[tilespmem:$0x1E100] =	vst v63  }
0x4e: {  	_ =	swait.ge [sflag:s8], $0x1C00  }
0x4f: {  	[sflag:s8] =	ssyncset.done $0x0  }
0x50: {  	[sflag:s8] =	ssyncadd.s32 $0xFFFFE400  }
0x51: {  	[bflag:$0x0] =	sbarrier.arrive $0xFFFF  }
0x52: {  	s16 =	simm.s32 $0x0;
	s23 =	rddreg [dreg:$0xb]  }
0x53: {  	[tilespmem:s31], [sflag:$0x1] =	stream.linear.gather [hbm4b:s23+s16], $0x40, $0x38;
	[tilespmem:$0x1E100] =	vst v63  }
0x54: {  	s8 =	rddreg [dreg:$0xc];
	s23 =	simm.s32 $0x13E80  }
0x55: {  	[tilespmem:s23], [sflag:$0x1] =	stream.linear.gather [hbm4b:s8+s16], $0x40, $0x38;
	[tilespmem:$0x1E100] =	vst v63  }
.Ltmp1:
0x56: {  	s23 =	rddreg [dreg:$0xd];
	(pc) =	sbr.rel .LBB2_4-.Ltmp1, $4  }
0x57: {  	[tilespmem:s3], [sflag:$0x2] =	stream.linear.gather [hbm4b:s23+s16], $0x40, $0x38;
	[tilespmem:$0x1E100] =	vst v63  }
0x58: {  	s8 =	rddreg [dreg:$0xe];
	s23 =	simm.s32 $0x13F00  }
0x59: {  	[tilespmem:s23], [sflag:$0x2] =	stream.linear.gather [hbm4b:s8+s16], $0x40, $0x38;
	[tilespmem:$0x1E100] =	vst v63  }
0x5a: {  	s8 =	simm.s32 $0x1F  }
.LBB2_6:
0x5b: {  	_ =	swait.ge [sflag:s22], $0x2000  }
0x5c: {  	[sflag:s22] =	ssyncset.done $0x0  }
0x5d: {  	[sflag:s22] =	ssyncadd.s32 $0xFFFFE000  }
.LBB2_9:
0x5e: {  	v1 =	vld [tilespmem:$0x13F80];
	_ =	sdelay $0x7  }
0x5f: {  	[spmem:s1] =	stream.indirect_vreg.scatter.add.f32 [tilespmem:s28], [sflag:$0xD], $0x80, v1, vm0, $0xb8;
	[tilespmem:$0x1E100] =	vst v63  }
0x60: {  	v1 =	vld [tilespmem:$0x13F90];
	_ =	sdelay $0x6  }
0x61: {  	s0 =	simm.s32 $0x18900  }
0x62: {  	[spmem:s1] =	stream.indirect_vreg.scatter.add.f32 [tilespmem:s0], [sflag:$0xD], $0x80, v1, vm0, $0xb8;
	[tilespmem:$0x1E100] =	vst v63  }
0x63: {  	v1 =	vld [tilespmem:$0x13FA0];
	_ =	sdelay $0x6  }
0x64: {  	s23 =	simm.s32 $0x19100  }
0x65: {  	[spmem:s1] =	stream.indirect_vreg.scatter.add.f32 [tilespmem:s23], [sflag:$0xD], $0x80, v1, vm0, $0xb8;
	[tilespmem:$0x1E100] =	vst v63  }
0x66: {  	v1 =	vld [tilespmem:$0x13FB0];
	_ =	sdelay $0x6  }
0x67: {  	s23 =	simm.s32 $0x19900  }
0x68: {  	[spmem:s1] =	stream.indirect_vreg.scatter.add.f32 [tilespmem:s23], [sflag:$0xD], $0x80, v1, vm0, $0xb8;
	[tilespmem:$0x1E100] =	vst v63  }
0x69: {  	_ =	swait.ge [sflag:s25], $0x40  }
0x6a: {  	[sflag:s25] =	ssyncset.done $0x0  }
0x6b: {  	[sflag:s25] =	ssyncadd.s32 $0xFFFFFFC0  }
0x6c: {  	_ =	swait.ge [sflag:s25], $0x40  }
0x6d: {  	[sflag:s25] =	ssyncset.done $0x0  }
0x6e: {  	s23 =	simm.s32 $0x1C100;
	[sflag:s25] =	ssyncadd.s32 $0xFFFFFFC0  }
0x6f: {  	[tilespmem:s23], [sflag:$0xA] =	stream.indirect.gather [hbm4b:s4+s10], $0x80, s7, s10, $0xb8;
	[tilespmem:$0x1E100] =	vst v63  }
0x70: {  	s23 =	smin.u32 s16, $0x2550  }
0x71: {  	s0 =	sadd.s32 s23, s24  }
0x72: {  	s0 =	sshrl.u32 s0, $0x3  }
0x73: {  	s8 =	sadd.s32 $0xFFFFFFFF, s8;
	s23 =	sadd.s32 s5, s0  }
0x74: {  	[tilespmem:s3], [sflag:$0x2] =	stream.linear.gather [hbm4b:s23+s2], $0x40, $0x38;
	[tilespmem:$0x1E100] =	vst v63  }
0x75: {  	s16 =	sadd.s32 $0x140, s16;
	s0 =	sadd.s32 s6, s0;
	s23 =	simm.s32 $0x13F00  }
0x76: {  	[tilespmem:s23], [sflag:$0x2] =	stream.linear.gather [hbm4b:s0+s2], $0x40, $0x38;
	[tilespmem:$0x1E100] =	vst v63  }
.LBB2_4:
0x77: {  	p0 =	seq.s32 s8, $0x1F  }
0x78: {  	s0 =	simm.s32 @!p0 $0xB  }
0x79: {  	_ =	swait.ge @!p0 [sflag:s0], $0x800  }
0x7a: {  	[sflag:s0] =	ssyncset.done @!p0 $0x0  }
0x7b: {  	[sflag:s0] =	ssyncadd.s32 @!p0 $0xFFFFF800  }
0x7c: {  	_ =	swait.ge @!p0 [sflag:s0], $0x800  }
0x7d: {  	[sflag:s0] =	ssyncset.done @!p0 $0x0  }
0x7e: {  	[sflag:s0] =	ssyncadd.s32 @!p0 $0xFFFFF800  }
0x7f: {  	_ =	swait.ge @!p0 [sflag:s0], $0x800  }
0x80: {  	[sflag:s0] =	ssyncset.done @!p0 $0x0  }
0x81: {  	[sflag:s0] =	ssyncadd.s32 @!p0 $0xFFFFF800  }
0x82: {  	_ =	swait.ge @!p0 [sflag:s0], $0x800  }
0x83: {  	[sflag:s0] =	ssyncset.done @!p0 $0x0  }
0x84: {  	[sflag:s0] =	ssyncadd.s32 @!p0 $0xFFFFF800;
	s0 =	simm.s32 @!p0 $0x9  }
0x85: {  	_ =	swait.ge @!p0 [sflag:s0], $0x2000  }
0x86: {  	[sflag:s0] =	ssyncset.done @!p0 $0x0  }
0x87: {  	[sflag:s0] =	ssyncadd.s32 @!p0 $0xFFFFE000  }
0x88: {  	v1 =	vld @!p0 [tilespmem:$0x14000];
	_ =	sdelay $0x6  }
0x89: {  	vm1 =	vmmov @!p0 $0xffff;
	s0 =	simm.s32 @!p0 $0x1A100  }
0x8a: {  	[spmem:s1] =	stream.indirect_vreg.scatter.add.f32 @!p0 [tilespmem:s0], [sflag:$0xE], $0x80, v1, vm1, $0xb8;
	[tilespmem:$0x1E100] =	vst v63  }
0x8b: {  	v1 =	vld @!p0 [tilespmem:$0x14010];
	_ =	sdelay $0x6  }
0x8c: {  	s0 =	simm.s32 @!p0 $0x1A900  }
0x8d: {  	[spmem:s1] =	stream.indirect_vreg.scatter.add.f32 @!p0 [tilespmem:s0], [sflag:$0xE], $0x80, v1, vm1, $0xb8;
	[tilespmem:$0x1E100] =	vst v63  }
0x8e: {  	v1 =	vld @!p0 [tilespmem:$0x14020];
	_ =	sdelay $0x6  }
0x8f: {  	s0 =	simm.s32 @!p0 $0x1B100  }
0x90: {  	[spmem:s1] =	stream.indirect_vreg.scatter.add.f32 @!p0 [tilespmem:s0], [sflag:$0xE], $0x80, v1, vm1, $0xb8;
	[tilespmem:$0x1E100] =	vst v63  }
0x91: {  	v1 =	vld @!p0 [tilespmem:$0x14030];
	_ =	sdelay $0x6  }
0x92: {  	s0 =	simm.s32 @!p0 $0x1B900  }
0x93: {  	[spmem:s1] =	stream.indirect_vreg.scatter.add.f32 @!p0 [tilespmem:s0], [sflag:$0xE], $0x80, v1, vm1, $0xb8;
	[tilespmem:$0x1E100] =	vst v63  }
0x94: {  	_ =	swait.ge [sflag:s9], $0x40  }
0x95: {  	[sflag:s9] =	ssyncset.done $0x0  }
0x96: {  	[sflag:s9] =	ssyncadd.s32 $0xFFFFFFC0  }
0x97: {  	s23 =	smin.u32 s16, $0x2650;
	_ =	swait.ge [sflag:s9], $0x40  }
0x98: {  	s0 =	sadd.s32 s23, s19;
	[sflag:s9] =	ssyncset.done $0x0  }
0x99: {  	s0 =	sshrl.u32 s0, $0x3;
	[sflag:s9] =	ssyncadd.s32 $0xFFFFFFC0  }
0x9a: {  	[tilespmem:s29], [sflag:$0x6] =	stream.indirect.gather [hbm4b:s4+s10], $0x80, s31, s10, $0xb8;
	[tilespmem:$0x1E100] =	vst v63  }
0x9b: {  	s23 =	sadd.s32 s5, s0  }
0x9c: {  	[tilespmem:s11], [sflag:$0x3] =	stream.linear.gather [hbm4b:s23+s2], $0x40, $0x38;
	[tilespmem:$0x1E100] =	vst v63  }
0x9d: {  	s0 =	sadd.s32 s6, s0;
	s23 =	simm.s32 $0x13F80  }
0x9e: {  	[tilespmem:s23], [sflag:$0x3] =	stream.linear.gather [hbm4b:s0+s2], $0x40, $0x38;
	[tilespmem:$0x1E100] =	vst v63  }
0x9f: {  	s0 =	simm.s32 @!p0 $0xC  }
0xa0: {  	_ =	swait.ge @!p0 [sflag:s0], $0x800  }
0xa1: {  	[sflag:s0] =	ssyncset.done @!p0 $0x0  }
0xa2: {  	[sflag:s0] =	ssyncadd.s32 @!p0 $0xFFFFF800  }
0xa3: {  	_ =	swait.ge @!p0 [sflag:s0], $0x800  }
0xa4: {  	[sflag:s0] =	ssyncset.done @!p0 $0x0  }
0xa5: {  	[sflag:s0] =	ssyncadd.s32 @!p0 $0xFFFFF800  }
0xa6: {  	_ =	swait.ge @!p0 [sflag:s0], $0x800  }
0xa7: {  	[sflag:s0] =	ssyncset.done @!p0 $0x0  }
0xa8: {  	[sflag:s0] =	ssyncadd.s32 @!p0 $0xFFFFF800  }
0xa9: {  	_ =	swait.ge @!p0 [sflag:s0], $0x800  }
0xaa: {  	[sflag:s0] =	ssyncset.done @!p0 $0x0  }
0xab: {  	[sflag:s0] =	ssyncadd.s32 @!p0 $0xFFFFF800;
	s0 =	simm.s32 @!p0 $0xA  }
0xac: {  	_ =	swait.ge @!p0 [sflag:s0], $0x2000  }
0xad: {  	[sflag:s0] =	ssyncset.done @!p0 $0x0  }
0xae: {  	[sflag:s0] =	ssyncadd.s32 @!p0 $0xFFFFE000  }
0xaf: {  	v1 =	vld @!p0 [tilespmem:$0x14080];
	_ =	sdelay $0x6  }
0xb0: {  	s0 =	simm.s32 @!p0 $0x1C100  }
0xb1: {  	[spmem:s1] =	stream.indirect_vreg.scatter.add.f32 @!p0 [tilespmem:s0], [sflag:$0xF], $0x80, v1, vm1, $0xb8;
	[tilespmem:$0x1E100] =	vst v63  }
0xb2: {  	v1 =	vld @!p0 [tilespmem:$0x14090];
	_ =	sdelay $0x6  }
0xb3: {  	s0 =	simm.s32 @!p0 $0x1C900  }
0xb4: {  	[spmem:s1] =	stream.indirect_vreg.scatter.add.f32 @!p0 [tilespmem:s0], [sflag:$0xF], $0x80, v1, vm1, $0xb8;
	[tilespmem:$0x1E100] =	vst v63  }
0xb5: {  	v1 =	vld @!p0 [tilespmem:$0x140A0];
	_ =	sdelay $0x6  }
0xb6: {  	s0 =	simm.s32 @!p0 $0x1D100  }
0xb7: {  	[spmem:s1] =	stream.indirect_vreg.scatter.add.f32 @!p0 [tilespmem:s0], [sflag:$0xF], $0x80, v1, vm1, $0xb8;
	[tilespmem:$0x1E100] =	vst v63  }
0xb8: {  	v1 =	vld @!p0 [tilespmem:$0x140B0];
	_ =	sdelay $0x6  }
0xb9: {  	s0 =	simm.s32 @!p0 $0x1D900  }
0xba: {  	[spmem:s1] =	stream.indirect_vreg.scatter.add.f32 @!p0 [tilespmem:s0], [sflag:$0xF], $0x80, v1, vm1, $0xb8;
	[tilespmem:$0x1E100] =	vst v63  }
0xbb: {  	_ =	swait.ge [sflag:s13], $0x40  }
0xbc: {  	[sflag:s13] =	ssyncset.done $0x0  }
0xbd: {  	[sflag:s13] =	ssyncadd.s32 $0xFFFFFFC0  }
0xbe: {  	s23 =	smin.u32 s16, $0x2610;
	_ =	swait.ge [sflag:s13], $0x40  }
0xbf: {  	s0 =	sadd.s32 s23, s20;
	[sflag:s13] =	ssyncset.done $0x0  }
0xc0: {  	s0 =	sshrl.u32 s0, $0x3;
	[sflag:s13] =	ssyncadd.s32 $0xFFFFFFC0  }
0xc1: {  	[tilespmem:s14], [sflag:$0x7] =	stream.indirect.gather [hbm4b:s4+s10], $0x80, s3, s10, $0xb8;
	[tilespmem:$0x1E100] =	vst v63  }
0xc2: {  	s23 =	sadd.s32 s5, s0  }
0xc3: {  	[tilespmem:s15], [sflag:$0x4] =	stream.linear.gather [hbm4b:s23+s2], $0x40, $0x38;
	[tilespmem:$0x1E100] =	vst v63  }
0xc4: {  	s0 =	sadd.s32 s6, s0;
	s23 =	simm.s32 $0x14000  }
0xc5: {  	[tilespmem:s23], [sflag:$0x4] =	stream.linear.gather [hbm4b:s0+s2], $0x40, $0x38;
	[tilespmem:$0x1E100] =	vst v63  }
0xc6: {  	s0 =	simm.s32 @!p0 $0xD  }
0xc7: {  	_ =	swait.ge @!p0 [sflag:s0], $0x800  }
0xc8: {  	[sflag:s0] =	ssyncset.done @!p0 $0x0  }
0xc9: {  	[sflag:s0] =	ssyncadd.s32 @!p0 $0xFFFFF800  }
0xca: {  	_ =	swait.ge @!p0 [sflag:s0], $0x800  }
0xcb: {  	[sflag:s0] =	ssyncset.done @!p0 $0x0  }
0xcc: {  	[sflag:s0] =	ssyncadd.s32 @!p0 $0xFFFFF800  }
0xcd: {  	_ =	swait.ge @!p0 [sflag:s0], $0x800  }
0xce: {  	[sflag:s0] =	ssyncset.done @!p0 $0x0  }
0xcf: {  	[sflag:s0] =	ssyncadd.s32 @!p0 $0xFFFFF800  }
0xd0: {  	_ =	swait.ge @!p0 [sflag:s0], $0x800  }
0xd1: {  	[sflag:s0] =	ssyncset.done @!p0 $0x0  }
0xd2: {  	[sflag:s0] =	ssyncadd.s32 @!p0 $0xFFFFF800  }
0xd3: {  	_ =	swait.ge [sflag:s17], $0x2000  }
0xd4: {  	[sflag:s17] =	ssyncset.done $0x0  }
0xd5: {  	[sflag:s17] =	ssyncadd.s32 $0xFFFFE000  }
0xd6: {  	v1 =	vld [tilespmem:$0x13E80];
	_ =	sdelay $0x7  }
0xd7: {  	[spmem:s1] =	stream.indirect_vreg.scatter.add.f32 [tilespmem:s29], [sflag:$0xB], $0x80, v1, vm0, $0xb8;
	[tilespmem:$0x1E100] =	vst v63  }
0xd8: {  	v1 =	vld [tilespmem:$0x13E90];
	_ =	sdelay $0x6  }
0xd9: {  	s23 =	simm.s32 $0x14900  }
0xda: {  	[spmem:s1] =	stream.indirect_vreg.scatter.add.f32 [tilespmem:s23], [sflag:$0xB], $0x80, v1, vm0, $0xb8;
	[tilespmem:$0x1E100] =	vst v63  }
0xdb: {  	v1 =	vld [tilespmem:$0x13EA0];
	_ =	sdelay $0x6  }
0xdc: {  	s23 =	simm.s32 $0x15100  }
0xdd: {  	[spmem:s1] =	stream.indirect_vreg.scatter.add.f32 [tilespmem:s23], [sflag:$0xB], $0x80, v1, vm0, $0xb8;
	[tilespmem:$0x1E100] =	vst v63  }
0xde: {  	v1 =	vld [tilespmem:$0x13EB0];
	_ =	sdelay $0x6  }
0xdf: {  	s23 =	simm.s32 $0x15900  }
0xe0: {  	[spmem:s1] =	stream.indirect_vreg.scatter.add.f32 [tilespmem:s23], [sflag:$0xB], $0x80, v1, vm0, $0xb8;
	[tilespmem:$0x1E100] =	vst v63  }
0xe1: {  	_ =	swait.ge [sflag:s26], $0x40  }
0xe2: {  	[sflag:s26] =	ssyncset.done $0x0  }
0xe3: {  	[sflag:s26] =	ssyncadd.s32 $0xFFFFFFC0  }
0xe4: {  	s23 =	smin.u32 s16, $0x25D0;
	_ =	swait.ge [sflag:s26], $0x40  }
0xe5: {  	s0 =	sadd.s32 s23, s21;
	[sflag:s26] =	ssyncset.done $0x0  }
0xe6: {  	s0 =	sshrl.u32 s0, $0x3;
	[sflag:s26] =	ssyncadd.s32 $0xFFFFFFC0  }
0xe7: {  	[tilespmem:s28], [sflag:$0x8] =	stream.indirect.gather [hbm4b:s4+s10], $0x80, s11, s10, $0xb8;
	[tilespmem:$0x1E100] =	vst v63  }
0xe8: {  	s23 =	sadd.s32 s5, s0  }
0xe9: {  	[tilespmem:s7], [sflag:$0x5] =	stream.linear.gather [hbm4b:s23+s2], $0x40, $0x38;
	[tilespmem:$0x1E100] =	vst v63  }
0xea: {  	s0 =	sadd.s32 s6, s0;
	s23 =	simm.s32 $0x14080  }
0xeb: {  	[tilespmem:s23], [sflag:$0x5] =	stream.linear.gather [hbm4b:s0+s2], $0x40, $0x38;
	[tilespmem:$0x1E100] =	vst v63  }
0xec: {  	s0 =	simm.s32 @!p0 $0xE  }
0xed: {  	_ =	swait.ge @!p0 [sflag:s0], $0x800  }
0xee: {  	[sflag:s0] =	ssyncset.done @!p0 $0x0  }
0xef: {  	[sflag:s0] =	ssyncadd.s32 @!p0 $0xFFFFF800  }
0xf0: {  	_ =	swait.ge @!p0 [sflag:s0], $0x800  }
0xf1: {  	[sflag:s0] =	ssyncset.done @!p0 $0x0  }
0xf2: {  	[sflag:s0] =	ssyncadd.s32 @!p0 $0xFFFFF800  }
0xf3: {  	_ =	swait.ge @!p0 [sflag:s0], $0x800  }
0xf4: {  	[sflag:s0] =	ssyncset.done @!p0 $0x0  }
0xf5: {  	[sflag:s0] =	ssyncadd.s32 @!p0 $0xFFFFF800  }
0xf6: {  	_ =	swait.ge @!p0 [sflag:s0], $0x800  }
0xf7: {  	[sflag:s0] =	ssyncset.done @!p0 $0x0  }
0xf8: {  	[sflag:s0] =	ssyncadd.s32 @!p0 $0xFFFFF800;
	p0 =	seq.s32 s8, $0x0  }
.Ltmp2:
0xf9: {  	_ = 	snop;
	(pc) =	sbr.rel @p0 .LBB2_7-.Ltmp2, $4  }
0xfa: {  	_ = 	snop  }
0xfb: {  	_ =	swait.ge [sflag:s30], $0x2000  }
0xfc: {  	[sflag:s30] =	ssyncset.done $0x0  }
0xfd: {  	[sflag:s30] =	ssyncadd.s32 $0xFFFFE000  }
0xfe: {  	v1 =	vld [tilespmem:$0x13F00];
	_ =	sdelay $0x7  }
0xff: {  	[spmem:s1] =	stream.indirect_vreg.scatter.add.f32 [tilespmem:s14], [sflag:$0xC], $0x80, v1, vm0, $0xb8;
	[tilespmem:$0x1E100] =	vst v63  }
0x100: {  	v1 =	vld [tilespmem:$0x13F10];
	_ =	sdelay $0x6  }
0x101: {  	s0 =	simm.s32 $0x16900  }
0x102: {  	[spmem:s1] =	stream.indirect_vreg.scatter.add.f32 [tilespmem:s0], [sflag:$0xC], $0x80, v1, vm0, $0xb8;
	[tilespmem:$0x1E100] =	vst v63  }
0x103: {  	v1 =	vld [tilespmem:$0x13F20];
	_ =	sdelay $0x6  }
0x104: {  	s23 =	simm.s32 $0x17100  }
0x105: {  	[spmem:s1] =	stream.indirect_vreg.scatter.add.f32 [tilespmem:s23], [sflag:$0xC], $0x80, v1, vm0, $0xb8;
	[tilespmem:$0x1E100] =	vst v63  }
0x106: {  	v1 =	vld [tilespmem:$0x13F30];
	_ =	sdelay $0x6  }
0x107: {  	s23 =	simm.s32 $0x17900  }
0x108: {  	[spmem:s1] =	stream.indirect_vreg.scatter.add.f32 [tilespmem:s23], [sflag:$0xC], $0x80, v1, vm0, $0xb8;
	[tilespmem:$0x1E100] =	vst v63  }
0x109: {  	_ =	swait.ge [sflag:s12], $0x40  }
0x10a: {  	[sflag:s12] =	ssyncset.done $0x0  }
0x10b: {  	[sflag:s12] =	ssyncadd.s32 $0xFFFFFFC0  }
0x10c: {  	_ =	swait.ge [sflag:s12], $0x40  }
0x10d: {  	[sflag:s12] =	ssyncset.done $0x0  }
0x10e: {  	s23 =	simm.s32 $0x1A100;
	[sflag:s12] =	ssyncadd.s32 $0xFFFFFFC0  }
0x10f: {  	[tilespmem:s23], [sflag:$0x9] =	stream.indirect.gather [hbm4b:s4+s10], $0x80, s15, s10, $0xb8;
	[tilespmem:$0x1E100] =	vst v63  }
0x110: {  	s0 =	smin.u32 s16, $0x2590;
	s23 =	rddreg [dreg:$0x10]  }
0x111: {  	p1 =	sne.s32 s8, $0x1F;
	s0 =	sadd.s32 s0, s23  }
.Ltmp3:
0x112: {  	s0 =	sshrl.u32 s0, $0x3;
	(pc) =	sbr.rel @p1 .LBB2_8-.Ltmp3, $4  }
.Ltmp4:
0x113: {  	s23 =	sadd.s32 s5, s0;
	(pc) =	sbr.rel @!p1 .LBB2_6-.Ltmp4, $4  }
0x114: {  	[tilespmem:s31], [sflag:$0x1] =	stream.linear.gather [hbm4b:s23+s2], $0x40, $0x38;
	[tilespmem:$0x1E100] =	vst v63  }
0x115: {  	s0 =	sadd.s32 s6, s0;
	s23 =	simm.s32 $0x13E80  }
0x116: {  	[tilespmem:s23], [sflag:$0x1] =	stream.linear.gather [hbm4b:s0+s2], $0x40, $0x38;
	[tilespmem:$0x1E100] =	vst v63  }
0x117: {  	_ = 	snop  }
.LBB2_7:
0x118: {  	v1 =	vld [tilespmem:$0x13F30];
	_ =	sdelay $0x6  }
0x119: {  	s0 =	simm.s32 $0x17900  }
0x11a: {  	[spmem:s1] =	stream.indirect_vreg.scatter.add.f32 [tilespmem:s0], [sflag:$0xC], $0x80, v1, vm0, $0xb8;
	[tilespmem:$0x1E100] =	vst v63  }
0x11b: {  	_ =	swait.ge [sflag:s12], $0x40  }
0x11c: {  	[sflag:s12] =	ssyncset.done $0x0  }
0x11d: {  	[sflag:s12] =	ssyncadd.s32 $0xFFFFFFC0  }
0x11e: {  	_ =	swait.ge [sflag:s12], $0x40  }
0x11f: {  	[sflag:s12] =	ssyncset.done $0x0  }
0x120: {  	s23 =	simm.s32 $0x1A100;
	[sflag:s12] =	ssyncadd.s32 $0xFFFFFFC0  }
0x121: {  	[tilespmem:s23], [sflag:$0x9] =	stream.indirect.gather [hbm4b:s4+s10], $0x80, s15, s10, $0xb8;
	[tilespmem:$0x1E100] =	vst v63  }
.LBB2_8:
0x122: {  	_ =	swait.ge [sflag:s18], $0x800  }
0x123: {  	[sflag:s18] =	ssyncset.done $0x0  }
0x124: {  	[sflag:s18] =	ssyncadd.s32 $0xFFFFF800  }
0x125: {  	_ =	swait.ge [sflag:s18], $0x800  }
0x126: {  	[sflag:s18] =	ssyncset.done $0x0  }
0x127: {  	[sflag:s18] =	ssyncadd.s32 $0xFFFFF800  }
0x128: {  	_ =	swait.ge [sflag:s18], $0x800  }
0x129: {  	[sflag:s18] =	ssyncset.done $0x0  }
0x12a: {  	[sflag:s18] =	ssyncadd.s32 $0xFFFFF800  }
0x12b: {  	_ =	swait.ge [sflag:s18], $0x800  }
.Ltmp5:
0x12c: {  	[sflag:s18] =	ssyncset.done $0x0;
	(pc) =	sbr.rel @!p0 .LBB2_9-.Ltmp5, $4  }
0x12d: {  	[sflag:s18] =	ssyncadd.s32 $0xFFFFF800  }
0x12e: {  	_ =	swait.ge [sflag:s22], $0x2000  }
0x12f: {  	[sflag:s22] =	ssyncset.done $0x0  }
0x130: {  	[sflag:s22] =	ssyncadd.s32 $0xFFFFE000  }
0x131: {  	_ =	swait.ge [sflag:s25], $0x40  }
0x132: {  	[sflag:s25] =	ssyncset.done $0x0  }
0x133: {  	[sflag:s25] =	ssyncadd.s32 $0xFFFFFFC0  }
0x134: {  	_ =	swait.ge [sflag:s25], $0x40  }
0x135: {  	[sflag:s25] =	ssyncset.done $0x0  }
0x136: {  	s0 =	simm.s32 $0x1C100;
	s16 =	simm.s32 $0x9;
	[sflag:s25] =	ssyncadd.s32 $0xFFFFFFC0  }
0x137: {  	[tilespmem:s0], [sflag:$0xA] =	stream.indirect.gather [hbm4b:s4+s10], $0x80, s7, s10, $0xb8;
	[tilespmem:$0x1E100] =	vst v63  }
0x138: {  	_ =	swait.ge [sflag:s16], $0x2000  }
0x139: {  	[sflag:s16] =	ssyncset.done $0x0  }
0x13a: {  	s23 =	simm.s32 $0xA;
	[sflag:s16] =	ssyncadd.s32 $0xFFFFE000  }
0x13b: {  	_ =	swait.ge [sflag:s23], $0x2000  }
0x13c: {  	[sflag:s23] =	ssyncset.done $0x0  }
0x13d: {  	s8 =	simm.s32 $0xB;
	[sflag:s23] =	ssyncadd.s32 $0xFFFFE000  }
0x13e: {  	_ =	swait.ge [sflag:s8], $0x800  }
0x13f: {  	[sflag:s8] =	ssyncset.done $0x0  }
0x140: {  	[sflag:s8] =	ssyncadd.s32 $0xFFFFF800  }
0x141: {  	_ =	swait.ge [sflag:s8], $0x800  }
0x142: {  	[sflag:s8] =	ssyncset.done $0x0  }
0x143: {  	[sflag:s8] =	ssyncadd.s32 $0xFFFFF800  }
0x144: {  	_ =	swait.ge [sflag:s8], $0x800  }
0x145: {  	[sflag:s8] =	ssyncset.done $0x0  }
0x146: {  	[sflag:s8] =	ssyncadd.s32 $0xFFFFF800  }
0x147: {  	_ =	swait.ge [sflag:s8], $0x800  }
0x148: {  	[sflag:s8] =	ssyncset.done $0x0  }
0x149: {  	s16 =	simm.s32 $0xC;
	[sflag:s8] =	ssyncadd.s32 $0xFFFFF800  }
0x14a: {  	_ =	swait.ge [sflag:s16], $0x800  }
0x14b: {  	[sflag:s16] =	ssyncset.done $0x0  }
0x14c: {  	[sflag:s16] =	ssyncadd.s32 $0xFFFFF800  }
0x14d: {  	s23 =	stileid.u32;
	[bflag:$0x0] =	sbarrier.arrive $0xFFFF  }
0x14e: {  	s0 =	sshll.u32 s23, $0x6;
	s8 =	rddreg [dreg:$0x3]  }
0x14f: {  	s0 =	sor.u32 $0x1C10, s0;
	s16 =	rddreg [dreg:$0xf];
	s8 =	sshrl.u32 s8, $0x3  }
0x150: {  	[hbm:s16], [sflag:s0] =	dma.local [spmem:s8], $0x2780  }
0x151: {  	s8 =	simm.s32 $0x10  }
0x152: {  	_ =	swait.ge [sflag:s8], $0x2780  }
0x153: {  	s0 =	rddreg [dreg:$0x14]  }
0x154: {  	s23 =	rddreg [dreg:$0x11];
	s16 =	sadd.s32 $0x1, s0  }
0x155: {  	p0 =	sne.s32 s16, s23  }
.Ltmp6:
0x156: {  	_ = 	snop;
	(pc) =	sbr.rel @p0 .LBB2_1-.Ltmp6, $3  }
0x157: {  	_ =	sdelay $0x1  }
0x158: {  	[sflag:s8] =	ssyncset.done $0x0  }
0x159: {  	[sflag:s8] =	ssyncadd.s32 $0xFFFFD880  }
0x15a: {  	_ =	sfence.sel $0x180000  }
0x15b: {  	[bflag:$0x0] =	sbarrier.arrive $0xFFFF  }
0x15c: {  	_ =	strace $0x9000004A  }
0x15d: {  	s0 =	stileid.u32;
	[bflag:$0x2] =	sbarrier.arrive $0xFFFF  }
0x15e: {  	p0 =	sne.s32 s0, $0x0;
	s0 =	rddreg [dreg:$0x2]  }
0x15f: {  	s0 =	sadd.s32 @!p0 $0x100000, s0  }
0x160: {  	[sflag:s0] =	ssyncadd.tile.s32 @!p0 $0x1;
	_ =	shalt  }
.Lfunc_end2:
_tile_overlayer_lowered:
.L_overlay_start_2:
0x161: {  	(tag) =	ssettag $0x2  }
0x162: {  	s0 =	rddreg [dreg:$0x0];
	s2 =	stileid.u32  }
0x163: {  	s1 =	rddreg [dreg:$0x1];
	p0 =	sne.s32 s2, $0x0  }
0x164: {  	s3 =	rddreg [dreg:$0x2];
	[bflag:$0x3] =	sbarrier.arrive $0xFFFF;
	s2 =	simm.s32 @!p0 $0x1C10  }
0x165: {  	[timem:s3], [sflag:s2] =	dma.local @!p0 [hbm:s0], s1  }
0x166: {  	s0 =	simm.s32 @!p0 $0x10  }
0x167: {  	_ =	swait.ge @!p0 [sflag:s0], s1  }
0x168: {  	s1 =	ssub.s32 @!p0 $0x0, s1;
	[sflag:s0] =	ssyncset.done @!p0 $0x0  }
0x169: {  	[sflag:s0] =	ssyncadd.s32 @!p0 s1  }
0x16a: {  	[bflag:$0x3] =	sbarrier.arrive $0xFFFF  }
0x16b: {  	_ =	shalt  }

// kernel: kernel.14.cloned.1.call-start
scs
__scs_entry_jumppad:
0x0: {  	(pc) =	sbr.rel $0x88, $3  }
0x1: {  	(tag) =	ssettag $0x0;
	lr =	simm.s32 $0x1  }
0x2: {  	[smem:$0x3F97] =	sst lr;
	_ =	strace $0xD0000000  }
0x3: {  	_ = 	snop  }
0x4: {  	_ = 	snop  }
0x5: {  	_ = 	snop  }
0x6: {  	_ = 	snop  }
0x7: {  	_ = 	snop  }
__scs_overlays_trampoline_lowered:
0x8: {  	[smem:$0x3FA6] =	sst s0  }
0x9: {  	[smem:$0x3FA7] =	sst s1  }
0xa: {  	[smem:$0x3FA8] =	sst s2  }
0xb: {  	[smem:$0x3FA9] =	sst s3  }
0xc: {  	[smem:$0x3FAA] =	sst s4  }
0xd: {  	[smem:$0x3FAB] =	sst s5  }
0xe: {  	[smem:$0x3FAC] =	sst s6  }
0xf: {  	[smem:$0x3FAD] =	sst s7  }
0x10: {  	[smem:$0x3FAE] =	sst s8  }
0x11: {  	[smem:$0x3FAF] =	sst s9;
	s0 =	simm.s32 @!p0 $0x0  }
0x12: {  	s1 =	sld [smem:$0x3F95];
	s0 =	simm.s32 @p0 $0x1  }
0x13: {  	[smem:$0x3FB0] =	sst s0;
	s0 =	simm.s32 @!p1 $0x0  }
0x14: {  	s2 =	sld [smem:$0x3F94];
	s0 =	simm.s32 @p1 $0x1  }
0x15: {  	[smem:$0x3FB1] =	sst s0;
	s0 =	simm.s32 @!p2 $0x0  }
0x16: {  	s3 =	sld [smem:$0x3FDB];
	s0 =	simm.s32 @p2 $0x1  }
0x17: {  	s4 =	simm.s32 $0x1BF5;
	[smem:$0x3FB3] =	sst s0  }
0x18: {  	s0 =	sld [smem:$0x3F96];
	_ =	swait.ge [sflag:s4], $0x0  }
0x19: {  	s7 =	sld [smem:$0x3F97]  }
0x1a: {  	s8 =	sadd.s32 $0xFFFFE003, lr  }
0x1b: {  	s9 =	sadd.s32 $0xFFFFFEF7, lr;
	s5 =	simm.s32 $0xFFFFFFFF;
	p2 =	slt.u32 s8, $0xFFFFF086  }
0x1c: {  	p1 =	slt.u32 s9, $0xF7A;
	s5 =	simm.s32 @!p2 $0x0  }
0x1d: {  	s5 =	simm.s32 @p1 $0x1;
	p0 =	seq.s32 s7, s2  }
0x1e: {  	s7 =	smul.u32 @!p0 $0xF7A, s2;
	p2 =	seq.s32 @!p0 s5, $0x0  }
0x1f: {  	s9 =	smul.u32 $0xF7A, s1;
	s8 =	simm.s32 @!p0 $0x1BF5;
	p2 =	por !p2, p0  }
0x20: {  	[sflag:s8] =	ssyncset.s32 @!p0 $0xFFFFF086;
	s6 =	sadd.s32 @!p0 s3, s7;
	s7 =	simm.s32 @!p0 $0x108  }
0x21: {  	s3 =	sadd.s32 s3, s9;
	s6 =	sadd.s32 @!p0 $0x88, s6;
	s7 =	simm.s32 @p2 $0x1082  }
0x22: {  	[simem:s7], [sflag:s8] =	dma.local @!p0 [hbm:s6], $0xF7A  }
0x23: {  	s9 =	sor.u32 $0xD0000000, s2;
	s6 =	simm.s32 $0x108;
	_ =	swait.ge @!p0 [sflag:s8], $0x0  }
0x24: {  	s3 =	sadd.s32 $0x88, s3;
	s6 =	simm.s32 @!p1 $0x1082;
	[sflag:s4] =	ssyncset.s32 $0xFFFFF086  }
0x25: {  	[simem:s6], [sflag:s4] =	dma.local [hbm:s3], $0xF7A  }
0x26: {  	[smem:$0x3F97] =	sst s1;
	(tag) =	ssettag s2;
	_ =	strace s9  }
0x27: {  	s1 =	sld [smem:$0x3FA7]  }
0x28: {  	s2 =	sld [smem:$0x3FA8]  }
0x29: {  	s4 =	sld [smem:$0x3FAA]  }
0x2a: {  	p0 =	seq.s32 s5, $0x0;
	s5 =	sld [smem:$0x3FAB]  }
0x2b: {  	s6 =	sld [smem:$0x3FAC]  }
0x2c: {  	s7 =	sld [smem:$0x3FAD]  }
0x2d: {  	s3 =	simm.s32 $0x108;
	s8 =	sld [smem:$0x3FAE]  }
0x2e: {  	s3 =	simm.s32 @!p0 $0x1082;
	s9 =	sld [smem:$0x3FAF]  }
0x2f: {  	lr =	sadd.s32 s0, s3;
	s0 =	sld [smem:$0x3FA6]  }
0x30: {  	s3 =	sld [smem:$0x3FA9]  }
0x31: {  	[smem:$0x3FB2] =	sst s10  }
0x32: {  	s10 =	sld [smem:$0x3FB0];
	_ =	sdelay $0x3  }
0x33: {  	p0 =	seq.s32 s10, $0x1;
	s10 =	sld [smem:$0x3FB2];
	_ =	sdelay $0x3  }
0x34: {  	[smem:$0x3FB2] =	sst s10  }
0x35: {  	s10 =	sld [smem:$0x3FB1];
	_ =	sdelay $0x3  }
0x36: {  	p1 =	seq.s32 s10, $0x1;
	s10 =	sld [smem:$0x3FB2];
	_ =	sdelay $0x3  }
0x37: {  	[smem:$0x3FB2] =	sst s10  }
0x38: {  	s10 =	sld [smem:$0x3FB3]  }
0x39: {  	_ = 	snop;
	(pc) =	sbr.ind lr, $3  }
0x3a: {  	_ = 	snop  }
0x3b: {  	_ = 	snop  }
0x3c: {  	p2 =	seq.s32 s10, $0x1;
	s10 =	sld [smem:$0x3FB2]  }
0x3d: {  	_ =	shalt  }
0x3e: {  	_ =	shalt  }
0x3f: {  	_ =	shalt  }
0x40: {  	_ =	shalt  }
0x41: {  	_ =	shalt  }
0x42: {  	_ =	shalt  }
0x43: {  	_ =	shalt  }
0x44: {  	_ =	shalt  }
0x45: {  	_ =	shalt  }
0x46: {  	_ =	shalt  }
0x47: {  	_ =	shalt  }
0x48: {  	_ =	shalt  }
0x49: {  	_ =	shalt  }
0x4a: {  	_ =	shalt  }
0x4b: {  	_ =	shalt  }
0x4c: {  	_ =	shalt  }
0x4d: {  	_ =	shalt  }
0x4e: {  	_ =	shalt  }
0x4f: {  	_ =	shalt  }
0x50: {  	_ =	shalt  }
0x51: {  	_ =	shalt  }
0x52: {  	_ =	shalt  }
0x53: {  	_ =	shalt  }
0x54: {  	_ =	shalt  }
0x55: {  	_ =	shalt  }
0x56: {  	_ =	shalt  }
0x57: {  	_ =	shalt  }
0x58: {  	_ =	shalt  }
0x59: {  	_ =	shalt  }
0x5a: {  	_ =	shalt  }
0x5b: {  	_ =	shalt  }
0x5c: {  	_ =	shalt  }
0x5d: {  	_ =	shalt  }
0x5e: {  	_ =	shalt  }
0x5f: {  	_ =	shalt  }
0x60: {  	_ =	shalt  }
0x61: {  	_ =	shalt  }
0x62: {  	_ =	shalt  }
0x63: {  	_ =	shalt  }
0x64: {  	_ =	shalt  }
0x65: {  	_ =	shalt  }
0x66: {  	_ =	shalt  }
0x67: {  	_ =	shalt  }
0x68: {  	_ =	shalt  }
0x69: {  	_ =	shalt  }
0x6a: {  	_ =	shalt  }
0x6b: {  	_ =	shalt  }
0x6c: {  	_ =	shalt  }
0x6d: {  	_ =	shalt  }
0x6e: {  	_ =	shalt  }
0x6f: {  	_ =	shalt  }
0x70: {  	_ =	shalt  }
0x71: {  	_ =	shalt  }
0x72: {  	_ =	shalt  }
0x73: {  	_ =	shalt  }
0x74: {  	_ =	shalt  }
0x75: {  	_ =	shalt  }
0x76: {  	_ =	shalt  }
0x77: {  	_ =	shalt  }
0x78: {  	_ =	shalt  }
0x79: {  	_ =	shalt  }
0x7a: {  	_ =	shalt  }
0x7b: {  	_ =	shalt  }
0x7c: {  	_ =	shalt  }
0x7d: {  	_ =	shalt  }
0x7e: {  	_ =	shalt  }
0x7f: {  	_ =	shalt  }
0x80: {  	_ =	shalt  }
0x81: {  	_ =	shalt  }
0x82: {  	_ =	shalt  }
0x83: {  	_ =	shalt  }
0x84: {  	_ =	shalt  }
0x85: {  	_ =	shalt  }
0x86: {  	_ =	shalt  }
0x87: {  	_ =	shalt  }
.Lfunc_end0:
.L_simem_size_0:
called_computation.2_lowered:
.L_overlay_start_0:
0x88: {  	s2 =	sld [smem:$0x3FD9]  }
0x89: {  	s3 =	sld [smem:$0x3FFE];
	_ =	sdelay $0x1  }
0x8a: {  	s1 =	srdreg.scid  }
0x8b: {  	s0 =	sand.u32 $0x1, s1  }
0x8c: {  	s16 =	sshll.u32 s0, $0xA;
	s2 =	sadd.s32 s3, s2  }
0x8d: {  	s2 =	sadd.s32 s2, s16  }
0x8e: {  	[smem:$0x3FBE] =	sst s2  }
0x8f: {  	_ = 	snop  }
0x90: {  	(tm) =	ssettm $0x1  }
0x91: {  	s17 =	sld [smem:$0x3FFB];
	_ =	sdelay $0x3  }
0x92: {  	_ =	strace s17  }
0x93: {  	s2 =	sld [smem:$0x3FFC];
	_ =	sdelay $0x3  }
0x94: {  	_ =	strace s2  }
0x95: {  	s2 =	sld [smem:$0x3FFD];
	_ =	sdelay $0x3  }
0x96: {  	_ =	strace s2  }
0x97: {  	_ =	strace $0x8FFFFFFF  }
0x98: {  	s18 =	sld [smem:$0x3FDB];
	_ =	sdelay $0x1  }
0x99: {  	s19 =	simm.s32 $_scs_section_size  }
0x9a: {  	s4 =	simm.s32 $_size__tile_overlayer_lowered;
	s5 =	simm.s32 $_tile_overlayer_lowered  }
0x9b: {  	s22 =	simm.s32 $0x1BFF;
	s21 =	sshll.u32 s5, $0x1;
	s2 =	sadd.s32 s19, s18  }
0x9c: {  	s6 =	simm.s32 $0x0;
	s20 =	sshll.u32 s4, $0x1;
	s4 =	sadd.s32 s21, s2  }
0x9d: {  	[timem:s6], [sflag:s22] =	dma.local [hbm:s4], s20  }
0x9e: {  	_ =	swait.ge [sflag:s22], s20  }
0x9f: {  	s3 =	ssub.s32 $0x0, s20;
	[sflag:s22] =	ssyncset.done $0x0  }
0xa0: {  	[sflag:s22] =	ssyncadd.s32 s3;
	_ =	sdelay $0x1  }
0xa1: {  	s23 =	simm.s32 $0x1B8B  }
0xa2: {  	_ =	swait.ge [sflag:s23], $0x1  }
0xa3: {  	[sflag:s23] =	ssyncset.done $0x0  }
0xa4: {  	s25 =	simm.s32 $0x1B8E;
	s24 =	sld [smem:$0x3FFE];
	[sflag:s23] =	ssyncadd.s32 $0xFFFFFFFF  }
0xa5: {  	s26 =	simm.s32 $execute0_lowered;
	[smem:$0x3FD2] =	sst s25  }
0xa6: {  	s4 =	sshll.u32 s26, $0x1;
	_ =	strace $0x8000004C;
	[dreg:$0x1] =	wrdreg $0xFFFFFFFF  }
0xa7: {  	s28 =	simm.s32 $_size_execute0_lowered;
	s2 =	sadd.s32 s2, s4;
	[dreg:$0x0] =	wrdreg $0x0  }
0xa8: {  	s4 =	sshll.u32 s28, $0x1;
	[dreg:$0x2] =	wrdreg s2  }
0xa9: {  	[dreg:$0x3] =	wrdreg s4  }
0xaa: {  	[dreg:$0x4] =	wrdreg $0xC0  }
0xab: {  	_ =	task [dreg:s6], $0x5FFFF  }
0xac: {  	[dreg:$0x1] =	wrdreg $0xFFFFFFFF  }
0xad: {  	[dreg:$0x0] =	wrdreg $0x60  }
0xae: {  	[dreg:$0x2] =	wrdreg s24  }
0xaf: {  	[dreg:$0x3] =	wrdreg $0x0  }
0xb0: {  	[dreg:$0x4] =	wrdreg $0x9  }
0xb1: {  	_ =	task.clear_ibuf [dreg:s6], $0x5FFFF;
	_ =	strace $0x9000004C  }
0xb2: {  	s29 =	simm.s32 $0x9;
	_ =	strace $0x8000004E  }
0xb3: {  	_ =	swait.ge [sflag:s29], $0x1  }
0xb4: {  	[sflag:s29] =	ssyncadd.s32 $0xFFFFFFFF  }
0xb5: {  	_ =	strace $0x9000004E  }
0xb6: {  	_ =	sfence  }
0xb7: {  	s30 =	sld [smem:$0x0];
	_ =	sdelay $0x2  }
0xb8: {  	s31 =	sshll.u32 s1, $0xD;
	s1 =	sshrl.u32 s1, $0x2  }
0xb9: {  	s3 =	sand.u32 $0x4000, s31;
	s1 =	sadd.s32 s1, s30  }
0xba: {  	s0 =	sor.u32 s3, s0;
	s1 =	sshll.u32 s1, $0x11  }
0xbb: {  	s0 =	sor.u32 s1, s0  }
0xbc: {  	s0 =	sadd.s32 $0x8F2B, s0  }
0xbd: {  	[sflag:s0] =	ssyncadd.remote.s32 $0x1  }
0xbe: {  	_ =	sfence.sel $0xFFFF  }
0xbf: {  	[dreg:$0x0] =	wrdreg $0xFFFFFFFF;
	(pc) =	sbr.abs _section_cstart, $3  }
0xc0: {  	[dreg:$0x1] =	wrdreg $0xFFFFFFFF  }
0xc1: {  	_ =	task.clear_ibuf [dreg:s6], $0x2FFFF;
	_ =	strace $0x9FFFFFFF  }
0xc2: {  	(tm) =	ssettm $0x7FFFFFFF  }
0xc3: {  	_ =	shalt  }
tec
execute0_lowered:
.L_overlay_start_1:
0x0: {  	(tag) =	ssettag $0x1  }
0x1: {  	s0 =	rddreg [dreg:$0x0]  }
0x2: {  	s1 =	rddreg [dreg:$0x1];
	s2 =	simm.s32 $0x0;
	s3 =	srdreg.scid  }
0x3: {  	s10 =	stileid.u32;
	s29 =	simm.s32 $0x14100;
	s31 =	simm.s32 $0x13C00  }
0x4: {  	s28 =	simm.s32 $0x18100;
	s30 =	simm.s32 $0x7;
	[smem:$0x7FF] =	sst s2  }
0x5: {  	s3 =	sand.u32 $0x1, s3;
	s4 =	sadd.s32 $0x16000, s0;
	s8 =	smul.u32 $0x4F000, s10  }
0x6: {  	s5 =	sadd.s32 $0xC200, s0;
	s6 =	sadd.s32 $0x2400, s0;
	s18 =	smul.u32 $0x2780, s10  }
0x7: {  	s7 =	smul.u32 $0x27800, s3;
	_ =	strace $0x8000004D;
	s23 =	ssub.s32 $0x2, s3  }
0x8: {  	s3 =	sshll.u32 s3, $0x4;
	s8 =	sshrl.u32 s8, $0x2;
	s9 =	sshrl.u32 s23, $0x1  }
0x9: {  	s3 =	sor.u32 s10, s3;
	s10 =	simm.s32 $0x40;
	s11 =	sadd.s32 s8, s1  }
0xa: {  	s0 =	sadd.s32 s7, s0;
	s8 =	sadd.s32 $0x2000, s11;
	[dreg:$0x3] =	wrdreg s11  }
0xb: {  	s7 =	ssub.s32 s23, s9;
	s24 =	sadd.s32 $0x4000, s11;
	[dreg:$0x4] =	wrdreg s8  }
0xc: {  	s3 =	smul.u32 $0x2710, s3;
	s25 =	sadd.s32 $0x6000, s11;
	[dreg:$0x5] =	wrdreg s24  }
0xd: {  	s26 =	sadd.s32 $0x8000, s11;
	s9 =	sadd.s32 $0xA000, s11;
	[dreg:$0x6] =	wrdreg s25  }
0xe: {  	s12 =	sadd.s32 $0xC000, s11;
	s14 =	sadd.s32 $0xE000, s11;
	[dreg:$0x7] =	wrdreg s26  }
0xf: {  	s0 =	sadd.s32 $0x3D200, s0;
	s23 =	smax.u32 s7, $0x1;
	[dreg:$0x8] =	wrdreg s9  }
0x10: {  	s7 =	simm.s32 $0x13E00;
	[dreg:$0x9] =	wrdreg s12;
	s13 =	sshrl.u32 s3, $0x3  }
0x11: {  	[dreg:$0xa] =	wrdreg s14;
	s19 =	sadd.s32 $0x80, s3;
	s20 =	sadd.s32 $0xC0, s3  }
0x12: {  	s21 =	sadd.s32 $0x100, s3;
	s0 =	sadd.s32 s18, s0;
	s22 =	sadd.s32 $0x140, s3  }
0x13: {  	s24 =	sadd.s32 $0x180, s3;
	[dreg:$0x11] =	wrdreg s23;
	s25 =	sadd.s32 $0x10000, s11  }
0x14: {  	s26 =	sadd.s32 $0x12000, s11;
	s3 =	simm.s32 $0x13C80;
	s11 =	simm.s32 $0x13D00  }
0x15: {  	s14 =	simm.s32 $0x16100;
	s12 =	simm.s32 $0x4;
	[dreg:$0xf] =	wrdreg s0  }
0x16: {  	s18 =	simm.s32 $0xF;
	s15 =	sadd.s32 s5, s13;
	[dreg:$0x10] =	wrdreg s22  }
0x17: {  	s16 =	sadd.s32 $0x8, s13;
	s8 =	sadd.s32 s6, s13;
	[dreg:$0x12] =	wrdreg s25  }
0x18: {  	[dreg:$0x13] =	wrdreg s26;
	s13 =	simm.s32 $0x2;
	s26 =	simm.s32 $0x3  }
0x19: {  	s22 =	simm.s32 $0x8;
	s25 =	simm.s32 $0x5;
	[dreg:$0xb] =	wrdreg s15  }
0x1a: {  	[dreg:$0xc] =	wrdreg s8;
	s17 =	sadd.s32 s5, s16;
	s9 =	sadd.s32 s6, s16  }
0x1b: {  	s15 =	simm.s32 $0x13D80;
	s16 =	simm.s32 $0x0;
	[dreg:$0xd] =	wrdreg s17  }
0x1c: {  	v0 =	vimm.f32 $0.0e+00;
	vm0 =	vmmov $0xffff;
	[dreg:$0xe] =	wrdreg s9;
	s9 =	simm.s32 $0x1;
	s17 =	simm.s32 $0x6  }
.LBB2_1:
0x1d: {  	s0 =	sand.u32 $0x7E00, s2  }
0x1e: {  	[dreg:$0x14] =	wrdreg s16;
	s23 =	sand.u32 $0x70, s2;
	s0 =	sshrl.u32 s0, $0x2  }
0x1f: {  	s8 =	simm.s32 $0x40;
	s16 =	simm.s32 $0x0;
	s0 =	sor.u32 s23, s0  }
.LBB2_2:
0x20: {  	p0 =	sne.s32 s8, $0x7FC0  }
0x21: {  	[tilespmem:s0+$0x14100] =	vst v0;
	s16 =	sadd.s32 $0x10, s16;
	s0 =	smov.u32 s8;
	s8 =	sadd.s32 $0x40, s8  }
.Ltmp0:
0x22: {  	(pc) =	sbr.rel @p0 .LBB2_2-.Ltmp0, $4  }
0x23: {  	_ = 	snop  }
0x24: {  	s0 =	sand.u32 $0x7E00, s0  }
0x25: {  	s23 =	sand.u32 $0x70, s16;
	s0 =	sshrl.u32 s0, $0x2  }
0x26: {  	s0 =	sor.u32 s23, s0  }
0x27: {  	[tilespmem:s0+$0x14100] =	vst v0;
	s8 =	rddreg [dreg:$0x3]  }
0x28: {  	[spmem:s8] =	stream.linear.scatter [tilespmem:s29], [sflag:$0x10], $0x2000, $0x38;
	[tilespmem:$0x1E100] =	vst v63  }
0x29: {  	s8 =	simm.s32 $0x10  }
0x2a: {  	_ =	swait.ge [sflag:s8], $0x2000  }
0x2b: {  	[sflag:s8] =	ssyncset.done $0x0  }
0x2c: {  	s16 =	rddreg [dreg:$0x4];
	[sflag:s8] =	ssyncadd.s32 $0xFFFFE000  }
0x2d: {  	[spmem:s16] =	stream.linear.scatter [tilespmem:s29], [sflag:$0x10], $0x2000, $0x38;
	[tilespmem:$0x1E100] =	vst v63  }
0x2e: {  	_ =	swait.ge [sflag:s8], $0x2000  }
0x2f: {  	[sflag:s8] =	ssyncset.done $0x0  }
0x30: {  	s23 =	rddreg [dreg:$0x5];
	[sflag:s8] =	ssyncadd.s32 $0xFFFFE000  }
0x31: {  	[spmem:s23] =	stream.linear.scatter [tilespmem:s29], [sflag:$0x10], $0x2000, $0x38;
	[tilespmem:$0x1E100] =	vst v63  }
0x32: {  	_ =	swait.ge [sflag:s8], $0x2000  }
0x33: {  	[sflag:s8] =	ssyncset.done $0x0  }
0x34: {  	s16 =	rddreg [dreg:$0x6];
	[sflag:s8] =	ssyncadd.s32 $0xFFFFE000  }
0x35: {  	[spmem:s16] =	stream.linear.scatter [tilespmem:s29], [sflag:$0x10], $0x2000, $0x38;
	[tilespmem:$0x1E100] =	vst v63  }
0x36: {  	_ =	swait.ge [sflag:s8], $0x2000  }
0x37: {  	[sflag:s8] =	ssyncset.done $0x0  }
0x38: {  	s23 =	rddreg [dreg:$0x7];
	[sflag:s8] =	ssyncadd.s32 $0xFFFFE000  }
0x39: {  	[spmem:s23] =	stream.linear.scatter [tilespmem:s29], [sflag:$0x10], $0x2000, $0x38;
	[tilespmem:$0x1E100] =	vst v63  }
0x3a: {  	_ =	swait.ge [sflag:s8], $0x2000  }
0x3b: {  	[sflag:s8] =	ssyncset.done $0x0  }
0x3c: {  	s16 =	rddreg [dreg:$0x8];
	[sflag:s8] =	ssyncadd.s32 $0xFFFFE000  }
0x3d: {  	[spmem:s16] =	stream.linear.scatter [tilespmem:s29], [sflag:$0x10], $0x2000, $0x38;
	[tilespmem:$0x1E100] =	vst v63  }
0x3e: {  	_ =	swait.ge [sflag:s8], $0x2000  }
0x3f: {  	[sflag:s8] =	ssyncset.done $0x0  }
0x40: {  	s23 =	rddreg [dreg:$0x9];
	[sflag:s8] =	ssyncadd.s32 $0xFFFFE000  }
0x41: {  	[spmem:s23] =	stream.linear.scatter [tilespmem:s29], [sflag:$0x10], $0x2000, $0x38;
	[tilespmem:$0x1E100] =	vst v63  }
0x42: {  	_ =	swait.ge [sflag:s8], $0x2000  }
0x43: {  	[sflag:s8] =	ssyncset.done $0x0  }
0x44: {  	s16 =	rddreg [dreg:$0xa];
	[sflag:s8] =	ssyncadd.s32 $0xFFFFE000  }
0x45: {  	[spmem:s16] =	stream.linear.scatter [tilespmem:s29], [sflag:$0x10], $0x2000, $0x38;
	[tilespmem:$0x1E100] =	vst v63  }
0x46: {  	_ =	swait.ge [sflag:s8], $0x2000  }
0x47: {  	[sflag:s8] =	ssyncset.done $0x0  }
0x48: {  	s23 =	rddreg [dreg:$0x12];
	[sflag:s8] =	ssyncadd.s32 $0xFFFFE000  }
0x49: {  	[spmem:s23] =	stream.linear.scatter [tilespmem:s29], [sflag:$0x10], $0x2000, $0x38;
	[tilespmem:$0x1E100] =	vst v63  }
0x4a: {  	_ =	swait.ge [sflag:s8], $0x2000  }
0x4b: {  	[sflag:s8] =	ssyncset.done $0x0  }
0x4c: {  	s16 =	rddreg [dreg:$0x13];
	[sflag:s8] =	ssyncadd.s32 $0xFFFFE000  }
0x4d: {  	[spmem:s16] =	stream.linear.scatter [tilespmem:s29], [sflag:$0x10], $0x1C00, $0x38;
	[tilespmem:$0x1E100] =	vst v63  }
0x4e: {  	_ =	swait.ge [sflag:s8], $0x1C00  }
0x4f: {  	[sflag:s8] =	ssyncset.done $0x0  }
0x50: {  	[sflag:s8] =	ssyncadd.s32 $0xFFFFE400  }
0x51: {  	[bflag:$0x0] =	sbarrier.arrive $0xFFFF  }
0x52: {  	s16 =	simm.s32 $0x0;
	s23 =	rddreg [dreg:$0xb]  }
0x53: {  	[tilespmem:s31], [sflag:$0x1] =	stream.linear.gather [hbm4b:s23+s16], $0x40, $0x38;
	[tilespmem:$0x1E100] =	vst v63  }
0x54: {  	s8 =	rddreg [dreg:$0xc];
	s23 =	simm.s32 $0x13E80  }
0x55: {  	[tilespmem:s23], [sflag:$0x1] =	stream.linear.gather [hbm4b:s8+s16], $0x40, $0x38;
	[tilespmem:$0x1E100] =	vst v63  }
.Ltmp1:
0x56: {  	s23 =	rddreg [dreg:$0xd];
	(pc) =	sbr.rel .LBB2_4-.Ltmp1, $4  }
0x57: {  	[tilespmem:s3], [sflag:$0x2] =	stream.linear.gather [hbm4b:s23+s16], $0x40, $0x38;
	[tilespmem:$0x1E100] =	vst v63  }
0x58: {  	s8 =	rddreg [dreg:$0xe];
	s23 =	simm.s32 $0x13F00  }
0x59: {  	[tilespmem:s23], [sflag:$0x2] =	stream.linear.gather [hbm4b:s8+s16], $0x40, $0x38;
	[tilespmem:$0x1E100] =	vst v63  }
0x5a: {  	s8 =	simm.s32 $0x1F  }
.LBB2_6:
0x5b: {  	_ =	swait.ge [sflag:s22], $0x2000  }
0x5c: {  	[sflag:s22] =	ssyncset.done $0x0  }
0x5d: {  	[sflag:s22] =	ssyncadd.s32 $0xFFFFE000  }
.LBB2_9:
0x5e: {  	v1 =	vld [tilespmem:$0x13F80];
	_ =	sdelay $0x7  }
0x5f: {  	[spmem:s1] =	stream.indirect_vreg.scatter.add.f32 [tilespmem:s28], [sflag:$0xD], $0x80, v1, vm0, $0xb8;
	[tilespmem:$0x1E100] =	vst v63  }
0x60: {  	v1 =	vld [tilespmem:$0x13F90];
	_ =	sdelay $0x6  }
0x61: {  	s0 =	simm.s32 $0x18900  }
0x62: {  	[spmem:s1] =	stream.indirect_vreg.scatter.add.f32 [tilespmem:s0], [sflag:$0xD], $0x80, v1, vm0, $0xb8;
	[tilespmem:$0x1E100] =	vst v63  }
0x63: {  	v1 =	vld [tilespmem:$0x13FA0];
	_ =	sdelay $0x6  }
0x64: {  	s23 =	simm.s32 $0x19100  }
0x65: {  	[spmem:s1] =	stream.indirect_vreg.scatter.add.f32 [tilespmem:s23], [sflag:$0xD], $0x80, v1, vm0, $0xb8;
	[tilespmem:$0x1E100] =	vst v63  }
0x66: {  	v1 =	vld [tilespmem:$0x13FB0];
	_ =	sdelay $0x6  }
0x67: {  	s23 =	simm.s32 $0x19900  }
0x68: {  	[spmem:s1] =	stream.indirect_vreg.scatter.add.f32 [tilespmem:s23], [sflag:$0xD], $0x80, v1, vm0, $0xb8;
	[tilespmem:$0x1E100] =	vst v63  }
0x69: {  	_ =	swait.ge [sflag:s25], $0x40  }
0x6a: {  	[sflag:s25] =	ssyncset.done $0x0  }
0x6b: {  	[sflag:s25] =	ssyncadd.s32 $0xFFFFFFC0  }
0x6c: {  	_ =	swait.ge [sflag:s25], $0x40  }
0x6d: {  	[sflag:s25] =	ssyncset.done $0x0  }
0x6e: {  	s23 =	simm.s32 $0x1C100;
	[sflag:s25] =	ssyncadd.s32 $0xFFFFFFC0  }
0x6f: {  	[tilespmem:s23], [sflag:$0xA] =	stream.indirect.gather [hbm4b:s4+s10], $0x80, s7, s10, $0xb8;
	[tilespmem:$0x1E100] =	vst v63  }
0x70: {  	s23 =	smin.u32 s16, $0x2550  }
0x71: {  	s0 =	sadd.s32 s23, s24  }
0x72: {  	s0 =	sshrl.u32 s0, $0x3  }
0x73: {  	s8 =	sadd.s32 $0xFFFFFFFF, s8;
	s23 =	sadd.s32 s5, s0  }
0x74: {  	[tilespmem:s3], [sflag:$0x2] =	stream.linear.gather [hbm4b:s23+s2], $0x40, $0x38;
	[tilespmem:$0x1E100] =	vst v63  }
0x75: {  	s16 =	sadd.s32 $0x140, s16;
	s0 =	sadd.s32 s6, s0;
	s23 =	simm.s32 $0x13F00  }
0x76: {  	[tilespmem:s23], [sflag:$0x2] =	stream.linear.gather [hbm4b:s0+s2], $0x40, $0x38;
	[tilespmem:$0x1E100] =	vst v63  }
.LBB2_4:
0x77: {  	p0 =	seq.s32 s8, $0x1F  }
0x78: {  	s0 =	simm.s32 @!p0 $0xB  }
0x79: {  	_ =	swait.ge @!p0 [sflag:s0], $0x800  }
0x7a: {  	[sflag:s0] =	ssyncset.done @!p0 $0x0  }
0x7b: {  	[sflag:s0] =	ssyncadd.s32 @!p0 $0xFFFFF800  }
0x7c: {  	_ =	swait.ge @!p0 [sflag:s0], $0x800  }
0x7d: {  	[sflag:s0] =	ssyncset.done @!p0 $0x0  }
0x7e: {  	[sflag:s0] =	ssyncadd.s32 @!p0 $0xFFFFF800  }
0x7f: {  	_ =	swait.ge @!p0 [sflag:s0], $0x800  }
0x80: {  	[sflag:s0] =	ssyncset.done @!p0 $0x0  }
0x81: {  	[sflag:s0] =	ssyncadd.s32 @!p0 $0xFFFFF800  }
0x82: {  	_ =	swait.ge @!p0 [sflag:s0], $0x800  }
0x83: {  	[sflag:s0] =	ssyncset.done @!p0 $0x0  }
0x84: {  	[sflag:s0] =	ssyncadd.s32 @!p0 $0xFFFFF800;
	s0 =	simm.s32 @!p0 $0x9  }
0x85: {  	_ =	swait.ge @!p0 [sflag:s0], $0x2000  }
0x86: {  	[sflag:s0] =	ssyncset.done @!p0 $0x0  }
0x87: {  	[sflag:s0] =	ssyncadd.s32 @!p0 $0xFFFFE000  }
0x88: {  	v1 =	vld @!p0 [tilespmem:$0x14000];
	_ =	sdelay $0x6  }
0x89: {  	vm1 =	vmmov @!p0 $0xffff;
	s0 =	simm.s32 @!p0 $0x1A100  }
0x8a: {  	[spmem:s1] =	stream.indirect_vreg.scatter.add.f32 @!p0 [tilespmem:s0], [sflag:$0xE], $0x80, v1, vm1, $0xb8;
	[tilespmem:$0x1E100] =	vst v63  }
0x8b: {  	v1 =	vld @!p0 [tilespmem:$0x14010];
	_ =	sdelay $0x6  }
0x8c: {  	s0 =	simm.s32 @!p0 $0x1A900  }
0x8d: {  	[spmem:s1] =	stream.indirect_vreg.scatter.add.f32 @!p0 [tilespmem:s0], [sflag:$0xE], $0x80, v1, vm1, $0xb8;
	[tilespmem:$0x1E100] =	vst v63  }
0x8e: {  	v1 =	vld @!p0 [tilespmem:$0x14020];
	_ =	sdelay $0x6  }
0x8f: {  	s0 =	simm.s32 @!p0 $0x1B100  }
0x90: {  	[spmem:s1] =	stream.indirect_vreg.scatter.add.f32 @!p0 [tilespmem:s0], [sflag:$0xE], $0x80, v1, vm1, $0xb8;
	[tilespmem:$0x1E100] =	vst v63  }
0x91: {  	v1 =	vld @!p0 [tilespmem:$0x14030];
	_ =	sdelay $0x6  }
0x92: {  	s0 =	simm.s32 @!p0 $0x1B900  }
0x93: {  	[spmem:s1] =	stream.indirect_vreg.scatter.add.f32 @!p0 [tilespmem:s0], [sflag:$0xE], $0x80, v1, vm1, $0xb8;
	[tilespmem:$0x1E100] =	vst v63  }
0x94: {  	_ =	swait.ge [sflag:s9], $0x40  }
0x95: {  	[sflag:s9] =	ssyncset.done $0x0  }
0x96: {  	[sflag:s9] =	ssyncadd.s32 $0xFFFFFFC0  }
0x97: {  	s23 =	smin.u32 s16, $0x2650;
	_ =	swait.ge [sflag:s9], $0x40  }
0x98: {  	s0 =	sadd.s32 s23, s19;
	[sflag:s9] =	ssyncset.done $0x0  }
0x99: {  	s0 =	sshrl.u32 s0, $0x3;
	[sflag:s9] =	ssyncadd.s32 $0xFFFFFFC0  }
0x9a: {  	[tilespmem:s29], [sflag:$0x6] =	stream.indirect.gather [hbm4b:s4+s10], $0x80, s31, s10, $0xb8;
	[tilespmem:$0x1E100] =	vst v63  }
0x9b: {  	s23 =	sadd.s32 s5, s0  }
0x9c: {  	[tilespmem:s11], [sflag:$0x3] =	stream.linear.gather [hbm4b:s23+s2], $0x40, $0x38;
	[tilespmem:$0x1E100] =	vst v63  }
0x9d: {  	s0 =	sadd.s32 s6, s0;
	s23 =	simm.s32 $0x13F80  }
0x9e: {  	[tilespmem:s23], [sflag:$0x3] =	stream.linear.gather [hbm4b:s0+s2], $0x40, $0x38;
	[tilespmem:$0x1E100] =	vst v63  }
0x9f: {  	s0 =	simm.s32 @!p0 $0xC  }
0xa0: {  	_ =	swait.ge @!p0 [sflag:s0], $0x800  }
0xa1: {  	[sflag:s0] =	ssyncset.done @!p0 $0x0  }
0xa2: {  	[sflag:s0] =	ssyncadd.s32 @!p0 $0xFFFFF800  }
0xa3: {  	_ =	swait.ge @!p0 [sflag:s0], $0x800  }
0xa4: {  	[sflag:s0] =	ssyncset.done @!p0 $0x0  }
0xa5: {  	[sflag:s0] =	ssyncadd.s32 @!p0 $0xFFFFF800  }
0xa6: {  	_ =	swait.ge @!p0 [sflag:s0], $0x800  }
0xa7: {  	[sflag:s0] =	ssyncset.done @!p0 $0x0  }
0xa8: {  	[sflag:s0] =	ssyncadd.s32 @!p0 $0xFFFFF800  }
0xa9: {  	_ =	swait.ge @!p0 [sflag:s0], $0x800  }
0xaa: {  	[sflag:s0] =	ssyncset.done @!p0 $0x0  }
0xab: {  	[sflag:s0] =	ssyncadd.s32 @!p0 $0xFFFFF800;
	s0 =	simm.s32 @!p0 $0xA  }
0xac: {  	_ =	swait.ge @!p0 [sflag:s0], $0x2000  }
0xad: {  	[sflag:s0] =	ssyncset.done @!p0 $0x0  }
0xae: {  	[sflag:s0] =	ssyncadd.s32 @!p0 $0xFFFFE000  }
0xaf: {  	v1 =	vld @!p0 [tilespmem:$0x14080];
	_ =	sdelay $0x6  }
0xb0: {  	s0 =	simm.s32 @!p0 $0x1C100  }
0xb1: {  	[spmem:s1] =	stream.indirect_vreg.scatter.add.f32 @!p0 [tilespmem:s0], [sflag:$0xF], $0x80, v1, vm1, $0xb8;
	[tilespmem:$0x1E100] =	vst v63  }
0xb2: {  	v1 =	vld @!p0 [tilespmem:$0x14090];
	_ =	sdelay $0x6  }
0xb3: {  	s0 =	simm.s32 @!p0 $0x1C900  }
0xb4: {  	[spmem:s1] =	stream.indirect_vreg.scatter.add.f32 @!p0 [tilespmem:s0], [sflag:$0xF], $0x80, v1, vm1, $0xb8;
	[tilespmem:$0x1E100] =	vst v63  }
0xb5: {  	v1 =	vld @!p0 [tilespmem:$0x140A0];
	_ =	sdelay $0x6  }
0xb6: {  	s0 =	simm.s32 @!p0 $0x1D100  }
0xb7: {  	[spmem:s1] =	stream.indirect_vreg.scatter.add.f32 @!p0 [tilespmem:s0], [sflag:$0xF], $0x80, v1, vm1, $0xb8;
	[tilespmem:$0x1E100] =	vst v63  }
0xb8: {  	v1 =	vld @!p0 [tilespmem:$0x140B0];
	_ =	sdelay $0x6  }
0xb9: {  	s0 =	simm.s32 @!p0 $0x1D900  }
0xba: {  	[spmem:s1] =	stream.indirect_vreg.scatter.add.f32 @!p0 [tilespmem:s0], [sflag:$0xF], $0x80, v1, vm1, $0xb8;
	[tilespmem:$0x1E100] =	vst v63  }
0xbb: {  	_ =	swait.ge [sflag:s13], $0x40  }
0xbc: {  	[sflag:s13] =	ssyncset.done $0x0  }
0xbd: {  	[sflag:s13] =	ssyncadd.s32 $0xFFFFFFC0  }
0xbe: {  	s23 =	smin.u32 s16, $0x2610;
	_ =	swait.ge [sflag:s13], $0x40  }
0xbf: {  	s0 =	sadd.s32 s23, s20;
	[sflag:s13] =	ssyncset.done $0x0  }
0xc0: {  	s0 =	sshrl.u32 s0, $0x3;
	[sflag:s13] =	ssyncadd.s32 $0xFFFFFFC0  }
0xc1: {  	[tilespmem:s14], [sflag:$0x7] =	stream.indirect.gather [hbm4b:s4+s10], $0x80, s3, s10, $0xb8;
	[tilespmem:$0x1E100] =	vst v63  }
0xc2: {  	s23 =	sadd.s32 s5, s0  }
0xc3: {  	[tilespmem:s15], [sflag:$0x4] =	stream.linear.gather [hbm4b:s23+s2], $0x40, $0x38;
	[tilespmem:$0x1E100] =	vst v63  }
0xc4: {  	s0 =	sadd.s32 s6, s0;
	s23 =	simm.s32 $0x14000  }
0xc5: {  	[tilespmem:s23], [sflag:$0x4] =	stream.linear.gather [hbm4b:s0+s2], $0x40, $0x38;
	[tilespmem:$0x1E100] =	vst v63  }
0xc6: {  	s0 =	simm.s32 @!p0 $0xD  }
0xc7: {  	_ =	swait.ge @!p0 [sflag:s0], $0x800  }
0xc8: {  	[sflag:s0] =	ssyncset.done @!p0 $0x0  }
0xc9: {  	[sflag:s0] =	ssyncadd.s32 @!p0 $0xFFFFF800  }
0xca: {  	_ =	swait.ge @!p0 [sflag:s0], $0x800  }
0xcb: {  	[sflag:s0] =	ssyncset.done @!p0 $0x0  }
0xcc: {  	[sflag:s0] =	ssyncadd.s32 @!p0 $0xFFFFF800  }
0xcd: {  	_ =	swait.ge @!p0 [sflag:s0], $0x800  }
0xce: {  	[sflag:s0] =	ssyncset.done @!p0 $0x0  }
0xcf: {  	[sflag:s0] =	ssyncadd.s32 @!p0 $0xFFFFF800  }
0xd0: {  	_ =	swait.ge @!p0 [sflag:s0], $0x800  }
0xd1: {  	[sflag:s0] =	ssyncset.done @!p0 $0x0  }
0xd2: {  	[sflag:s0] =	ssyncadd.s32 @!p0 $0xFFFFF800  }
0xd3: {  	_ =	swait.ge [sflag:s17], $0x2000  }
0xd4: {  	[sflag:s17] =	ssyncset.done $0x0  }
0xd5: {  	[sflag:s17] =	ssyncadd.s32 $0xFFFFE000  }
0xd6: {  	v1 =	vld [tilespmem:$0x13E80];
	_ =	sdelay $0x7  }
0xd7: {  	[spmem:s1] =	stream.indirect_vreg.scatter.add.f32 [tilespmem:s29], [sflag:$0xB], $0x80, v1, vm0, $0xb8;
	[tilespmem:$0x1E100] =	vst v63  }
0xd8: {  	v1 =	vld [tilespmem:$0x13E90];
	_ =	sdelay $0x6  }
0xd9: {  	s23 =	simm.s32 $0x14900  }
0xda: {  	[spmem:s1] =	stream.indirect_vreg.scatter.add.f32 [tilespmem:s23], [sflag:$0xB], $0x80, v1, vm0, $0xb8;
	[tilespmem:$0x1E100] =	vst v63  }
0xdb: {  	v1 =	vld [tilespmem:$0x13EA0];
	_ =	sdelay $0x6  }
0xdc: {  	s23 =	simm.s32 $0x15100  }
0xdd: {  	[spmem:s1] =	stream.indirect_vreg.scatter.add.f32 [tilespmem:s23], [sflag:$0xB], $0x80, v1, vm0, $0xb8;
	[tilespmem:$0x1E100] =	vst v63  }
0xde: {  	v1 =	vld [tilespmem:$0x13EB0];
	_ =	sdelay $0x6  }
0xdf: {  	s23 =	simm.s32 $0x15900  }
0xe0: {  	[spmem:s1] =	stream.indirect_vreg.scatter.add.f32 [tilespmem:s23], [sflag:$0xB], $0x80, v1, vm0, $0xb8;
	[tilespmem:$0x1E100] =	vst v63  }
0xe1: {  	_ =	swait.ge [sflag:s26], $0x40  }
0xe2: {  	[sflag:s26] =	ssyncset.done $0x0  }
0xe3: {  	[sflag:s26] =	ssyncadd.s32 $0xFFFFFFC0  }
0xe4: {  	s23 =	smin.u32 s16, $0x25D0;
	_ =	swait.ge [sflag:s26], $0x40  }
0xe5: {  	s0 =	sadd.s32 s23, s21;
	[sflag:s26] =	ssyncset.done $0x0  }
0xe6: {  	s0 =	sshrl.u32 s0, $0x3;
	[sflag:s26] =	ssyncadd.s32 $0xFFFFFFC0  }
0xe7: {  	[tilespmem:s28], [sflag:$0x8] =	stream.indirect.gather [hbm4b:s4+s10], $0x80, s11, s10, $0xb8;
	[tilespmem:$0x1E100] =	vst v63  }
0xe8: {  	s23 =	sadd.s32 s5, s0  }
0xe9: {  	[tilespmem:s7], [sflag:$0x5] =	stream.linear.gather [hbm4b:s23+s2], $0x40, $0x38;
	[tilespmem:$0x1E100] =	vst v63  }
0xea: {  	s0 =	sadd.s32 s6, s0;
	s23 =	simm.s32 $0x14080  }
0xeb: {  	[tilespmem:s23], [sflag:$0x5] =	stream.linear.gather [hbm4b:s0+s2], $0x40, $0x38;
	[tilespmem:$0x1E100] =	vst v63  }
0xec: {  	s0 =	simm.s32 @!p0 $0xE  }
0xed: {  	_ =	swait.ge @!p0 [sflag:s0], $0x800  }
0xee: {  	[sflag:s0] =	ssyncset.done @!p0 $0x0  }
0xef: {  	[sflag:s0] =	ssyncadd.s32 @!p0 $0xFFFFF800  }
0xf0: {  	_ =	swait.ge @!p0 [sflag:s0], $0x800  }
0xf1: {  	[sflag:s0] =	ssyncset.done @!p0 $0x0  }
0xf2: {  	[sflag:s0] =	ssyncadd.s32 @!p0 $0xFFFFF800  }
0xf3: {  	_ =	swait.ge @!p0 [sflag:s0], $0x800  }
0xf4: {  	[sflag:s0] =	ssyncset.done @!p0 $0x0  }
0xf5: {  	[sflag:s0] =	ssyncadd.s32 @!p0 $0xFFFFF800  }
0xf6: {  	_ =	swait.ge @!p0 [sflag:s0], $0x800  }
0xf7: {  	[sflag:s0] =	ssyncset.done @!p0 $0x0  }
0xf8: {  	[sflag:s0] =	ssyncadd.s32 @!p0 $0xFFFFF800;
	p0 =	seq.s32 s8, $0x0  }
.Ltmp2:
0xf9: {  	_ = 	snop;
	(pc) =	sbr.rel @p0 .LBB2_7-.Ltmp2, $4  }
0xfa: {  	_ = 	snop  }
0xfb: {  	_ =	swait.ge [sflag:s30], $0x2000  }
0xfc: {  	[sflag:s30] =	ssyncset.done $0x0  }
0xfd: {  	[sflag:s30] =	ssyncadd.s32 $0xFFFFE000  }
0xfe: {  	v1 =	vld [tilespmem:$0x13F00];
	_ =	sdelay $0x7  }
0xff: {  	[spmem:s1] =	stream.indirect_vreg.scatter.add.f32 [tilespmem:s14], [sflag:$0xC], $0x80, v1, vm0, $0xb8;
	[tilespmem:$0x1E100] =	vst v63  }
0x100: {  	v1 =	vld [tilespmem:$0x13F10];
	_ =	sdelay $0x6  }
0x101: {  	s0 =	simm.s32 $0x16900  }
0x102: {  	[spmem:s1] =	stream.indirect_vreg.scatter.add.f32 [tilespmem:s0], [sflag:$0xC], $0x80, v1, vm0, $0xb8;
	[tilespmem:$0x1E100] =	vst v63  }
0x103: {  	v1 =	vld [tilespmem:$0x13F20];
	_ =	sdelay $0x6  }
0x104: {  	s23 =	simm.s32 $0x17100  }
0x105: {  	[spmem:s1] =	stream.indirect_vreg.scatter.add.f32 [tilespmem:s23], [sflag:$0xC], $0x80, v1, vm0, $0xb8;
	[tilespmem:$0x1E100] =	vst v63  }
0x106: {  	v1 =	vld [tilespmem:$0x13F30];
	_ =	sdelay $0x6  }
0x107: {  	s23 =	simm.s32 $0x17900  }
0x108: {  	[spmem:s1] =	stream.indirect_vreg.scatter.add.f32 [tilespmem:s23], [sflag:$0xC], $0x80, v1, vm0, $0xb8;
	[tilespmem:$0x1E100] =	vst v63  }
0x109: {  	_ =	swait.ge [sflag:s12], $0x40  }
0x10a: {  	[sflag:s12] =	ssyncset.done $0x0  }
0x10b: {  	[sflag:s12] =	ssyncadd.s32 $0xFFFFFFC0  }
0x10c: {  	_ =	swait.ge [sflag:s12], $0x40  }
0x10d: {  	[sflag:s12] =	ssyncset.done $0x0  }
0x10e: {  	s23 =	simm.s32 $0x1A100;
	[sflag:s12] =	ssyncadd.s32 $0xFFFFFFC0  }
0x10f: {  	[tilespmem:s23], [sflag:$0x9] =	stream.indirect.gather [hbm4b:s4+s10], $0x80, s15, s10, $0xb8;
	[tilespmem:$0x1E100] =	vst v63  }
0x110: {  	s0 =	smin.u32 s16, $0x2590;
	s23 =	rddreg [dreg:$0x10]  }
0x111: {  	p1 =	sne.s32 s8, $0x1F;
	s0 =	sadd.s32 s0, s23  }
.Ltmp3:
0x112: {  	s0 =	sshrl.u32 s0, $0x3;
	(pc) =	sbr.rel @p1 .LBB2_8-.Ltmp3, $4  }
.Ltmp4:
0x113: {  	s23 =	sadd.s32 s5, s0;
	(pc) =	sbr.rel @!p1 .LBB2_6-.Ltmp4, $4  }
0x114: {  	[tilespmem:s31], [sflag:$0x1] =	stream.linear.gather [hbm4b:s23+s2], $0x40, $0x38;
	[tilespmem:$0x1E100] =	vst v63  }
0x115: {  	s0 =	sadd.s32 s6, s0;
	s23 =	simm.s32 $0x13E80  }
0x116: {  	[tilespmem:s23], [sflag:$0x1] =	stream.linear.gather [hbm4b:s0+s2], $0x40, $0x38;
	[tilespmem:$0x1E100] =	vst v63  }
0x117: {  	_ = 	snop  }
.LBB2_7:
0x118: {  	v1 =	vld [tilespmem:$0x13F30];
	_ =	sdelay $0x6  }
0x119: {  	s0 =	simm.s32 $0x17900  }
0x11a: {  	[spmem:s1] =	stream.indirect_vreg.scatter.add.f32 [tilespmem:s0], [sflag:$0xC], $0x80, v1, vm0, $0xb8;
	[tilespmem:$0x1E100] =	vst v63  }
0x11b: {  	_ =	swait.ge [sflag:s12], $0x40  }
0x11c: {  	[sflag:s12] =	ssyncset.done $0x0  }
0x11d: {  	[sflag:s12] =	ssyncadd.s32 $0xFFFFFFC0  }
0x11e: {  	_ =	swait.ge [sflag:s12], $0x40  }
0x11f: {  	[sflag:s12] =	ssyncset.done $0x0  }
0x120: {  	s23 =	simm.s32 $0x1A100;
	[sflag:s12] =	ssyncadd.s32 $0xFFFFFFC0  }
0x121: {  	[tilespmem:s23], [sflag:$0x9] =	stream.indirect.gather [hbm4b:s4+s10], $0x80, s15, s10, $0xb8;
	[tilespmem:$0x1E100] =	vst v63  }
.LBB2_8:
0x122: {  	_ =	swait.ge [sflag:s18], $0x800  }
0x123: {  	[sflag:s18] =	ssyncset.done $0x0  }
0x124: {  	[sflag:s18] =	ssyncadd.s32 $0xFFFFF800  }
0x125: {  	_ =	swait.ge [sflag:s18], $0x800  }
0x126: {  	[sflag:s18] =	ssyncset.done $0x0  }
0x127: {  	[sflag:s18] =	ssyncadd.s32 $0xFFFFF800  }
0x128: {  	_ =	swait.ge [sflag:s18], $0x800  }
0x129: {  	[sflag:s18] =	ssyncset.done $0x0  }
0x12a: {  	[sflag:s18] =	ssyncadd.s32 $0xFFFFF800  }
0x12b: {  	_ =	swait.ge [sflag:s18], $0x800  }
.Ltmp5:
0x12c: {  	[sflag:s18] =	ssyncset.done $0x0;
	(pc) =	sbr.rel @!p0 .LBB2_9-.Ltmp5, $4  }
0x12d: {  	[sflag:s18] =	ssyncadd.s32 $0xFFFFF800  }
0x12e: {  	_ =	swait.ge [sflag:s22], $0x2000  }
0x12f: {  	[sflag:s22] =	ssyncset.done $0x0  }
0x130: {  	[sflag:s22] =	ssyncadd.s32 $0xFFFFE000  }
0x131: {  	_ =	swait.ge [sflag:s25], $0x40  }
0x132: {  	[sflag:s25] =	ssyncset.done $0x0  }
0x133: {  	[sflag:s25] =	ssyncadd.s32 $0xFFFFFFC0  }
0x134: {  	_ =	swait.ge [sflag:s25], $0x40  }
0x135: {  	[sflag:s25] =	ssyncset.done $0x0  }
0x136: {  	s0 =	simm.s32 $0x1C100;
	s16 =	simm.s32 $0x9;
	[sflag:s25] =	ssyncadd.s32 $0xFFFFFFC0  }
0x137: {  	[tilespmem:s0], [sflag:$0xA] =	stream.indirect.gather [hbm4b:s4+s10], $0x80, s7, s10, $0xb8;
	[tilespmem:$0x1E100] =	vst v63  }
0x138: {  	_ =	swait.ge [sflag:s16], $0x2000  }
0x139: {  	[sflag:s16] =	ssyncset.done $0x0  }
0x13a: {  	s23 =	simm.s32 $0xA;
	[sflag:s16] =	ssyncadd.s32 $0xFFFFE000  }
0x13b: {  	_ =	swait.ge [sflag:s23], $0x2000  }
0x13c: {  	[sflag:s23] =	ssyncset.done $0x0  }
0x13d: {  	s8 =	simm.s32 $0xB;
	[sflag:s23] =	ssyncadd.s32 $0xFFFFE000  }
0x13e: {  	_ =	swait.ge [sflag:s8], $0x800  }
0x13f: {  	[sflag:s8] =	ssyncset.done $0x0  }
0x140: {  	[sflag:s8] =	ssyncadd.s32 $0xFFFFF800  }
0x141: {  	_ =	swait.ge [sflag:s8], $0x800  }
0x142: {  	[sflag:s8] =	ssyncset.done $0x0  }
0x143: {  	[sflag:s8] =	ssyncadd.s32 $0xFFFFF800  }
0x144: {  	_ =	swait.ge [sflag:s8], $0x800  }
0x145: {  	[sflag:s8] =	ssyncset.done $0x0  }
0x146: {  	[sflag:s8] =	ssyncadd.s32 $0xFFFFF800  }
0x147: {  	_ =	swait.ge [sflag:s8], $0x800  }
0x148: {  	[sflag:s8] =	ssyncset.done $0x0  }
0x149: {  	s16 =	simm.s32 $0xC;
	[sflag:s8] =	ssyncadd.s32 $0xFFFFF800  }
0x14a: {  	_ =	swait.ge [sflag:s16], $0x800  }
0x14b: {  	[sflag:s16] =	ssyncset.done $0x0  }
0x14c: {  	[sflag:s16] =	ssyncadd.s32 $0xFFFFF800  }
0x14d: {  	s23 =	stileid.u32;
	[bflag:$0x0] =	sbarrier.arrive $0xFFFF  }
0x14e: {  	s0 =	sshll.u32 s23, $0x6;
	s8 =	rddreg [dreg:$0x3]  }
0x14f: {  	s0 =	sor.u32 $0x1C10, s0;
	s16 =	rddreg [dreg:$0xf];
	s8 =	sshrl.u32 s8, $0x3  }
0x150: {  	[hbm:s16], [sflag:s0] =	dma.local [spmem:s8], $0x2780  }
0x151: {  	s8 =	simm.s32 $0x10  }
0x152: {  	_ =	swait.ge [sflag:s8], $0x2780  }
0x153: {  	s0 =	rddreg [dreg:$0x14]  }
0x154: {  	s23 =	rddreg [dreg:$0x11];
	s16 =	sadd.s32 $0x1, s0  }
0x155: {  	p0 =	sne.s32 s16, s23  }
.Ltmp6:
0x156: {  	_ = 	snop;
	(pc) =	sbr.rel @p0 .LBB2_1-.Ltmp6, $3  }
0x157: {  	_ =	sdelay $0x1  }
0x158: {  	[sflag:s8] =	ssyncset.done $0x0  }
0x159: {  	[sflag:s8] =	ssyncadd.s32 $0xFFFFD880  }
0x15a: {  	_ =	sfence.sel $0x180000  }
0x15b: {  	[bflag:$0x0] =	sbarrier.arrive $0xFFFF  }
0x15c: {  	_ =	strace $0x9000004D  }
0x15d: {  	s0 =	stileid.u32;
	[bflag:$0x2] =	sbarrier.arrive $0xFFFF  }
0x15e: {  	p0 =	sne.s32 s0, $0x0;
	s0 =	rddreg [dreg:$0x2]  }
0x15f: {  	s0 =	sadd.s32 @!p0 $0x100000, s0  }
0x160: {  	[sflag:s0] =	ssyncadd.tile.s32 @!p0 $0x1;
	_ =	shalt  }
.Lfunc_end2:
_tile_overlayer_lowered:
.L_overlay_start_2:
0x161: {  	(tag) =	ssettag $0x2  }
0x162: {  	s0 =	rddreg [dreg:$0x0];
	s2 =	stileid.u32  }
0x163: {  	s1 =	rddreg [dreg:$0x1];
	p0 =	sne.s32 s2, $0x0  }
0x164: {  	s3 =	rddreg [dreg:$0x2];
	[bflag:$0x3] =	sbarrier.arrive $0xFFFF;
	s2 =	simm.s32 @!p0 $0x1C10  }
0x165: {  	[timem:s3], [sflag:s2] =	dma.local @!p0 [hbm:s0], s1  }
0x166: {  	s0 =	simm.s32 @!p0 $0x10  }
0x167: {  	_ =	swait.ge @!p0 [sflag:s0], s1  }
0x168: {  	s1 =	ssub.s32 @!p0 $0x0, s1;
	[sflag:s0] =	ssyncset.done @!p0 $0x0  }
0x169: {  	[sflag:s0] =	ssyncadd.s32 @!p0 s1  }
0x16a: {  	[bflag:$0x3] =	sbarrier.arrive $0xFFFF  }
0x16b: {  	_ =	shalt  }

// kernel: kernel.8.cloned.1.call-start
scs
__scs_entry_jumppad:
0x0: {  	(pc) =	sbr.rel $0x88, $3  }
0x1: {  	(tag) =	ssettag $0x0;
	lr =	simm.s32 $0x1  }
0x2: {  	[smem:$0x3F97] =	sst lr;
	_ =	strace $0xD0000000  }
0x3: {  	_ = 	snop  }
0x4: {  	_ = 	snop  }
0x5: {  	_ = 	snop  }
0x6: {  	_ = 	snop  }
0x7: {  	_ = 	snop  }
__scs_overlays_trampoline_lowered:
0x8: {  	[smem:$0x3FA6] =	sst s0  }
0x9: {  	[smem:$0x3FA7] =	sst s1  }
0xa: {  	[smem:$0x3FA8] =	sst s2  }
0xb: {  	[smem:$0x3FA9] =	sst s3  }
0xc: {  	[smem:$0x3FAA] =	sst s4  }
0xd: {  	[smem:$0x3FAB] =	sst s5  }
0xe: {  	[smem:$0x3FAC] =	sst s6  }
0xf: {  	[smem:$0x3FAD] =	sst s7  }
0x10: {  	[smem:$0x3FAE] =	sst s8  }
0x11: {  	[smem:$0x3FAF] =	sst s9;
	s0 =	simm.s32 @!p0 $0x0  }
0x12: {  	s1 =	sld [smem:$0x3F95];
	s0 =	simm.s32 @p0 $0x1  }
0x13: {  	[smem:$0x3FB0] =	sst s0;
	s0 =	simm.s32 @!p1 $0x0  }
0x14: {  	s2 =	sld [smem:$0x3F94];
	s0 =	simm.s32 @p1 $0x1  }
0x15: {  	[smem:$0x3FB1] =	sst s0;
	s0 =	simm.s32 @!p2 $0x0  }
0x16: {  	s3 =	sld [smem:$0x3FDB];
	s0 =	simm.s32 @p2 $0x1  }
0x17: {  	s4 =	simm.s32 $0x1BF5;
	[smem:$0x3FB3] =	sst s0  }
0x18: {  	s0 =	sld [smem:$0x3F96];
	_ =	swait.ge [sflag:s4], $0x0  }
0x19: {  	s7 =	sld [smem:$0x3F97]  }
0x1a: {  	s8 =	sadd.s32 $0xFFFFE003, lr  }
0x1b: {  	s9 =	sadd.s32 $0xFFFFFEF7, lr;
	s5 =	simm.s32 $0xFFFFFFFF;
	p2 =	slt.u32 s8, $0xFFFFF086  }
0x1c: {  	p1 =	slt.u32 s9, $0xF7A;
	s5 =	simm.s32 @!p2 $0x0  }
0x1d: {  	s5 =	simm.s32 @p1 $0x1;
	p0 =	seq.s32 s7, s2  }
0x1e: {  	s7 =	smul.u32 @!p0 $0xF7A, s2;
	p2 =	seq.s32 @!p0 s5, $0x0  }
0x1f: {  	s9 =	smul.u32 $0xF7A, s1;
	s8 =	simm.s32 @!p0 $0x1BF5;
	p2 =	por !p2, p0  }
0x20: {  	[sflag:s8] =	ssyncset.s32 @!p0 $0xFFFFF086;
	s6 =	sadd.s32 @!p0 s3, s7;
	s7 =	simm.s32 @!p0 $0x108  }
0x21: {  	s3 =	sadd.s32 s3, s9;
	s6 =	sadd.s32 @!p0 $0x88, s6;
	s7 =	simm.s32 @p2 $0x1082  }
0x22: {  	[simem:s7], [sflag:s8] =	dma.local @!p0 [hbm:s6], $0xF7A  }
0x23: {  	s9 =	sor.u32 $0xD0000000, s2;
	s6 =	simm.s32 $0x108;
	_ =	swait.ge @!p0 [sflag:s8], $0x0  }
0x24: {  	s3 =	sadd.s32 $0x88, s3;
	s6 =	simm.s32 @!p1 $0x1082;
	[sflag:s4] =	ssyncset.s32 $0xFFFFF086  }
0x25: {  	[simem:s6], [sflag:s4] =	dma.local [hbm:s3], $0xF7A  }
0x26: {  	[smem:$0x3F97] =	sst s1;
	(tag) =	ssettag s2;
	_ =	strace s9  }
0x27: {  	s1 =	sld [smem:$0x3FA7]  }
0x28: {  	s2 =	sld [smem:$0x3FA8]  }
0x29: {  	s4 =	sld [smem:$0x3FAA]  }
0x2a: {  	p0 =	seq.s32 s5, $0x0;
	s5 =	sld [smem:$0x3FAB]  }
0x2b: {  	s6 =	sld [smem:$0x3FAC]  }
0x2c: {  	s7 =	sld [smem:$0x3FAD]  }
0x2d: {  	s3 =	simm.s32 $0x108;
	s8 =	sld [smem:$0x3FAE]  }
0x2e: {  	s3 =	simm.s32 @!p0 $0x1082;
	s9 =	sld [smem:$0x3FAF]  }
0x2f: {  	lr =	sadd.s32 s0, s3;
	s0 =	sld [smem:$0x3FA6]  }
0x30: {  	s3 =	sld [smem:$0x3FA9]  }
0x31: {  	[smem:$0x3FB2] =	sst s10  }
0x32: {  	s10 =	sld [smem:$0x3FB0];
	_ =	sdelay $0x3  }
0x33: {  	p0 =	seq.s32 s10, $0x1;
	s10 =	sld [smem:$0x3FB2];
	_ =	sdelay $0x3  }
0x34: {  	[smem:$0x3FB2] =	sst s10  }
0x35: {  	s10 =	sld [smem:$0x3FB1];
	_ =	sdelay $0x3  }
0x36: {  	p1 =	seq.s32 s10, $0x1;
	s10 =	sld [smem:$0x3FB2];
	_ =	sdelay $0x3  }
0x37: {  	[smem:$0x3FB2] =	sst s10  }
0x38: {  	s10 =	sld [smem:$0x3FB3]  }
0x39: {  	_ = 	snop;
	(pc) =	sbr.ind lr, $3  }
0x3a: {  	_ = 	snop  }
0x3b: {  	_ = 	snop  }
0x3c: {  	p2 =	seq.s32 s10, $0x1;
	s10 =	sld [smem:$0x3FB2]  }
0x3d: {  	_ =	shalt  }
0x3e: {  	_ =	shalt  }
0x3f: {  	_ =	shalt  }
0x40: {  	_ =	shalt  }
0x41: {  	_ =	shalt  }
0x42: {  	_ =	shalt  }
0x43: {  	_ =	shalt  }
0x44: {  	_ =	shalt  }
0x45: {  	_ =	shalt  }
0x46: {  	_ =	shalt  }
0x47: {  	_ =	shalt  }
0x48: {  	_ =	shalt  }
0x49: {  	_ =	shalt  }
0x4a: {  	_ =	shalt  }
0x4b: {  	_ =	shalt  }
0x4c: {  	_ =	shalt  }
0x4d: {  	_ =	shalt  }
0x4e: {  	_ =	shalt  }
0x4f: {  	_ =	shalt  }
0x50: {  	_ =	shalt  }
0x51: {  	_ =	shalt  }
0x52: {  	_ =	shalt  }
0x53: {  	_ =	shalt  }
0x54: {  	_ =	shalt  }
0x55: {  	_ =	shalt  }
0x56: {  	_ =	shalt  }
0x57: {  	_ =	shalt  }
0x58: {  	_ =	shalt  }
0x59: {  	_ =	shalt  }
0x5a: {  	_ =	shalt  }
0x5b: {  	_ =	shalt  }
0x5c: {  	_ =	shalt  }
0x5d: {  	_ =	shalt  }
0x5e: {  	_ =	shalt  }
0x5f: {  	_ =	shalt  }
0x60: {  	_ =	shalt  }
0x61: {  	_ =	shalt  }
0x62: {  	_ =	shalt  }
0x63: {  	_ =	shalt  }
0x64: {  	_ =	shalt  }
0x65: {  	_ =	shalt  }
0x66: {  	_ =	shalt  }
0x67: {  	_ =	shalt  }
0x68: {  	_ =	shalt  }
0x69: {  	_ =	shalt  }
0x6a: {  	_ =	shalt  }
0x6b: {  	_ =	shalt  }
0x6c: {  	_ =	shalt  }
0x6d: {  	_ =	shalt  }
0x6e: {  	_ =	shalt  }
0x6f: {  	_ =	shalt  }
0x70: {  	_ =	shalt  }
0x71: {  	_ =	shalt  }
0x72: {  	_ =	shalt  }
0x73: {  	_ =	shalt  }
0x74: {  	_ =	shalt  }
0x75: {  	_ =	shalt  }
0x76: {  	_ =	shalt  }
0x77: {  	_ =	shalt  }
0x78: {  	_ =	shalt  }
0x79: {  	_ =	shalt  }
0x7a: {  	_ =	shalt  }
0x7b: {  	_ =	shalt  }
0x7c: {  	_ =	shalt  }
0x7d: {  	_ =	shalt  }
0x7e: {  	_ =	shalt  }
0x7f: {  	_ =	shalt  }
0x80: {  	_ =	shalt  }
0x81: {  	_ =	shalt  }
0x82: {  	_ =	shalt  }
0x83: {  	_ =	shalt  }
0x84: {  	_ =	shalt  }
0x85: {  	_ =	shalt  }
0x86: {  	_ =	shalt  }
0x87: {  	_ =	shalt  }
.Lfunc_end0:
.L_simem_size_0:
called_computation_lowered:
.L_overlay_start_0:
0x88: {  	s2 =	sld [smem:$0x3FD9]  }
0x89: {  	s3 =	sld [smem:$0x3FFE];
	_ =	sdelay $0x1  }
0x8a: {  	s1 =	srdreg.scid  }
0x8b: {  	s0 =	sand.u32 $0x1, s1  }
0x8c: {  	s16 =	sshll.u32 s0, $0xA;
	s2 =	sadd.s32 s3, s2  }
0x8d: {  	s2 =	sadd.s32 s2, s16  }
0x8e: {  	[smem:$0x3FBE] =	sst s2  }
0x8f: {  	_ = 	snop  }
0x90: {  	(tm) =	ssettm $0x1  }
0x91: {  	s17 =	sld [smem:$0x3FFB];
	_ =	sdelay $0x3  }
0x92: {  	_ =	strace s17  }
0x93: {  	s2 =	sld [smem:$0x3FFC];
	_ =	sdelay $0x3  }
0x94: {  	_ =	strace s2  }
0x95: {  	s2 =	sld [smem:$0x3FFD];
	_ =	sdelay $0x3  }
0x96: {  	_ =	strace s2  }
0x97: {  	_ =	strace $0x8FFFFFFF  }
0x98: {  	s18 =	sld [smem:$0x3FDB];
	_ =	sdelay $0x1  }
0x99: {  	s19 =	simm.s32 $_scs_section_size  }
0x9a: {  	s4 =	simm.s32 $_size__tile_overlayer_lowered;
	s5 =	simm.s32 $_tile_overlayer_lowered  }
0x9b: {  	s22 =	simm.s32 $0x1BFF;
	s21 =	sshll.u32 s5, $0x1;
	s2 =	sadd.s32 s19, s18  }
0x9c: {  	s6 =	simm.s32 $0x0;
	s20 =	sshll.u32 s4, $0x1;
	s4 =	sadd.s32 s21, s2  }
0x9d: {  	[timem:s6], [sflag:s22] =	dma.local [hbm:s4], s20  }
0x9e: {  	_ =	swait.ge [sflag:s22], s20  }
0x9f: {  	s3 =	ssub.s32 $0x0, s20;
	[sflag:s22] =	ssyncset.done $0x0  }
0xa0: {  	[sflag:s22] =	ssyncadd.s32 s3;
	_ =	sdelay $0x1  }
0xa1: {  	s23 =	simm.s32 $0x1B8B  }
0xa2: {  	_ =	swait.ge [sflag:s23], $0x1  }
0xa3: {  	[sflag:s23] =	ssyncset.done $0x0  }
0xa4: {  	s25 =	simm.s32 $0x1B8E;
	s24 =	sld [smem:$0x3FFE];
	[sflag:s23] =	ssyncadd.s32 $0xFFFFFFFF  }
0xa5: {  	s26 =	simm.s32 $execute0_lowered;
	[smem:$0x3FD2] =	sst s25  }
0xa6: {  	s4 =	sshll.u32 s26, $0x1;
	_ =	strace $0x80000046;
	[dreg:$0x1] =	wrdreg $0xFFFFFFFF  }
0xa7: {  	s28 =	simm.s32 $_size_execute0_lowered;
	s2 =	sadd.s32 s2, s4;
	[dreg:$0x0] =	wrdreg $0x0  }
0xa8: {  	s4 =	sshll.u32 s28, $0x1;
	[dreg:$0x2] =	wrdreg s2  }
0xa9: {  	[dreg:$0x3] =	wrdreg s4  }
0xaa: {  	[dreg:$0x4] =	wrdreg $0xC0  }
0xab: {  	_ =	task [dreg:s6], $0x5FFFF  }
0xac: {  	[dreg:$0x1] =	wrdreg $0xFFFFFFFF  }
0xad: {  	[dreg:$0x0] =	wrdreg $0x60  }
0xae: {  	[dreg:$0x2] =	wrdreg s24  }
0xaf: {  	[dreg:$0x3] =	wrdreg $0x0  }
0xb0: {  	[dreg:$0x4] =	wrdreg $0x2800  }
0xb1: {  	[dreg:$0x5] =	wrdreg $0x5000  }
0xb2: {  	[dreg:$0x6] =	wrdreg $0x9  }
0xb3: {  	_ =	task.clear_ibuf [dreg:s6], $0x7FFFF;
	_ =	strace $0x90000046  }
0xb4: {  	s29 =	simm.s32 $0x9;
	_ =	strace $0x80000048  }
0xb5: {  	_ =	swait.ge [sflag:s29], $0x1  }
0xb6: {  	[sflag:s29] =	ssyncadd.s32 $0xFFFFFFFF  }
0xb7: {  	_ =	strace $0x90000048  }
0xb8: {  	_ =	sfence  }
0xb9: {  	s30 =	sld [smem:$0x0];
	_ =	sdelay $0x2  }
0xba: {  	s31 =	sshll.u32 s1, $0xD;
	s1 =	sshrl.u32 s1, $0x2  }
0xbb: {  	s3 =	sand.u32 $0x4000, s31;
	s1 =	sadd.s32 s1, s30  }
0xbc: {  	s0 =	sor.u32 s3, s0;
	s1 =	sshll.u32 s1, $0x11  }
0xbd: {  	s0 =	sor.u32 s1, s0  }
0xbe: {  	s0 =	sadd.s32 $0x8F2B, s0  }
0xbf: {  	[sflag:s0] =	ssyncadd.remote.s32 $0x1  }
0xc0: {  	_ =	sfence.sel $0xFFFF  }
0xc1: {  	[dreg:$0x0] =	wrdreg $0xFFFFFFFF;
	(pc) =	sbr.abs _section_cstart, $3  }
0xc2: {  	[dreg:$0x1] =	wrdreg $0xFFFFFFFF  }
0xc3: {  	_ =	task.clear_ibuf [dreg:s6], $0x2FFFF;
	_ =	strace $0x9FFFFFFF  }
0xc4: {  	(tm) =	ssettm $0x7FFFFFFF  }
0xc5: {  	_ =	shalt  }
tec
execute0_lowered:
.L_overlay_start_1:
0x0: {  	(tag) =	ssettag $0x1  }
0x1: {  	s6 =	rddreg [dreg:$0x0]  }
0x2: {  	s2 =	rddreg [dreg:$0x1]  }
0x3: {  	s3 =	rddreg [dreg:$0x2]  }
0x4: {  	s4 =	rddreg [dreg:$0x3]  }
0x5: {  	s1 =	stileid.u32;
	s5 =	simm.s32 $0x0;
	s8 =	srdreg.scid  }
0x6: {  	s14 =	simm.s32 $0x17000;
	s15 =	simm.s32 $0x2;
	s16 =	simm.s32 $0x780  }
0x7: {  	s17 =	simm.s32 $0x5780;
	s18 =	simm.s32 $0x80;
	s19 =	simm.s32 $0x14780  }
0x8: {  	s20 =	simm.s32 $0x1;
	s22 =	simm.s32 $0x14800;
	s23 =	simm.s32 $0x0  }
0x9: {  	s7 =	smul.u32 $0x9C4, s1;
	[smem:$0x7FF] =	sst s5;
	s21 =	sand.u32 $0x1, s8  }
0xa: {  	s10 =	smul.u32 $0x280, s1;
	_ =	strace $0x80000047;
	s8 =	ssub.s32 $0x2, s21  }
0xb: {  	p0 =	sne.s32 s21, $0x0;
	s21 =	simm.s32 $0x17280;
	s9 =	sadd.s32 s7, s6  }
0xc: {  	s31 =	sshrl.u32 s10, $0x3;
	s11 =	sshrl.u32 s8, $0x1;
	s7 =	sadd.s32 s10, s3  }
0xd: {  	s12 =	sadd.s32 s31, s6;
	s13 =	ssub.s32 s8, s11;
	s6 =	sadd.s32 s10, s2  }
0xe: {  	v0 =	vimm.f32 $0.0e+00;
	s8 =	sadd.s32 $0xC200, s9;
	s9 =	sadd.s32 $0x2400, s9;
	s10 =	sadd.s32 s10, s4  }
0xf: {  	v1 =	vimm.f32 $1.000000000e+00;
	v2 =	vimm.s32 $0x0;
	v3 =	vimm.s32 $0x2750;
	s11 =	sadd.s32 $0x16000, s12;
	s12 =	sadd.s32 $0x16600, s12;
	s13 =	smax.u32 s13, $0x1  }
.LBB2_1:
0x10: {  	[tilespmem:$0x17000] =	vst v0  }
0x11: {  	[tilespmem:$0x17010] =	vst v0  }
0x12: {  	[tilespmem:$0x17020] =	vst v0  }
0x13: {  	[tilespmem:$0x17030] =	vst v0  }
0x14: {  	[tilespmem:$0x17040] =	vst v0  }
0x15: {  	[tilespmem:$0x17050] =	vst v0  }
0x16: {  	[tilespmem:$0x17060] =	vst v0  }
0x17: {  	[tilespmem:$0x17070] =	vst v0  }
0x18: {  	[tilespmem:$0x17080] =	vst v0  }
0x19: {  	[tilespmem:$0x17090] =	vst v0  }
0x1a: {  	[tilespmem:$0x170A0] =	vst v0  }
0x1b: {  	[tilespmem:$0x170B0] =	vst v0  }
0x1c: {  	[tilespmem:$0x170C0] =	vst v0  }
0x1d: {  	[tilespmem:$0x170D0] =	vst v0  }
0x1e: {  	[tilespmem:$0x170E0] =	vst v0  }
0x1f: {  	[tilespmem:$0x170F0] =	vst v0  }
0x20: {  	[tilespmem:$0x17100] =	vst v0  }
0x21: {  	[tilespmem:$0x17110] =	vst v0  }
0x22: {  	[tilespmem:$0x17120] =	vst v0  }
0x23: {  	[tilespmem:$0x17130] =	vst v0  }
0x24: {  	[tilespmem:$0x17140] =	vst v0  }
0x25: {  	[tilespmem:$0x17150] =	vst v0  }
0x26: {  	[tilespmem:$0x17160] =	vst v0  }
0x27: {  	[tilespmem:$0x17170] =	vst v0  }
0x28: {  	[tilespmem:$0x17180] =	vst v0  }
0x29: {  	[tilespmem:$0x17190] =	vst v0  }
0x2a: {  	[tilespmem:$0x171A0] =	vst v0  }
0x2b: {  	[tilespmem:$0x171B0] =	vst v0  }
0x2c: {  	[tilespmem:$0x171C0] =	vst v0  }
0x2d: {  	[tilespmem:$0x171D0] =	vst v0  }
0x2e: {  	[tilespmem:$0x171E0] =	vst v0  }
0x2f: {  	[tilespmem:$0x171F0] =	vst v0  }
0x30: {  	[tilespmem:$0x17200] =	vst v0  }
0x31: {  	[tilespmem:$0x17210] =	vst v0  }
0x32: {  	[tilespmem:$0x17220] =	vst v0  }
0x33: {  	[tilespmem:$0x17230] =	vst v0  }
0x34: {  	[tilespmem:$0x17240] =	vst v0  }
0x35: {  	[tilespmem:$0x17250] =	vst v0  }
0x36: {  	[tilespmem:$0x17260] =	vst v0  }
0x37: {  	[tilespmem:$0x17270] =	vst v0  }
0x38: {  	[spmem:s6] =	stream.linear.scatter [tilespmem:s14], [sflag:$0x2], $0x280, $0x38;
	[tilespmem:$0x17500] =	vst v63  }
0x39: {  	_ =	swait.ge [sflag:s15], $0x280  }
0x3a: {  	[sflag:s15] =	ssyncset.done $0x0  }
0x3b: {  	[sflag:s15] =	ssyncadd.s32 $0xFFFFFD80  }
0x3c: {  	[spmem:s7] =	stream.linear.scatter [tilespmem:s14], [sflag:$0x2], $0x280, $0x38;
	[tilespmem:$0x17500] =	vst v63  }
0x3d: {  	_ =	swait.ge [sflag:s15], $0x280  }
0x3e: {  	[sflag:s15] =	ssyncset.done $0x0  }
0x3f: {  	[sflag:s15] =	ssyncadd.s32 $0xFFFFFD80  }
0x40: {  	[tilespmem:$0x14780] =	vst v1  }
0x41: {  	[tilespmem:$0x14790] =	vst v1  }
0x42: {  	[tilespmem:$0x147A0] =	vst v1  }
0x43: {  	[tilespmem:$0x147B0] =	vst v1  }
0x44: {  	[tilespmem:$0x147C0] =	vst v1  }
0x45: {  	[tilespmem:$0x147D0] =	vst v1  }
0x46: {  	[tilespmem:$0x147E0] =	vst v1  }
0x47: {  	[tilespmem:$0x147F0] =	vst v1  }
0x48: {  	[tilespmem:s16], [sflag:$0x2] =	stream.linear.gather [hbm4b:s8+s5], $0x4E20, $0x38;
	[tilespmem:$0x17500] =	vst v63  }
0x49: {  	_ =	swait.ge [sflag:s15], $0x4E20  }
0x4a: {  	[sflag:s15] =	ssyncset.done $0x0  }
0x4b: {  	[sflag:s15] =	ssyncadd.s32 $0xFFFFB1E0  }
0x4c: {  	[tilespmem:s17], [sflag:$0x2] =	stream.linear.gather [hbm4b:s9+s5], $0x4E20, $0x38;
	[tilespmem:$0x17500] =	vst v63  }
0x4d: {  	_ =	swait.ge [sflag:s15], $0x4E20  }
0x4e: {  	[sflag:s15] =	ssyncset.done $0x0  }
0x4f: {  	[sflag:s15] =	ssyncadd.s32 $0xFFFFB1E0  }
0x50: {  	[tilespmem:$0x55A0] =	vst v2  }
0x51: {  	[tilespmem:$0x55B0] =	vst v2  }
0x52: {  	[tilespmem:$0x55C0] =	vst v2  }
0x53: {  	[tilespmem:$0x55D0] =	vst v2  }
0x54: {  	[tilespmem:$0x55E0] =	vst v2  }
0x55: {  	[tilespmem:$0x55F0] =	vst v2  }
0x56: {  	[tilespmem:$0x5600] =	vst v2  }
0x57: {  	[tilespmem:$0x5610] =	vst v2  }
0x58: {  	[tilespmem:$0x5620] =	vst v2  }
0x59: {  	[tilespmem:$0x5630] =	vst v2  }
0x5a: {  	[tilespmem:$0x5640] =	vst v2  }
0x5b: {  	[tilespmem:$0x5650] =	vst v2  }
0x5c: {  	[tilespmem:$0x5660] =	vst v2  }
0x5d: {  	[tilespmem:$0x5670] =	vst v2  }
0x5e: {  	[tilespmem:$0x5680] =	vst v2  }
0x5f: {  	[tilespmem:$0x5690] =	vst v2  }
0x60: {  	[tilespmem:$0x56A0] =	vst v2  }
0x61: {  	[tilespmem:$0x56B0] =	vst v2  }
0x62: {  	[tilespmem:$0x56C0] =	vst v2  }
0x63: {  	[tilespmem:$0x56D0] =	vst v2  }
0x64: {  	[tilespmem:$0x56E0] =	vst v2  }
0x65: {  	[tilespmem:$0x56F0] =	vst v2  }
0x66: {  	[tilespmem:$0x5700] =	vst v2  }
0x67: {  	[tilespmem:$0x5710] =	vst v2  }
0x68: {  	[tilespmem:$0x5720] =	vst v2  }
0x69: {  	[tilespmem:$0x5730] =	vst v2  }
0x6a: {  	[tilespmem:$0x5740] =	vst v2  }
0x6b: {  	[tilespmem:$0x5750] =	vst v2  }
0x6c: {  	[tilespmem:$0x5760] =	vst v2  }
0x6d: {  	[tilespmem:$0x5770] =	vst v2  }
0x6e: {  	[tilespmem:$0xA5A0] =	vst v3  }
0x6f: {  	[tilespmem:$0xA5B0] =	vst v3  }
0x70: {  	[tilespmem:$0xA5C0] =	vst v3  }
0x71: {  	[tilespmem:$0xA5D0] =	vst v3  }
0x72: {  	[tilespmem:$0xA5E0] =	vst v3  }
0x73: {  	[tilespmem:$0xA5F0] =	vst v3  }
0x74: {  	[tilespmem:$0xA600] =	vst v3  }
0x75: {  	[tilespmem:$0xA610] =	vst v3  }
0x76: {  	[tilespmem:$0xA620] =	vst v3  }
0x77: {  	[tilespmem:$0xA630] =	vst v3  }
0x78: {  	[tilespmem:$0xA640] =	vst v3  }
0x79: {  	[tilespmem:$0xA650] =	vst v3  }
0x7a: {  	[tilespmem:$0xA660] =	vst v3  }
0x7b: {  	[tilespmem:$0xA670] =	vst v3  }
0x7c: {  	[tilespmem:$0xA680] =	vst v3  }
0x7d: {  	[tilespmem:$0xA690] =	vst v3  }
0x7e: {  	[tilespmem:$0xA6A0] =	vst v3  }
0x7f: {  	[tilespmem:$0xA6B0] =	vst v3  }
0x80: {  	[tilespmem:$0xA6C0] =	vst v3  }
0x81: {  	[tilespmem:$0xA6D0] =	vst v3  }
0x82: {  	[tilespmem:$0xA6E0] =	vst v3  }
0x83: {  	[tilespmem:$0xA6F0] =	vst v3  }
0x84: {  	[tilespmem:$0xA700] =	vst v3  }
0x85: {  	[tilespmem:$0xA710] =	vst v3  }
0x86: {  	[tilespmem:$0xA720] =	vst v3  }
0x87: {  	[tilespmem:$0xA730] =	vst v3  }
0x88: {  	[tilespmem:$0xA740] =	vst v3  }
0x89: {  	[tilespmem:$0xA750] =	vst v3  }
0x8a: {  	[tilespmem:$0xA760] =	vst v3  }
0x8b: {  	s25 =	simm.s32 $0x0;
	[tilespmem:$0xA770] =	vst v3  }
0x8c: {  	v4 =	vld [tilespmem:s25+$0x5780]  }
0x8d: {  	s24 =	sand.u32 $0x1FE00, s5  }
0x8e: {  	s26 =	sand.u32 $0x70, s5;
	s28 =	sshrl.u32 s24, $0x2  }
0x8f: {  	s24 =	simm.s32 $0x10;
	s26 =	sor.u32 s26, s28;
	s25 =	simm.s32 $0x40  }
.LBB2_2:
0x90: {  	s28 =	sshra.s32 s25, $0x2  }
0x91: {  	p1 =	sne.s32 s24, $0x4FF0;
	[tilespmem:s26+$0xA780] =	vst v4;
	s26 =	smov.u32 s24;
	s24 =	sadd.s32 $0x10, s24  }
.Ltmp0:
0x92: {  	v4 =	vld [tilespmem:s28+$0x5780];
	(pc) =	sbr.rel @p1 .LBB2_2-.Ltmp0, $4  }
0x93: {  	_ = 	snop  }
0x94: {  	s28 =	sand.u32 $0x1FE00, s25  }
0x95: {  	s26 =	sand.u32 $0x70, s26;
	s28 =	sshrl.u32 s28, $0x2  }
0x96: {  	s25 =	sadd.s32 $0x40, s25;
	s26 =	sor.u32 s26, s28  }
0x97: {  	[tilespmem:s26+$0xA780] =	vst v4  }
0x98: {  	s24 =	simm.s32 $0xA780;
	[bflag:$0x0] =	sbarrier.arrive $0xFFFF  }
0x99: {  	[spmem:s2] =	stream.indirect.scatter.add.f32 [tilespmem:s19], [sflag:$0x1], $0x1, s24, s18, $0xb8;
	[tilespmem:$0x17500] =	vst v63  }
0x9a: {  	s29 =	simm.s32 $0xA800  }
0x9b: {  	[spmem:s2] =	stream.indirect.scatter.add.f32 [tilespmem:s19], [sflag:$0x1], $0x1, s29, s18, $0xb8;
	[tilespmem:$0x17500] =	vst v63  }
0x9c: {  	s30 =	simm.s32 $0xA880  }
0x9d: {  	[spmem:s2] =	stream.indirect.scatter.add.f32 [tilespmem:s19], [sflag:$0x1], $0x1, s30, s18, $0xb8;
	[tilespmem:$0x17500] =	vst v63  }
0x9e: {  	s31 =	simm.s32 $0xA900  }
0x9f: {  	[spmem:s2] =	stream.indirect.scatter.add.f32 [tilespmem:s19], [sflag:$0x1], $0x1, s31, s18, $0xb8;
	[tilespmem:$0x17500] =	vst v63  }
0xa0: {  	s0 =	simm.s32 $0xA980  }
0xa1: {  	[spmem:s2] =	stream.indirect.scatter.add.f32 [tilespmem:s19], [sflag:$0x1], $0x1, s0, s18, $0xb8;
	[tilespmem:$0x17500] =	vst v63  }
0xa2: {  	s25 =	simm.s32 $0xAA00  }
0xa3: {  	[spmem:s2] =	stream.indirect.scatter.add.f32 [tilespmem:s19], [sflag:$0x1], $0x1, s25, s18, $0xb8;
	[tilespmem:$0x17500] =	vst v63  }
0xa4: {  	s26 =	simm.s32 $0xAA80  }
0xa5: {  	[spmem:s2] =	stream.indirect.scatter.add.f32 [tilespmem:s19], [sflag:$0x1], $0x1, s26, s18, $0xb8;
	[tilespmem:$0x17500] =	vst v63  }
0xa6: {  	s29 =	simm.s32 $0xAB00  }
0xa7: {  	[spmem:s2] =	stream.indirect.scatter.add.f32 [tilespmem:s19], [sflag:$0x1], $0x1, s29, s18, $0xb8;
	[tilespmem:$0x17500] =	vst v63  }
0xa8: {  	s30 =	simm.s32 $0xAB80  }
0xa9: {  	[spmem:s2] =	stream.indirect.scatter.add.f32 [tilespmem:s19], [sflag:$0x1], $0x1, s30, s18, $0xb8;
	[tilespmem:$0x17500] =	vst v63  }
0xaa: {  	s31 =	simm.s32 $0xAC00  }
0xab: {  	[spmem:s2] =	stream.indirect.scatter.add.f32 [tilespmem:s19], [sflag:$0x1], $0x1, s31, s18, $0xb8;
	[tilespmem:$0x17500] =	vst v63  }
0xac: {  	s0 =	simm.s32 $0xAC80  }
0xad: {  	[spmem:s2] =	stream.indirect.scatter.add.f32 [tilespmem:s19], [sflag:$0x1], $0x1, s0, s18, $0xb8;
	[tilespmem:$0x17500] =	vst v63  }
0xae: {  	s25 =	simm.s32 $0xAD00  }
0xaf: {  	[spmem:s2] =	stream.indirect.scatter.add.f32 [tilespmem:s19], [sflag:$0x1], $0x1, s25, s18, $0xb8;
	[tilespmem:$0x17500] =	vst v63  }
0xb0: {  	s26 =	simm.s32 $0xAD80  }
0xb1: {  	[spmem:s2] =	stream.indirect.scatter.add.f32 [tilespmem:s19], [sflag:$0x1], $0x1, s26, s18, $0xb8;
	[tilespmem:$0x17500] =	vst v63  }
0xb2: {  	s29 =	simm.s32 $0xAE00  }
0xb3: {  	[spmem:s2] =	stream.indirect.scatter.add.f32 [tilespmem:s19], [sflag:$0x1], $0x1, s29, s18, $0xb8;
	[tilespmem:$0x17500] =	vst v63  }
0xb4: {  	s30 =	simm.s32 $0xAE80  }
0xb5: {  	[spmem:s2] =	stream.indirect.scatter.add.f32 [tilespmem:s19], [sflag:$0x1], $0x1, s30, s18, $0xb8;
	[tilespmem:$0x17500] =	vst v63  }
0xb6: {  	s31 =	simm.s32 $0xAF00  }
0xb7: {  	[spmem:s2] =	stream.indirect.scatter.add.f32 [tilespmem:s19], [sflag:$0x1], $0x1, s31, s18, $0xb8;
	[tilespmem:$0x17500] =	vst v63  }
0xb8: {  	_ =	swait.ge [sflag:s20], $0x80  }
0xb9: {  	[sflag:s20] =	ssyncset.done $0x0  }
0xba: {  	[sflag:s20] =	ssyncadd.s32 $0xFFFFFF80  }
0xbb: {  	_ =	swait.ge [sflag:s20], $0x80  }
0xbc: {  	[sflag:s20] =	ssyncset.done $0x0  }
0xbd: {  	[sflag:s20] =	ssyncadd.s32 $0xFFFFFF80  }
0xbe: {  	_ =	swait.ge [sflag:s20], $0x80  }
0xbf: {  	[sflag:s20] =	ssyncset.done $0x0  }
0xc0: {  	[sflag:s20] =	ssyncadd.s32 $0xFFFFFF80  }
0xc1: {  	_ =	swait.ge [sflag:s20], $0x80  }
0xc2: {  	[sflag:s20] =	ssyncset.done $0x0  }
0xc3: {  	[sflag:s20] =	ssyncadd.s32 $0xFFFFFF80  }
0xc4: {  	_ =	swait.ge [sflag:s20], $0x80  }
0xc5: {  	[sflag:s20] =	ssyncset.done $0x0  }
0xc6: {  	[sflag:s20] =	ssyncadd.s32 $0xFFFFFF80  }
0xc7: {  	_ =	swait.ge [sflag:s20], $0x80  }
0xc8: {  	[sflag:s20] =	ssyncset.done $0x0  }
0xc9: {  	[sflag:s20] =	ssyncadd.s32 $0xFFFFFF80  }
0xca: {  	_ =	swait.ge [sflag:s20], $0x80  }
0xcb: {  	[sflag:s20] =	ssyncset.done $0x0  }
0xcc: {  	[sflag:s20] =	ssyncadd.s32 $0xFFFFFF80  }
0xcd: {  	_ =	swait.ge [sflag:s20], $0x80  }
0xce: {  	[sflag:s20] =	ssyncset.done $0x0  }
0xcf: {  	[sflag:s20] =	ssyncadd.s32 $0xFFFFFF80  }
0xd0: {  	_ =	swait.ge [sflag:s20], $0x80  }
0xd1: {  	[sflag:s20] =	ssyncset.done $0x0  }
0xd2: {  	[sflag:s20] =	ssyncadd.s32 $0xFFFFFF80  }
0xd3: {  	_ =	swait.ge [sflag:s20], $0x80  }
0xd4: {  	[sflag:s20] =	ssyncset.done $0x0  }
0xd5: {  	[sflag:s20] =	ssyncadd.s32 $0xFFFFFF80  }
0xd6: {  	_ =	swait.ge [sflag:s20], $0x80  }
0xd7: {  	[sflag:s20] =	ssyncset.done $0x0  }
0xd8: {  	[sflag:s20] =	ssyncadd.s32 $0xFFFFFF80  }
0xd9: {  	_ =	swait.ge [sflag:s20], $0x80  }
0xda: {  	[sflag:s20] =	ssyncset.done $0x0  }
0xdb: {  	[sflag:s20] =	ssyncadd.s32 $0xFFFFFF80  }
0xdc: {  	_ =	swait.ge [sflag:s20], $0x80  }
0xdd: {  	[sflag:s20] =	ssyncset.done $0x0  }
0xde: {  	[sflag:s20] =	ssyncadd.s32 $0xFFFFFF80  }
0xdf: {  	_ =	swait.ge [sflag:s20], $0x80  }
0xe0: {  	[sflag:s20] =	ssyncset.done $0x0  }
0xe1: {  	[sflag:s20] =	ssyncadd.s32 $0xFFFFFF80  }
0xe2: {  	_ =	swait.ge [sflag:s20], $0x80  }
0xe3: {  	[sflag:s20] =	ssyncset.done $0x0  }
0xe4: {  	[sflag:s20] =	ssyncadd.s32 $0xFFFFFF80  }
0xe5: {  	_ =	swait.ge [sflag:s20], $0x80  }
0xe6: {  	s28 =	simm.s32 $0x4000;
	s26 =	simm.s32 $0x800;
	[sflag:s20] =	ssyncset.done $0x0  }
.LBB2_4:
0xe7: {  	s29 =	sadd.s32 $0xA780, s26  }
0xe8: {  	[sflag:s20] =	ssyncadd.s32 $0xFFFFFF80;
	s25 =	smov.u32 s28;
	s24 =	sadd.s32 $0x2000, s28  }
0xe9: {  	[spmem:s2] =	stream.indirect.scatter.add.f32 [tilespmem:s19], [sflag:$0x1], $0x1, s29, s18, $0xb8;
	[tilespmem:$0x17500] =	vst v63  }
0xea: {  	p1 =	sne.s32 s28, $0x12000;
	s28 =	sadd.s32 $0xA800, s26  }
0xeb: {  	[spmem:s2] =	stream.indirect.scatter.add.f32 [tilespmem:s19], [sflag:$0x1], $0x1, s28, s18, $0xb8;
	[tilespmem:$0x17500] =	vst v63  }
0xec: {  	s28 =	sadd.s32 $0xA880, s26  }
0xed: {  	[spmem:s2] =	stream.indirect.scatter.add.f32 [tilespmem:s19], [sflag:$0x1], $0x1, s28, s18, $0xb8;
	[tilespmem:$0x17500] =	vst v63  }
0xee: {  	s28 =	sadd.s32 $0xA900, s26  }
0xef: {  	[spmem:s2] =	stream.indirect.scatter.add.f32 [tilespmem:s19], [sflag:$0x1], $0x1, s28, s18, $0xb8;
	[tilespmem:$0x17500] =	vst v63  }
0xf0: {  	s28 =	sadd.s32 $0xA980, s26  }
0xf1: {  	[spmem:s2] =	stream.indirect.scatter.add.f32 [tilespmem:s19], [sflag:$0x1], $0x1, s28, s18, $0xb8;
	[tilespmem:$0x17500] =	vst v63  }
0xf2: {  	s28 =	sadd.s32 $0xAA00, s26  }
0xf3: {  	[spmem:s2] =	stream.indirect.scatter.add.f32 [tilespmem:s19], [sflag:$0x1], $0x1, s28, s18, $0xb8;
	[tilespmem:$0x17500] =	vst v63  }
0xf4: {  	s28 =	sadd.s32 $0xAA80, s26  }
0xf5: {  	[spmem:s2] =	stream.indirect.scatter.add.f32 [tilespmem:s19], [sflag:$0x1], $0x1, s28, s18, $0xb8;
	[tilespmem:$0x17500] =	vst v63  }
0xf6: {  	s28 =	sadd.s32 $0xAB00, s26  }
0xf7: {  	[spmem:s2] =	stream.indirect.scatter.add.f32 [tilespmem:s19], [sflag:$0x1], $0x1, s28, s18, $0xb8;
	[tilespmem:$0x17500] =	vst v63  }
0xf8: {  	s28 =	sadd.s32 $0xAB80, s26  }
0xf9: {  	[spmem:s2] =	stream.indirect.scatter.add.f32 [tilespmem:s19], [sflag:$0x1], $0x1, s28, s18, $0xb8;
	[tilespmem:$0x17500] =	vst v63  }
0xfa: {  	s28 =	sadd.s32 $0xAC00, s26  }
0xfb: {  	[spmem:s2] =	stream.indirect.scatter.add.f32 [tilespmem:s19], [sflag:$0x1], $0x1, s28, s18, $0xb8;
	[tilespmem:$0x17500] =	vst v63  }
0xfc: {  	s28 =	sadd.s32 $0xAC80, s26  }
0xfd: {  	[spmem:s2] =	stream.indirect.scatter.add.f32 [tilespmem:s19], [sflag:$0x1], $0x1, s28, s18, $0xb8;
	[tilespmem:$0x17500] =	vst v63  }
0xfe: {  	s28 =	sadd.s32 $0xAD00, s26  }
0xff: {  	[spmem:s2] =	stream.indirect.scatter.add.f32 [tilespmem:s19], [sflag:$0x1], $0x1, s28, s18, $0xb8;
	[tilespmem:$0x17500] =	vst v63  }
0x100: {  	s28 =	sadd.s32 $0xAD80, s26  }
0x101: {  	[spmem:s2] =	stream.indirect.scatter.add.f32 [tilespmem:s19], [sflag:$0x1], $0x1, s28, s18, $0xb8;
	[tilespmem:$0x17500] =	vst v63  }
0x102: {  	s28 =	sadd.s32 $0xAE00, s26  }
0x103: {  	[spmem:s2] =	stream.indirect.scatter.add.f32 [tilespmem:s19], [sflag:$0x1], $0x1, s28, s18, $0xb8;
	[tilespmem:$0x17500] =	vst v63  }
0x104: {  	s28 =	sadd.s32 $0xAE80, s26  }
0x105: {  	[spmem:s2] =	stream.indirect.scatter.add.f32 [tilespmem:s19], [sflag:$0x1], $0x1, s28, s18, $0xb8;
	[tilespmem:$0x17500] =	vst v63  }
0x106: {  	s26 =	sadd.s32 $0xAF00, s26  }
0x107: {  	[spmem:s2] =	stream.indirect.scatter.add.f32 [tilespmem:s19], [sflag:$0x1], $0x1, s26, s18, $0xb8;
	[tilespmem:$0x17500] =	vst v63  }
0x108: {  	_ =	swait.ge [sflag:s20], $0x80  }
0x109: {  	[sflag:s20] =	ssyncset.done $0x0  }
0x10a: {  	[sflag:s20] =	ssyncadd.s32 $0xFFFFFF80  }
0x10b: {  	_ =	swait.ge [sflag:s20], $0x80  }
0x10c: {  	[sflag:s20] =	ssyncset.done $0x0  }
0x10d: {  	[sflag:s20] =	ssyncadd.s32 $0xFFFFFF80  }
0x10e: {  	_ =	swait.ge [sflag:s20], $0x80  }
0x10f: {  	[sflag:s20] =	ssyncset.done $0x0  }
0x110: {  	[sflag:s20] =	ssyncadd.s32 $0xFFFFFF80  }
0x111: {  	_ =	swait.ge [sflag:s20], $0x80  }
0x112: {  	[sflag:s20] =	ssyncset.done $0x0  }
0x113: {  	[sflag:s20] =	ssyncadd.s32 $0xFFFFFF80  }
0x114: {  	_ =	swait.ge [sflag:s20], $0x80  }
0x115: {  	[sflag:s20] =	ssyncset.done $0x0  }
0x116: {  	[sflag:s20] =	ssyncadd.s32 $0xFFFFFF80  }
0x117: {  	_ =	swait.ge [sflag:s20], $0x80  }
0x118: {  	[sflag:s20] =	ssyncset.done $0x0  }
0x119: {  	[sflag:s20] =	ssyncadd.s32 $0xFFFFFF80  }
0x11a: {  	_ =	swait.ge [sflag:s20], $0x80  }
0x11b: {  	[sflag:s20] =	ssyncset.done $0x0  }
0x11c: {  	[sflag:s20] =	ssyncadd.s32 $0xFFFFFF80  }
0x11d: {  	_ =	swait.ge [sflag:s20], $0x80  }
0x11e: {  	[sflag:s20] =	ssyncset.done $0x0  }
0x11f: {  	[sflag:s20] =	ssyncadd.s32 $0xFFFFFF80  }
0x120: {  	_ =	swait.ge [sflag:s20], $0x80  }
0x121: {  	[sflag:s20] =	ssyncset.done $0x0  }
0x122: {  	[sflag:s20] =	ssyncadd.s32 $0xFFFFFF80  }
0x123: {  	_ =	swait.ge [sflag:s20], $0x80  }
0x124: {  	[sflag:s20] =	ssyncset.done $0x0  }
0x125: {  	[sflag:s20] =	ssyncadd.s32 $0xFFFFFF80  }
0x126: {  	_ =	swait.ge [sflag:s20], $0x80  }
0x127: {  	[sflag:s20] =	ssyncset.done $0x0  }
0x128: {  	[sflag:s20] =	ssyncadd.s32 $0xFFFFFF80  }
0x129: {  	_ =	swait.ge [sflag:s20], $0x80  }
0x12a: {  	[sflag:s20] =	ssyncset.done $0x0  }
0x12b: {  	[sflag:s20] =	ssyncadd.s32 $0xFFFFFF80  }
0x12c: {  	_ =	swait.ge [sflag:s20], $0x80  }
0x12d: {  	[sflag:s20] =	ssyncset.done $0x0  }
0x12e: {  	[sflag:s20] =	ssyncadd.s32 $0xFFFFFF80  }
0x12f: {  	_ =	swait.ge [sflag:s20], $0x80  }
0x130: {  	[sflag:s20] =	ssyncset.done $0x0  }
0x131: {  	[sflag:s20] =	ssyncadd.s32 $0xFFFFFF80  }
.Ltmp1:
0x132: {  	_ =	swait.ge [sflag:s20], $0x80;
	(pc) =	sbr.rel @p1 .LBB2_4-.Ltmp1, $4  }
0x133: {  	[sflag:s20] =	ssyncset.done $0x0  }
0x134: {  	[sflag:s20] =	ssyncadd.s32 $0xFFFFFF80  }
0x135: {  	_ =	swait.ge [sflag:s20], $0x80  }
0x136: {  	s28 =	smov.u32 s24;
	s26 =	sshra.s32 s25, $0x2;
	[sflag:s20] =	ssyncset.done $0x0  }
0x137: {  	s24 =	sadd.s32 $0xA780, s26;
	[sflag:s20] =	ssyncadd.s32 $0xFFFFFF80  }
0x138: {  	[spmem:s2] =	stream.indirect.scatter.add.f32 [tilespmem:s19], [sflag:$0x1], $0x1, s24, s18, $0xb8;
	[tilespmem:$0x17500] =	vst v63  }
0x139: {  	s0 =	sadd.s32 $0xA800, s26  }
0x13a: {  	[spmem:s2] =	stream.indirect.scatter.add.f32 [tilespmem:s19], [sflag:$0x1], $0x1, s0, s18, $0xb8;
	[tilespmem:$0x17500] =	vst v63  }
0x13b: {  	s25 =	sadd.s32 $0xA880, s26  }
0x13c: {  	[spmem:s2] =	stream.indirect.scatter.add.f32 [tilespmem:s19], [sflag:$0x1], $0x1, s25, s18, $0xb8;
	[tilespmem:$0x17500] =	vst v63  }
0x13d: {  	s0 =	sadd.s32 $0xA900, s26  }
0x13e: {  	[spmem:s2] =	stream.indirect.scatter.add.f32 [tilespmem:s19], [sflag:$0x1], $0x1, s0, s18, $0xb8;
	[tilespmem:$0x17500] =	vst v63  }
0x13f: {  	s25 =	sadd.s32 $0xA980, s26  }
0x140: {  	[spmem:s2] =	stream.indirect.scatter.add.f32 [tilespmem:s19], [sflag:$0x1], $0x1, s25, s18, $0xb8;
	[tilespmem:$0x17500] =	vst v63  }
0x141: {  	s0 =	sadd.s32 $0xAA00, s26  }
0x142: {  	[spmem:s2] =	stream.indirect.scatter.add.f32 [tilespmem:s19], [sflag:$0x1], $0x1, s0, s18, $0xb8;
	[tilespmem:$0x17500] =	vst v63  }
0x143: {  	s25 =	sadd.s32 $0xAA80, s26  }
0x144: {  	[spmem:s2] =	stream.indirect.scatter.add.f32 [tilespmem:s19], [sflag:$0x1], $0x1, s25, s18, $0xb8;
	[tilespmem:$0x17500] =	vst v63  }
0x145: {  	s0 =	sadd.s32 $0xAB00, s26  }
0x146: {  	[spmem:s2] =	stream.indirect.scatter.add.f32 [tilespmem:s19], [sflag:$0x1], $0x1, s0, s18, $0xb8;
	[tilespmem:$0x17500] =	vst v63  }
0x147: {  	s25 =	sadd.s32 $0xAB80, s26  }
0x148: {  	[spmem:s2] =	stream.indirect.scatter.add.f32 [tilespmem:s19], [sflag:$0x1], $0x1, s25, s18, $0xb8;
	[tilespmem:$0x17500] =	vst v63  }
0x149: {  	s0 =	sadd.s32 $0xAC00, s26  }
0x14a: {  	[spmem:s2] =	stream.indirect.scatter.add.f32 [tilespmem:s19], [sflag:$0x1], $0x1, s0, s18, $0xb8;
	[tilespmem:$0x17500] =	vst v63  }
0x14b: {  	s25 =	sadd.s32 $0xAC80, s26  }
0x14c: {  	[spmem:s2] =	stream.indirect.scatter.add.f32 [tilespmem:s19], [sflag:$0x1], $0x1, s25, s18, $0xb8;
	[tilespmem:$0x17500] =	vst v63  }
0x14d: {  	s0 =	sadd.s32 $0xAD00, s26  }
0x14e: {  	[spmem:s2] =	stream.indirect.scatter.add.f32 [tilespmem:s19], [sflag:$0x1], $0x1, s0, s18, $0xb8;
	[tilespmem:$0x17500] =	vst v63  }
0x14f: {  	s25 =	sadd.s32 $0xAD80, s26  }
0x150: {  	[spmem:s2] =	stream.indirect.scatter.add.f32 [tilespmem:s19], [sflag:$0x1], $0x1, s25, s18, $0xb8;
	[tilespmem:$0x17500] =	vst v63  }
0x151: {  	s0 =	sadd.s32 $0xAE00, s26  }
0x152: {  	[spmem:s2] =	stream.indirect.scatter.add.f32 [tilespmem:s19], [sflag:$0x1], $0x1, s0, s18, $0xb8;
	[tilespmem:$0x17500] =	vst v63  }
0x153: {  	s25 =	sadd.s32 $0xAE80, s26  }
0x154: {  	[spmem:s2] =	stream.indirect.scatter.add.f32 [tilespmem:s19], [sflag:$0x1], $0x1, s25, s18, $0xb8;
	[tilespmem:$0x17500] =	vst v63  }
0x155: {  	s26 =	sadd.s32 $0xAF00, s26  }
0x156: {  	[spmem:s2] =	stream.indirect.scatter.add.f32 [tilespmem:s19], [sflag:$0x1], $0x1, s26, s18, $0xb8;
	[tilespmem:$0x17500] =	vst v63  }
0x157: {  	_ =	swait.ge [sflag:s20], $0x80  }
0x158: {  	[sflag:s20] =	ssyncset.done $0x0  }
0x159: {  	[sflag:s20] =	ssyncadd.s32 $0xFFFFFF80  }
0x15a: {  	_ =	swait.ge [sflag:s20], $0x80  }
0x15b: {  	[sflag:s20] =	ssyncset.done $0x0  }
0x15c: {  	[sflag:s20] =	ssyncadd.s32 $0xFFFFFF80  }
0x15d: {  	_ =	swait.ge [sflag:s20], $0x80  }
0x15e: {  	[sflag:s20] =	ssyncset.done $0x0  }
0x15f: {  	[sflag:s20] =	ssyncadd.s32 $0xFFFFFF80  }
0x160: {  	_ =	swait.ge [sflag:s20], $0x80  }
0x161: {  	[sflag:s20] =	ssyncset.done $0x0  }
0x162: {  	[sflag:s20] =	ssyncadd.s32 $0xFFFFFF80  }
0x163: {  	_ =	swait.ge [sflag:s20], $0x80  }
0x164: {  	[sflag:s20] =	ssyncset.done $0x0  }
0x165: {  	[sflag:s20] =	ssyncadd.s32 $0xFFFFFF80  }
0x166: {  	_ =	swait.ge [sflag:s20], $0x80  }
0x167: {  	[sflag:s20] =	ssyncset.done $0x0  }
0x168: {  	[sflag:s20] =	ssyncadd.s32 $0xFFFFFF80  }
0x169: {  	_ =	swait.ge [sflag:s20], $0x80  }
0x16a: {  	[sflag:s20] =	ssyncset.done $0x0  }
0x16b: {  	[sflag:s20] =	ssyncadd.s32 $0xFFFFFF80  }
0x16c: {  	_ =	swait.ge [sflag:s20], $0x80  }
0x16d: {  	[sflag:s20] =	ssyncset.done $0x0  }
0x16e: {  	[sflag:s20] =	ssyncadd.s32 $0xFFFFFF80  }
0x16f: {  	_ =	swait.ge [sflag:s20], $0x80  }
0x170: {  	[sflag:s20] =	ssyncset.done $0x0  }
0x171: {  	[sflag:s20] =	ssyncadd.s32 $0xFFFFFF80  }
0x172: {  	_ =	swait.ge [sflag:s20], $0x80  }
0x173: {  	[sflag:s20] =	ssyncset.done $0x0  }
0x174: {  	[sflag:s20] =	ssyncadd.s32 $0xFFFFFF80  }
0x175: {  	_ =	swait.ge [sflag:s20], $0x80  }
0x176: {  	[sflag:s20] =	ssyncset.done $0x0  }
0x177: {  	[sflag:s20] =	ssyncadd.s32 $0xFFFFFF80  }
0x178: {  	_ =	swait.ge [sflag:s20], $0x80  }
0x179: {  	[sflag:s20] =	ssyncset.done $0x0  }
0x17a: {  	[sflag:s20] =	ssyncadd.s32 $0xFFFFFF80  }
0x17b: {  	_ =	swait.ge [sflag:s20], $0x80  }
0x17c: {  	[sflag:s20] =	ssyncset.done $0x0  }
0x17d: {  	[sflag:s20] =	ssyncadd.s32 $0xFFFFFF80  }
0x17e: {  	_ =	swait.ge [sflag:s20], $0x80  }
0x17f: {  	[sflag:s20] =	ssyncset.done $0x0  }
0x180: {  	[sflag:s20] =	ssyncadd.s32 $0xFFFFFF80  }
0x181: {  	_ =	swait.ge [sflag:s20], $0x80  }
0x182: {  	[sflag:s20] =	ssyncset.done $0x0  }
0x183: {  	[sflag:s20] =	ssyncadd.s32 $0xFFFFFF80  }
0x184: {  	_ =	swait.ge [sflag:s20], $0x80  }
0x185: {  	[sflag:s20] =	ssyncset.done $0x0  }
0x186: {  	[sflag:s20] =	ssyncadd.s32 $0xFFFFFF80  }
0x187: {  	[bflag:$0x0] =	sbarrier.arrive $0xFFFF  }
0x188: {  	[tilespmem:s14], [sflag:$0x2] =	stream.linear.gather [spmem:s6], $0x280, $0x38;
	[tilespmem:$0x17500] =	vst v63  }
0x189: {  	_ =	swait.ge [sflag:s15], $0x280  }
0x18a: {  	[sflag:s15] =	ssyncset.done $0x0  }
0x18b: {  	s25 =	simm.s32 $0x0;
	[sflag:s15] =	ssyncadd.s32 $0xFFFFFD80  }
0x18c: {  	v4 =	vld [tilespmem:s25+$0x17000];
	_ =	sdelay $0x4  }
0x18d: {  	s24 =	simm.s32 $0x10;
	v4 =	vadd.f32 $1.000000000e+00, v4  }
0x18e: {  	v5 =	vld [tilespmem:s24+$0x17000]  }
0x18f: {  	v6 =	vshrl.u32 v4, $0x1;
	v7 =	vmul.f32 $5.000000000e-01, v4  }
0x190: {  	v4 =	vsub.s32 $0x5F3759DF, v6  }
0x191: {  	v6 =	vmul.f32 v4, v7  }
0x192: {  	s26 =	simm.s32 $0x20  }
0x193: {  	v8 =	vld [tilespmem:s26+$0x17000];
	v5 =	vadd.f32 $1.000000000e+00, v5;
	v6 =	vmul.f32 v4, v6;
	_ =	sdelay $0x1  }
0x194: {  	v9 =	vshrl.u32 v5, $0x1;
	v11 =	vmul.f32 $5.000000000e-01, v5;
	v5 =	vsub.f32 $1.500000000e+00, v6  }
0x195: {  	v6 =	vsub.s32 $0x5F3759DF, v9  }
0x196: {  	v9 =	vmul.f32 v6, v11;
	v5 =	vmul.f32 v4, v5  }
0x197: {  	s28 =	simm.s32 $0x30;
	v4 =	vadd.f32 $1.000000000e+00, v8  }
0x198: {  	v8 =	vld [tilespmem:s28+$0x17000];
	v9 =	vmul.f32 v6, v9;
	v10 =	vmul.f32 v5, v7  }
0x199: {  	v12 =	vshrl.u32 v4, $0x1;
	v4 =	vmul.f32 $5.000000000e-01, v4  }
0x19a: {  	v9 =	vsub.f32 $1.500000000e+00, v9;
	v12 =	vsub.s32 $0x5F3759DF, v12;
	v10 =	vmul.f32 v10, v5  }
0x19b: {  	v13 =	vmul.f32 v12, v4  }
0x19c: {  	v6 =	vmul.f32 v6, v9;
	v9 =	vsub.f32 $1.500000000e+00, v10  }
0x19d: {  	v8 =	vadd.f32 $1.000000000e+00, v8;
	v13 =	vmul.f32 v12, v13  }
0x19e: {  	s29 =	simm.s32 $0x40;
	v14 =	vmul.f32 v6, v11;
	v9 =	vmul.f32 v9, v5  }
0x19f: {  	v10 =	vld [tilespmem:s29+$0x17000];
	v15 =	vshrl.u32 v8, $0x1;
	v5 =	vmul.f32 $5.000000000e-01, v8;
	v8 =	vsub.f32 $1.500000000e+00, v13  }
0x1a0: {  	v16 =	vsub.s32 $0x5F3759DF, v15;
	v13 =	vmul.f32 v14, v6;
	v7 =	vmul.f32 v9, v7  }
0x1a1: {  	v14 =	vmul.f32 v16, v5;
	v8 =	vmul.f32 v12, v8  }
0x1a2: {  	v12 =	vsub.f32 $1.500000000e+00, v13;
	v7 =	vmul.f32 v7, v9  }
0x1a3: {  	v13 =	vmul.f32 v16, v14;
	v14 =	vmul.f32 v8, v4  }
0x1a4: {  	s30 =	simm.s32 $0x50;
	v10 =	vadd.f32 $1.000000000e+00, v10;
	v6 =	vmul.f32 v12, v6  }
0x1a5: {  	v17 =	vsub.f32 $1.500000000e+00, v7;
	v18 =	vsub.f32 $1.500000000e+00, v13;
	v13 =	vmul.f32 v14, v8;
	v14 =	vld [tilespmem:s30+$0x17000]  }
0x1a6: {  	v15 =	vshrl.u32 v10, $0x1;
	v7 =	vmul.f32 $5.000000000e-01, v10  }
0x1a7: {  	v10 =	vsub.s32 $0x5F3759DF, v15;
	v12 =	vmul.f32 v6, v11;
	v9 =	vmul.f32 v17, v9  }
0x1a8: {  	s31 =	simm.s32 $0x180;
	v15 =	vmul.f32 v10, v7;
	v11 =	vmul.f32 v16, v18  }
.LBB2_6:
0x1a9: {  	s0 =	sshra.s32 s31, $0x2  }
0x1aa: {  	v16 =	vadd.f32 $1.000000000e+00, v14;
	v13 =	vsub.f32 $1.500000000e+00, v13;
	v12 =	vmul.f32 v12, v6;
	[tilespmem:s25+$0x17280] =	vst v9;
	s25 =	smov.u32 s24;
	s24 =	smov.u32 s26;
	p1 =	sne.s32 s31, $0x9C0  }
.Ltmp2:
0x1ab: {  	s26 =	smov.u32 s28;
	s28 =	smov.u32 s29;
	v14 =	vld [tilespmem:s0+$0x17000];
	v9 =	vmul.f32 v10, v15;
	v15 =	vmul.f32 v11, v5;
	(pc) =	sbr.rel @p1 .LBB2_6-.Ltmp2, $4  }
0x1ac: {  	s31 =	sadd.s32 $0x40, s31;
	s29 =	smov.u32 s30;
	v17 =	vshrl.u32 v16, $0x1;
	v18 =	vmul.f32 v13, v8;
	v19 =	vsub.f32 $1.500000000e+00, v12;
	v8 =	vmovc v11  }
0x1ad: {  	s30 =	smov.u32 s0;
	v16 =	vmul.f32 $5.000000000e-01, v16;
	v11 =	vsub.f32 $1.500000000e+00, v9;
	v13 =	vmul.f32 v15, v8  }
0x1ae: {  	v17 =	vsub.s32 $0x5F3759DF, v17;
	v12 =	vmul.f32 v18, v4;
	v9 =	vmul.f32 v19, v6;
	v6 =	vmovc v18;
	v4 =	vmovc v5  }
0x1af: {  	v15 =	vmul.f32 v17, v16;
	v5 =	vmovc v7;
	v7 =	vmovc v16;
	v11 =	vmul.f32 v10, v11;
	v10 =	vmov v17  }
0x1b0: {  	v14 =	vadd.f32 $1.000000000e+00, v14;
	_ =	sdelay $0x1  }
0x1b1: {  	v16 =	vshrl.u32 v14, $0x1;
	v14 =	vmul.f32 $5.000000000e-01, v14  }
0x1b2: {  	v16 =	vsub.s32 $0x5F3759DF, v16  }
0x1b3: {  	v17 =	vmul.f32 v16, v14  }
0x1b4: {  	v15 =	vmul.f32 v10, v15  }
0x1b5: {  	v17 =	vmul.f32 v16, v17  }
0x1b6: {  	v15 =	vsub.f32 $1.500000000e+00, v15  }
0x1b7: {  	v17 =	vsub.f32 $1.500000000e+00, v17  }
0x1b8: {  	v56 =	vmul.f32 v10, v15  }
0x1b9: {  	v57 =	vmul.f32 v11, v5;
	v16 =	vmul.f32 v16, v17  }
0x1ba: {  	v58 =	vmul.f32 v56, v7  }
0x1bb: {  	v15 =	vmul.f32 v57, v11;
	v18 =	vmul.f32 v16, v14  }
0x1bc: {  	v13 =	vsub.f32 $1.500000000e+00, v13;
	v17 =	vmul.f32 v58, v56  }
0x1bd: {  	v15 =	vsub.f32 $1.500000000e+00, v15;
	v18 =	vmul.f32 v18, v16  }
0x1be: {  	v8 =	vmul.f32 v13, v8;
	v59 =	vsub.f32 $1.500000000e+00, v17  }
0x1bf: {  	v12 =	vmul.f32 v12, v6;
	v60 =	vmul.f32 v15, v11;
	v61 =	vsub.f32 $1.500000000e+00, v18  }
0x1c0: {  	v4 =	vmul.f32 v8, v4;
	v10 =	vmul.f32 v59, v56  }
0x1c1: {  	v5 =	vmul.f32 v60, v5;
	v62 =	vmul.f32 v61, v16  }
0x1c2: {  	v4 =	vmul.f32 v4, v8;
	v7 =	vmul.f32 v10, v7  }
0x1c3: {  	v12 =	vsub.f32 $1.500000000e+00, v12;
	v5 =	vmul.f32 v5, v60;
	v14 =	vmul.f32 v62, v14  }
0x1c4: {  	v4 =	vsub.f32 $1.500000000e+00, v4;
	v7 =	vmul.f32 v7, v10  }
0x1c5: {  	v6 =	vmul.f32 v12, v6;
	v5 =	vsub.f32 $1.500000000e+00, v5;
	v63 =	vmul.f32 v14, v62  }
0x1c6: {  	[tilespmem:s25+$0x17280] =	vst v9;
	v4 =	vmul.f32 v4, v8;
	v7 =	vsub.f32 $1.500000000e+00, v7  }
0x1c7: {  	[tilespmem:s24+$0x17280] =	vst v6;
	v5 =	vmul.f32 v5, v60;
	v6 =	vsub.f32 $1.500000000e+00, v63  }
0x1c8: {  	[tilespmem:s26+$0x17280] =	vst v4;
	v4 =	vmul.f32 v7, v10  }
0x1c9: {  	[tilespmem:s28+$0x17280] =	vst v5;
	v5 =	vmul.f32 v6, v62  }
0x1ca: {  	[tilespmem:s29+$0x17280] =	vst v4  }
0x1cb: {  	[tilespmem:s30+$0x17280] =	vst v5  }
0x1cc: {  	[spmem:s10] =	stream.linear.scatter [tilespmem:s21], [sflag:$0x2], $0x280, $0x38;
	[tilespmem:$0x17500] =	vst v63  }
0x1cd: {  	_ =	swait.ge [sflag:s15], $0x280  }
0x1ce: {  	[sflag:s15] =	ssyncset.done $0x0  }
0x1cf: {  	s0 =	simm.s32 @!p0 $0x0;
	s24 =	simm.s32 @!p0 $0x17280;
	[sflag:s15] =	ssyncadd.s32 $0xFFFFFD80  }
0x1d0: {  	[hbm4b:s11+s0] =	stream.linear.scatter @!p0 [tilespmem:s24], [sflag:$0x2], $0x280, $0x38;
	[tilespmem:$0x17500] =	vst v63  }
0x1d1: {  	s0 =	simm.s32 @!p0 $0x2  }
0x1d2: {  	_ =	swait.ge @!p0 [sflag:s0], $0x280  }
0x1d3: {  	[sflag:s0] =	ssyncset.done @!p0 $0x0  }
0x1d4: {  	[sflag:s0] =	ssyncadd.s32 @!p0 $0xFFFFFD80  }
0x1d5: {  	[bflag:$0x0] =	sbarrier.arrive $0xFFFF  }
0x1d6: {  	[tilespmem:s22], [sflag:$0x2] =	stream.linear.gather [spmem:s4], $0x2800, $0x38;
	[tilespmem:$0x17500] =	vst v63  }
0x1d7: {  	_ =	swait.ge [sflag:s15], $0x2800  }
0x1d8: {  	[sflag:s15] =	ssyncset.done $0x0  }
0x1d9: {  	s24 =	simm.s32 $0x0;
	[sflag:s15] =	ssyncadd.s32 $0xFFFFD800  }
0x1da: {  	v4 =	vld [tilespmem:s24+$0x780];
	_ =	sdelay $0x7  }
0x1db: {  	s25 =	simm.s32 $0x10;
	s26 =	simm.s32 $0x80;
	v4 =	vld.idx.msk [tilespmem:v4+s22+$0x0], $0xffff  }
.LBB2_8:
0x1dc: {  	p1 =	sne.s32 s26, $0x13FC0;
	v5 =	vld [tilespmem:s25+$0x780];
	_ =	sdelay $0x3  }
.Ltmp3:
0x1dd: {  	(pc) =	sbr.rel @p1 .LBB2_8-.Ltmp3, $2  }
0x1de: {  	[tilespmem:s24+$0xF780] =	vst v4;
	s24 =	smov.u32 s25;
	_ =	sdelay $0x2  }
0x1df: {  	s25 =	sshra.s32 s26, $0x2;
	s26 =	sadd.s32 $0x40, s26;
	v4 =	vld.idx.msk [tilespmem:v5+s22+$0x0], $0xffff  }
0x1e0: {  	v5 =	vld [tilespmem:s25+$0x780];
	_ =	sdelay $0x6  }
0x1e1: {  	[tilespmem:s24+$0xF780] =	vst v4  }
0x1e2: {  	v4 =	vld.idx.msk [tilespmem:v5+s22+$0x0], $0xffff;
	_ =	sdelay $0x4  }
0x1e3: {  	s0 =	simm.s32 $0xF780;
	s31 =	simm.s32 $0xA780;
	[tilespmem:s25+$0xF780] =	vst v4  }
0x1e4: {  	[spmem:s3] =	stream.indirect.scatter.add.f32 [tilespmem:s0], [sflag:$0x1], $0x1, s31, s18, $0xb8;
	[tilespmem:$0x17500] =	vst v63  }
0x1e5: {  	s24 =	simm.s32 $0xF800;
	s25 =	simm.s32 $0xA800  }
0x1e6: {  	[spmem:s3] =	stream.indirect.scatter.add.f32 [tilespmem:s24], [sflag:$0x1], $0x1, s25, s18, $0xb8;
	[tilespmem:$0x17500] =	vst v63  }
0x1e7: {  	s26 =	simm.s32 $0xF880;
	s29 =	simm.s32 $0xA880  }
0x1e8: {  	[spmem:s3] =	stream.indirect.scatter.add.f32 [tilespmem:s26], [sflag:$0x1], $0x1, s29, s18, $0xb8;
	[tilespmem:$0x17500] =	vst v63  }
0x1e9: {  	s30 =	simm.s32 $0xF900;
	s31 =	simm.s32 $0xA900  }
0x1ea: {  	[spmem:s3] =	stream.indirect.scatter.add.f32 [tilespmem:s30], [sflag:$0x1], $0x1, s31, s18, $0xb8;
	[tilespmem:$0x17500] =	vst v63  }
0x1eb: {  	s24 =	simm.s32 $0xF980;
	s25 =	simm.s32 $0xA980  }
0x1ec: {  	[spmem:s3] =	stream.indirect.scatter.add.f32 [tilespmem:s24], [sflag:$0x1], $0x1, s25, s18, $0xb8;
	[tilespmem:$0x17500] =	vst v63  }
0x1ed: {  	s26 =	simm.s32 $0xFA00;
	s29 =	simm.s32 $0xAA00  }
0x1ee: {  	[spmem:s3] =	stream.indirect.scatter.add.f32 [tilespmem:s26], [sflag:$0x1], $0x1, s29, s18, $0xb8;
	[tilespmem:$0x17500] =	vst v63  }
0x1ef: {  	s30 =	simm.s32 $0xFA80;
	s31 =	simm.s32 $0xAA80  }
0x1f0: {  	[spmem:s3] =	stream.indirect.scatter.add.f32 [tilespmem:s30], [sflag:$0x1], $0x1, s31, s18, $0xb8;
	[tilespmem:$0x17500] =	vst v63  }
0x1f1: {  	s24 =	simm.s32 $0xFB00;
	s25 =	simm.s32 $0xAB00  }
0x1f2: {  	[spmem:s3] =	stream.indirect.scatter.add.f32 [tilespmem:s24], [sflag:$0x1], $0x1, s25, s18, $0xb8;
	[tilespmem:$0x17500] =	vst v63  }
0x1f3: {  	s26 =	simm.s32 $0xFB80;
	s29 =	simm.s32 $0xAB80  }
0x1f4: {  	[spmem:s3] =	stream.indirect.scatter.add.f32 [tilespmem:s26], [sflag:$0x1], $0x1, s29, s18, $0xb8;
	[tilespmem:$0x17500] =	vst v63  }
0x1f5: {  	s30 =	simm.s32 $0xFC00;
	s31 =	simm.s32 $0xAC00  }
0x1f6: {  	[spmem:s3] =	stream.indirect.scatter.add.f32 [tilespmem:s30], [sflag:$0x1], $0x1, s31, s18, $0xb8;
	[tilespmem:$0x17500] =	vst v63  }
0x1f7: {  	s24 =	simm.s32 $0xFC80;
	s25 =	simm.s32 $0xAC80  }
0x1f8: {  	[spmem:s3] =	stream.indirect.scatter.add.f32 [tilespmem:s24], [sflag:$0x1], $0x1, s25, s18, $0xb8;
	[tilespmem:$0x17500] =	vst v63  }
0x1f9: {  	s26 =	simm.s32 $0xFD00;
	s29 =	simm.s32 $0xAD00  }
0x1fa: {  	[spmem:s3] =	stream.indirect.scatter.add.f32 [tilespmem:s26], [sflag:$0x1], $0x1, s29, s18, $0xb8;
	[tilespmem:$0x17500] =	vst v63  }
0x1fb: {  	s30 =	simm.s32 $0xFD80;
	s31 =	simm.s32 $0xAD80  }
0x1fc: {  	[spmem:s3] =	stream.indirect.scatter.add.f32 [tilespmem:s30], [sflag:$0x1], $0x1, s31, s18, $0xb8;
	[tilespmem:$0x17500] =	vst v63  }
0x1fd: {  	s24 =	simm.s32 $0xFE00;
	s25 =	simm.s32 $0xAE00  }
0x1fe: {  	[spmem:s3] =	stream.indirect.scatter.add.f32 [tilespmem:s24], [sflag:$0x1], $0x1, s25, s18, $0xb8;
	[tilespmem:$0x17500] =	vst v63  }
0x1ff: {  	s26 =	simm.s32 $0xFE80;
	s29 =	simm.s32 $0xAE80  }
0x200: {  	[spmem:s3] =	stream.indirect.scatter.add.f32 [tilespmem:s26], [sflag:$0x1], $0x1, s29, s18, $0xb8;
	[tilespmem:$0x17500] =	vst v63  }
0x201: {  	s30 =	simm.s32 $0xFF00;
	s31 =	simm.s32 $0xAF00  }
0x202: {  	[spmem:s3] =	stream.indirect.scatter.add.f32 [tilespmem:s30], [sflag:$0x1], $0x1, s31, s18, $0xb8;
	[tilespmem:$0x17500] =	vst v63  }
0x203: {  	_ =	swait.ge [sflag:s20], $0x80  }
0x204: {  	[sflag:s20] =	ssyncset.done $0x0  }
0x205: {  	[sflag:s20] =	ssyncadd.s32 $0xFFFFFF80  }
0x206: {  	_ =	swait.ge [sflag:s20], $0x80  }
0x207: {  	[sflag:s20] =	ssyncset.done $0x0  }
0x208: {  	[sflag:s20] =	ssyncadd.s32 $0xFFFFFF80  }
0x209: {  	_ =	swait.ge [sflag:s20], $0x80  }
0x20a: {  	[sflag:s20] =	ssyncset.done $0x0  }
0x20b: {  	[sflag:s20] =	ssyncadd.s32 $0xFFFFFF80  }
0x20c: {  	_ =	swait.ge [sflag:s20], $0x80  }
0x20d: {  	[sflag:s20] =	ssyncset.done $0x0  }
0x20e: {  	[sflag:s20] =	ssyncadd.s32 $0xFFFFFF80  }
0x20f: {  	_ =	swait.ge [sflag:s20], $0x80  }
0x210: {  	[sflag:s20] =	ssyncset.done $0x0  }
0x211: {  	[sflag:s20] =	ssyncadd.s32 $0xFFFFFF80  }
0x212: {  	_ =	swait.ge [sflag:s20], $0x80  }
0x213: {  	[sflag:s20] =	ssyncset.done $0x0  }
0x214: {  	[sflag:s20] =	ssyncadd.s32 $0xFFFFFF80  }
0x215: {  	_ =	swait.ge [sflag:s20], $0x80  }
0x216: {  	[sflag:s20] =	ssyncset.done $0x0  }
0x217: {  	[sflag:s20] =	ssyncadd.s32 $0xFFFFFF80  }
0x218: {  	_ =	swait.ge [sflag:s20], $0x80  }
0x219: {  	[sflag:s20] =	ssyncset.done $0x0  }
0x21a: {  	[sflag:s20] =	ssyncadd.s32 $0xFFFFFF80  }
0x21b: {  	_ =	swait.ge [sflag:s20], $0x80  }
0x21c: {  	[sflag:s20] =	ssyncset.done $0x0  }
0x21d: {  	[sflag:s20] =	ssyncadd.s32 $0xFFFFFF80  }
0x21e: {  	_ =	swait.ge [sflag:s20], $0x80  }
0x21f: {  	[sflag:s20] =	ssyncset.done $0x0  }
0x220: {  	[sflag:s20] =	ssyncadd.s32 $0xFFFFFF80  }
0x221: {  	_ =	swait.ge [sflag:s20], $0x80  }
0x222: {  	[sflag:s20] =	ssyncset.done $0x0  }
0x223: {  	[sflag:s20] =	ssyncadd.s32 $0xFFFFFF80  }
0x224: {  	_ =	swait.ge [sflag:s20], $0x80  }
0x225: {  	[sflag:s20] =	ssyncset.done $0x0  }
0x226: {  	[sflag:s20] =	ssyncadd.s32 $0xFFFFFF80  }
0x227: {  	_ =	swait.ge [sflag:s20], $0x80  }
0x228: {  	[sflag:s20] =	ssyncset.done $0x0  }
0x229: {  	[sflag:s20] =	ssyncadd.s32 $0xFFFFFF80  }
0x22a: {  	_ =	swait.ge [sflag:s20], $0x80  }
0x22b: {  	[sflag:s20] =	ssyncset.done $0x0  }
0x22c: {  	[sflag:s20] =	ssyncadd.s32 $0xFFFFFF80  }
0x22d: {  	_ =	swait.ge [sflag:s20], $0x80  }
0x22e: {  	[sflag:s20] =	ssyncset.done $0x0  }
0x22f: {  	[sflag:s20] =	ssyncadd.s32 $0xFFFFFF80  }
0x230: {  	_ =	swait.ge [sflag:s20], $0x80  }
0x231: {  	s28 =	simm.s32 $0x4000;
	s26 =	simm.s32 $0x800;
	[sflag:s20] =	ssyncset.done $0x0  }
.LBB2_10:
0x232: {  	s0 =	sadd.s32 $0xF780, s26  }
0x233: {  	s25 =	sadd.s32 $0xA780, s26;
	[sflag:s20] =	ssyncadd.s32 $0xFFFFFF80;
	s24 =	smov.u32 s28  }
0x234: {  	[spmem:s3] =	stream.indirect.scatter.add.f32 [tilespmem:s0], [sflag:$0x1], $0x1, s25, s18, $0xb8;
	[tilespmem:$0x17500] =	vst v63  }
0x235: {  	s29 =	sadd.s32 $0xA800, s26;
	s25 =	sadd.s32 $0x2000, s28;
	s0 =	sadd.s32 $0xF800, s26  }
0x236: {  	[spmem:s3] =	stream.indirect.scatter.add.f32 [tilespmem:s0], [sflag:$0x1], $0x1, s29, s18, $0xb8;
	[tilespmem:$0x17500] =	vst v63  }
0x237: {  	p1 =	sne.s32 s28, $0x12000;
	s28 =	sadd.s32 $0xA880, s26;
	s0 =	sadd.s32 $0xF880, s26  }
0x238: {  	[spmem:s3] =	stream.indirect.scatter.add.f32 [tilespmem:s0], [sflag:$0x1], $0x1, s28, s18, $0xb8;
	[tilespmem:$0x17500] =	vst v63  }
0x239: {  	s0 =	sadd.s32 $0xF900, s26;
	s28 =	sadd.s32 $0xA900, s26  }
0x23a: {  	[spmem:s3] =	stream.indirect.scatter.add.f32 [tilespmem:s0], [sflag:$0x1], $0x1, s28, s18, $0xb8;
	[tilespmem:$0x17500] =	vst v63  }
0x23b: {  	s0 =	sadd.s32 $0xF980, s26;
	s28 =	sadd.s32 $0xA980, s26  }
0x23c: {  	[spmem:s3] =	stream.indirect.scatter.add.f32 [tilespmem:s0], [sflag:$0x1], $0x1, s28, s18, $0xb8;
	[tilespmem:$0x17500] =	vst v63  }
0x23d: {  	s0 =	sadd.s32 $0xFA00, s26;
	s28 =	sadd.s32 $0xAA00, s26  }
0x23e: {  	[spmem:s3] =	stream.indirect.scatter.add.f32 [tilespmem:s0], [sflag:$0x1], $0x1, s28, s18, $0xb8;
	[tilespmem:$0x17500] =	vst v63  }
0x23f: {  	s0 =	sadd.s32 $0xFA80, s26;
	s28 =	sadd.s32 $0xAA80, s26  }
0x240: {  	[spmem:s3] =	stream.indirect.scatter.add.f32 [tilespmem:s0], [sflag:$0x1], $0x1, s28, s18, $0xb8;
	[tilespmem:$0x17500] =	vst v63  }
0x241: {  	s0 =	sadd.s32 $0xFB00, s26;
	s28 =	sadd.s32 $0xAB00, s26  }
0x242: {  	[spmem:s3] =	stream.indirect.scatter.add.f32 [tilespmem:s0], [sflag:$0x1], $0x1, s28, s18, $0xb8;
	[tilespmem:$0x17500] =	vst v63  }
0x243: {  	s0 =	sadd.s32 $0xFB80, s26;
	s28 =	sadd.s32 $0xAB80, s26  }
0x244: {  	[spmem:s3] =	stream.indirect.scatter.add.f32 [tilespmem:s0], [sflag:$0x1], $0x1, s28, s18, $0xb8;
	[tilespmem:$0x17500] =	vst v63  }
0x245: {  	s0 =	sadd.s32 $0xFC00, s26;
	s28 =	sadd.s32 $0xAC00, s26  }
0x246: {  	[spmem:s3] =	stream.indirect.scatter.add.f32 [tilespmem:s0], [sflag:$0x1], $0x1, s28, s18, $0xb8;
	[tilespmem:$0x17500] =	vst v63  }
0x247: {  	s0 =	sadd.s32 $0xFC80, s26;
	s28 =	sadd.s32 $0xAC80, s26  }
0x248: {  	[spmem:s3] =	stream.indirect.scatter.add.f32 [tilespmem:s0], [sflag:$0x1], $0x1, s28, s18, $0xb8;
	[tilespmem:$0x17500] =	vst v63  }
0x249: {  	s0 =	sadd.s32 $0xFD00, s26;
	s28 =	sadd.s32 $0xAD00, s26  }
0x24a: {  	[spmem:s3] =	stream.indirect.scatter.add.f32 [tilespmem:s0], [sflag:$0x1], $0x1, s28, s18, $0xb8;
	[tilespmem:$0x17500] =	vst v63  }
0x24b: {  	s0 =	sadd.s32 $0xFD80, s26;
	s28 =	sadd.s32 $0xAD80, s26  }
0x24c: {  	[spmem:s3] =	stream.indirect.scatter.add.f32 [tilespmem:s0], [sflag:$0x1], $0x1, s28, s18, $0xb8;
	[tilespmem:$0x17500] =	vst v63  }
0x24d: {  	s0 =	sadd.s32 $0xFE00, s26;
	s28 =	sadd.s32 $0xAE00, s26  }
0x24e: {  	[spmem:s3] =	stream.indirect.scatter.add.f32 [tilespmem:s0], [sflag:$0x1], $0x1, s28, s18, $0xb8;
	[tilespmem:$0x17500] =	vst v63  }
0x24f: {  	s0 =	sadd.s32 $0xFE80, s26;
	s28 =	sadd.s32 $0xAE80, s26  }
0x250: {  	[spmem:s3] =	stream.indirect.scatter.add.f32 [tilespmem:s0], [sflag:$0x1], $0x1, s28, s18, $0xb8;
	[tilespmem:$0x17500] =	vst v63  }
0x251: {  	s0 =	sadd.s32 $0xFF00, s26;
	s26 =	sadd.s32 $0xAF00, s26  }
0x252: {  	[spmem:s3] =	stream.indirect.scatter.add.f32 [tilespmem:s0], [sflag:$0x1], $0x1, s26, s18, $0xb8;
	[tilespmem:$0x17500] =	vst v63  }
0x253: {  	_ =	swait.ge [sflag:s20], $0x80  }
0x254: {  	[sflag:s20] =	ssyncset.done $0x0  }
0x255: {  	[sflag:s20] =	ssyncadd.s32 $0xFFFFFF80  }
0x256: {  	_ =	swait.ge [sflag:s20], $0x80  }
0x257: {  	[sflag:s20] =	ssyncset.done $0x0  }
0x258: {  	[sflag:s20] =	ssyncadd.s32 $0xFFFFFF80  }
0x259: {  	_ =	swait.ge [sflag:s20], $0x80  }
0x25a: {  	[sflag:s20] =	ssyncset.done $0x0  }
0x25b: {  	[sflag:s20] =	ssyncadd.s32 $0xFFFFFF80  }
0x25c: {  	_ =	swait.ge [sflag:s20], $0x80  }
0x25d: {  	[sflag:s20] =	ssyncset.done $0x0  }
0x25e: {  	[sflag:s20] =	ssyncadd.s32 $0xFFFFFF80  }
0x25f: {  	_ =	swait.ge [sflag:s20], $0x80  }
0x260: {  	[sflag:s20] =	ssyncset.done $0x0  }
0x261: {  	[sflag:s20] =	ssyncadd.s32 $0xFFFFFF80  }
0x262: {  	_ =	swait.ge [sflag:s20], $0x80  }
0x263: {  	[sflag:s20] =	ssyncset.done $0x0  }
0x264: {  	[sflag:s20] =	ssyncadd.s32 $0xFFFFFF80  }
0x265: {  	_ =	swait.ge [sflag:s20], $0x80  }
0x266: {  	[sflag:s20] =	ssyncset.done $0x0  }
0x267: {  	[sflag:s20] =	ssyncadd.s32 $0xFFFFFF80  }
0x268: {  	_ =	swait.ge [sflag:s20], $0x80  }
0x269: {  	[sflag:s20] =	ssyncset.done $0x0  }
0x26a: {  	[sflag:s20] =	ssyncadd.s32 $0xFFFFFF80  }
0x26b: {  	_ =	swait.ge [sflag:s20], $0x80  }
0x26c: {  	[sflag:s20] =	ssyncset.done $0x0  }
0x26d: {  	[sflag:s20] =	ssyncadd.s32 $0xFFFFFF80  }
0x26e: {  	_ =	swait.ge [sflag:s20], $0x80  }
0x26f: {  	[sflag:s20] =	ssyncset.done $0x0  }
0x270: {  	[sflag:s20] =	ssyncadd.s32 $0xFFFFFF80  }
0x271: {  	_ =	swait.ge [sflag:s20], $0x80  }
0x272: {  	[sflag:s20] =	ssyncset.done $0x0  }
0x273: {  	[sflag:s20] =	ssyncadd.s32 $0xFFFFFF80  }
0x274: {  	_ =	swait.ge [sflag:s20], $0x80  }
0x275: {  	[sflag:s20] =	ssyncset.done $0x0  }
0x276: {  	[sflag:s20] =	ssyncadd.s32 $0xFFFFFF80  }
0x277: {  	_ =	swait.ge [sflag:s20], $0x80  }
0x278: {  	[sflag:s20] =	ssyncset.done $0x0  }
0x279: {  	[sflag:s20] =	ssyncadd.s32 $0xFFFFFF80  }
0x27a: {  	_ =	swait.ge [sflag:s20], $0x80  }
0x27b: {  	[sflag:s20] =	ssyncset.done $0x0  }
0x27c: {  	[sflag:s20] =	ssyncadd.s32 $0xFFFFFF80  }
.Ltmp4:
0x27d: {  	_ =	swait.ge [sflag:s20], $0x80;
	(pc) =	sbr.rel @p1 .LBB2_10-.Ltmp4, $4  }
0x27e: {  	[sflag:s20] =	ssyncset.done $0x0  }
0x27f: {  	[sflag:s20] =	ssyncadd.s32 $0xFFFFFF80  }
0x280: {  	_ =	swait.ge [sflag:s20], $0x80  }
0x281: {  	s28 =	smov.u32 s25;
	s26 =	sshra.s32 s24, $0x2;
	[sflag:s20] =	ssyncset.done $0x0  }
0x282: {  	s0 =	sadd.s32 $0xF780, s26;
	s24 =	sadd.s32 $0xA780, s26;
	[sflag:s20] =	ssyncadd.s32 $0xFFFFFF80  }
0x283: {  	[spmem:s3] =	stream.indirect.scatter.add.f32 [tilespmem:s0], [sflag:$0x1], $0x1, s24, s18, $0xb8;
	[tilespmem:$0x17500] =	vst v63  }
0x284: {  	s25 =	sadd.s32 $0xA800, s26;
	s24 =	sadd.s32 $0xF800, s26  }
0x285: {  	[spmem:s3] =	stream.indirect.scatter.add.f32 [tilespmem:s24], [sflag:$0x1], $0x1, s25, s18, $0xb8;
	[tilespmem:$0x17500] =	vst v63  }
0x286: {  	s28 =	sadd.s32 $0xF880, s26;
	s29 =	sadd.s32 $0xA880, s26  }
0x287: {  	[spmem:s3] =	stream.indirect.scatter.add.f32 [tilespmem:s28], [sflag:$0x1], $0x1, s29, s18, $0xb8;
	[tilespmem:$0x17500] =	vst v63  }
0x288: {  	s30 =	sadd.s32 $0xF900, s26;
	s31 =	sadd.s32 $0xA900, s26  }
0x289: {  	[spmem:s3] =	stream.indirect.scatter.add.f32 [tilespmem:s30], [sflag:$0x1], $0x1, s31, s18, $0xb8;
	[tilespmem:$0x17500] =	vst v63  }
0x28a: {  	s24 =	sadd.s32 $0xF980, s26;
	s25 =	sadd.s32 $0xA980, s26  }
0x28b: {  	[spmem:s3] =	stream.indirect.scatter.add.f32 [tilespmem:s24], [sflag:$0x1], $0x1, s25, s18, $0xb8;
	[tilespmem:$0x17500] =	vst v63  }
0x28c: {  	s28 =	sadd.s32 $0xFA00, s26;
	s29 =	sadd.s32 $0xAA00, s26  }
0x28d: {  	[spmem:s3] =	stream.indirect.scatter.add.f32 [tilespmem:s28], [sflag:$0x1], $0x1, s29, s18, $0xb8;
	[tilespmem:$0x17500] =	vst v63  }
0x28e: {  	s30 =	sadd.s32 $0xFA80, s26;
	s31 =	sadd.s32 $0xAA80, s26  }
0x28f: {  	[spmem:s3] =	stream.indirect.scatter.add.f32 [tilespmem:s30], [sflag:$0x1], $0x1, s31, s18, $0xb8;
	[tilespmem:$0x17500] =	vst v63  }
0x290: {  	s24 =	sadd.s32 $0xFB00, s26;
	s25 =	sadd.s32 $0xAB00, s26  }
0x291: {  	[spmem:s3] =	stream.indirect.scatter.add.f32 [tilespmem:s24], [sflag:$0x1], $0x1, s25, s18, $0xb8;
	[tilespmem:$0x17500] =	vst v63  }
0x292: {  	s28 =	sadd.s32 $0xFB80, s26;
	s29 =	sadd.s32 $0xAB80, s26  }
0x293: {  	[spmem:s3] =	stream.indirect.scatter.add.f32 [tilespmem:s28], [sflag:$0x1], $0x1, s29, s18, $0xb8;
	[tilespmem:$0x17500] =	vst v63  }
0x294: {  	s30 =	sadd.s32 $0xFC00, s26;
	s31 =	sadd.s32 $0xAC00, s26  }
0x295: {  	[spmem:s3] =	stream.indirect.scatter.add.f32 [tilespmem:s30], [sflag:$0x1], $0x1, s31, s18, $0xb8;
	[tilespmem:$0x17500] =	vst v63  }
0x296: {  	s24 =	sadd.s32 $0xFC80, s26;
	s25 =	sadd.s32 $0xAC80, s26  }
0x297: {  	[spmem:s3] =	stream.indirect.scatter.add.f32 [tilespmem:s24], [sflag:$0x1], $0x1, s25, s18, $0xb8;
	[tilespmem:$0x17500] =	vst v63  }
0x298: {  	s28 =	sadd.s32 $0xFD00, s26;
	s29 =	sadd.s32 $0xAD00, s26  }
0x299: {  	[spmem:s3] =	stream.indirect.scatter.add.f32 [tilespmem:s28], [sflag:$0x1], $0x1, s29, s18, $0xb8;
	[tilespmem:$0x17500] =	vst v63  }
0x29a: {  	s30 =	sadd.s32 $0xFD80, s26;
	s31 =	sadd.s32 $0xAD80, s26  }
0x29b: {  	[spmem:s3] =	stream.indirect.scatter.add.f32 [tilespmem:s30], [sflag:$0x1], $0x1, s31, s18, $0xb8;
	[tilespmem:$0x17500] =	vst v63  }
0x29c: {  	s24 =	sadd.s32 $0xFE00, s26;
	s25 =	sadd.s32 $0xAE00, s26  }
0x29d: {  	[spmem:s3] =	stream.indirect.scatter.add.f32 [tilespmem:s24], [sflag:$0x1], $0x1, s25, s18, $0xb8;
	[tilespmem:$0x17500] =	vst v63  }
0x29e: {  	s28 =	sadd.s32 $0xFE80, s26;
	s29 =	sadd.s32 $0xAE80, s26  }
0x29f: {  	[spmem:s3] =	stream.indirect.scatter.add.f32 [tilespmem:s28], [sflag:$0x1], $0x1, s29, s18, $0xb8;
	[tilespmem:$0x17500] =	vst v63  }
0x2a0: {  	s30 =	sadd.s32 $0xFF00, s26;
	s31 =	sadd.s32 $0xAF00, s26  }
0x2a1: {  	[spmem:s3] =	stream.indirect.scatter.add.f32 [tilespmem:s30], [sflag:$0x1], $0x1, s31, s18, $0xb8;
	[tilespmem:$0x17500] =	vst v63  }
0x2a2: {  	_ =	swait.ge [sflag:s20], $0x80  }
0x2a3: {  	[sflag:s20] =	ssyncset.done $0x0  }
0x2a4: {  	[sflag:s20] =	ssyncadd.s32 $0xFFFFFF80  }
0x2a5: {  	_ =	swait.ge [sflag:s20], $0x80  }
0x2a6: {  	[sflag:s20] =	ssyncset.done $0x0  }
0x2a7: {  	[sflag:s20] =	ssyncadd.s32 $0xFFFFFF80  }
0x2a8: {  	_ =	swait.ge [sflag:s20], $0x80  }
0x2a9: {  	[sflag:s20] =	ssyncset.done $0x0  }
0x2aa: {  	[sflag:s20] =	ssyncadd.s32 $0xFFFFFF80  }
0x2ab: {  	_ =	swait.ge [sflag:s20], $0x80  }
0x2ac: {  	[sflag:s20] =	ssyncset.done $0x0  }
0x2ad: {  	[sflag:s20] =	ssyncadd.s32 $0xFFFFFF80  }
0x2ae: {  	_ =	swait.ge [sflag:s20], $0x80  }
0x2af: {  	[sflag:s20] =	ssyncset.done $0x0  }
0x2b0: {  	[sflag:s20] =	ssyncadd.s32 $0xFFFFFF80  }
0x2b1: {  	_ =	swait.ge [sflag:s20], $0x80  }
0x2b2: {  	[sflag:s20] =	ssyncset.done $0x0  }
0x2b3: {  	[sflag:s20] =	ssyncadd.s32 $0xFFFFFF80  }
0x2b4: {  	_ =	swait.ge [sflag:s20], $0x80  }
0x2b5: {  	[sflag:s20] =	ssyncset.done $0x0  }
0x2b6: {  	[sflag:s20] =	ssyncadd.s32 $0xFFFFFF80  }
0x2b7: {  	_ =	swait.ge [sflag:s20], $0x80  }
0x2b8: {  	[sflag:s20] =	ssyncset.done $0x0  }
0x2b9: {  	[sflag:s20] =	ssyncadd.s32 $0xFFFFFF80  }
0x2ba: {  	_ =	swait.ge [sflag:s20], $0x80  }
0x2bb: {  	[sflag:s20] =	ssyncset.done $0x0  }
0x2bc: {  	[sflag:s20] =	ssyncadd.s32 $0xFFFFFF80  }
0x2bd: {  	_ =	swait.ge [sflag:s20], $0x80  }
0x2be: {  	[sflag:s20] =	ssyncset.done $0x0  }
0x2bf: {  	[sflag:s20] =	ssyncadd.s32 $0xFFFFFF80  }
0x2c0: {  	_ =	swait.ge [sflag:s20], $0x80  }
0x2c1: {  	[sflag:s20] =	ssyncset.done $0x0  }
0x2c2: {  	[sflag:s20] =	ssyncadd.s32 $0xFFFFFF80  }
0x2c3: {  	_ =	swait.ge [sflag:s20], $0x80  }
0x2c4: {  	[sflag:s20] =	ssyncset.done $0x0  }
0x2c5: {  	[sflag:s20] =	ssyncadd.s32 $0xFFFFFF80  }
0x2c6: {  	_ =	swait.ge [sflag:s20], $0x80  }
0x2c7: {  	[sflag:s20] =	ssyncset.done $0x0  }
0x2c8: {  	[sflag:s20] =	ssyncadd.s32 $0xFFFFFF80  }
0x2c9: {  	_ =	swait.ge [sflag:s20], $0x80  }
0x2ca: {  	[sflag:s20] =	ssyncset.done $0x0  }
0x2cb: {  	[sflag:s20] =	ssyncadd.s32 $0xFFFFFF80  }
0x2cc: {  	_ =	swait.ge [sflag:s20], $0x80  }
0x2cd: {  	[sflag:s20] =	ssyncset.done $0x0  }
0x2ce: {  	[sflag:s20] =	ssyncadd.s32 $0xFFFFFF80  }
0x2cf: {  	_ =	swait.ge [sflag:s20], $0x80  }
0x2d0: {  	[sflag:s20] =	ssyncset.done $0x0  }
0x2d1: {  	[sflag:s20] =	ssyncadd.s32 $0xFFFFFF80  }
0x2d2: {  	[bflag:$0x0] =	sbarrier.arrive $0xFFFF  }
0x2d3: {  	[tilespmem:s14], [sflag:$0x2] =	stream.linear.gather [spmem:s7], $0x280, $0x38;
	[tilespmem:$0x17500] =	vst v63  }
0x2d4: {  	_ =	swait.ge [sflag:s15], $0x280  }
0x2d5: {  	[sflag:s15] =	ssyncset.done $0x0  }
0x2d6: {  	s24 =	simm.s32 $0x0;
	[sflag:s15] =	ssyncadd.s32 $0xFFFFFD80  }
0x2d7: {  	s25 =	simm.s32 $0x40;
	v4 =	vld [tilespmem:s24+$0x17280]  }
.LBB2_12:
0x2d8: {  	p1 =	sne.s32 s25, $0x9C0;
	v5 =	vld [tilespmem:s24+$0x17000];
	_ =	sdelay $0x4  }
.Ltmp5:
0x2d9: {  	v5 =	vadd.f32 v5, v4;
	(pc) =	sbr.rel @p1 .LBB2_12-.Ltmp5, $4  }
0x2da: {  	_ = 	snop  }
0x2db: {  	v5 =	vmul.f32 v5, v4  }
0x2dc: {  	s0 =	sshra.s32 s25, $0x2  }
0x2dd: {  	s25 =	sadd.s32 $0x40, s25;
	v4 =	vld [tilespmem:s0+$0x17280];
	[tilespmem:s24+$0x17000] =	vst v5;
	s24 =	smov.u32 s0  }
0x2de: {  	v5 =	vld [tilespmem:s24+$0x17000];
	_ =	sdelay $0x4  }
0x2df: {  	v5 =	vadd.f32 v5, v4;
	_ =	sdelay $0x1  }
0x2e0: {  	v4 =	vmul.f32 v5, v4  }
0x2e1: {  	s23 =	sadd.s32 $0x1, s23  }
0x2e2: {  	s0 =	simm.s32 @!p0 $0x0;
	p1 =	sne.s32 s23, s13;
	[tilespmem:s24+$0x17000] =	vst v4;
	s24 =	simm.s32 @!p0 $0x17000  }
0x2e3: {  	[hbm4b:s12+s0] =	stream.linear.scatter @!p0 [tilespmem:s24], [sflag:$0x2], $0x280, $0x38;
	[tilespmem:$0x17500] =	vst v63  }
.Ltmp6:
0x2e4: {  	_ = 	snop;
	(pc) =	sbr.rel @p1 .LBB2_1-.Ltmp6, $4  }
0x2e5: {  	s0 =	simm.s32 @!p0 $0x2  }
0x2e6: {  	_ =	swait.ge @!p0 [sflag:s0], $0x280  }
0x2e7: {  	[sflag:s0] =	ssyncset.done @!p0 $0x0  }
0x2e8: {  	[sflag:s0] =	ssyncadd.s32 @!p0 $0xFFFFFD80  }
0x2e9: {  	_ =	sfence.sel $0x180000  }
0x2ea: {  	[bflag:$0x0] =	sbarrier.arrive $0xFFFF  }
0x2eb: {  	_ =	strace $0x90000047  }
0x2ec: {  	[bflag:$0x2] =	sbarrier.arrive $0xFFFF  }
0x2ed: {  	p0 =	sne.s32 s1, $0x0;
	s0 =	rddreg [dreg:$0x4]  }
0x2ee: {  	s0 =	sadd.s32 @!p0 $0x100000, s0  }
0x2ef: {  	[sflag:s0] =	ssyncadd.tile.s32 @!p0 $0x1;
	_ =	shalt  }
.Lfunc_end2:
_tile_overlayer_lowered:
.L_overlay_start_2:
0x2f0: {  	(tag) =	ssettag $0x2  }
0x2f1: {  	s0 =	rddreg [dreg:$0x0];
	s2 =	stileid.u32  }
0x2f2: {  	s1 =	rddreg [dreg:$0x1];
	p0 =	sne.s32 s2, $0x0  }
0x2f3: {  	s3 =	rddreg [dreg:$0x2];
	[bflag:$0x3] =	sbarrier.arrive $0xFFFF;
	s2 =	simm.s32 @!p0 $0x1C02  }
0x2f4: {  	[timem:s3], [sflag:s2] =	dma.local @!p0 [hbm:s0], s1  }
0x2f5: {  	s0 =	simm.s32 @!p0 $0x2  }
0x2f6: {  	_ =	swait.ge @!p0 [sflag:s0], s1  }
0x2f7: {  	s1 =	ssub.s32 @!p0 $0x0, s1;
	[sflag:s0] =	ssyncset.done @!p0 $0x0  }
0x2f8: {  	[sflag:s0] =	ssyncadd.s32 @!p0 s1  }
0x2f9: {  	[bflag:$0x3] =	sbarrier.arrive $0xFFFF  }
0x2fa: {  	_ =	shalt  }

</sc_bundles>
